<compile_context>
chip_gen: v7x
topology: tpu7x:2x2x1
jax: 0.10.2.dev20260603
libtpu: 0.0.44.dev20260713+nightly
codegen_flags: <defaults>
</compile_context>

<pallas_src>
import functools

import jax
import jax.numpy as jnp
from jax import lax
from jax.experimental import pallas as pl
from jax.experimental.pallas import tpu as pltpu
from jax.experimental.pallas import tpu_sc as plsc

_ALPHA = 1.5
_DEPTH = 6
_NUM_LEAVES = 64
_TOP_K = 2
_N_ITER = 30
_LANES = 16


def _entmax_prep_body(fs_ref, sel_ref):
    x = fs_ref[...] * (_ALPHA - 1.0)
    max_val = jnp.max(x, axis=-1, keepdims=True)
    tau_lo = max_val - 1.0
    tau_hi = max_val

    def p_fn(tau):
        c = jnp.maximum(x - tau, 0.0)
        return c * c

    f_lo = jnp.sum(p_fn(tau_lo), axis=-1, keepdims=True) - 1.0
    for _ in range(_N_ITER):
        tau_m = 0.5 * (tau_lo + tau_hi)
        f_m = jnp.sum(p_fn(tau_m), axis=-1, keepdims=True) - 1.0
        same_sign = (f_m * f_lo) >= 0.0
        tau_lo = jnp.where(same_sign, tau_m, tau_lo)
        f_lo = jnp.where(same_sign, f_m, f_lo)
        tau_hi = jnp.where(same_sign, tau_hi, tau_m)
    p = p_fn(0.5 * (tau_lo + tau_hi))
    sel_ref[...] = p / jnp.sum(p, axis=-1, keepdims=True)


def _router_body(x_ref, selt_ref, thr_ref, lt_ref, w_ref_, b_ref, logits_ref):
    t = x_ref.shape[1]
    fc = jnp.dot(x_ref[0], selt_ref[...], preferred_element_type=jnp.float32)
    fct = fc.T
    temp = jnp.exp(lt_ref[...])
    scaled = (fct - thr_ref[...]) / temp
    u = scaled * (_ALPHA - 1.0)
    max_val = jnp.maximum(u, 0.0)
    tau_lo = max_val - 1.0
    tau_hi = max_val

    def p2_fn(tau):
        c0 = jnp.maximum(u - tau, 0.0)
        c1 = jnp.maximum(-tau, 0.0)
        return c0 * c0, c1 * c1

    p0, p1 = p2_fn(tau_lo)
    f_lo = (p0 + p1) - 1.0
    for _ in range(_N_ITER):
        tau_m = 0.5 * (tau_lo + tau_hi)
        p0, p1 = p2_fn(tau_m)
        f_m = (p0 + p1) - 1.0
        same_sign = (f_m * f_lo) >= 0.0
        tau_lo = jnp.where(same_sign, tau_m, tau_lo)
        f_lo = jnp.where(same_sign, f_m, f_lo)
        tau_hi = jnp.where(same_sign, tau_hi, tau_m)
    p0, p1 = p2_fn(0.5 * (tau_lo + tau_hi))
    right = p0 / (p0 + p1)
    left = 1.0 - right
    bits_i = jax.lax.broadcasted_iota(jnp.int32, (_NUM_LEAVES, 1), 0)
    leaf = jnp.ones((_NUM_LEAVES, t), dtype=jnp.float32)
    for i in range(_DEPTH):
        bit_col = ((bits_i >> (_DEPTH - 1 - i)) & 1) == 1
        r_i = right[i:i + 1, :]
        l_i = left[i:i + 1, :]
        leaf = leaf * jnp.where(bit_col, r_i, l_i)
    logits = jnp.dot(w_ref_[...], leaf, preferred_element_type=jnp.float32)
    logits_ref[...] = (logits + b_ref[...])[None]


def _sc_topk_body(logits_hbm, idx_hbm, w_hbm, buf, idxbuf, wbuf):
    wid = lax.axis_index("s") * 2 + lax.axis_index("c")
    l = logits_hbm.shape[2]
    chunk = (logits_hbm.shape[0] * l) // 32
    per_batch = l // chunk
    bi = wid // per_batch
    t0 = (wid % per_batch) * chunk
    pltpu.sync_copy(logits_hbm.at[bi, :, pl.ds(t0, chunk)], buf)

    def body(i, carry):
        base = i * _LANES
        m1 = buf[0, pl.ds(base, _LANES)]
        i1 = jnp.zeros((_LANES,), jnp.int32)
        m2 = jnp.full((_LANES,), -jnp.inf, jnp.float32)
        i2 = jnp.zeros((_LANES,), jnp.int32)
        for e in range(1, _NUM_LEAVES):
            v = buf[e, pl.ds(base, _LANES)]
            e_vec = jnp.full((_LANES,), e, jnp.int32)
            gt1 = v > m1
            gt2 = v > m2
            new_m2 = jnp.where(gt1, m1, jnp.where(gt2, v, m2))
            new_i2 = jnp.where(gt1, i1, jnp.where(gt2, e_vec, i2))
            m1 = jnp.where(gt1, v, m1)
            i1 = jnp.where(gt1, e_vec, i1)
            m2 = new_m2
            i2 = new_i2
        ex = jnp.exp(m2 - m1)
        z = 1.0 + ex
        idxbuf[0, pl.ds(base, _LANES)] = i1
        idxbuf[1, pl.ds(base, _LANES)] = i2
        wbuf[0, pl.ds(base, _LANES)] = 1.0 / z
        wbuf[1, pl.ds(base, _LANES)] = ex / z
        return carry

    lax.fori_loop(0, chunk // _LANES, body, 0)
    pltpu.sync_copy(idxbuf, idx_hbm.at[bi, :, pl.ds(t0, chunk)])
    pltpu.sync_copy(wbuf, w_hbm.at[bi, :, pl.ds(t0, chunk)])


@functools.partial(jax.jit, static_argnames=("block_t",))
def _run(hidden_states, feature_selectors, thresholds, log_temperatures,
         w_leaf, b_leaf, block_t=4096):
    b, l, h = hidden_states.shape
    num_experts = w_leaf.shape[0]

    sel = pl.pallas_call(
        _entmax_prep_body,
        out_shape=jax.ShapeDtypeStruct(feature_selectors.shape, jnp.float32),
    )(feature_selectors)

    selt = jnp.pad(sel.T, ((0, 0), (0, 8 - _DEPTH)))
    thr_col = jnp.pad(thresholds, ((0, 8 - _DEPTH), (0, 0)))
    lt_col = jnp.pad(log_temperatures, ((0, 8 - _DEPTH), (0, 0)))
    b_col = b_leaf.reshape(num_experts, 1)

    grid = (b, l // block_t)
    logits = pl.pallas_call(
        _router_body,
        grid=grid,
        in_specs=[
            pl.BlockSpec((1, block_t, h), lambda i, j: (i, j, 0)),
            pl.BlockSpec((h, 8), lambda i, j: (0, 0)),
            pl.BlockSpec((8, 1), lambda i, j: (0, 0)),
            pl.BlockSpec((8, 1), lambda i, j: (0, 0)),
            pl.BlockSpec((num_experts, _NUM_LEAVES), lambda i, j: (0, 0)),
            pl.BlockSpec((num_experts, 1), lambda i, j: (0, 0)),
        ],
        out_specs=pl.BlockSpec((1, num_experts, block_t),
                               lambda i, j: (i, 0, j)),
        out_shape=jax.ShapeDtypeStruct((b, num_experts, l), jnp.float32),
        compiler_params=pltpu.CompilerParams(
            dimension_semantics=("arbitrary", "arbitrary"),
        ),
    )(hidden_states, selt, thr_col, lt_col, w_leaf, b_col)

    chunk = (b * l) // 32
    sc_topk = functools.partial(
        pl.kernel,
        out_type=[
            jax.ShapeDtypeStruct((b, _TOP_K, l), jnp.int32),
            jax.ShapeDtypeStruct((b, _TOP_K, l), jnp.float32),
        ],
        scratch_types=[
            pltpu.VMEM((num_experts, chunk), jnp.float32),
            pltpu.VMEM((_TOP_K, chunk), jnp.int32),
            pltpu.VMEM((_TOP_K, chunk), jnp.float32),
        ],
        mesh=plsc.VectorSubcoreMesh(core_axis_name="c", subcore_axis_name="s"),
    )(_sc_topk_body)
    idx, w = sc_topk(logits)

    return (jnp.transpose(logits, (0, 2, 1)),
            jnp.transpose(idx, (0, 2, 1)),
            jnp.transpose(w, (0, 2, 1)))


def kernel(hidden_states, feature_selectors, thresholds, log_temperatures,
           w_leaf, b_leaf):
    return _run(hidden_states, feature_selectors, thresholds,
                log_temperatures, w_leaf, b_leaf)

# --- scband reference (transcript-rebuilt; emitter-appended) ---
"""Pipeline reference for scband-ndtrouter-360777253222 (READ-ONLY COPY).

The authoritative reference and input builder live on the scoring server;
editing this copy changes nothing except your own understanding.
"""

import jax, jax.numpy as jnp
import numpy as np

ALPHA = 1.5
DEPTH = 6
NUM_LEAVES = 2 ** DEPTH
NUM_EXPERTS = 64
TOP_K = 2
HIDDEN = 768
BATCH = 4
SEQ = 8192
INIT_RANGE = 0.02


def entmax_bisect(x, alpha=ALPHA, axis=-1, n_iter=30):
    # alpha-entmax via bisection (Peters et al. 2019).
    # Find tau s.t. sum(clip((alpha-1)*x - tau, 0)^(1/(alpha-1))) == 1.
    x = x * (alpha - 1.0)
    max_val = jnp.max(x, axis=axis, keepdims=True)
    tau_lo = max_val - 1.0
    tau_hi = max_val
    expo = 1.0 / (alpha - 1.0)

    def p_fn(tau):
        return jnp.clip(x - tau, 0.0, None) ** expo

    f_lo = jnp.sum(p_fn(tau_lo), axis=axis, keepdims=True) - 1.0
    for _ in range(n_iter):
        tau_m = 0.5 * (tau_lo + tau_hi)
        f_m = jnp.sum(p_fn(tau_m), axis=axis, keepdims=True) - 1.0
        same_sign = (f_m * f_lo) >= 0.0
        tau_lo = jnp.where(same_sign, tau_m, tau_lo)
        f_lo = jnp.where(same_sign, f_m, f_lo)
        tau_hi = jnp.where(same_sign, tau_hi, tau_m)
    p = p_fn(0.5 * (tau_lo + tau_hi))
    return p / jnp.sum(p, axis=axis, keepdims=True)


def setup_inputs(seed: int = 0) -> dict:
    key = jax.random.key(seed)
    k1, k2, k3, k4 = jax.random.split(key, 4)
    hidden_states = jax.random.normal(k1, (BATCH, SEQ, HIDDEN), dtype=jnp.float32)
    feature_selectors = jax.random.normal(k2, (DEPTH, HIDDEN), dtype=jnp.float32) * INIT_RANGE
    thresholds = jax.random.normal(k3, (DEPTH, 1), dtype=jnp.float32) * INIT_RANGE
    log_temperatures = jnp.zeros((DEPTH, 1), dtype=jnp.float32)
    w_leaf = jax.random.normal(k4, (NUM_EXPERTS, NUM_LEAVES), dtype=jnp.float32) * INIT_RANGE
    b_leaf = jnp.zeros((NUM_EXPERTS,), dtype=jnp.float32)
    return {
        "hidden_states": hidden_states,
        "feature_selectors": feature_selectors,
        "thresholds": thresholds,
        "log_temperatures": log_temperatures,
        "w_leaf": w_leaf,
        "b_leaf": b_leaf,
    }


def reference(hidden_states, feature_selectors, thresholds, log_temperatures, w_leaf, b_leaf):
    b, l, h = hidden_states.shape
    # entmax over feature dim to pick sparse feature combinations
    sel = entmax_bisect(feature_selectors, alpha=ALPHA, axis=-1)  # (depth, H)
    feature_combinations = jnp.einsum('blh,dh->dbl', hidden_states, sel)  # (depth, b, l)
    temperatures = jnp.exp(log_temperatures)[:, :, None]  # (depth, 1, 1)
    thr = thresholds[:, :, None]  # (depth, 1, 1)
    scaled_diffs = (feature_combinations - thr) / temperatures  # (depth, b, l)
    entmax_input = jnp.stack([scaled_diffs, jnp.zeros_like(scaled_diffs)], axis=-1)  # (depth, b, l, 2)
    split_probs_raw = entmax_bisect(entmax_input, alpha=ALPHA, axis=-1)
    right_probs = split_probs_raw[..., 0:1]
    left_probs = 1.0 - right_probs
    split_probs = jnp.concatenate([left_probs, right_probs], axis=-1)  # (depth, b, l, 2)
    leaf_probs = jnp.ones((b, l, 1), dtype=hidden_states.dtype)
    for i in range(DEPTH):
        n_cur = 2 ** i
        leaf_probs = leaf_probs.reshape(b, l, n_cur, 1)
        cur_split = split_probs[i].reshape(b, l, 1, 2)
        leaf_probs = (leaf_probs * cur_split).reshape(b, l, n_cur * 2)
    expert_logits = leaf_probs @ w_leaf.T + b_leaf  # (b, l, E)
    routing_weights_sparse, selected_experts = jax.lax.top_k(expert_logits, TOP_K)
    routing_weights = jax.nn.softmax(routing_weights_sparse, axis=-1)
    return expert_logits, selected_experts, routing_weights

if __name__ == "__main__":
    import jax
    _d = setup_inputs()
    print(jax.jit(kernel)(*tuple(_d.values())))

</pallas_src>

<mosaic_0001>
#map = affine_map<(d0, d1) -> (0, 0, 0)>
module attributes {stable_mosaic.version = 14 : i64} {
  func.func @_sc_topk_body(%arg0: i32, %arg1: i32, %arg2: memref<4x64x8192xf32, #tpu.memory_space<hbm>>, %arg3: memref<4x2x8192xi32, #tpu.memory_space<hbm>>, %arg4: memref<4x2x8192xf32, #tpu.memory_space<hbm>>, %arg5: memref<64x1024xf32, #tpu.memory_space<vmem>>, %arg6: memref<2x1024xi32, #tpu.memory_space<vmem>>, %arg7: memref<2x1024xf32, #tpu.memory_space<vmem>>) attributes {dimension_semantics = [#tpu.dimension_semantics<core_parallel>, #tpu.dimension_semantics<subcore_parallel>], iteration_bounds = array<i64: 2, 16>, scalar_prefetch = 0 : i64, scratch_operands = 3 : i64, tpu.core_type = #tpu.core_type<sc_vector_subcore>, window_params = [{transform_indices = #map}, {transform_indices = #map}, {transform_indices = #map}]} {
    %mul3A = arith.constant 2 : i32
    %mul3A_0 = arith.muli %arg1, %mul3A : i32
    %add3A = arith.addi %mul3A_0, %arg0 : i32
    %jit3A = arith.constant 8 : i32
    %div3A = arith.divsi %add3A, %jit3A : i32
    %sign3A = arith.constant 0 : i32
    %sign3A_1 = arith.cmpi sgt, %add3A, %sign3A : i32
    %sign3A_2 = arith.extui %sign3A_1 : i1 to i32
    %sign3A_3 = arith.constant 0 : i32
    %sign3A_4 = arith.cmpi slt, %add3A, %sign3A_3 : i32
    %sign3A_5 = arith.extui %sign3A_4 : i1 to i32
    %sign3A_6 = arith.subi %sign3A_2, %sign3A_5 : i32
    %sign3A_7 = arith.constant 0 : i32
    %sign3A_8 = arith.cmpi sgt, %jit3A, %sign3A_7 : i32
    %sign3A_9 = arith.extui %sign3A_8 : i1 to i32
    %sign3A_10 = arith.constant 0 : i32
    %sign3A_11 = arith.cmpi slt, %jit3A, %sign3A_10 : i32
    %sign3A_12 = arith.extui %sign3A_11 : i1 to i32
    %sign3A_13 = arith.subi %sign3A_9, %sign3A_12 : i32
    %ne3A = arith.cmpi ne, %sign3A_6, %sign3A_13 : i32
    %rem3A = arith.remsi %add3A, %jit3A : i32
    %ne3A_14 = arith.constant 0 : i32
    %ne3A_15 = arith.cmpi ne, %rem3A, %ne3A_14 : i32
    %and3A = arith.andi %ne3A, %ne3A_15 : i1
    %sub3A = arith.constant 1 : i32
    %sub3A_16 = arith.subi %div3A, %sub3A : i32
    %select_n3A = arith.select %and3A, %sub3A_16, %div3A : i32
    %jit3A_17 = arith.constant 8 : i32
    %eq3A = arith.constant 0 : i32
    %eq3A_18 = arith.cmpi eq, %jit3A_17, %eq3A : i32
    %jit3A_19 = arith.constant 1 : i32
    %select_n3A_20 = arith.select %eq3A_18, %jit3A_19, %jit3A_17 : i32
    %rem3A_21 = arith.remsi %add3A, %select_n3A_20 : i32
    %ne3A_22 = arith.constant 0 : i32
    %ne3A_23 = arith.cmpi ne, %rem3A_21, %ne3A_22 : i32
    %lt3A = arith.constant 0 : i32
    %lt3A_24 = arith.cmpi slt, %rem3A_21, %lt3A : i32
    %lt3A_25 = arith.constant 0 : i32
    %lt3A_26 = arith.cmpi slt, %select_n3A_20, %lt3A_25 : i32
    %ne3A_27 = arith.xori %lt3A_24, %lt3A_26 : i1
    %and3A_28 = arith.andi %ne3A_27, %ne3A_23 : i1
    %add3A_29 = arith.addi %rem3A_21, %select_n3A_20 : i32
    %select_n3A_30 = arith.select %and3A_28, %add3A_29, %rem3A_21 : i32
    %mul3A_31 = arith.constant 1024 : i32
    %mul3A_32 = arith.muli %select_n3A_30, %mul3A_31 : i32
    "tpu.region"() ({
      %run_scoped3A = tpu.sem_alloc : memref<!tpu.dma_semaphore, #tpu.memory_space<semaphore_mem>>
      %dma_start3A = arith.constant 0 : i32
      %dma_start3A_38 = tpu.memref_slice %arg2[%select_n3A, %dma_start3A, %mul3A_32] : memref<4x64x8192xf32, #tpu.memory_space<hbm>> -> memref<1x64x1024xf32, #tpu.memory_space<hbm>>
      %dma_start3A_39 = tpu.memref_squeeze %dma_start3A_38 : memref<1x64x1024xf32, #tpu.memory_space<hbm>> -> memref<64x1024xf32, #tpu.memory_space<hbm>>
      %dma_start3A_40 = arith.constant 0 : i32
      %dma_start3A_41 = tpu.memref_slice %arg2[%select_n3A, %dma_start3A_40, %mul3A_32] : memref<4x64x8192xf32, #tpu.memory_space<hbm>> -> memref<1x64x1024xf32, #tpu.memory_space<hbm>>
      %dma_start3A_42 = tpu.memref_squeeze %dma_start3A_41 : memref<1x64x1024xf32, #tpu.memory_space<hbm>> -> memref<64x1024xf32, #tpu.memory_space<hbm>>
      tpu.enqueue_dma source(%dma_start3A_42 : memref<64x1024xf32, #tpu.memory_space<hbm>>) target(%arg5 : memref<64x1024xf32, #tpu.memory_space<vmem>>) target_semaphore(%run_scoped3A : memref<!tpu.dma_semaphore, #tpu.memory_space<semaphore_mem>>)
      %dma_wait3A = arith.constant 0 : i32
      %dma_wait3A_43 = tpu.memref_slice %arg2[%select_n3A, %dma_wait3A, %mul3A_32] : memref<4x64x8192xf32, #tpu.memory_space<hbm>> -> memref<1x64x1024xf32, #tpu.memory_space<hbm>>
      %dma_wait3A_44 = tpu.memref_squeeze %dma_wait3A_43 : memref<1x64x1024xf32, #tpu.memory_space<hbm>> -> memref<64x1024xf32, #tpu.memory_space<hbm>>
      %dma_wait3A_45 = arith.constant 0 : i32
      %dma_wait3A_46 = tpu.memref_slice %arg2[%select_n3A, %dma_wait3A_45, %mul3A_32] : memref<4x64x8192xf32, #tpu.memory_space<hbm>> -> memref<1x64x1024xf32, #tpu.memory_space<hbm>>
      %dma_wait3A_47 = tpu.memref_squeeze %dma_wait3A_46 : memref<1x64x1024xf32, #tpu.memory_space<hbm>> -> memref<64x1024xf32, #tpu.memory_space<hbm>>
      tpu.wait_dma2 semaphore(%run_scoped3A : memref<!tpu.dma_semaphore, #tpu.memory_space<semaphore_mem>>) src(%dma_wait3A_47 : memref<64x1024xf32, #tpu.memory_space<hbm>>) dst(%arg5 : memref<64x1024xf32, #tpu.memory_space<vmem>>)
      tpu.yield
    }) : () -> ()
    %scan3A = arith.constant 0 : i32
    %scan3A_33 = arith.constant 0 : i32
    %scan3A_34 = arith.constant 64 : i32
    %scan3A_35 = arith.addi %scan3A_33, %scan3A_34 : i32
    %scan3A_36 = arith.constant 1 : i32
    scf.for %scan3A_38 = %scan3A_33 to %scan3A_35 step %scan3A_36  : i32 {
      %mul3A_39 = arith.constant 16 : i32
      %mul3A_40 = arith.muli %scan3A_38, %mul3A_39 : i32
      %get3A = arith.constant 0 : i32
      %get3A_41 = arith.index_cast %get3A : i32 to index
      %get3A_42 = arith.index_cast %mul3A_40 : i32 to index
      %get3A_43 = tpu.vector_load %arg5[%get3A_41, %get3A_42] {strides = array<i32>} : memref<64x1024xf32, #tpu.memory_space<vmem>>, vector<1x16xf32>,
      %get3A_44 = vector.shape_cast %get3A_43 : vector<1x16xf32> to vector<16xf32>
      %broadcast_in_dim3A = arith.constant 0 : i32
      %broadcast_in_dim3A_45 = vector.broadcast %broadcast_in_dim3A : i32 to vector<16xi32>
      %broadcast_in_dim3A_46 = arith.constant 0xFF800000 : f32
      %broadcast_in_dim3A_47 = vector.broadcast %broadcast_in_dim3A_46 : f32 to vector<16xf32>
      %broadcast_in_dim3A_48 = arith.constant 0 : i32
      %broadcast_in_dim3A_49 = vector.broadcast %broadcast_in_dim3A_48 : i32 to vector<16xi32>
      %get3A_50 = arith.constant 1 : i32
      %get3A_51 = arith.index_cast %get3A_50 : i32 to index
      %get3A_52 = arith.index_cast %mul3A_40 : i32 to index
      %get3A_53 = tpu.vector_load %arg5[%get3A_51, %get3A_52] {strides = array<i32>} : memref<64x1024xf32, #tpu.memory_space<vmem>>, vector<1x16xf32>,
      %get3A_54 = vector.shape_cast %get3A_53 : vector<1x16xf32> to vector<16xf32>
      %broadcast_in_dim3A_55 = arith.constant 1 : i32
      %broadcast_in_dim3A_56 = vector.broadcast %broadcast_in_dim3A_55 : i32 to vector<16xi32>
      %gt3A = arith.cmpf ogt, %get3A_54, %get3A_44 : vector<16xf32>
      %gt3A_57 = arith.cmpf ogt, %get3A_54, %broadcast_in_dim3A_47 : vector<16xf32>
      %select_n3A_58 = arith.select %gt3A_57, %get3A_54, %broadcast_in_dim3A_47 : vector<16xi1>, vector<16xf32>
      %select_n3A_59 = arith.select %gt3A, %get3A_44, %select_n3A_58 : vector<16xi1>, vector<16xf32>
      %select_n3A_60 = arith.select %gt3A_57, %broadcast_in_dim3A_56, %broadcast_in_dim3A_49 : vector<16xi1>, vector<16xi32>
      %select_n3A_61 = arith.select %gt3A, %broadcast_in_dim3A_45, %select_n3A_60 : vector<16xi1>, vector<16xi32>
      %select_n3A_62 = arith.select %gt3A, %get3A_54, %get3A_44 : vector<16xi1>, vector<16xf32>
      %select_n3A_63 = arith.select %gt3A, %broadcast_in_dim3A_56, %broadcast_in_dim3A_45 : vector<16xi1>, vector<16xi32>
      %get3A_64 = arith.constant 2 : i32
      %get3A_65 = arith.index_cast %get3A_64 : i32 to index
      %get3A_66 = arith.index_cast %mul3A_40 : i32 to index
      %get3A_67 = tpu.vector_load %arg5[%get3A_65, %get3A_66] {strides = array<i32>} : memref<64x1024xf32, #tpu.memory_space<vmem>>, vector<1x16xf32>,
      %get3A_68 = vector.shape_cast %get3A_67 : vector<1x16xf32> to vector<16xf32>
      %broadcast_in_dim3A_69 = arith.constant 2 : i32
      %broadcast_in_dim3A_70 = vector.broadcast %broadcast_in_dim3A_69 : i32 to vector<16xi32>
      %gt3A_71 = arith.cmpf ogt, %get3A_68, %select_n3A_62 : vector<16xf32>
      %gt3A_72 = arith.cmpf ogt, %get3A_68, %select_n3A_59 : vector<16xf32>
      %select_n3A_73 = arith.select %gt3A_72, %get3A_68, %select_n3A_59 : vector<16xi1>, vector<16xf32>
      %select_n3A_74 = arith.select %gt3A_71, %select_n3A_62, %select_n3A_73 : vector<16xi1>, vector<16xf32>
      %select_n3A_75 = arith.select %gt3A_72, %broadcast_in_dim3A_70, %select_n3A_61 : vector<16xi1>, vector<16xi32>
      %select_n3A_76 = arith.select %gt3A_71, %select_n3A_63, %select_n3A_75 : vector<16xi1>, vector<16xi32>
      %select_n3A_77 = arith.select %gt3A_71, %get3A_68, %select_n3A_62 : vector<16xi1>, vector<16xf32>
      %select_n3A_78 = arith.select %gt3A_71, %broadcast_in_dim3A_70, %select_n3A_63 : vector<16xi1>, vector<16xi32>
      %get3A_79 = arith.constant 3 : i32
      %get3A_80 = arith.index_cast %get3A_79 : i32 to index
      %get3A_81 = arith.index_cast %mul3A_40 : i32 to index
      %get3A_82 = tpu.vector_load %arg5[%get3A_80, %get3A_81] {strides = array<i32>} : memref<64x1024xf32, #tpu.memory_space<vmem>>, vector<1x16xf32>,
      %get3A_83 = vector.shape_cast %get3A_82 : vector<1x16xf32> to vector<16xf32>
      %broadcast_in_dim3A_84 = arith.constant 3 : i32
      %broadcast_in_dim3A_85 = vector.broadcast %broadcast_in_dim3A_84 : i32 to vector<16xi32>
      %gt3A_86 = arith.cmpf ogt, %get3A_83, %select_n3A_77 : vector<16xf32>
      %gt3A_87 = arith.cmpf ogt, %get3A_83, %select_n3A_74 : vector<16xf32>
      %select_n3A_88 = arith.select %gt3A_87, %get3A_83, %select_n3A_74 : vector<16xi1>, vector<16xf32>
      %select_n3A_89 = arith.select %gt3A_86, %select_n3A_77, %select_n3A_88 : vector<16xi1>, vector<16xf32>
      %select_n3A_90 = arith.select %gt3A_87, %broadcast_in_dim3A_85, %select_n3A_76 : vector<16xi1>, vector<16xi32>
      %select_n3A_91 = arith.select %gt3A_86, %select_n3A_78, %select_n3A_90 : vector<16xi1>, vector<16xi32>
      %select_n3A_92 = arith.select %gt3A_86, %get3A_83, %select_n3A_77 : vector<16xi1>, vector<16xf32>
      %select_n3A_93 = arith.select %gt3A_86, %broadcast_in_dim3A_85, %select_n3A_78 : vector<16xi1>, vector<16xi32>
      %get3A_94 = arith.constant 4 : i32
      %get3A_95 = arith.index_cast %get3A_94 : i32 to index
      %get3A_96 = arith.index_cast %mul3A_40 : i32 to index
      %get3A_97 = tpu.vector_load %arg5[%get3A_95, %get3A_96] {strides = array<i32>} : memref<64x1024xf32, #tpu.memory_space<vmem>>, vector<1x16xf32>,
      %get3A_98 = vector.shape_cast %get3A_97 : vector<1x16xf32> to vector<16xf32>
      %broadcast_in_dim3A_99 = arith.constant 4 : i32
      %broadcast_in_dim3A_100 = vector.broadcast %broadcast_in_dim3A_99 : i32 to vector<16xi32>
      %gt3A_101 = arith.cmpf ogt, %get3A_98, %select_n3A_92 : vector<16xf32>
      %gt3A_102 = arith.cmpf ogt, %get3A_98, %select_n3A_89 : vector<16xf32>
      %select_n3A_103 = arith.select %gt3A_102, %get3A_98, %select_n3A_89 : vector<16xi1>, vector<16xf32>
      %select_n3A_104 = arith.select %gt3A_101, %select_n3A_92, %select_n3A_103 : vector<16xi1>, vector<16xf32>
      %select_n3A_105 = arith.select %gt3A_102, %broadcast_in_dim3A_100, %select_n3A_91 : vector<16xi1>, vector<16xi32>
      %select_n3A_106 = arith.select %gt3A_101, %select_n3A_93, %select_n3A_105 : vector<16xi1>, vector<16xi32>
      %select_n3A_107 = arith.select %gt3A_101, %get3A_98, %select_n3A_92 : vector<16xi1>, vector<16xf32>
      %select_n3A_108 = arith.select %gt3A_101, %broadcast_in_dim3A_100, %select_n3A_93 : vector<16xi1>, vector<16xi32>
      %get3A_109 = arith.constant 5 : i32
      %get3A_110 = arith.index_cast %get3A_109 : i32 to index
      %get3A_111 = arith.index_cast %mul3A_40 : i32 to index
      %get3A_112 = tpu.vector_load %arg5[%get3A_110, %get3A_111] {strides = array<i32>} : memref<64x1024xf32, #tpu.memory_space<vmem>>, vector<1x16xf32>,
      %get3A_113 = vector.shape_cast %get3A_112 : vector<1x16xf32> to vector<16xf32>
      %broadcast_in_dim3A_114 = arith.constant 5 : i32
      %broadcast_in_dim3A_115 = vector.broadcast %broadcast_in_dim3A_114 : i32 to vector<16xi32>
      %gt3A_116 = arith.cmpf ogt, %get3A_113, %select_n3A_107 : vector<16xf32>
      %gt3A_117 = arith.cmpf ogt, %get3A_113, %select_n3A_104 : vector<16xf32>
      %select_n3A_118 = arith.select %gt3A_117, %get3A_113, %select_n3A_104 : vector<16xi1>, vector<16xf32>
      %select_n3A_119 = arith.select %gt3A_116, %select_n3A_107, %select_n3A_118 : vector<16xi1>, vector<16xf32>
      %select_n3A_120 = arith.select %gt3A_117, %broadcast_in_dim3A_115, %select_n3A_106 : vector<16xi1>, vector<16xi32>
      %select_n3A_121 = arith.select %gt3A_116, %select_n3A_108, %select_n3A_120 : vector<16xi1>, vector<16xi32>
      %select_n3A_122 = arith.select %gt3A_116, %get3A_113, %select_n3A_107 : vector<16xi1>, vector<16xf32>
      %select_n3A_123 = arith.select %gt3A_116, %broadcast_in_dim3A_115, %select_n3A_108 : vector<16xi1>, vector<16xi32>
      %get3A_124 = arith.constant 6 : i32
      %get3A_125 = arith.index_cast %get3A_124 : i32 to index
      %get3A_126 = arith.index_cast %mul3A_40 : i32 to index
      %get3A_127 = tpu.vector_load %arg5[%get3A_125, %get3A_126] {strides = array<i32>} : memref<64x1024xf32, #tpu.memory_space<vmem>>, vector<1x16xf32>,
      %get3A_128 = vector.shape_cast %get3A_127 : vector<1x16xf32> to vector<16xf32>
      %broadcast_in_dim3A_129 = arith.constant 6 : i32
      %broadcast_in_dim3A_130 = vector.broadcast %broadcast_in_dim3A_129 : i32 to vector<16xi32>
      %gt3A_131 = arith.cmpf ogt, %get3A_128, %select_n3A_122 : vector<16xf32>
      %gt3A_132 = arith.cmpf ogt, %get3A_128, %select_n3A_119 : vector<16xf32>
      %select_n3A_133 = arith.select %gt3A_132, %get3A_128, %select_n3A_119 : vector<16xi1>, vector<16xf32>
      %select_n3A_134 = arith.select %gt3A_131, %select_n3A_122, %select_n3A_133 : vector<16xi1>, vector<16xf32>
      %select_n3A_135 = arith.select %gt3A_132, %broadcast_in_dim3A_130, %select_n3A_121 : vector<16xi1>, vector<16xi32>
      %select_n3A_136 = arith.select %gt3A_131, %select_n3A_123, %select_n3A_135 : vector<16xi1>, vector<16xi32>
      %select_n3A_137 = arith.select %gt3A_131, %get3A_128, %select_n3A_122 : vector<16xi1>, vector<16xf32>
      %select_n3A_138 = arith.select %gt3A_131, %broadcast_in_dim3A_130, %select_n3A_123 : vector<16xi1>, vector<16xi32>
      %get3A_139 = arith.constant 7 : i32
      %get3A_140 = arith.index_cast %get3A_139 : i32 to index
      %get3A_141 = arith.index_cast %mul3A_40 : i32 to index
      %get3A_142 = tpu.vector_load %arg5[%get3A_140, %get3A_141] {strides = array<i32>} : memref<64x1024xf32, #tpu.memory_space<vmem>>, vector<1x16xf32>,
      %get3A_143 = vector.shape_cast %get3A_142 : vector<1x16xf32> to vector<16xf32>
      %broadcast_in_dim3A_144 = arith.constant 7 : i32
      %broadcast_in_dim3A_145 = vector.broadcast %broadcast_in_dim3A_144 : i32 to vector<16xi32>
      %gt3A_146 = arith.cmpf ogt, %get3A_143, %select_n3A_137 : vector<16xf32>
      %gt3A_147 = arith.cmpf ogt, %get3A_143, %select_n3A_134 : vector<16xf32>
      %select_n3A_148 = arith.select %gt3A_147, %get3A_143, %select_n3A_134 : vector<16xi1>, vector<16xf32>
      %select_n3A_149 = arith.select %gt3A_146, %select_n3A_137, %select_n3A_148 : vector<16xi1>, vector<16xf32>
      %select_n3A_150 = arith.select %gt3A_147, %broadcast_in_dim3A_145, %select_n3A_136 : vector<16xi1>, vector<16xi32>
      %select_n3A_151 = arith.select %gt3A_146, %select_n3A_138, %select_n3A_150 : vector<16xi1>, vector<16xi32>
      %select_n3A_152 = arith.select %gt3A_146, %get3A_143, %select_n3A_137 : vector<16xi1>, vector<16xf32>
      %select_n3A_153 = arith.select %gt3A_146, %broadcast_in_dim3A_145, %select_n3A_138 : vector<16xi1>, vector<16xi32>
      %get3A_154 = arith.constant 8 : i32
      %get3A_155 = arith.index_cast %get3A_154 : i32 to index
      %get3A_156 = arith.index_cast %mul3A_40 : i32 to index
      %get3A_157 = tpu.vector_load %arg5[%get3A_155, %get3A_156] {strides = array<i32>} : memref<64x1024xf32, #tpu.memory_space<vmem>>, vector<1x16xf32>,
      %get3A_158 = vector.shape_cast %get3A_157 : vector<1x16xf32> to vector<16xf32>
      %broadcast_in_dim3A_159 = arith.constant 8 : i32
      %broadcast_in_dim3A_160 = vector.broadcast %broadcast_in_dim3A_159 : i32 to vector<16xi32>
      %gt3A_161 = arith.cmpf ogt, %get3A_158, %select_n3A_152 : vector<16xf32>
      %gt3A_162 = arith.cmpf ogt, %get3A_158, %select_n3A_149 : vector<16xf32>
      %select_n3A_163 = arith.select %gt3A_162, %get3A_158, %select_n3A_149 : vector<16xi1>, vector<16xf32>
      %select_n3A_164 = arith.select %gt3A_161, %select_n3A_152, %select_n3A_163 : vector<16xi1>, vector<16xf32>
      %select_n3A_165 = arith.select %gt3A_162, %broadcast_in_dim3A_160, %select_n3A_151 : vector<16xi1>, vector<16xi32>
      %select_n3A_166 = arith.select %gt3A_161, %select_n3A_153, %select_n3A_165 : vector<16xi1>, vector<16xi32>
      %select_n3A_167 = arith.select %gt3A_161, %get3A_158, %select_n3A_152 : vector<16xi1>, vector<16xf32>
      %select_n3A_168 = arith.select %gt3A_161, %broadcast_in_dim3A_160, %select_n3A_153 : vector<16xi1>, vector<16xi32>
      %get3A_169 = arith.constant 9 : i32
      %get3A_170 = arith.index_cast %get3A_169 : i32 to index
      %get3A_171 = arith.index_cast %mul3A_40 : i32 to index
      %get3A_172 = tpu.vector_load %arg5[%get3A_170, %get3A_171] {strides = array<i32>} : memref<64x1024xf32, #tpu.memory_space<vmem>>, vector<1x16xf32>,
      %get3A_173 = vector.shape_cast %get3A_172 : vector<1x16xf32> to vector<16xf32>
      %broadcast_in_dim3A_174 = arith.constant 9 : i32
      %broadcast_in_dim3A_175 = vector.broadcast %broadcast_in_dim3A_174 : i32 to vector<16xi32>
      %gt3A_176 = arith.cmpf ogt, %get3A_173, %select_n3A_167 : vector<16xf32>
      %gt3A_177 = arith.cmpf ogt, %get3A_173, %select_n3A_164 : vector<16xf32>
      %select_n3A_178 = arith.select %gt3A_177, %get3A_173, %select_n3A_164 : vector<16xi1>, vector<16xf32>
      %select_n3A_179 = arith.select %gt3A_176, %select_n3A_167, %select_n3A_178 : vector<16xi1>, vector<16xf32>
      %select_n3A_180 = arith.select %gt3A_177, %broadcast_in_dim3A_175, %select_n3A_166 : vector<16xi1>, vector<16xi32>
      %select_n3A_181 = arith.select %gt3A_176, %select_n3A_168, %select_n3A_180 : vector<16xi1>, vector<16xi32>
      %select_n3A_182 = arith.select %gt3A_176, %get3A_173, %select_n3A_167 : vector<16xi1>, vector<16xf32>
      %select_n3A_183 = arith.select %gt3A_176, %broadcast_in_dim3A_175, %select_n3A_168 : vector<16xi1>, vector<16xi32>
      %get3A_184 = arith.constant 10 : i32
      %get3A_185 = arith.index_cast %get3A_184 : i32 to index
      %get3A_186 = arith.index_cast %mul3A_40 : i32 to index
      %get3A_187 = tpu.vector_load %arg5[%get3A_185, %get3A_186] {strides = array<i32>} : memref<64x1024xf32, #tpu.memory_space<vmem>>, vector<1x16xf32>,
      %get3A_188 = vector.shape_cast %get3A_187 : vector<1x16xf32> to vector<16xf32>
      %broadcast_in_dim3A_189 = arith.constant 10 : i32
      %broadcast_in_dim3A_190 = vector.broadcast %broadcast_in_dim3A_189 : i32 to vector<16xi32>
      %gt3A_191 = arith.cmpf ogt, %get3A_188, %select_n3A_182 : vector<16xf32>
      %gt3A_192 = arith.cmpf ogt, %get3A_188, %select_n3A_179 : vector<16xf32>
      %select_n3A_193 = arith.select %gt3A_192, %get3A_188, %select_n3A_179 : vector<16xi1>, vector<16xf32>
      %select_n3A_194 = arith.select %gt3A_191, %select_n3A_182, %select_n3A_193 : vector<16xi1>, vector<16xf32>
      %select_n3A_195 = arith.select %gt3A_192, %broadcast_in_dim3A_190, %select_n3A_181 : vector<16xi1>, vector<16xi32>
      %select_n3A_196 = arith.select %gt3A_191, %select_n3A_183, %select_n3A_195 : vector<16xi1>, vector<16xi32>
      %select_n3A_197 = arith.select %gt3A_191, %get3A_188, %select_n3A_182 : vector<16xi1>, vector<16xf32>
      %select_n3A_198 = arith.select %gt3A_191, %broadcast_in_dim3A_190, %select_n3A_183 : vector<16xi1>, vector<16xi32>
      %get3A_199 = arith.constant 11 : i32
      %get3A_200 = arith.index_cast %get3A_199 : i32 to index
      %get3A_201 = arith.index_cast %mul3A_40 : i32 to index
      %get3A_202 = tpu.vector_load %arg5[%get3A_200, %get3A_201] {strides = array<i32>} : memref<64x1024xf32, #tpu.memory_space<vmem>>, vector<1x16xf32>,
      %get3A_203 = vector.shape_cast %get3A_202 : vector<1x16xf32> to vector<16xf32>
      %broadcast_in_dim3A_204 = arith.constant 11 : i32
      %broadcast_in_dim3A_205 = vector.broadcast %broadcast_in_dim3A_204 : i32 to vector<16xi32>
      %gt3A_206 = arith.cmpf ogt, %get3A_203, %select_n3A_197 : vector<16xf32>
      %gt3A_207 = arith.cmpf ogt, %get3A_203, %select_n3A_194 : vector<16xf32>
      %select_n3A_208 = arith.select %gt3A_207, %get3A_203, %select_n3A_194 : vector<16xi1>, vector<16xf32>
      %select_n3A_209 = arith.select %gt3A_206, %select_n3A_197, %select_n3A_208 : vector<16xi1>, vector<16xf32>
      %select_n3A_210 = arith.select %gt3A_207, %broadcast_in_dim3A_205, %select_n3A_196 : vector<16xi1>, vector<16xi32>
      %select_n3A_211 = arith.select %gt3A_206, %select_n3A_198, %select_n3A_210 : vector<16xi1>, vector<16xi32>
      %select_n3A_212 = arith.select %gt3A_206, %get3A_203, %select_n3A_197 : vector<16xi1>, vector<16xf32>
      %select_n3A_213 = arith.select %gt3A_206, %broadcast_in_dim3A_205, %select_n3A_198 : vector<16xi1>, vector<16xi32>
      %get3A_214 = arith.constant 12 : i32
      %get3A_215 = arith.index_cast %get3A_214 : i32 to index
      %get3A_216 = arith.index_cast %mul3A_40 : i32 to index
      %get3A_217 = tpu.vector_load %arg5[%get3A_215, %get3A_216] {strides = array<i32>} : memref<64x1024xf32, #tpu.memory_space<vmem>>, vector<1x16xf32>,
      %get3A_218 = vector.shape_cast %get3A_217 : vector<1x16xf32> to vector<16xf32>
      %broadcast_in_dim3A_219 = arith.constant 12 : i32
      %broadcast_in_dim3A_220 = vector.broadcast %broadcast_in_dim3A_219 : i32 to vector<16xi32>
      %gt3A_221 = arith.cmpf ogt, %get3A_218, %select_n3A_212 : vector<16xf32>
      %gt3A_222 = arith.cmpf ogt, %get3A_218, %select_n3A_209 : vector<16xf32>
      %select_n3A_223 = arith.select %gt3A_222, %get3A_218, %select_n3A_209 : vector<16xi1>, vector<16xf32>
      %select_n3A_224 = arith.select %gt3A_221, %select_n3A_212, %select_n3A_223 : vector<16xi1>, vector<16xf32>
      %select_n3A_225 = arith.select %gt3A_222, %broadcast_in_dim3A_220, %select_n3A_211 : vector<16xi1>, vector<16xi32>
      %select_n3A_226 = arith.select %gt3A_221, %select_n3A_213, %select_n3A_225 : vector<16xi1>, vector<16xi32>
      %select_n3A_227 = arith.select %gt3A_221, %get3A_218, %select_n3A_212 : vector<16xi1>, vector<16xf32>
      %select_n3A_228 = arith.select %gt3A_221, %broadcast_in_dim3A_220, %select_n3A_213 : vector<16xi1>, vector<16xi32>
      %get3A_229 = arith.constant 13 : i32
      %get3A_230 = arith.index_cast %get3A_229 : i32 to index
      %get3A_231 = arith.index_cast %mul3A_40 : i32 to index
      %get3A_232 = tpu.vector_load %arg5[%get3A_230, %get3A_231] {strides = array<i32>} : memref<64x1024xf32, #tpu.memory_space<vmem>>, vector<1x16xf32>,
      %get3A_233 = vector.shape_cast %get3A_232 : vector<1x16xf32> to vector<16xf32>
      %broadcast_in_dim3A_234 = arith.constant 13 : i32
      %broadcast_in_dim3A_235 = vector.broadcast %broadcast_in_dim3A_234 : i32 to vector<16xi32>
      %gt3A_236 = arith.cmpf ogt, %get3A_233, %select_n3A_227 : vector<16xf32>
      %gt3A_237 = arith.cmpf ogt, %get3A_233, %select_n3A_224 : vector<16xf32>
      %select_n3A_238 = arith.select %gt3A_237, %get3A_233, %select_n3A_224 : vector<16xi1>, vector<16xf32>
      %select_n3A_239 = arith.select %gt3A_236, %select_n3A_227, %select_n3A_238 : vector<16xi1>, vector<16xf32>
      %select_n3A_240 = arith.select %gt3A_237, %broadcast_in_dim3A_235, %select_n3A_226 : vector<16xi1>, vector<16xi32>
      %select_n3A_241 = arith.select %gt3A_236, %select_n3A_228, %select_n3A_240 : vector<16xi1>, vector<16xi32>
      %select_n3A_242 = arith.select %gt3A_236, %get3A_233, %select_n3A_227 : vector<16xi1>, vector<16xf32>
      %select_n3A_243 = arith.select %gt3A_236, %broadcast_in_dim3A_235, %select_n3A_228 : vector<16xi1>, vector<16xi32>
      %get3A_244 = arith.constant 14 : i32
      %get3A_245 = arith.index_cast %get3A_244 : i32 to index
      %get3A_246 = arith.index_cast %mul3A_40 : i32 to index
      %get3A_247 = tpu.vector_load %arg5[%get3A_245, %get3A_246] {strides = array<i32>} : memref<64x1024xf32, #tpu.memory_space<vmem>>, vector<1x16xf32>,
      %get3A_248 = vector.shape_cast %get3A_247 : vector<1x16xf32> to vector<16xf32>
      %broadcast_in_dim3A_249 = arith.constant 14 : i32
      %broadcast_in_dim3A_250 = vector.broadcast %broadcast_in_dim3A_249 : i32 to vector<16xi32>
      %gt3A_251 = arith.cmpf ogt, %get3A_248, %select_n3A_242 : vector<16xf32>
      %gt3A_252 = arith.cmpf ogt, %get3A_248, %select_n3A_239 : vector<16xf32>
      %select_n3A_253 = arith.select %gt3A_252, %get3A_248, %select_n3A_239 : vector<16xi1>, vector<16xf32>
      %select_n3A_254 = arith.select %gt3A_251, %select_n3A_242, %select_n3A_253 : vector<16xi1>, vector<16xf32>
      %select_n3A_255 = arith.select %gt3A_252, %broadcast_in_dim3A_250, %select_n3A_241 : vector<16xi1>, vector<16xi32>
      %select_n3A_256 = arith.select %gt3A_251, %select_n3A_243, %select_n3A_255 : vector<16xi1>, vector<16xi32>
      %select_n3A_257 = arith.select %gt3A_251, %get3A_248, %select_n3A_242 : vector<16xi1>, vector<16xf32>
      %select_n3A_258 = arith.select %gt3A_251, %broadcast_in_dim3A_250, %select_n3A_243 : vector<16xi1>, vector<16xi32>
      %get3A_259 = arith.constant 15 : i32
      %get3A_260 = arith.index_cast %get3A_259 : i32 to index
      %get3A_261 = arith.index_cast %mul3A_40 : i32 to index
      %get3A_262 = tpu.vector_load %arg5[%get3A_260, %get3A_261] {strides = array<i32>} : memref<64x1024xf32, #tpu.memory_space<vmem>>, vector<1x16xf32>,
      %get3A_263 = vector.shape_cast %get3A_262 : vector<1x16xf32> to vector<16xf32>
      %broadcast_in_dim3A_264 = arith.constant 15 : i32
      %broadcast_in_dim3A_265 = vector.broadcast %broadcast_in_dim3A_264 : i32 to vector<16xi32>
      %gt3A_266 = arith.cmpf ogt, %get3A_263, %select_n3A_257 : vector<16xf32>
      %gt3A_267 = arith.cmpf ogt, %get3A_263, %select_n3A_254 : vector<16xf32>
      %select_n3A_268 = arith.select %gt3A_267, %get3A_263, %select_n3A_254 : vector<16xi1>, vector<16xf32>
      %select_n3A_269 = arith.select %gt3A_266, %select_n3A_257, %select_n3A_268 : vector<16xi1>, vector<16xf32>
      %select_n3A_270 = arith.select %gt3A_267, %broadcast_in_dim3A_265, %select_n3A_256 : vector<16xi1>, vector<16xi32>
      %select_n3A_271 = arith.select %gt3A_266, %select_n3A_258, %select_n3A_270 : vector<16xi1>, vector<16xi32>
      %select_n3A_272 = arith.select %gt3A_266, %get3A_263, %select_n3A_257 : vector<16xi1>, vector<16xf32>
      %select_n3A_273 = arith.select %gt3A_266, %broadcast_in_dim3A_265, %select_n3A_258 : vector<16xi1>, vector<16xi32>
      %get3A_274 = arith.constant 16 : i32
      %get3A_275 = arith.index_cast %get3A_274 : i32 to index
      %get3A_276 = arith.index_cast %mul3A_40 : i32 to index
      %get3A_277 = tpu.vector_load %arg5[%get3A_275, %get3A_276] {strides = array<i32>} : memref<64x1024xf32, #tpu.memory_space<vmem>>, vector<1x16xf32>,
      %get3A_278 = vector.shape_cast %get3A_277 : vector<1x16xf32> to vector<16xf32>
      %broadcast_in_dim3A_279 = arith.constant 16 : i32
      %broadcast_in_dim3A_280 = vector.broadcast %broadcast_in_dim3A_279 : i32 to vector<16xi32>
      %gt3A_281 = arith.cmpf ogt, %get3A_278, %select_n3A_272 : vector<16xf32>
      %gt3A_282 = arith.cmpf ogt, %get3A_278, %select_n3A_269 : vector<16xf32>
      %select_n3A_283 = arith.select %gt3A_282, %get3A_278, %select_n3A_269 : vector<16xi1>, vector<16xf32>
      %select_n3A_284 = arith.select %gt3A_281, %select_n3A_272, %select_n3A_283 : vector<16xi1>, vector<16xf32>
      %select_n3A_285 = arith.select %gt3A_282, %broadcast_in_dim3A_280, %select_n3A_271 : vector<16xi1>, vector<16xi32>
      %select_n3A_286 = arith.select %gt3A_281, %select_n3A_273, %select_n3A_285 : vector<16xi1>, vector<16xi32>
      %select_n3A_287 = arith.select %gt3A_281, %get3A_278, %select_n3A_272 : vector<16xi1>, vector<16xf32>
      %select_n3A_288 = arith.select %gt3A_281, %broadcast_in_dim3A_280, %select_n3A_273 : vector<16xi1>, vector<16xi32>
      %get3A_289 = arith.constant 17 : i32
      %get3A_290 = arith.index_cast %get3A_289 : i32 to index
      %get3A_291 = arith.index_cast %mul3A_40 : i32 to index
      %get3A_292 = tpu.vector_load %arg5[%get3A_290, %get3A_291] {strides = array<i32>} : memref<64x1024xf32, #tpu.memory_space<vmem>>, vector<1x16xf32>,
      %get3A_293 = vector.shape_cast %get3A_292 : vector<1x16xf32> to vector<16xf32>
      %broadcast_in_dim3A_294 = arith.constant 17 : i32
      %broadcast_in_dim3A_295 = vector.broadcast %broadcast_in_dim3A_294 : i32 to vector<16xi32>
      %gt3A_296 = arith.cmpf ogt, %get3A_293, %select_n3A_287 : vector<16xf32>
      %gt3A_297 = arith.cmpf ogt, %get3A_293, %select_n3A_284 : vector<16xf32>
      %select_n3A_298 = arith.select %gt3A_297, %get3A_293, %select_n3A_284 : vector<16xi1>, vector<16xf32>
      %select_n3A_299 = arith.select %gt3A_296, %select_n3A_287, %select_n3A_298 : vector<16xi1>, vector<16xf32>
      %select_n3A_300 = arith.select %gt3A_297, %broadcast_in_dim3A_295, %select_n3A_286 : vector<16xi1>, vector<16xi32>
      %select_n3A_301 = arith.select %gt3A_296, %select_n3A_288, %select_n3A_300 : vector<16xi1>, vector<16xi32>
      %select_n3A_302 = arith.select %gt3A_296, %get3A_293, %select_n3A_287 : vector<16xi1>, vector<16xf32>
      %select_n3A_303 = arith.select %gt3A_296, %broadcast_in_dim3A_295, %select_n3A_288 : vector<16xi1>, vector<16xi32>
      %get3A_304 = arith.constant 18 : i32
      %get3A_305 = arith.index_cast %get3A_304 : i32 to index
      %get3A_306 = arith.index_cast %mul3A_40 : i32 to index
      %get3A_307 = tpu.vector_load %arg5[%get3A_305, %get3A_306] {strides = array<i32>} : memref<64x1024xf32, #tpu.memory_space<vmem>>, vector<1x16xf32>,
      %get3A_308 = vector.shape_cast %get3A_307 : vector<1x16xf32> to vector<16xf32>
      %broadcast_in_dim3A_309 = arith.constant 18 : i32
      %broadcast_in_dim3A_310 = vector.broadcast %broadcast_in_dim3A_309 : i32 to vector<16xi32>
      %gt3A_311 = arith.cmpf ogt, %get3A_308, %select_n3A_302 : vector<16xf32>
      %gt3A_312 = arith.cmpf ogt, %get3A_308, %select_n3A_299 : vector<16xf32>
      %select_n3A_313 = arith.select %gt3A_312, %get3A_308, %select_n3A_299 : vector<16xi1>, vector<16xf32>
      %select_n3A_314 = arith.select %gt3A_311, %select_n3A_302, %select_n3A_313 : vector<16xi1>, vector<16xf32>
      %select_n3A_315 = arith.select %gt3A_312, %broadcast_in_dim3A_310, %select_n3A_301 : vector<16xi1>, vector<16xi32>
      %select_n3A_316 = arith.select %gt3A_311, %select_n3A_303, %select_n3A_315 : vector<16xi1>, vector<16xi32>
      %select_n3A_317 = arith.select %gt3A_311, %get3A_308, %select_n3A_302 : vector<16xi1>, vector<16xf32>
      %select_n3A_318 = arith.select %gt3A_311, %broadcast_in_dim3A_310, %select_n3A_303 : vector<16xi1>, vector<16xi32>
      %get3A_319 = arith.constant 19 : i32
      %get3A_320 = arith.index_cast %get3A_319 : i32 to index
      %get3A_321 = arith.index_cast %mul3A_40 : i32 to index
      %get3A_322 = tpu.vector_load %arg5[%get3A_320, %get3A_321] {strides = array<i32>} : memref<64x1024xf32, #tpu.memory_space<vmem>>, vector<1x16xf32>,
      %get3A_323 = vector.shape_cast %get3A_322 : vector<1x16xf32> to vector<16xf32>
      %broadcast_in_dim3A_324 = arith.constant 19 : i32
      %broadcast_in_dim3A_325 = vector.broadcast %broadcast_in_dim3A_324 : i32 to vector<16xi32>
      %gt3A_326 = arith.cmpf ogt, %get3A_323, %select_n3A_317 : vector<16xf32>
      %gt3A_327 = arith.cmpf ogt, %get3A_323, %select_n3A_314 : vector<16xf32>
      %select_n3A_328 = arith.select %gt3A_327, %get3A_323, %select_n3A_314 : vector<16xi1>, vector<16xf32>
      %select_n3A_329 = arith.select %gt3A_326, %select_n3A_317, %select_n3A_328 : vector<16xi1>, vector<16xf32>
      %select_n3A_330 = arith.select %gt3A_327, %broadcast_in_dim3A_325, %select_n3A_316 : vector<16xi1>, vector<16xi32>
      %select_n3A_331 = arith.select %gt3A_326, %select_n3A_318, %select_n3A_330 : vector<16xi1>, vector<16xi32>
      %select_n3A_332 = arith.select %gt3A_326, %get3A_323, %select_n3A_317 : vector<16xi1>, vector<16xf32>
      %select_n3A_333 = arith.select %gt3A_326, %broadcast_in_dim3A_325, %select_n3A_318 : vector<16xi1>, vector<16xi32>
      %get3A_334 = arith.constant 20 : i32
      %get3A_335 = arith.index_cast %get3A_334 : i32 to index
      %get3A_336 = arith.index_cast %mul3A_40 : i32 to index
      %get3A_337 = tpu.vector_load %arg5[%get3A_335, %get3A_336] {strides = array<i32>} : memref<64x1024xf32, #tpu.memory_space<vmem>>, vector<1x16xf32>,
      %get3A_338 = vector.shape_cast %get3A_337 : vector<1x16xf32> to vector<16xf32>
      %broadcast_in_dim3A_339 = arith.constant 20 : i32
      %broadcast_in_dim3A_340 = vector.broadcast %broadcast_in_dim3A_339 : i32 to vector<16xi32>
      %gt3A_341 = arith.cmpf ogt, %get3A_338, %select_n3A_332 : vector<16xf32>
      %gt3A_342 = arith.cmpf ogt, %get3A_338, %select_n3A_329 : vector<16xf32>
      %select_n3A_343 = arith.select %gt3A_342, %get3A_338, %select_n3A_329 : vector<16xi1>, vector<16xf32>
      %select_n3A_344 = arith.select %gt3A_341, %select_n3A_332, %select_n3A_343 : vector<16xi1>, vector<16xf32>
      %select_n3A_345 = arith.select %gt3A_342, %broadcast_in_dim3A_340, %select_n3A_331 : vector<16xi1>, vector<16xi32>
      %select_n3A_346 = arith.select %gt3A_341, %select_n3A_333, %select_n3A_345 : vector<16xi1>, vector<16xi32>
      %select_n3A_347 = arith.select %gt3A_341, %get3A_338, %select_n3A_332 : vector<16xi1>, vector<16xf32>
      %select_n3A_348 = arith.select %gt3A_341, %broadcast_in_dim3A_340, %select_n3A_333 : vector<16xi1>, vector<16xi32>
      %get3A_349 = arith.constant 21 : i32
      %get3A_350 = arith.index_cast %get3A_349 : i32 to index
      %get3A_351 = arith.index_cast %mul3A_40 : i32 to index
      %get3A_352 = tpu.vector_load %arg5[%get3A_350, %get3A_351] {strides = array<i32>} : memref<64x1024xf32, #tpu.memory_space<vmem>>, vector<1x16xf32>,
      %get3A_353 = vector.shape_cast %get3A_352 : vector<1x16xf32> to vector<16xf32>
      %broadcast_in_dim3A_354 = arith.constant 21 : i32
      %broadcast_in_dim3A_355 = vector.broadcast %broadcast_in_dim3A_354 : i32 to vector<16xi32>
      %gt3A_356 = arith.cmpf ogt, %get3A_353, %select_n3A_347 : vector<16xf32>
      %gt3A_357 = arith.cmpf ogt, %get3A_353, %select_n3A_344 : vector<16xf32>
      %select_n3A_358 = arith.select %gt3A_357, %get3A_353, %select_n3A_344 : vector<16xi1>, vector<16xf32>
      %select_n3A_359 = arith.select %gt3A_356, %select_n3A_347, %select_n3A_358 : vector<16xi1>, vector<16xf32>
      %select_n3A_360 = arith.select %gt3A_357, %broadcast_in_dim3A_355, %select_n3A_346 : vector<16xi1>, vector<16xi32>
      %select_n3A_361 = arith.select %gt3A_356, %select_n3A_348, %select_n3A_360 : vector<16xi1>, vector<16xi32>
      %select_n3A_362 = arith.select %gt3A_356, %get3A_353, %select_n3A_347 : vector<16xi1>, vector<16xf32>
      %select_n3A_363 = arith.select %gt3A_356, %broadcast_in_dim3A_355, %select_n3A_348 : vector<16xi1>, vector<16xi32>
      %get3A_364 = arith.constant 22 : i32
      %get3A_365 = arith.index_cast %get3A_364 : i32 to index
      %get3A_366 = arith.index_cast %mul3A_40 : i32 to index
      %get3A_367 = tpu.vector_load %arg5[%get3A_365, %get3A_366] {strides = array<i32>} : memref<64x1024xf32, #tpu.memory_space<vmem>>, vector<1x16xf32>,
      %get3A_368 = vector.shape_cast %get3A_367 : vector<1x16xf32> to vector<16xf32>
      %broadcast_in_dim3A_369 = arith.constant 22 : i32
      %broadcast_in_dim3A_370 = vector.broadcast %broadcast_in_dim3A_369 : i32 to vector<16xi32>
      %gt3A_371 = arith.cmpf ogt, %get3A_368, %select_n3A_362 : vector<16xf32>
      %gt3A_372 = arith.cmpf ogt, %get3A_368, %select_n3A_359 : vector<16xf32>
      %select_n3A_373 = arith.select %gt3A_372, %get3A_368, %select_n3A_359 : vector<16xi1>, vector<16xf32>
      %select_n3A_374 = arith.select %gt3A_371, %select_n3A_362, %select_n3A_373 : vector<16xi1>, vector<16xf32>
      %select_n3A_375 = arith.select %gt3A_372, %broadcast_in_dim3A_370, %select_n3A_361 : vector<16xi1>, vector<16xi32>
      %select_n3A_376 = arith.select %gt3A_371, %select_n3A_363, %select_n3A_375 : vector<16xi1>, vector<16xi32>
      %select_n3A_377 = arith.select %gt3A_371, %get3A_368, %select_n3A_362 : vector<16xi1>, vector<16xf32>
      %select_n3A_378 = arith.select %gt3A_371, %broadcast_in_dim3A_370, %select_n3A_363 : vector<16xi1>, vector<16xi32>
      %get3A_379 = arith.constant 23 : i32
      %get3A_380 = arith.index_cast %get3A_379 : i32 to index
      %get3A_381 = arith.index_cast %mul3A_40 : i32 to index
      %get3A_382 = tpu.vector_load %arg5[%get3A_380, %get3A_381] {strides = array<i32>} : memref<64x1024xf32, #tpu.memory_space<vmem>>, vector<1x16xf32>,
      %get3A_383 = vector.shape_cast %get3A_382 : vector<1x16xf32> to vector<16xf32>
      %broadcast_in_dim3A_384 = arith.constant 23 : i32
      %broadcast_in_dim3A_385 = vector.broadcast %broadcast_in_dim3A_384 : i32 to vector<16xi32>
      %gt3A_386 = arith.cmpf ogt, %get3A_383, %select_n3A_377 : vector<16xf32>
      %gt3A_387 = arith.cmpf ogt, %get3A_383, %select_n3A_374 : vector<16xf32>
      %select_n3A_388 = arith.select %gt3A_387, %get3A_383, %select_n3A_374 : vector<16xi1>, vector<16xf32>
      %select_n3A_389 = arith.select %gt3A_386, %select_n3A_377, %select_n3A_388 : vector<16xi1>, vector<16xf32>
      %select_n3A_390 = arith.select %gt3A_387, %broadcast_in_dim3A_385, %select_n3A_376 : vector<16xi1>, vector<16xi32>
      %select_n3A_391 = arith.select %gt3A_386, %select_n3A_378, %select_n3A_390 : vector<16xi1>, vector<16xi32>
      %select_n3A_392 = arith.select %gt3A_386, %get3A_383, %select_n3A_377 : vector<16xi1>, vector<16xf32>
      %select_n3A_393 = arith.select %gt3A_386, %broadcast_in_dim3A_385, %select_n3A_378 : vector<16xi1>, vector<16xi32>
      %get3A_394 = arith.constant 24 : i32
      %get3A_395 = arith.index_cast %get3A_394 : i32 to index
      %get3A_396 = arith.index_cast %mul3A_40 : i32 to index
      %get3A_397 = tpu.vector_load %arg5[%get3A_395, %get3A_396] {strides = array<i32>} : memref<64x1024xf32, #tpu.memory_space<vmem>>, vector<1x16xf32>,
      %get3A_398 = vector.shape_cast %get3A_397 : vector<1x16xf32> to vector<16xf32>
      %broadcast_in_dim3A_399 = arith.constant 24 : i32
      %broadcast_in_dim3A_400 = vector.broadcast %broadcast_in_dim3A_399 : i32 to vector<16xi32>
      %gt3A_401 = arith.cmpf ogt, %get3A_398, %select_n3A_392 : vector<16xf32>
      %gt3A_402 = arith.cmpf ogt, %get3A_398, %select_n3A_389 : vector<16xf32>
      %select_n3A_403 = arith.select %gt3A_402, %get3A_398, %select_n3A_389 : vector<16xi1>, vector<16xf32>
      %select_n3A_404 = arith.select %gt3A_401, %select_n3A_392, %select_n3A_403 : vector<16xi1>, vector<16xf32>
      %select_n3A_405 = arith.select %gt3A_402, %broadcast_in_dim3A_400, %select_n3A_391 : vector<16xi1>, vector<16xi32>
      %select_n3A_406 = arith.select %gt3A_401, %select_n3A_393, %select_n3A_405 : vector<16xi1>, vector<16xi32>
      %select_n3A_407 = arith.select %gt3A_401, %get3A_398, %select_n3A_392 : vector<16xi1>, vector<16xf32>
      %select_n3A_408 = arith.select %gt3A_401, %broadcast_in_dim3A_400, %select_n3A_393 : vector<16xi1>, vector<16xi32>
      %get3A_409 = arith.constant 25 : i32
      %get3A_410 = arith.index_cast %get3A_409 : i32 to index
      %get3A_411 = arith.index_cast %mul3A_40 : i32 to index
      %get3A_412 = tpu.vector_load %arg5[%get3A_410, %get3A_411] {strides = array<i32>} : memref<64x1024xf32, #tpu.memory_space<vmem>>, vector<1x16xf32>,
      %get3A_413 = vector.shape_cast %get3A_412 : vector<1x16xf32> to vector<16xf32>
      %broadcast_in_dim3A_414 = arith.constant 25 : i32
      %broadcast_in_dim3A_415 = vector.broadcast %broadcast_in_dim3A_414 : i32 to vector<16xi32>
      %gt3A_416 = arith.cmpf ogt, %get3A_413, %select_n3A_407 : vector<16xf32>
      %gt3A_417 = arith.cmpf ogt, %get3A_413, %select_n3A_404 : vector<16xf32>
      %select_n3A_418 = arith.select %gt3A_417, %get3A_413, %select_n3A_404 : vector<16xi1>, vector<16xf32>
      %select_n3A_419 = arith.select %gt3A_416, %select_n3A_407, %select_n3A_418 : vector<16xi1>, vector<16xf32>
      %select_n3A_420 = arith.select %gt3A_417, %broadcast_in_dim3A_415, %select_n3A_406 : vector<16xi1>, vector<16xi32>
      %select_n3A_421 = arith.select %gt3A_416, %select_n3A_408, %select_n3A_420 : vector<16xi1>, vector<16xi32>
      %select_n3A_422 = arith.select %gt3A_416, %get3A_413, %select_n3A_407 : vector<16xi1>, vector<16xf32>
      %select_n3A_423 = arith.select %gt3A_416, %broadcast_in_dim3A_415, %select_n3A_408 : vector<16xi1>, vector<16xi32>
      %get3A_424 = arith.constant 26 : i32
      %get3A_425 = arith.index_cast %get3A_424 : i32 to index
      %get3A_426 = arith.index_cast %mul3A_40 : i32 to index
      %get3A_427 = tpu.vector_load %arg5[%get3A_425, %get3A_426] {strides = array<i32>} : memref<64x1024xf32, #tpu.memory_space<vmem>>, vector<1x16xf32>,
      %get3A_428 = vector.shape_cast %get3A_427 : vector<1x16xf32> to vector<16xf32>
      %broadcast_in_dim3A_429 = arith.constant 26 : i32
      %broadcast_in_dim3A_430 = vector.broadcast %broadcast_in_dim3A_429 : i32 to vector<16xi32>
      %gt3A_431 = arith.cmpf ogt, %get3A_428, %select_n3A_422 : vector<16xf32>
      %gt3A_432 = arith.cmpf ogt, %get3A_428, %select_n3A_419 : vector<16xf32>
      %select_n3A_433 = arith.select %gt3A_432, %get3A_428, %select_n3A_419 : vector<16xi1>, vector<16xf32>
      %select_n3A_434 = arith.select %gt3A_431, %select_n3A_422, %select_n3A_433 : vector<16xi1>, vector<16xf32>
      %select_n3A_435 = arith.select %gt3A_432, %broadcast_in_dim3A_430, %select_n3A_421 : vector<16xi1>, vector<16xi32>
      %select_n3A_436 = arith.select %gt3A_431, %select_n3A_423, %select_n3A_435 : vector<16xi1>, vector<16xi32>
      %select_n3A_437 = arith.select %gt3A_431, %get3A_428, %select_n3A_422 : vector<16xi1>, vector<16xf32>
      %select_n3A_438 = arith.select %gt3A_431, %broadcast_in_dim3A_430, %select_n3A_423 : vector<16xi1>, vector<16xi32>
      %get3A_439 = arith.constant 27 : i32
      %get3A_440 = arith.index_cast %get3A_439 : i32 to index
      %get3A_441 = arith.index_cast %mul3A_40 : i32 to index
      %get3A_442 = tpu.vector_load %arg5[%get3A_440, %get3A_441] {strides = array<i32>} : memref<64x1024xf32, #tpu.memory_space<vmem>>, vector<1x16xf32>,
      %get3A_443 = vector.shape_cast %get3A_442 : vector<1x16xf32> to vector<16xf32>
      %broadcast_in_dim3A_444 = arith.constant 27 : i32
      %broadcast_in_dim3A_445 = vector.broadcast %broadcast_in_dim3A_444 : i32 to vector<16xi32>
      %gt3A_446 = arith.cmpf ogt, %get3A_443, %select_n3A_437 : vector<16xf32>
      %gt3A_447 = arith.cmpf ogt, %get3A_443, %select_n3A_434 : vector<16xf32>
      %select_n3A_448 = arith.select %gt3A_447, %get3A_443, %select_n3A_434 : vector<16xi1>, vector<16xf32>
      %select_n3A_449 = arith.select %gt3A_446, %select_n3A_437, %select_n3A_448 : vector<16xi1>, vector<16xf32>
      %select_n3A_450 = arith.select %gt3A_447, %broadcast_in_dim3A_445, %select_n3A_436 : vector<16xi1>, vector<16xi32>
      %select_n3A_451 = arith.select %gt3A_446, %select_n3A_438, %select_n3A_450 : vector<16xi1>, vector<16xi32>
      %select_n3A_452 = arith.select %gt3A_446, %get3A_443, %select_n3A_437 : vector<16xi1>, vector<16xf32>
      %select_n3A_453 = arith.select %gt3A_446, %broadcast_in_dim3A_445, %select_n3A_438 : vector<16xi1>, vector<16xi32>
      %get3A_454 = arith.constant 28 : i32
      %get3A_455 = arith.index_cast %get3A_454 : i32 to index
      %get3A_456 = arith.index_cast %mul3A_40 : i32 to index
      %get3A_457 = tpu.vector_load %arg5[%get3A_455, %get3A_456] {strides = array<i32>} : memref<64x1024xf32, #tpu.memory_space<vmem>>, vector<1x16xf32>,
      %get3A_458 = vector.shape_cast %get3A_457 : vector<1x16xf32> to vector<16xf32>
      %broadcast_in_dim3A_459 = arith.constant 28 : i32
      %broadcast_in_dim3A_460 = vector.broadcast %broadcast_in_dim3A_459 : i32 to vector<16xi32>
      %gt3A_461 = arith.cmpf ogt, %get3A_458, %select_n3A_452 : vector<16xf32>
      %gt3A_462 = arith.cmpf ogt, %get3A_458, %select_n3A_449 : vector<16xf32>
      %select_n3A_463 = arith.select %gt3A_462, %get3A_458, %select_n3A_449 : vector<16xi1>, vector<16xf32>
      %select_n3A_464 = arith.select %gt3A_461, %select_n3A_452, %select_n3A_463 : vector<16xi1>, vector<16xf32>
      %select_n3A_465 = arith.select %gt3A_462, %broadcast_in_dim3A_460, %select_n3A_451 : vector<16xi1>, vector<16xi32>
      %select_n3A_466 = arith.select %gt3A_461, %select_n3A_453, %select_n3A_465 : vector<16xi1>, vector<16xi32>
      %select_n3A_467 = arith.select %gt3A_461, %get3A_458, %select_n3A_452 : vector<16xi1>, vector<16xf32>
      %select_n3A_468 = arith.select %gt3A_461, %broadcast_in_dim3A_460, %select_n3A_453 : vector<16xi1>, vector<16xi32>
      %get3A_469 = arith.constant 29 : i32
      %get3A_470 = arith.index_cast %get3A_469 : i32 to index
      %get3A_471 = arith.index_cast %mul3A_40 : i32 to index
      %get3A_472 = tpu.vector_load %arg5[%get3A_470, %get3A_471] {strides = array<i32>} : memref<64x1024xf32, #tpu.memory_space<vmem>>, vector<1x16xf32>,
      %get3A_473 = vector.shape_cast %get3A_472 : vector<1x16xf32> to vector<16xf32>
      %broadcast_in_dim3A_474 = arith.constant 29 : i32
      %broadcast_in_dim3A_475 = vector.broadcast %broadcast_in_dim3A_474 : i32 to vector<16xi32>
      %gt3A_476 = arith.cmpf ogt, %get3A_473, %select_n3A_467 : vector<16xf32>
      %gt3A_477 = arith.cmpf ogt, %get3A_473, %select_n3A_464 : vector<16xf32>
      %select_n3A_478 = arith.select %gt3A_477, %get3A_473, %select_n3A_464 : vector<16xi1>, vector<16xf32>
      %select_n3A_479 = arith.select %gt3A_476, %select_n3A_467, %select_n3A_478 : vector<16xi1>, vector<16xf32>
      %select_n3A_480 = arith.select %gt3A_477, %broadcast_in_dim3A_475, %select_n3A_466 : vector<16xi1>, vector<16xi32>
      %select_n3A_481 = arith.select %gt3A_476, %select_n3A_468, %select_n3A_480 : vector<16xi1>, vector<16xi32>
      %select_n3A_482 = arith.select %gt3A_476, %get3A_473, %select_n3A_467 : vector<16xi1>, vector<16xf32>
      %select_n3A_483 = arith.select %gt3A_476, %broadcast_in_dim3A_475, %select_n3A_468 : vector<16xi1>, vector<16xi32>
      %get3A_484 = arith.constant 30 : i32
      %get3A_485 = arith.index_cast %get3A_484 : i32 to index
      %get3A_486 = arith.index_cast %mul3A_40 : i32 to index
      %get3A_487 = tpu.vector_load %arg5[%get3A_485, %get3A_486] {strides = array<i32>} : memref<64x1024xf32, #tpu.memory_space<vmem>>, vector<1x16xf32>,
      %get3A_488 = vector.shape_cast %get3A_487 : vector<1x16xf32> to vector<16xf32>
      %broadcast_in_dim3A_489 = arith.constant 30 : i32
      %broadcast_in_dim3A_490 = vector.broadcast %broadcast_in_dim3A_489 : i32 to vector<16xi32>
      %gt3A_491 = arith.cmpf ogt, %get3A_488, %select_n3A_482 : vector<16xf32>
      %gt3A_492 = arith.cmpf ogt, %get3A_488, %select_n3A_479 : vector<16xf32>
      %select_n3A_493 = arith.select %gt3A_492, %get3A_488, %select_n3A_479 : vector<16xi1>, vector<16xf32>
      %select_n3A_494 = arith.select %gt3A_491, %select_n3A_482, %select_n3A_493 : vector<16xi1>, vector<16xf32>
      %select_n3A_495 = arith.select %gt3A_492, %broadcast_in_dim3A_490, %select_n3A_481 : vector<16xi1>, vector<16xi32>
      %select_n3A_496 = arith.select %gt3A_491, %select_n3A_483, %select_n3A_495 : vector<16xi1>, vector<16xi32>
      %select_n3A_497 = arith.select %gt3A_491, %get3A_488, %select_n3A_482 : vector<16xi1>, vector<16xf32>
      %select_n3A_498 = arith.select %gt3A_491, %broadcast_in_dim3A_490, %select_n3A_483 : vector<16xi1>, vector<16xi32>
      %get3A_499 = arith.constant 31 : i32
      %get3A_500 = arith.index_cast %get3A_499 : i32 to index
      %get3A_501 = arith.index_cast %mul3A_40 : i32 to index
      %get3A_502 = tpu.vector_load %arg5[%get3A_500, %get3A_501] {strides = array<i32>} : memref<64x1024xf32, #tpu.memory_space<vmem>>, vector<1x16xf32>,
      %get3A_503 = vector.shape_cast %get3A_502 : vector<1x16xf32> to vector<16xf32>
      %broadcast_in_dim3A_504 = arith.constant 31 : i32
      %broadcast_in_dim3A_505 = vector.broadcast %broadcast_in_dim3A_504 : i32 to vector<16xi32>
      %gt3A_506 = arith.cmpf ogt, %get3A_503, %select_n3A_497 : vector<16xf32>
      %gt3A_507 = arith.cmpf ogt, %get3A_503, %select_n3A_494 : vector<16xf32>
      %select_n3A_508 = arith.select %gt3A_507, %get3A_503, %select_n3A_494 : vector<16xi1>, vector<16xf32>
      %select_n3A_509 = arith.select %gt3A_506, %select_n3A_497, %select_n3A_508 : vector<16xi1>, vector<16xf32>
      %select_n3A_510 = arith.select %gt3A_507, %broadcast_in_dim3A_505, %select_n3A_496 : vector<16xi1>, vector<16xi32>
      %select_n3A_511 = arith.select %gt3A_506, %select_n3A_498, %select_n3A_510 : vector<16xi1>, vector<16xi32>
      %select_n3A_512 = arith.select %gt3A_506, %get3A_503, %select_n3A_497 : vector<16xi1>, vector<16xf32>
      %select_n3A_513 = arith.select %gt3A_506, %broadcast_in_dim3A_505, %select_n3A_498 : vector<16xi1>, vector<16xi32>
      %get3A_514 = arith.constant 32 : i32
      %get3A_515 = arith.index_cast %get3A_514 : i32 to index
      %get3A_516 = arith.index_cast %mul3A_40 : i32 to index
      %get3A_517 = tpu.vector_load %arg5[%get3A_515, %get3A_516] {strides = array<i32>} : memref<64x1024xf32, #tpu.memory_space<vmem>>, vector<1x16xf32>,
      %get3A_518 = vector.shape_cast %get3A_517 : vector<1x16xf32> to vector<16xf32>
      %broadcast_in_dim3A_519 = arith.constant 32 : i32
      %broadcast_in_dim3A_520 = vector.broadcast %broadcast_in_dim3A_519 : i32 to vector<16xi32>
      %gt3A_521 = arith.cmpf ogt, %get3A_518, %select_n3A_512 : vector<16xf32>
      %gt3A_522 = arith.cmpf ogt, %get3A_518, %select_n3A_509 : vector<16xf32>
      %select_n3A_523 = arith.select %gt3A_522, %get3A_518, %select_n3A_509 : vector<16xi1>, vector<16xf32>
      %select_n3A_524 = arith.select %gt3A_521, %select_n3A_512, %select_n3A_523 : vector<16xi1>, vector<16xf32>
      %select_n3A_525 = arith.select %gt3A_522, %broadcast_in_dim3A_520, %select_n3A_511 : vector<16xi1>, vector<16xi32>
      %select_n3A_526 = arith.select %gt3A_521, %select_n3A_513, %select_n3A_525 : vector<16xi1>, vector<16xi32>
      %select_n3A_527 = arith.select %gt3A_521, %get3A_518, %select_n3A_512 : vector<16xi1>, vector<16xf32>
      %select_n3A_528 = arith.select %gt3A_521, %broadcast_in_dim3A_520, %select_n3A_513 : vector<16xi1>, vector<16xi32>
      %get3A_529 = arith.constant 33 : i32
      %get3A_530 = arith.index_cast %get3A_529 : i32 to index
      %get3A_531 = arith.index_cast %mul3A_40 : i32 to index
      %get3A_532 = tpu.vector_load %arg5[%get3A_530, %get3A_531] {strides = array<i32>} : memref<64x1024xf32, #tpu.memory_space<vmem>>, vector<1x16xf32>,
      %get3A_533 = vector.shape_cast %get3A_532 : vector<1x16xf32> to vector<16xf32>
      %broadcast_in_dim3A_534 = arith.constant 33 : i32
      %broadcast_in_dim3A_535 = vector.broadcast %broadcast_in_dim3A_534 : i32 to vector<16xi32>
      %gt3A_536 = arith.cmpf ogt, %get3A_533, %select_n3A_527 : vector<16xf32>
      %gt3A_537 = arith.cmpf ogt, %get3A_533, %select_n3A_524 : vector<16xf32>
      %select_n3A_538 = arith.select %gt3A_537, %get3A_533, %select_n3A_524 : vector<16xi1>, vector<16xf32>
      %select_n3A_539 = arith.select %gt3A_536, %select_n3A_527, %select_n3A_538 : vector<16xi1>, vector<16xf32>
      %select_n3A_540 = arith.select %gt3A_537, %broadcast_in_dim3A_535, %select_n3A_526 : vector<16xi1>, vector<16xi32>
      %select_n3A_541 = arith.select %gt3A_536, %select_n3A_528, %select_n3A_540 : vector<16xi1>, vector<16xi32>
      %select_n3A_542 = arith.select %gt3A_536, %get3A_533, %select_n3A_527 : vector<16xi1>, vector<16xf32>
      %select_n3A_543 = arith.select %gt3A_536, %broadcast_in_dim3A_535, %select_n3A_528 : vector<16xi1>, vector<16xi32>
      %get3A_544 = arith.constant 34 : i32
      %get3A_545 = arith.index_cast %get3A_544 : i32 to index
      %get3A_546 = arith.index_cast %mul3A_40 : i32 to index
      %get3A_547 = tpu.vector_load %arg5[%get3A_545, %get3A_546] {strides = array<i32>} : memref<64x1024xf32, #tpu.memory_space<vmem>>, vector<1x16xf32>,
      %get3A_548 = vector.shape_cast %get3A_547 : vector<1x16xf32> to vector<16xf32>
      %broadcast_in_dim3A_549 = arith.constant 34 : i32
      %broadcast_in_dim3A_550 = vector.broadcast %broadcast_in_dim3A_549 : i32 to vector<16xi32>
      %gt3A_551 = arith.cmpf ogt, %get3A_548, %select_n3A_542 : vector<16xf32>
      %gt3A_552 = arith.cmpf ogt, %get3A_548, %select_n3A_539 : vector<16xf32>
      %select_n3A_553 = arith.select %gt3A_552, %get3A_548, %select_n3A_539 : vector<16xi1>, vector<16xf32>
      %select_n3A_554 = arith.select %gt3A_551, %select_n3A_542, %select_n3A_553 : vector<16xi1>, vector<16xf32>
      %select_n3A_555 = arith.select %gt3A_552, %broadcast_in_dim3A_550, %select_n3A_541 : vector<16xi1>, vector<16xi32>
      %select_n3A_556 = arith.select %gt3A_551, %select_n3A_543, %select_n3A_555 : vector<16xi1>, vector<16xi32>
      %select_n3A_557 = arith.select %gt3A_551, %get3A_548, %select_n3A_542 : vector<16xi1>, vector<16xf32>
      %select_n3A_558 = arith.select %gt3A_551, %broadcast_in_dim3A_550, %select_n3A_543 : vector<16xi1>, vector<16xi32>
      %get3A_559 = arith.constant 35 : i32
      %get3A_560 = arith.index_cast %get3A_559 : i32 to index
      %get3A_561 = arith.index_cast %mul3A_40 : i32 to index
      %get3A_562 = tpu.vector_load %arg5[%get3A_560, %get3A_561] {strides = array<i32>} : memref<64x1024xf32, #tpu.memory_space<vmem>>, vector<1x16xf32>,
      %get3A_563 = vector.shape_cast %get3A_562 : vector<1x16xf32> to vector<16xf32>
      %broadcast_in_dim3A_564 = arith.constant 35 : i32
      %broadcast_in_dim3A_565 = vector.broadcast %broadcast_in_dim3A_564 : i32 to vector<16xi32>
      %gt3A_566 = arith.cmpf ogt, %get3A_563, %select_n3A_557 : vector<16xf32>
      %gt3A_567 = arith.cmpf ogt, %get3A_563, %select_n3A_554 : vector<16xf32>
      %select_n3A_568 = arith.select %gt3A_567, %get3A_563, %select_n3A_554 : vector<16xi1>, vector<16xf32>
      %select_n3A_569 = arith.select %gt3A_566, %select_n3A_557, %select_n3A_568 : vector<16xi1>, vector<16xf32>
      %select_n3A_570 = arith.select %gt3A_567, %broadcast_in_dim3A_565, %select_n3A_556 : vector<16xi1>, vector<16xi32>
      %select_n3A_571 = arith.select %gt3A_566, %select_n3A_558, %select_n3A_570 : vector<16xi1>, vector<16xi32>
      %select_n3A_572 = arith.select %gt3A_566, %get3A_563, %select_n3A_557 : vector<16xi1>, vector<16xf32>
      %select_n3A_573 = arith.select %gt3A_566, %broadcast_in_dim3A_565, %select_n3A_558 : vector<16xi1>, vector<16xi32>
      %get3A_574 = arith.constant 36 : i32
      %get3A_575 = arith.index_cast %get3A_574 : i32 to index
      %get3A_576 = arith.index_cast %mul3A_40 : i32 to index
      %get3A_577 = tpu.vector_load %arg5[%get3A_575, %get3A_576] {strides = array<i32>} : memref<64x1024xf32, #tpu.memory_space<vmem>>, vector<1x16xf32>,
      %get3A_578 = vector.shape_cast %get3A_577 : vector<1x16xf32> to vector<16xf32>
      %broadcast_in_dim3A_579 = arith.constant 36 : i32
      %broadcast_in_dim3A_580 = vector.broadcast %broadcast_in_dim3A_579 : i32 to vector<16xi32>
      %gt3A_581 = arith.cmpf ogt, %get3A_578, %select_n3A_572 : vector<16xf32>
      %gt3A_582 = arith.cmpf ogt, %get3A_578, %select_n3A_569 : vector<16xf32>
      %select_n3A_583 = arith.select %gt3A_582, %get3A_578, %select_n3A_569 : vector<16xi1>, vector<16xf32>
      %select_n3A_584 = arith.select %gt3A_581, %select_n3A_572, %select_n3A_583 : vector<16xi1>, vector<16xf32>
      %select_n3A_585 = arith.select %gt3A_582, %broadcast_in_dim3A_580, %select_n3A_571 : vector<16xi1>, vector<16xi32>
      %select_n3A_586 = arith.select %gt3A_581, %select_n3A_573, %select_n3A_585 : vector<16xi1>, vector<16xi32>
      %select_n3A_587 = arith.select %gt3A_581, %get3A_578, %select_n3A_572 : vector<16xi1>, vector<16xf32>
      %select_n3A_588 = arith.select %gt3A_581, %broadcast_in_dim3A_580, %select_n3A_573 : vector<16xi1>, vector<16xi32>
      %get3A_589 = arith.constant 37 : i32
      %get3A_590 = arith.index_cast %get3A_589 : i32 to index
      %get3A_591 = arith.index_cast %mul3A_40 : i32 to index
      %get3A_592 = tpu.vector_load %arg5[%get3A_590, %get3A_591] {strides = array<i32>} : memref<64x1024xf32, #tpu.memory_space<vmem>>, vector<1x16xf32>,
      %get3A_593 = vector.shape_cast %get3A_592 : vector<1x16xf32> to vector<16xf32>
      %broadcast_in_dim3A_594 = arith.constant 37 : i32
      %broadcast_in_dim3A_595 = vector.broadcast %broadcast_in_dim3A_594 : i32 to vector<16xi32>
      %gt3A_596 = arith.cmpf ogt, %get3A_593, %select_n3A_587 : vector<16xf32>
      %gt3A_597 = arith.cmpf ogt, %get3A_593, %select_n3A_584 : vector<16xf32>
      %select_n3A_598 = arith.select %gt3A_597, %get3A_593, %select_n3A_584 : vector<16xi1>, vector<16xf32>
      %select_n3A_599 = arith.select %gt3A_596, %select_n3A_587, %select_n3A_598 : vector<16xi1>, vector<16xf32>
      %select_n3A_600 = arith.select %gt3A_597, %broadcast_in_dim3A_595, %select_n3A_586 : vector<16xi1>, vector<16xi32>
      %select_n3A_601 = arith.select %gt3A_596, %select_n3A_588, %select_n3A_600 : vector<16xi1>, vector<16xi32>
      %select_n3A_602 = arith.select %gt3A_596, %get3A_593, %select_n3A_587 : vector<16xi1>, vector<16xf32>
      %select_n3A_603 = arith.select %gt3A_596, %broadcast_in_dim3A_595, %select_n3A_588 : vector<16xi1>, vector<16xi32>
      %get3A_604 = arith.constant 38 : i32
      %get3A_605 = arith.index_cast %get3A_604 : i32 to index
      %get3A_606 = arith.index_cast %mul3A_40 : i32 to index
      %get3A_607 = tpu.vector_load %arg5[%get3A_605, %get3A_606] {strides = array<i32>} : memref<64x1024xf32, #tpu.memory_space<vmem>>, vector<1x16xf32>,
      %get3A_608 = vector.shape_cast %get3A_607 : vector<1x16xf32> to vector<16xf32>
      %broadcast_in_dim3A_609 = arith.constant 38 : i32
      %broadcast_in_dim3A_610 = vector.broadcast %broadcast_in_dim3A_609 : i32 to vector<16xi32>
      %gt3A_611 = arith.cmpf ogt, %get3A_608, %select_n3A_602 : vector<16xf32>
      %gt3A_612 = arith.cmpf ogt, %get3A_608, %select_n3A_599 : vector<16xf32>
      %select_n3A_613 = arith.select %gt3A_612, %get3A_608, %select_n3A_599 : vector<16xi1>, vector<16xf32>
      %select_n3A_614 = arith.select %gt3A_611, %select_n3A_602, %select_n3A_613 : vector<16xi1>, vector<16xf32>
      %select_n3A_615 = arith.select %gt3A_612, %broadcast_in_dim3A_610, %select_n3A_601 : vector<16xi1>, vector<16xi32>
      %select_n3A_616 = arith.select %gt3A_611, %select_n3A_603, %select_n3A_615 : vector<16xi1>, vector<16xi32>
      %select_n3A_617 = arith.select %gt3A_611, %get3A_608, %select_n3A_602 : vector<16xi1>, vector<16xf32>
      %select_n3A_618 = arith.select %gt3A_611, %broadcast_in_dim3A_610, %select_n3A_603 : vector<16xi1>, vector<16xi32>
      %get3A_619 = arith.constant 39 : i32
      %get3A_620 = arith.index_cast %get3A_619 : i32 to index
      %get3A_621 = arith.index_cast %mul3A_40 : i32 to index
      %get3A_622 = tpu.vector_load %arg5[%get3A_620, %get3A_621] {strides = array<i32>} : memref<64x1024xf32, #tpu.memory_space<vmem>>, vector<1x16xf32>,
      %get3A_623 = vector.shape_cast %get3A_622 : vector<1x16xf32> to vector<16xf32>
      %broadcast_in_dim3A_624 = arith.constant 39 : i32
      %broadcast_in_dim3A_625 = vector.broadcast %broadcast_in_dim3A_624 : i32 to vector<16xi32>
      %gt3A_626 = arith.cmpf ogt, %get3A_623, %select_n3A_617 : vector<16xf32>
      %gt3A_627 = arith.cmpf ogt, %get3A_623, %select_n3A_614 : vector<16xf32>
      %select_n3A_628 = arith.select %gt3A_627, %get3A_623, %select_n3A_614 : vector<16xi1>, vector<16xf32>
      %select_n3A_629 = arith.select %gt3A_626, %select_n3A_617, %select_n3A_628 : vector<16xi1>, vector<16xf32>
      %select_n3A_630 = arith.select %gt3A_627, %broadcast_in_dim3A_625, %select_n3A_616 : vector<16xi1>, vector<16xi32>
      %select_n3A_631 = arith.select %gt3A_626, %select_n3A_618, %select_n3A_630 : vector<16xi1>, vector<16xi32>
      %select_n3A_632 = arith.select %gt3A_626, %get3A_623, %select_n3A_617 : vector<16xi1>, vector<16xf32>
      %select_n3A_633 = arith.select %gt3A_626, %broadcast_in_dim3A_625, %select_n3A_618 : vector<16xi1>, vector<16xi32>
      %get3A_634 = arith.constant 40 : i32
      %get3A_635 = arith.index_cast %get3A_634 : i32 to index
      %get3A_636 = arith.index_cast %mul3A_40 : i32 to index
      %get3A_637 = tpu.vector_load %arg5[%get3A_635, %get3A_636] {strides = array<i32>} : memref<64x1024xf32, #tpu.memory_space<vmem>>, vector<1x16xf32>,
      %get3A_638 = vector.shape_cast %get3A_637 : vector<1x16xf32> to vector<16xf32>
      %broadcast_in_dim3A_639 = arith.constant 40 : i32
      %broadcast_in_dim3A_640 = vector.broadcast %broadcast_in_dim3A_639 : i32 to vector<16xi32>
      %gt3A_641 = arith.cmpf ogt, %get3A_638, %select_n3A_632 : vector<16xf32>
      %gt3A_642 = arith.cmpf ogt, %get3A_638, %select_n3A_629 : vector<16xf32>
      %select_n3A_643 = arith.select %gt3A_642, %get3A_638, %select_n3A_629 : vector<16xi1>, vector<16xf32>
      %select_n3A_644 = arith.select %gt3A_641, %select_n3A_632, %select_n3A_643 : vector<16xi1>, vector<16xf32>
      %select_n3A_645 = arith.select %gt3A_642, %broadcast_in_dim3A_640, %select_n3A_631 : vector<16xi1>, vector<16xi32>
      %select_n3A_646 = arith.select %gt3A_641, %select_n3A_633, %select_n3A_645 : vector<16xi1>, vector<16xi32>
      %select_n3A_647 = arith.select %gt3A_641, %get3A_638, %select_n3A_632 : vector<16xi1>, vector<16xf32>
      %select_n3A_648 = arith.select %gt3A_641, %broadcast_in_dim3A_640, %select_n3A_633 : vector<16xi1>, vector<16xi32>
      %get3A_649 = arith.constant 41 : i32
      %get3A_650 = arith.index_cast %get3A_649 : i32 to index
      %get3A_651 = arith.index_cast %mul3A_40 : i32 to index
      %get3A_652 = tpu.vector_load %arg5[%get3A_650, %get3A_651] {strides = array<i32>} : memref<64x1024xf32, #tpu.memory_space<vmem>>, vector<1x16xf32>,
      %get3A_653 = vector.shape_cast %get3A_652 : vector<1x16xf32> to vector<16xf32>
      %broadcast_in_dim3A_654 = arith.constant 41 : i32
      %broadcast_in_dim3A_655 = vector.broadcast %broadcast_in_dim3A_654 : i32 to vector<16xi32>
      %gt3A_656 = arith.cmpf ogt, %get3A_653, %select_n3A_647 : vector<16xf32>
      %gt3A_657 = arith.cmpf ogt, %get3A_653, %select_n3A_644 : vector<16xf32>
      %select_n3A_658 = arith.select %gt3A_657, %get3A_653, %select_n3A_644 : vector<16xi1>, vector<16xf32>
      %select_n3A_659 = arith.select %gt3A_656, %select_n3A_647, %select_n3A_658 : vector<16xi1>, vector<16xf32>
      %select_n3A_660 = arith.select %gt3A_657, %broadcast_in_dim3A_655, %select_n3A_646 : vector<16xi1>, vector<16xi32>
      %select_n3A_661 = arith.select %gt3A_656, %select_n3A_648, %select_n3A_660 : vector<16xi1>, vector<16xi32>
      %select_n3A_662 = arith.select %gt3A_656, %get3A_653, %select_n3A_647 : vector<16xi1>, vector<16xf32>
      %select_n3A_663 = arith.select %gt3A_656, %broadcast_in_dim3A_655, %select_n3A_648 : vector<16xi1>, vector<16xi32>
      %get3A_664 = arith.constant 42 : i32
      %get3A_665 = arith.index_cast %get3A_664 : i32 to index
      %get3A_666 = arith.index_cast %mul3A_40 : i32 to index
      %get3A_667 = tpu.vector_load %arg5[%get3A_665, %get3A_666] {strides = array<i32>} : memref<64x1024xf32, #tpu.memory_space<vmem>>, vector<1x16xf32>,
      %get3A_668 = vector.shape_cast %get3A_667 : vector<1x16xf32> to vector<16xf32>
      %broadcast_in_dim3A_669 = arith.constant 42 : i32
      %broadcast_in_dim3A_670 = vector.broadcast %broadcast_in_dim3A_669 : i32 to vector<16xi32>
      %gt3A_671 = arith.cmpf ogt, %get3A_668, %select_n3A_662 : vector<16xf32>
      %gt3A_672 = arith.cmpf ogt, %get3A_668, %select_n3A_659 : vector<16xf32>
      %select_n3A_673 = arith.select %gt3A_672, %get3A_668, %select_n3A_659 : vector<16xi1>, vector<16xf32>
      %select_n3A_674 = arith.select %gt3A_671, %select_n3A_662, %select_n3A_673 : vector<16xi1>, vector<16xf32>
      %select_n3A_675 = arith.select %gt3A_672, %broadcast_in_dim3A_670, %select_n3A_661 : vector<16xi1>, vector<16xi32>
      %select_n3A_676 = arith.select %gt3A_671, %select_n3A_663, %select_n3A_675 : vector<16xi1>, vector<16xi32>
      %select_n3A_677 = arith.select %gt3A_671, %get3A_668, %select_n3A_662 : vector<16xi1>, vector<16xf32>
      %select_n3A_678 = arith.select %gt3A_671, %broadcast_in_dim3A_670, %select_n3A_663 : vector<16xi1>, vector<16xi32>
      %get3A_679 = arith.constant 43 : i32
      %get3A_680 = arith.index_cast %get3A_679 : i32 to index
      %get3A_681 = arith.index_cast %mul3A_40 : i32 to index
      %get3A_682 = tpu.vector_load %arg5[%get3A_680, %get3A_681] {strides = array<i32>} : memref<64x1024xf32, #tpu.memory_space<vmem>>, vector<1x16xf32>,
      %get3A_683 = vector.shape_cast %get3A_682 : vector<1x16xf32> to vector<16xf32>
      %broadcast_in_dim3A_684 = arith.constant 43 : i32
      %broadcast_in_dim3A_685 = vector.broadcast %broadcast_in_dim3A_684 : i32 to vector<16xi32>
      %gt3A_686 = arith.cmpf ogt, %get3A_683, %select_n3A_677 : vector<16xf32>
      %gt3A_687 = arith.cmpf ogt, %get3A_683, %select_n3A_674 : vector<16xf32>
      %select_n3A_688 = arith.select %gt3A_687, %get3A_683, %select_n3A_674 : vector<16xi1>, vector<16xf32>
      %select_n3A_689 = arith.select %gt3A_686, %select_n3A_677, %select_n3A_688 : vector<16xi1>, vector<16xf32>
      %select_n3A_690 = arith.select %gt3A_687, %broadcast_in_dim3A_685, %select_n3A_676 : vector<16xi1>, vector<16xi32>
      %select_n3A_691 = arith.select %gt3A_686, %select_n3A_678, %select_n3A_690 : vector<16xi1>, vector<16xi32>
      %select_n3A_692 = arith.select %gt3A_686, %get3A_683, %select_n3A_677 : vector<16xi1>, vector<16xf32>
      %select_n3A_693 = arith.select %gt3A_686, %broadcast_in_dim3A_685, %select_n3A_678 : vector<16xi1>, vector<16xi32>
      %get3A_694 = arith.constant 44 : i32
      %get3A_695 = arith.index_cast %get3A_694 : i32 to index
      %get3A_696 = arith.index_cast %mul3A_40 : i32 to index
      %get3A_697 = tpu.vector_load %arg5[%get3A_695, %get3A_696] {strides = array<i32>} : memref<64x1024xf32, #tpu.memory_space<vmem>>, vector<1x16xf32>,
      %get3A_698 = vector.shape_cast %get3A_697 : vector<1x16xf32> to vector<16xf32>
      %broadcast_in_dim3A_699 = arith.constant 44 : i32
      %broadcast_in_dim3A_700 = vector.broadcast %broadcast_in_dim3A_699 : i32 to vector<16xi32>
      %gt3A_701 = arith.cmpf ogt, %get3A_698, %select_n3A_692 : vector<16xf32>
      %gt3A_702 = arith.cmpf ogt, %get3A_698, %select_n3A_689 : vector<16xf32>
      %select_n3A_703 = arith.select %gt3A_702, %get3A_698, %select_n3A_689 : vector<16xi1>, vector<16xf32>
      %select_n3A_704 = arith.select %gt3A_701, %select_n3A_692, %select_n3A_703 : vector<16xi1>, vector<16xf32>
      %select_n3A_705 = arith.select %gt3A_702, %broadcast_in_dim3A_700, %select_n3A_691 : vector<16xi1>, vector<16xi32>
      %select_n3A_706 = arith.select %gt3A_701, %select_n3A_693, %select_n3A_705 : vector<16xi1>, vector<16xi32>
      %select_n3A_707 = arith.select %gt3A_701, %get3A_698, %select_n3A_692 : vector<16xi1>, vector<16xf32>
      %select_n3A_708 = arith.select %gt3A_701, %broadcast_in_dim3A_700, %select_n3A_693 : vector<16xi1>, vector<16xi32>
      %get3A_709 = arith.constant 45 : i32
      %get3A_710 = arith.index_cast %get3A_709 : i32 to index
      %get3A_711 = arith.index_cast %mul3A_40 : i32 to index
      %get3A_712 = tpu.vector_load %arg5[%get3A_710, %get3A_711] {strides = array<i32>} : memref<64x1024xf32, #tpu.memory_space<vmem>>, vector<1x16xf32>,
      %get3A_713 = vector.shape_cast %get3A_712 : vector<1x16xf32> to vector<16xf32>
      %broadcast_in_dim3A_714 = arith.constant 45 : i32
      %broadcast_in_dim3A_715 = vector.broadcast %broadcast_in_dim3A_714 : i32 to vector<16xi32>
      %gt3A_716 = arith.cmpf ogt, %get3A_713, %select_n3A_707 : vector<16xf32>
      %gt3A_717 = arith.cmpf ogt, %get3A_713, %select_n3A_704 : vector<16xf32>
      %select_n3A_718 = arith.select %gt3A_717, %get3A_713, %select_n3A_704 : vector<16xi1>, vector<16xf32>
      %select_n3A_719 = arith.select %gt3A_716, %select_n3A_707, %select_n3A_718 : vector<16xi1>, vector<16xf32>
      %select_n3A_720 = arith.select %gt3A_717, %broadcast_in_dim3A_715, %select_n3A_706 : vector<16xi1>, vector<16xi32>
      %select_n3A_721 = arith.select %gt3A_716, %select_n3A_708, %select_n3A_720 : vector<16xi1>, vector<16xi32>
      %select_n3A_722 = arith.select %gt3A_716, %get3A_713, %select_n3A_707 : vector<16xi1>, vector<16xf32>
      %select_n3A_723 = arith.select %gt3A_716, %broadcast_in_dim3A_715, %select_n3A_708 : vector<16xi1>, vector<16xi32>
      %get3A_724 = arith.constant 46 : i32
      %get3A_725 = arith.index_cast %get3A_724 : i32 to index
      %get3A_726 = arith.index_cast %mul3A_40 : i32 to index
      %get3A_727 = tpu.vector_load %arg5[%get3A_725, %get3A_726] {strides = array<i32>} : memref<64x1024xf32, #tpu.memory_space<vmem>>, vector<1x16xf32>,
      %get3A_728 = vector.shape_cast %get3A_727 : vector<1x16xf32> to vector<16xf32>
      %broadcast_in_dim3A_729 = arith.constant 46 : i32
      %broadcast_in_dim3A_730 = vector.broadcast %broadcast_in_dim3A_729 : i32 to vector<16xi32>
      %gt3A_731 = arith.cmpf ogt, %get3A_728, %select_n3A_722 : vector<16xf32>
      %gt3A_732 = arith.cmpf ogt, %get3A_728, %select_n3A_719 : vector<16xf32>
      %select_n3A_733 = arith.select %gt3A_732, %get3A_728, %select_n3A_719 : vector<16xi1>, vector<16xf32>
      %select_n3A_734 = arith.select %gt3A_731, %select_n3A_722, %select_n3A_733 : vector<16xi1>, vector<16xf32>
      %select_n3A_735 = arith.select %gt3A_732, %broadcast_in_dim3A_730, %select_n3A_721 : vector<16xi1>, vector<16xi32>
      %select_n3A_736 = arith.select %gt3A_731, %select_n3A_723, %select_n3A_735 : vector<16xi1>, vector<16xi32>
      %select_n3A_737 = arith.select %gt3A_731, %get3A_728, %select_n3A_722 : vector<16xi1>, vector<16xf32>
      %select_n3A_738 = arith.select %gt3A_731, %broadcast_in_dim3A_730, %select_n3A_723 : vector<16xi1>, vector<16xi32>
      %get3A_739 = arith.constant 47 : i32
      %get3A_740 = arith.index_cast %get3A_739 : i32 to index
      %get3A_741 = arith.index_cast %mul3A_40 : i32 to index
      %get3A_742 = tpu.vector_load %arg5[%get3A_740, %get3A_741] {strides = array<i32>} : memref<64x1024xf32, #tpu.memory_space<vmem>>, vector<1x16xf32>,
      %get3A_743 = vector.shape_cast %get3A_742 : vector<1x16xf32> to vector<16xf32>
      %broadcast_in_dim3A_744 = arith.constant 47 : i32
      %broadcast_in_dim3A_745 = vector.broadcast %broadcast_in_dim3A_744 : i32 to vector<16xi32>
      %gt3A_746 = arith.cmpf ogt, %get3A_743, %select_n3A_737 : vector<16xf32>
      %gt3A_747 = arith.cmpf ogt, %get3A_743, %select_n3A_734 : vector<16xf32>
      %select_n3A_748 = arith.select %gt3A_747, %get3A_743, %select_n3A_734 : vector<16xi1>, vector<16xf32>
      %select_n3A_749 = arith.select %gt3A_746, %select_n3A_737, %select_n3A_748 : vector<16xi1>, vector<16xf32>
      %select_n3A_750 = arith.select %gt3A_747, %broadcast_in_dim3A_745, %select_n3A_736 : vector<16xi1>, vector<16xi32>
      %select_n3A_751 = arith.select %gt3A_746, %select_n3A_738, %select_n3A_750 : vector<16xi1>, vector<16xi32>
      %select_n3A_752 = arith.select %gt3A_746, %get3A_743, %select_n3A_737 : vector<16xi1>, vector<16xf32>
      %select_n3A_753 = arith.select %gt3A_746, %broadcast_in_dim3A_745, %select_n3A_738 : vector<16xi1>, vector<16xi32>
      %get3A_754 = arith.constant 48 : i32
      %get3A_755 = arith.index_cast %get3A_754 : i32 to index
      %get3A_756 = arith.index_cast %mul3A_40 : i32 to index
      %get3A_757 = tpu.vector_load %arg5[%get3A_755, %get3A_756] {strides = array<i32>} : memref<64x1024xf32, #tpu.memory_space<vmem>>, vector<1x16xf32>,
      %get3A_758 = vector.shape_cast %get3A_757 : vector<1x16xf32> to vector<16xf32>
      %broadcast_in_dim3A_759 = arith.constant 48 : i32
      %broadcast_in_dim3A_760 = vector.broadcast %broadcast_in_dim3A_759 : i32 to vector<16xi32>
      %gt3A_761 = arith.cmpf ogt, %get3A_758, %select_n3A_752 : vector<16xf32>
      %gt3A_762 = arith.cmpf ogt, %get3A_758, %select_n3A_749 : vector<16xf32>
      %select_n3A_763 = arith.select %gt3A_762, %get3A_758, %select_n3A_749 : vector<16xi1>, vector<16xf32>
      %select_n3A_764 = arith.select %gt3A_761, %select_n3A_752, %select_n3A_763 : vector<16xi1>, vector<16xf32>
      %select_n3A_765 = arith.select %gt3A_762, %broadcast_in_dim3A_760, %select_n3A_751 : vector<16xi1>, vector<16xi32>
      %select_n3A_766 = arith.select %gt3A_761, %select_n3A_753, %select_n3A_765 : vector<16xi1>, vector<16xi32>
      %select_n3A_767 = arith.select %gt3A_761, %get3A_758, %select_n3A_752 : vector<16xi1>, vector<16xf32>
      %select_n3A_768 = arith.select %gt3A_761, %broadcast_in_dim3A_760, %select_n3A_753 : vector<16xi1>, vector<16xi32>
      %get3A_769 = arith.constant 49 : i32
      %get3A_770 = arith.index_cast %get3A_769 : i32 to index
      %get3A_771 = arith.index_cast %mul3A_40 : i32 to index
      %get3A_772 = tpu.vector_load %arg5[%get3A_770, %get3A_771] {strides = array<i32>} : memref<64x1024xf32, #tpu.memory_space<vmem>>, vector<1x16xf32>,
      %get3A_773 = vector.shape_cast %get3A_772 : vector<1x16xf32> to vector<16xf32>
      %broadcast_in_dim3A_774 = arith.constant 49 : i32
      %broadcast_in_dim3A_775 = vector.broadcast %broadcast_in_dim3A_774 : i32 to vector<16xi32>
      %gt3A_776 = arith.cmpf ogt, %get3A_773, %select_n3A_767 : vector<16xf32>
      %gt3A_777 = arith.cmpf ogt, %get3A_773, %select_n3A_764 : vector<16xf32>
      %select_n3A_778 = arith.select %gt3A_777, %get3A_773, %select_n3A_764 : vector<16xi1>, vector<16xf32>
      %select_n3A_779 = arith.select %gt3A_776, %select_n3A_767, %select_n3A_778 : vector<16xi1>, vector<16xf32>
      %select_n3A_780 = arith.select %gt3A_777, %broadcast_in_dim3A_775, %select_n3A_766 : vector<16xi1>, vector<16xi32>
      %select_n3A_781 = arith.select %gt3A_776, %select_n3A_768, %select_n3A_780 : vector<16xi1>, vector<16xi32>
      %select_n3A_782 = arith.select %gt3A_776, %get3A_773, %select_n3A_767 : vector<16xi1>, vector<16xf32>
      %select_n3A_783 = arith.select %gt3A_776, %broadcast_in_dim3A_775, %select_n3A_768 : vector<16xi1>, vector<16xi32>
      %get3A_784 = arith.constant 50 : i32
      %get3A_785 = arith.index_cast %get3A_784 : i32 to index
      %get3A_786 = arith.index_cast %mul3A_40 : i32 to index
      %get3A_787 = tpu.vector_load %arg5[%get3A_785, %get3A_786] {strides = array<i32>} : memref<64x1024xf32, #tpu.memory_space<vmem>>, vector<1x16xf32>,
      %get3A_788 = vector.shape_cast %get3A_787 : vector<1x16xf32> to vector<16xf32>
      %broadcast_in_dim3A_789 = arith.constant 50 : i32
      %broadcast_in_dim3A_790 = vector.broadcast %broadcast_in_dim3A_789 : i32 to vector<16xi32>
      %gt3A_791 = arith.cmpf ogt, %get3A_788, %select_n3A_782 : vector<16xf32>
      %gt3A_792 = arith.cmpf ogt, %get3A_788, %select_n3A_779 : vector<16xf32>
      %select_n3A_793 = arith.select %gt3A_792, %get3A_788, %select_n3A_779 : vector<16xi1>, vector<16xf32>
      %select_n3A_794 = arith.select %gt3A_791, %select_n3A_782, %select_n3A_793 : vector<16xi1>, vector<16xf32>
      %select_n3A_795 = arith.select %gt3A_792, %broadcast_in_dim3A_790, %select_n3A_781 : vector<16xi1>, vector<16xi32>
      %select_n3A_796 = arith.select %gt3A_791, %select_n3A_783, %select_n3A_795 : vector<16xi1>, vector<16xi32>
      %select_n3A_797 = arith.select %gt3A_791, %get3A_788, %select_n3A_782 : vector<16xi1>, vector<16xf32>
      %select_n3A_798 = arith.select %gt3A_791, %broadcast_in_dim3A_790, %select_n3A_783 : vector<16xi1>, vector<16xi32>
      %get3A_799 = arith.constant 51 : i32
      %get3A_800 = arith.index_cast %get3A_799 : i32 to index
      %get3A_801 = arith.index_cast %mul3A_40 : i32 to index
      %get3A_802 = tpu.vector_load %arg5[%get3A_800, %get3A_801] {strides = array<i32>} : memref<64x1024xf32, #tpu.memory_space<vmem>>, vector<1x16xf32>,
      %get3A_803 = vector.shape_cast %get3A_802 : vector<1x16xf32> to vector<16xf32>
      %broadcast_in_dim3A_804 = arith.constant 51 : i32
      %broadcast_in_dim3A_805 = vector.broadcast %broadcast_in_dim3A_804 : i32 to vector<16xi32>
      %gt3A_806 = arith.cmpf ogt, %get3A_803, %select_n3A_797 : vector<16xf32>
      %gt3A_807 = arith.cmpf ogt, %get3A_803, %select_n3A_794 : vector<16xf32>
      %select_n3A_808 = arith.select %gt3A_807, %get3A_803, %select_n3A_794 : vector<16xi1>, vector<16xf32>
      %select_n3A_809 = arith.select %gt3A_806, %select_n3A_797, %select_n3A_808 : vector<16xi1>, vector<16xf32>
      %select_n3A_810 = arith.select %gt3A_807, %broadcast_in_dim3A_805, %select_n3A_796 : vector<16xi1>, vector<16xi32>
      %select_n3A_811 = arith.select %gt3A_806, %select_n3A_798, %select_n3A_810 : vector<16xi1>, vector<16xi32>
      %select_n3A_812 = arith.select %gt3A_806, %get3A_803, %select_n3A_797 : vector<16xi1>, vector<16xf32>
      %select_n3A_813 = arith.select %gt3A_806, %broadcast_in_dim3A_805, %select_n3A_798 : vector<16xi1>, vector<16xi32>
      %get3A_814 = arith.constant 52 : i32
      %get3A_815 = arith.index_cast %get3A_814 : i32 to index
      %get3A_816 = arith.index_cast %mul3A_40 : i32 to index
      %get3A_817 = tpu.vector_load %arg5[%get3A_815, %get3A_816] {strides = array<i32>} : memref<64x1024xf32, #tpu.memory_space<vmem>>, vector<1x16xf32>,
      %get3A_818 = vector.shape_cast %get3A_817 : vector<1x16xf32> to vector<16xf32>
      %broadcast_in_dim3A_819 = arith.constant 52 : i32
      %broadcast_in_dim3A_820 = vector.broadcast %broadcast_in_dim3A_819 : i32 to vector<16xi32>
      %gt3A_821 = arith.cmpf ogt, %get3A_818, %select_n3A_812 : vector<16xf32>
      %gt3A_822 = arith.cmpf ogt, %get3A_818, %select_n3A_809 : vector<16xf32>
      %select_n3A_823 = arith.select %gt3A_822, %get3A_818, %select_n3A_809 : vector<16xi1>, vector<16xf32>
      %select_n3A_824 = arith.select %gt3A_821, %select_n3A_812, %select_n3A_823 : vector<16xi1>, vector<16xf32>
      %select_n3A_825 = arith.select %gt3A_822, %broadcast_in_dim3A_820, %select_n3A_811 : vector<16xi1>, vector<16xi32>
      %select_n3A_826 = arith.select %gt3A_821, %select_n3A_813, %select_n3A_825 : vector<16xi1>, vector<16xi32>
      %select_n3A_827 = arith.select %gt3A_821, %get3A_818, %select_n3A_812 : vector<16xi1>, vector<16xf32>
      %select_n3A_828 = arith.select %gt3A_821, %broadcast_in_dim3A_820, %select_n3A_813 : vector<16xi1>, vector<16xi32>
      %get3A_829 = arith.constant 53 : i32
      %get3A_830 = arith.index_cast %get3A_829 : i32 to index
      %get3A_831 = arith.index_cast %mul3A_40 : i32 to index
      %get3A_832 = tpu.vector_load %arg5[%get3A_830, %get3A_831] {strides = array<i32>} : memref<64x1024xf32, #tpu.memory_space<vmem>>, vector<1x16xf32>,
      %get3A_833 = vector.shape_cast %get3A_832 : vector<1x16xf32> to vector<16xf32>
      %broadcast_in_dim3A_834 = arith.constant 53 : i32
      %broadcast_in_dim3A_835 = vector.broadcast %broadcast_in_dim3A_834 : i32 to vector<16xi32>
      %gt3A_836 = arith.cmpf ogt, %get3A_833, %select_n3A_827 : vector<16xf32>
      %gt3A_837 = arith.cmpf ogt, %get3A_833, %select_n3A_824 : vector<16xf32>
      %select_n3A_838 = arith.select %gt3A_837, %get3A_833, %select_n3A_824 : vector<16xi1>, vector<16xf32>
      %select_n3A_839 = arith.select %gt3A_836, %select_n3A_827, %select_n3A_838 : vector<16xi1>, vector<16xf32>
      %select_n3A_840 = arith.select %gt3A_837, %broadcast_in_dim3A_835, %select_n3A_826 : vector<16xi1>, vector<16xi32>
      %select_n3A_841 = arith.select %gt3A_836, %select_n3A_828, %select_n3A_840 : vector<16xi1>, vector<16xi32>
      %select_n3A_842 = arith.select %gt3A_836, %get3A_833, %select_n3A_827 : vector<16xi1>, vector<16xf32>
      %select_n3A_843 = arith.select %gt3A_836, %broadcast_in_dim3A_835, %select_n3A_828 : vector<16xi1>, vector<16xi32>
      %get3A_844 = arith.constant 54 : i32
      %get3A_845 = arith.index_cast %get3A_844 : i32 to index
      %get3A_846 = arith.index_cast %mul3A_40 : i32 to index
      %get3A_847 = tpu.vector_load %arg5[%get3A_845, %get3A_846] {strides = array<i32>} : memref<64x1024xf32, #tpu.memory_space<vmem>>, vector<1x16xf32>,
      %get3A_848 = vector.shape_cast %get3A_847 : vector<1x16xf32> to vector<16xf32>
      %broadcast_in_dim3A_849 = arith.constant 54 : i32
      %broadcast_in_dim3A_850 = vector.broadcast %broadcast_in_dim3A_849 : i32 to vector<16xi32>
      %gt3A_851 = arith.cmpf ogt, %get3A_848, %select_n3A_842 : vector<16xf32>
      %gt3A_852 = arith.cmpf ogt, %get3A_848, %select_n3A_839 : vector<16xf32>
      %select_n3A_853 = arith.select %gt3A_852, %get3A_848, %select_n3A_839 : vector<16xi1>, vector<16xf32>
      %select_n3A_854 = arith.select %gt3A_851, %select_n3A_842, %select_n3A_853 : vector<16xi1>, vector<16xf32>
      %select_n3A_855 = arith.select %gt3A_852, %broadcast_in_dim3A_850, %select_n3A_841 : vector<16xi1>, vector<16xi32>
      %select_n3A_856 = arith.select %gt3A_851, %select_n3A_843, %select_n3A_855 : vector<16xi1>, vector<16xi32>
      %select_n3A_857 = arith.select %gt3A_851, %get3A_848, %select_n3A_842 : vector<16xi1>, vector<16xf32>
      %select_n3A_858 = arith.select %gt3A_851, %broadcast_in_dim3A_850, %select_n3A_843 : vector<16xi1>, vector<16xi32>
      %get3A_859 = arith.constant 55 : i32
      %get3A_860 = arith.index_cast %get3A_859 : i32 to index
      %get3A_861 = arith.index_cast %mul3A_40 : i32 to index
      %get3A_862 = tpu.vector_load %arg5[%get3A_860, %get3A_861] {strides = array<i32>} : memref<64x1024xf32, #tpu.memory_space<vmem>>, vector<1x16xf32>,
      %get3A_863 = vector.shape_cast %get3A_862 : vector<1x16xf32> to vector<16xf32>
      %broadcast_in_dim3A_864 = arith.constant 55 : i32
      %broadcast_in_dim3A_865 = vector.broadcast %broadcast_in_dim3A_864 : i32 to vector<16xi32>
      %gt3A_866 = arith.cmpf ogt, %get3A_863, %select_n3A_857 : vector<16xf32>
      %gt3A_867 = arith.cmpf ogt, %get3A_863, %select_n3A_854 : vector<16xf32>
      %select_n3A_868 = arith.select %gt3A_867, %get3A_863, %select_n3A_854 : vector<16xi1>, vector<16xf32>
      %select_n3A_869 = arith.select %gt3A_866, %select_n3A_857, %select_n3A_868 : vector<16xi1>, vector<16xf32>
      %select_n3A_870 = arith.select %gt3A_867, %broadcast_in_dim3A_865, %select_n3A_856 : vector<16xi1>, vector<16xi32>
      %select_n3A_871 = arith.select %gt3A_866, %select_n3A_858, %select_n3A_870 : vector<16xi1>, vector<16xi32>
      %select_n3A_872 = arith.select %gt3A_866, %get3A_863, %select_n3A_857 : vector<16xi1>, vector<16xf32>
      %select_n3A_873 = arith.select %gt3A_866, %broadcast_in_dim3A_865, %select_n3A_858 : vector<16xi1>, vector<16xi32>
      %get3A_874 = arith.constant 56 : i32
      %get3A_875 = arith.index_cast %get3A_874 : i32 to index
      %get3A_876 = arith.index_cast %mul3A_40 : i32 to index
      %get3A_877 = tpu.vector_load %arg5[%get3A_875, %get3A_876] {strides = array<i32>} : memref<64x1024xf32, #tpu.memory_space<vmem>>, vector<1x16xf32>,
      %get3A_878 = vector.shape_cast %get3A_877 : vector<1x16xf32> to vector<16xf32>
      %broadcast_in_dim3A_879 = arith.constant 56 : i32
      %broadcast_in_dim3A_880 = vector.broadcast %broadcast_in_dim3A_879 : i32 to vector<16xi32>
      %gt3A_881 = arith.cmpf ogt, %get3A_878, %select_n3A_872 : vector<16xf32>
      %gt3A_882 = arith.cmpf ogt, %get3A_878, %select_n3A_869 : vector<16xf32>
      %select_n3A_883 = arith.select %gt3A_882, %get3A_878, %select_n3A_869 : vector<16xi1>, vector<16xf32>
      %select_n3A_884 = arith.select %gt3A_881, %select_n3A_872, %select_n3A_883 : vector<16xi1>, vector<16xf32>
      %select_n3A_885 = arith.select %gt3A_882, %broadcast_in_dim3A_880, %select_n3A_871 : vector<16xi1>, vector<16xi32>
      %select_n3A_886 = arith.select %gt3A_881, %select_n3A_873, %select_n3A_885 : vector<16xi1>, vector<16xi32>
      %select_n3A_887 = arith.select %gt3A_881, %get3A_878, %select_n3A_872 : vector<16xi1>, vector<16xf32>
      %select_n3A_888 = arith.select %gt3A_881, %broadcast_in_dim3A_880, %select_n3A_873 : vector<16xi1>, vector<16xi32>
      %get3A_889 = arith.constant 57 : i32
      %get3A_890 = arith.index_cast %get3A_889 : i32 to index
      %get3A_891 = arith.index_cast %mul3A_40 : i32 to index
      %get3A_892 = tpu.vector_load %arg5[%get3A_890, %get3A_891] {strides = array<i32>} : memref<64x1024xf32, #tpu.memory_space<vmem>>, vector<1x16xf32>,
      %get3A_893 = vector.shape_cast %get3A_892 : vector<1x16xf32> to vector<16xf32>
      %broadcast_in_dim3A_894 = arith.constant 57 : i32
      %broadcast_in_dim3A_895 = vector.broadcast %broadcast_in_dim3A_894 : i32 to vector<16xi32>
      %gt3A_896 = arith.cmpf ogt, %get3A_893, %select_n3A_887 : vector<16xf32>
      %gt3A_897 = arith.cmpf ogt, %get3A_893, %select_n3A_884 : vector<16xf32>
      %select_n3A_898 = arith.select %gt3A_897, %get3A_893, %select_n3A_884 : vector<16xi1>, vector<16xf32>
      %select_n3A_899 = arith.select %gt3A_896, %select_n3A_887, %select_n3A_898 : vector<16xi1>, vector<16xf32>
      %select_n3A_900 = arith.select %gt3A_897, %broadcast_in_dim3A_895, %select_n3A_886 : vector<16xi1>, vector<16xi32>
      %select_n3A_901 = arith.select %gt3A_896, %select_n3A_888, %select_n3A_900 : vector<16xi1>, vector<16xi32>
      %select_n3A_902 = arith.select %gt3A_896, %get3A_893, %select_n3A_887 : vector<16xi1>, vector<16xf32>
      %select_n3A_903 = arith.select %gt3A_896, %broadcast_in_dim3A_895, %select_n3A_888 : vector<16xi1>, vector<16xi32>
      %get3A_904 = arith.constant 58 : i32
      %get3A_905 = arith.index_cast %get3A_904 : i32 to index
      %get3A_906 = arith.index_cast %mul3A_40 : i32 to index
      %get3A_907 = tpu.vector_load %arg5[%get3A_905, %get3A_906] {strides = array<i32>} : memref<64x1024xf32, #tpu.memory_space<vmem>>, vector<1x16xf32>,
      %get3A_908 = vector.shape_cast %get3A_907 : vector<1x16xf32> to vector<16xf32>
      %broadcast_in_dim3A_909 = arith.constant 58 : i32
      %broadcast_in_dim3A_910 = vector.broadcast %broadcast_in_dim3A_909 : i32 to vector<16xi32>
      %gt3A_911 = arith.cmpf ogt, %get3A_908, %select_n3A_902 : vector<16xf32>
      %gt3A_912 = arith.cmpf ogt, %get3A_908, %select_n3A_899 : vector<16xf32>
      %select_n3A_913 = arith.select %gt3A_912, %get3A_908, %select_n3A_899 : vector<16xi1>, vector<16xf32>
      %select_n3A_914 = arith.select %gt3A_911, %select_n3A_902, %select_n3A_913 : vector<16xi1>, vector<16xf32>
      %select_n3A_915 = arith.select %gt3A_912, %broadcast_in_dim3A_910, %select_n3A_901 : vector<16xi1>, vector<16xi32>
      %select_n3A_916 = arith.select %gt3A_911, %select_n3A_903, %select_n3A_915 : vector<16xi1>, vector<16xi32>
      %select_n3A_917 = arith.select %gt3A_911, %get3A_908, %select_n3A_902 : vector<16xi1>, vector<16xf32>
      %select_n3A_918 = arith.select %gt3A_911, %broadcast_in_dim3A_910, %select_n3A_903 : vector<16xi1>, vector<16xi32>
      %get3A_919 = arith.constant 59 : i32
      %get3A_920 = arith.index_cast %get3A_919 : i32 to index
      %get3A_921 = arith.index_cast %mul3A_40 : i32 to index
      %get3A_922 = tpu.vector_load %arg5[%get3A_920, %get3A_921] {strides = array<i32>} : memref<64x1024xf32, #tpu.memory_space<vmem>>, vector<1x16xf32>,
      %get3A_923 = vector.shape_cast %get3A_922 : vector<1x16xf32> to vector<16xf32>
      %broadcast_in_dim3A_924 = arith.constant 59 : i32
      %broadcast_in_dim3A_925 = vector.broadcast %broadcast_in_dim3A_924 : i32 to vector<16xi32>
      %gt3A_926 = arith.cmpf ogt, %get3A_923, %select_n3A_917 : vector<16xf32>
      %gt3A_927 = arith.cmpf ogt, %get3A_923, %select_n3A_914 : vector<16xf32>
      %select_n3A_928 = arith.select %gt3A_927, %get3A_923, %select_n3A_914 : vector<16xi1>, vector<16xf32>
      %select_n3A_929 = arith.select %gt3A_926, %select_n3A_917, %select_n3A_928 : vector<16xi1>, vector<16xf32>
      %select_n3A_930 = arith.select %gt3A_927, %broadcast_in_dim3A_925, %select_n3A_916 : vector<16xi1>, vector<16xi32>
      %select_n3A_931 = arith.select %gt3A_926, %select_n3A_918, %select_n3A_930 : vector<16xi1>, vector<16xi32>
      %select_n3A_932 = arith.select %gt3A_926, %get3A_923, %select_n3A_917 : vector<16xi1>, vector<16xf32>
      %select_n3A_933 = arith.select %gt3A_926, %broadcast_in_dim3A_925, %select_n3A_918 : vector<16xi1>, vector<16xi32>
      %get3A_934 = arith.constant 60 : i32
      %get3A_935 = arith.index_cast %get3A_934 : i32 to index
      %get3A_936 = arith.index_cast %mul3A_40 : i32 to index
      %get3A_937 = tpu.vector_load %arg5[%get3A_935, %get3A_936] {strides = array<i32>} : memref<64x1024xf32, #tpu.memory_space<vmem>>, vector<1x16xf32>,
      %get3A_938 = vector.shape_cast %get3A_937 : vector<1x16xf32> to vector<16xf32>
      %broadcast_in_dim3A_939 = arith.constant 60 : i32
      %broadcast_in_dim3A_940 = vector.broadcast %broadcast_in_dim3A_939 : i32 to vector<16xi32>
      %gt3A_941 = arith.cmpf ogt, %get3A_938, %select_n3A_932 : vector<16xf32>
      %gt3A_942 = arith.cmpf ogt, %get3A_938, %select_n3A_929 : vector<16xf32>
      %select_n3A_943 = arith.select %gt3A_942, %get3A_938, %select_n3A_929 : vector<16xi1>, vector<16xf32>
      %select_n3A_944 = arith.select %gt3A_941, %select_n3A_932, %select_n3A_943 : vector<16xi1>, vector<16xf32>
      %select_n3A_945 = arith.select %gt3A_942, %broadcast_in_dim3A_940, %select_n3A_931 : vector<16xi1>, vector<16xi32>
      %select_n3A_946 = arith.select %gt3A_941, %select_n3A_933, %select_n3A_945 : vector<16xi1>, vector<16xi32>
      %select_n3A_947 = arith.select %gt3A_941, %get3A_938, %select_n3A_932 : vector<16xi1>, vector<16xf32>
      %select_n3A_948 = arith.select %gt3A_941, %broadcast_in_dim3A_940, %select_n3A_933 : vector<16xi1>, vector<16xi32>
      %get3A_949 = arith.constant 61 : i32
      %get3A_950 = arith.index_cast %get3A_949 : i32 to index
      %get3A_951 = arith.index_cast %mul3A_40 : i32 to index
      %get3A_952 = tpu.vector_load %arg5[%get3A_950, %get3A_951] {strides = array<i32>} : memref<64x1024xf32, #tpu.memory_space<vmem>>, vector<1x16xf32>,
      %get3A_953 = vector.shape_cast %get3A_952 : vector<1x16xf32> to vector<16xf32>
      %broadcast_in_dim3A_954 = arith.constant 61 : i32
      %broadcast_in_dim3A_955 = vector.broadcast %broadcast_in_dim3A_954 : i32 to vector<16xi32>
      %gt3A_956 = arith.cmpf ogt, %get3A_953, %select_n3A_947 : vector<16xf32>
      %gt3A_957 = arith.cmpf ogt, %get3A_953, %select_n3A_944 : vector<16xf32>
      %select_n3A_958 = arith.select %gt3A_957, %get3A_953, %select_n3A_944 : vector<16xi1>, vector<16xf32>
      %select_n3A_959 = arith.select %gt3A_956, %select_n3A_947, %select_n3A_958 : vector<16xi1>, vector<16xf32>
      %select_n3A_960 = arith.select %gt3A_957, %broadcast_in_dim3A_955, %select_n3A_946 : vector<16xi1>, vector<16xi32>
      %select_n3A_961 = arith.select %gt3A_956, %select_n3A_948, %select_n3A_960 : vector<16xi1>, vector<16xi32>
      %select_n3A_962 = arith.select %gt3A_956, %get3A_953, %select_n3A_947 : vector<16xi1>, vector<16xf32>
      %select_n3A_963 = arith.select %gt3A_956, %broadcast_in_dim3A_955, %select_n3A_948 : vector<16xi1>, vector<16xi32>
      %get3A_964 = arith.constant 62 : i32
      %get3A_965 = arith.index_cast %get3A_964 : i32 to index
      %get3A_966 = arith.index_cast %mul3A_40 : i32 to index
      %get3A_967 = tpu.vector_load %arg5[%get3A_965, %get3A_966] {strides = array<i32>} : memref<64x1024xf32, #tpu.memory_space<vmem>>, vector<1x16xf32>,
      %get3A_968 = vector.shape_cast %get3A_967 : vector<1x16xf32> to vector<16xf32>
      %broadcast_in_dim3A_969 = arith.constant 62 : i32
      %broadcast_in_dim3A_970 = vector.broadcast %broadcast_in_dim3A_969 : i32 to vector<16xi32>
      %gt3A_971 = arith.cmpf ogt, %get3A_968, %select_n3A_962 : vector<16xf32>
      %gt3A_972 = arith.cmpf ogt, %get3A_968, %select_n3A_959 : vector<16xf32>
      %select_n3A_973 = arith.select %gt3A_972, %get3A_968, %select_n3A_959 : vector<16xi1>, vector<16xf32>
      %select_n3A_974 = arith.select %gt3A_971, %select_n3A_962, %select_n3A_973 : vector<16xi1>, vector<16xf32>
      %select_n3A_975 = arith.select %gt3A_972, %broadcast_in_dim3A_970, %select_n3A_961 : vector<16xi1>, vector<16xi32>
      %select_n3A_976 = arith.select %gt3A_971, %select_n3A_963, %select_n3A_975 : vector<16xi1>, vector<16xi32>
      %select_n3A_977 = arith.select %gt3A_971, %get3A_968, %select_n3A_962 : vector<16xi1>, vector<16xf32>
      %select_n3A_978 = arith.select %gt3A_971, %broadcast_in_dim3A_970, %select_n3A_963 : vector<16xi1>, vector<16xi32>
      %get3A_979 = arith.constant 63 : i32
      %get3A_980 = arith.index_cast %get3A_979 : i32 to index
      %get3A_981 = arith.index_cast %mul3A_40 : i32 to index
      %get3A_982 = tpu.vector_load %arg5[%get3A_980, %get3A_981] {strides = array<i32>} : memref<64x1024xf32, #tpu.memory_space<vmem>>, vector<1x16xf32>,
      %get3A_983 = vector.shape_cast %get3A_982 : vector<1x16xf32> to vector<16xf32>
      %broadcast_in_dim3A_984 = arith.constant 63 : i32
      %broadcast_in_dim3A_985 = vector.broadcast %broadcast_in_dim3A_984 : i32 to vector<16xi32>
      %gt3A_986 = arith.cmpf ogt, %get3A_983, %select_n3A_977 : vector<16xf32>
      %gt3A_987 = arith.cmpf ogt, %get3A_983, %select_n3A_974 : vector<16xf32>
      %select_n3A_988 = arith.select %gt3A_987, %get3A_983, %select_n3A_974 : vector<16xi1>, vector<16xf32>
      %select_n3A_989 = arith.select %gt3A_986, %select_n3A_977, %select_n3A_988 : vector<16xi1>, vector<16xf32>
      %select_n3A_990 = arith.select %gt3A_987, %broadcast_in_dim3A_985, %select_n3A_976 : vector<16xi1>, vector<16xi32>
      %select_n3A_991 = arith.select %gt3A_986, %select_n3A_978, %select_n3A_990 : vector<16xi1>, vector<16xi32>
      %select_n3A_992 = arith.select %gt3A_986, %get3A_983, %select_n3A_977 : vector<16xi1>, vector<16xf32>
      %select_n3A_993 = arith.select %gt3A_986, %broadcast_in_dim3A_985, %select_n3A_978 : vector<16xi1>, vector<16xi32>
      %sub3A_994 = arith.subf %select_n3A_989, %select_n3A_992 : vector<16xf32>
      %exp3A = math.exp %sub3A_994 : vector<16xf32>
      %add3A_995 = arith.constant 1.000000e+00 : f32
      %add3A_996 = vector.broadcast %add3A_995 : f32 to vector<16xf32>
      %add3A_997 = arith.addf %add3A_996, %exp3A : vector<16xf32>
      %swap3A = arith.constant 0 : i32
      %swap3A_998 = arith.index_cast %swap3A : i32 to index
      %swap3A_999 = arith.index_cast %mul3A_40 : i32 to index
      %swap3A_1000 = tpu.vector_load %arg6[%swap3A_998, %swap3A_999] {strides = array<i32>} : memref<2x1024xi32, #tpu.memory_space<vmem>>, vector<1x16xi32>,
      %swap3A_1001 = vector.shape_cast %swap3A_1000 : vector<1x16xi32> to vector<16xi32>
      %swap3A_1002 = vector.shape_cast %select_n3A_993 : vector<16xi32> to vector<1x16xi32>
      tpu.vector_store %arg6[%swap3A_998, %swap3A_999], %swap3A_1002 {strides = array<i32>} : memref<2x1024xi32, #tpu.memory_space<vmem>>, vector<1x16xi32>,
      %swap3A_1003 = arith.constant 1 : i32
      %swap3A_1004 = arith.index_cast %swap3A_1003 : i32 to index
      %swap3A_1005 = arith.index_cast %mul3A_40 : i32 to index
      %swap3A_1006 = tpu.vector_load %arg6[%swap3A_1004, %swap3A_1005] {strides = array<i32>} : memref<2x1024xi32, #tpu.memory_space<vmem>>, vector<1x16xi32>,
      %swap3A_1007 = vector.shape_cast %swap3A_1006 : vector<1x16xi32> to vector<16xi32>
      %swap3A_1008 = vector.shape_cast %select_n3A_991 : vector<16xi32> to vector<1x16xi32>
      tpu.vector_store %arg6[%swap3A_1004, %swap3A_1005], %swap3A_1008 {strides = array<i32>} : memref<2x1024xi32, #tpu.memory_space<vmem>>, vector<1x16xi32>,
      %div3A_1009 = arith.constant 1.000000e+00 : f32
      %div3A_1010 = vector.broadcast %div3A_1009 : f32 to vector<16xf32>
      %div3A_1011 = arith.divf %div3A_1010, %add3A_997 : vector<16xf32>
      %swap3A_1012 = arith.constant 0 : i32
      %swap3A_1013 = arith.index_cast %swap3A_1012 : i32 to index
      %swap3A_1014 = arith.index_cast %mul3A_40 : i32 to index
      %swap3A_1015 = tpu.vector_load %arg7[%swap3A_1013, %swap3A_1014] {strides = array<i32>} : memref<2x1024xf32, #tpu.memory_space<vmem>>, vector<1x16xf32>,
      %swap3A_1016 = vector.shape_cast %swap3A_1015 : vector<1x16xf32> to vector<16xf32>
      %swap3A_1017 = vector.shape_cast %div3A_1011 : vector<16xf32> to vector<1x16xf32>
      tpu.vector_store %arg7[%swap3A_1013, %swap3A_1014], %swap3A_1017 {strides = array<i32>} : memref<2x1024xf32, #tpu.memory_space<vmem>>, vector<1x16xf32>,
      %div3A_1018 = arith.divf %exp3A, %add3A_997 : vector<16xf32>
      %swap3A_1019 = arith.constant 1 : i32
      %swap3A_1020 = arith.index_cast %swap3A_1019 : i32 to index
      %swap3A_1021 = arith.index_cast %mul3A_40 : i32 to index
      %swap3A_1022 = tpu.vector_load %arg7[%swap3A_1020, %swap3A_1021] {strides = array<i32>} : memref<2x1024xf32, #tpu.memory_space<vmem>>, vector<1x16xf32>,
      %swap3A_1023 = vector.shape_cast %swap3A_1022 : vector<1x16xf32> to vector<16xf32>
      %swap3A_1024 = vector.shape_cast %div3A_1018 : vector<16xf32> to vector<1x16xf32>
      tpu.vector_store %arg7[%swap3A_1020, %swap3A_1021], %swap3A_1024 {strides = array<i32>} : memref<2x1024xf32, #tpu.memory_space<vmem>>, vector<1x16xf32>,
    }
    %scan3A_37 = arith.constant 64 : i32
    "tpu.region"() ({
      %run_scoped3A = tpu.sem_alloc : memref<!tpu.dma_semaphore, #tpu.memory_space<semaphore_mem>>
      %dma_start3A = arith.constant 0 : i32
      %dma_start3A_38 = tpu.memref_slice %arg3[%select_n3A, %dma_start3A, %mul3A_32] : memref<4x2x8192xi32, #tpu.memory_space<hbm>> -> memref<1x2x1024xi32, #tpu.memory_space<hbm>>
      %dma_start3A_39 = tpu.memref_squeeze %dma_start3A_38 : memref<1x2x1024xi32, #tpu.memory_space<hbm>> -> memref<2x1024xi32, #tpu.memory_space<hbm>>
      %dma_start3A_40 = arith.constant 0 : i32
      %dma_start3A_41 = tpu.memref_slice %arg3[%select_n3A, %dma_start3A_40, %mul3A_32] : memref<4x2x8192xi32, #tpu.memory_space<hbm>> -> memref<1x2x1024xi32, #tpu.memory_space<hbm>>
      %dma_start3A_42 = tpu.memref_squeeze %dma_start3A_41 : memref<1x2x1024xi32, #tpu.memory_space<hbm>> -> memref<2x1024xi32, #tpu.memory_space<hbm>>
      tpu.enqueue_dma source(%arg6 : memref<2x1024xi32, #tpu.memory_space<vmem>>) target(%dma_start3A_42 : memref<2x1024xi32, #tpu.memory_space<hbm>>) target_semaphore(%run_scoped3A : memref<!tpu.dma_semaphore, #tpu.memory_space<semaphore_mem>>)
      %dma_wait3A = arith.constant 0 : i32
      %dma_wait3A_43 = tpu.memref_slice %arg3[%select_n3A, %dma_wait3A, %mul3A_32] : memref<4x2x8192xi32, #tpu.memory_space<hbm>> -> memref<1x2x1024xi32, #tpu.memory_space<hbm>>
      %dma_wait3A_44 = tpu.memref_squeeze %dma_wait3A_43 : memref<1x2x1024xi32, #tpu.memory_space<hbm>> -> memref<2x1024xi32, #tpu.memory_space<hbm>>
      %dma_wait3A_45 = arith.constant 0 : i32
      %dma_wait3A_46 = tpu.memref_slice %arg3[%select_n3A, %dma_wait3A_45, %mul3A_32] : memref<4x2x8192xi32, #tpu.memory_space<hbm>> -> memref<1x2x1024xi32, #tpu.memory_space<hbm>>
      %dma_wait3A_47 = tpu.memref_squeeze %dma_wait3A_46 : memref<1x2x1024xi32, #tpu.memory_space<hbm>> -> memref<2x1024xi32, #tpu.memory_space<hbm>>
      tpu.wait_dma2 semaphore(%run_scoped3A : memref<!tpu.dma_semaphore, #tpu.memory_space<semaphore_mem>>) src(%arg6 : memref<2x1024xi32, #tpu.memory_space<vmem>>) dst(%dma_wait3A_47 : memref<2x1024xi32, #tpu.memory_space<hbm>>)
      tpu.yield
    }) : () -> ()
    "tpu.region"() ({
      %run_scoped3A = tpu.sem_alloc : memref<!tpu.dma_semaphore, #tpu.memory_space<semaphore_mem>>
      %dma_start3A = arith.constant 0 : i32
      %dma_start3A_38 = tpu.memref_slice %arg4[%select_n3A, %dma_start3A, %mul3A_32] : memref<4x2x8192xf32, #tpu.memory_space<hbm>> -> memref<1x2x1024xf32, #tpu.memory_space<hbm>>
      %dma_start3A_39 = tpu.memref_squeeze %dma_start3A_38 : memref<1x2x1024xf32, #tpu.memory_space<hbm>> -> memref<2x1024xf32, #tpu.memory_space<hbm>>
      %dma_start3A_40 = arith.constant 0 : i32
      %dma_start3A_41 = tpu.memref_slice %arg4[%select_n3A, %dma_start3A_40, %mul3A_32] : memref<4x2x8192xf32, #tpu.memory_space<hbm>> -> memref<1x2x1024xf32, #tpu.memory_space<hbm>>
      %dma_start3A_42 = tpu.memref_squeeze %dma_start3A_41 : memref<1x2x1024xf32, #tpu.memory_space<hbm>> -> memref<2x1024xf32, #tpu.memory_space<hbm>>
      tpu.enqueue_dma source(%arg7 : memref<2x1024xf32, #tpu.memory_space<vmem>>) target(%dma_start3A_42 : memref<2x1024xf32, #tpu.memory_space<hbm>>) target_semaphore(%run_scoped3A : memref<!tpu.dma_semaphore, #tpu.memory_space<semaphore_mem>>)
      %dma_wait3A = arith.constant 0 : i32
      %dma_wait3A_43 = tpu.memref_slice %arg4[%select_n3A, %dma_wait3A, %mul3A_32] : memref<4x2x8192xf32, #tpu.memory_space<hbm>> -> memref<1x2x1024xf32, #tpu.memory_space<hbm>>
      %dma_wait3A_44 = tpu.memref_squeeze %dma_wait3A_43 : memref<1x2x1024xf32, #tpu.memory_space<hbm>> -> memref<2x1024xf32, #tpu.memory_space<hbm>>
      %dma_wait3A_45 = arith.constant 0 : i32
      %dma_wait3A_46 = tpu.memref_slice %arg4[%select_n3A, %dma_wait3A_45, %mul3A_32] : memref<4x2x8192xf32, #tpu.memory_space<hbm>> -> memref<1x2x1024xf32, #tpu.memory_space<hbm>>
      %dma_wait3A_47 = tpu.memref_squeeze %dma_wait3A_46 : memref<1x2x1024xf32, #tpu.memory_space<hbm>> -> memref<2x1024xf32, #tpu.memory_space<hbm>>
      tpu.wait_dma2 semaphore(%run_scoped3A : memref<!tpu.dma_semaphore, #tpu.memory_space<semaphore_mem>>) src(%arg7 : memref<2x1024xf32, #tpu.memory_space<vmem>>) dst(%dma_wait3A_47 : memref<2x1024xf32, #tpu.memory_space<hbm>>)
      tpu.yield
    }) : () -> ()
    return
  }
}

module attributes {stable_mosaic.version = 14 : i64} {
  func.func @_entmax_prep_body(%arg0: memref<6x768xf32, #tpu.memory_space<vmem>>, %arg1: memref<6x768xf32, #tpu.memory_space<vmem>>) attributes {dimension_semantics = [], scalar_prefetch = 0 : i64, scratch_operands = 0 : i64, tpu.core_type = #tpu.core_type<tc>} {
    %get3A = arith.constant 0 : index
    %get3A_0 = arith.constant 0 : index
    %get3A_1 = vector.load %arg0[%get3A, %get3A_0] : memref<6x768xf32, #tpu.memory_space<vmem>>, vector<6x768xf32>
    %mul3A = arith.constant 5.000000e-01 : f32
    %mul3A_2 = vector.broadcast %mul3A : f32 to vector<6x768xf32>
    %mul3A_3 = arith.mulf %get3A_1, %mul3A_2 : vector<6x768xf32>
    %reduce_max3A = arith.constant dense<0xFF800000> : vector<6xf32>
    %reduce_max3A_4 = vector.multi_reduction <maximumf>, %mul3A_3, %reduce_max3A [1] : vector<6x768xf32> to vector<6xf32>
    %broadcast_in_dim3A = vector.shape_cast %reduce_max3A_4 : vector<6xf32> to vector<6x1xf32>
    %sub3A = arith.constant 1.000000e+00 : f32
    %sub3A_5 = vector.broadcast %sub3A : f32 to vector<6x1xf32>
    %sub3A_6 = arith.subf %broadcast_in_dim3A, %sub3A_5 : vector<6x1xf32>
    %sub3A_7 = vector.broadcast %sub3A_6 : vector<6x1xf32> to vector<6x768xf32>
    %sub3A_8 = arith.subf %mul3A_3, %sub3A_7 : vector<6x768xf32>
    %max3A = arith.constant 0.000000e+00 : f32
    %max3A_9 = vector.broadcast %max3A : f32 to vector<6x768xf32>
    %max3A_10 = arith.maximumf %sub3A_8, %max3A_9 : vector<6x768xf32>
    %mul3A_11 = arith.mulf %max3A_10, %max3A_10 : vector<6x768xf32>
    %reduce_sum3A = arith.constant dense<0.000000e+00> : vector<6xf32>
    %reduce_sum3A_12 = vector.multi_reduction <add>, %mul3A_11, %reduce_sum3A [1] : vector<6x768xf32> to vector<6xf32>
    %broadcast_in_dim3A_13 = vector.shape_cast %reduce_sum3A_12 : vector<6xf32> to vector<6x1xf32>
    %sub3A_14 = arith.constant 1.000000e+00 : f32
    %sub3A_15 = vector.broadcast %sub3A_14 : f32 to vector<6x1xf32>
    %sub3A_16 = arith.subf %broadcast_in_dim3A_13, %sub3A_15 : vector<6x1xf32>
    %add3A = arith.addf %sub3A_6, %broadcast_in_dim3A : vector<6x1xf32>
    %mul3A_17 = arith.constant 5.000000e-01 : f32
    %mul3A_18 = vector.broadcast %mul3A_17 : f32 to vector<6x1xf32>
    %mul3A_19 = arith.mulf %mul3A_18, %add3A : vector<6x1xf32>
    %sub3A_20 = vector.broadcast %mul3A_19 : vector<6x1xf32> to vector<6x768xf32>
    %sub3A_21 = arith.subf %mul3A_3, %sub3A_20 : vector<6x768xf32>
    %max3A_22 = arith.constant 0.000000e+00 : f32
    %max3A_23 = vector.broadcast %max3A_22 : f32 to vector<6x768xf32>
    %max3A_24 = arith.maximumf %sub3A_21, %max3A_23 : vector<6x768xf32>
    %mul3A_25 = arith.mulf %max3A_24, %max3A_24 : vector<6x768xf32>
    %reduce_sum3A_26 = arith.constant dense<0.000000e+00> : vector<6xf32>
    %reduce_sum3A_27 = vector.multi_reduction <add>, %mul3A_25, %reduce_sum3A_26 [1] : vector<6x768xf32> to vector<6xf32>
    %broadcast_in_dim3A_28 = vector.shape_cast %reduce_sum3A_27 : vector<6xf32> to vector<6x1xf32>
    %sub3A_29 = arith.constant 1.000000e+00 : f32
    %sub3A_30 = vector.broadcast %sub3A_29 : f32 to vector<6x1xf32>
    %sub3A_31 = arith.subf %broadcast_in_dim3A_28, %sub3A_30 : vector<6x1xf32>
    %mul3A_32 = arith.mulf %sub3A_31, %sub3A_16 : vector<6x1xf32>
    %ge3A = arith.constant 0.000000e+00 : f32
    %ge3A_33 = vector.broadcast %ge3A : f32 to vector<6x1xf32>
    %ge3A_34 = arith.cmpf oge, %mul3A_32, %ge3A_33 : vector<6x1xf32>
    %select_n3A = arith.select %ge3A_34, %mul3A_19, %sub3A_6 : vector<6x1xi1>, vector<6x1xf32>
    %select_n3A_35 = arith.select %ge3A_34, %sub3A_31, %sub3A_16 : vector<6x1xi1>, vector<6x1xf32>
    %select_n3A_36 = arith.select %ge3A_34, %broadcast_in_dim3A, %mul3A_19 : vector<6x1xi1>, vector<6x1xf32>
    %add3A_37 = arith.addf %select_n3A, %select_n3A_36 : vector<6x1xf32>
    %mul3A_38 = arith.constant 5.000000e-01 : f32
    %mul3A_39 = vector.broadcast %mul3A_38 : f32 to vector<6x1xf32>
    %mul3A_40 = arith.mulf %mul3A_39, %add3A_37 : vector<6x1xf32>
    %sub3A_41 = vector.broadcast %mul3A_40 : vector<6x1xf32> to vector<6x768xf32>
    %sub3A_42 = arith.subf %mul3A_3, %sub3A_41 : vector<6x768xf32>
    %max3A_43 = arith.constant 0.000000e+00 : f32
    %max3A_44 = vector.broadcast %max3A_43 : f32 to vector<6x768xf32>
    %max3A_45 = arith.maximumf %sub3A_42, %max3A_44 : vector<6x768xf32>
    %mul3A_46 = arith.mulf %max3A_45, %max3A_45 : vector<6x768xf32>
    %reduce_sum3A_47 = arith.constant dense<0.000000e+00> : vector<6xf32>
    %reduce_sum3A_48 = vector.multi_reduction <add>, %mul3A_46, %reduce_sum3A_47 [1] : vector<6x768xf32> to vector<6xf32>
    %broadcast_in_dim3A_49 = vector.shape_cast %reduce_sum3A_48 : vector<6xf32> to vector<6x1xf32>
    %sub3A_50 = arith.constant 1.000000e+00 : f32
    %sub3A_51 = vector.broadcast %sub3A_50 : f32 to vector<6x1xf32>
    %sub3A_52 = arith.subf %broadcast_in_dim3A_49, %sub3A_51 : vector<6x1xf32>
    %mul3A_53 = arith.mulf %sub3A_52, %select_n3A_35 : vector<6x1xf32>
    %ge3A_54 = arith.constant 0.000000e+00 : f32
    %ge3A_55 = vector.broadcast %ge3A_54 : f32 to vector<6x1xf32>
    %ge3A_56 = arith.cmpf oge, %mul3A_53, %ge3A_55 : vector<6x1xf32>
    %select_n3A_57 = arith.select %ge3A_56, %mul3A_40, %select_n3A : vector<6x1xi1>, vector<6x1xf32>
    %select_n3A_58 = arith.select %ge3A_56, %sub3A_52, %select_n3A_35 : vector<6x1xi1>, vector<6x1xf32>
    %select_n3A_59 = arith.select %ge3A_56, %select_n3A_36, %mul3A_40 : vector<6x1xi1>, vector<6x1xf32>
    %add3A_60 = arith.addf %select_n3A_57, %select_n3A_59 : vector<6x1xf32>
    %mul3A_61 = arith.constant 5.000000e-01 : f32
    %mul3A_62 = vector.broadcast %mul3A_61 : f32 to vector<6x1xf32>
    %mul3A_63 = arith.mulf %mul3A_62, %add3A_60 : vector<6x1xf32>
    %sub3A_64 = vector.broadcast %mul3A_63 : vector<6x1xf32> to vector<6x768xf32>
    %sub3A_65 = arith.subf %mul3A_3, %sub3A_64 : vector<6x768xf32>
    %max3A_66 = arith.constant 0.000000e+00 : f32
    %max3A_67 = vector.broadcast %max3A_66 : f32 to vector<6x768xf32>
    %max3A_68 = arith.maximumf %sub3A_65, %max3A_67 : vector<6x768xf32>
    %mul3A_69 = arith.mulf %max3A_68, %max3A_68 : vector<6x768xf32>
    %reduce_sum3A_70 = arith.constant dense<0.000000e+00> : vector<6xf32>
    %reduce_sum3A_71 = vector.multi_reduction <add>, %mul3A_69, %reduce_sum3A_70 [1] : vector<6x768xf32> to vector<6xf32>
    %broadcast_in_dim3A_72 = vector.shape_cast %reduce_sum3A_71 : vector<6xf32> to vector<6x1xf32>
    %sub3A_73 = arith.constant 1.000000e+00 : f32
    %sub3A_74 = vector.broadcast %sub3A_73 : f32 to vector<6x1xf32>
    %sub3A_75 = arith.subf %broadcast_in_dim3A_72, %sub3A_74 : vector<6x1xf32>
    %mul3A_76 = arith.mulf %sub3A_75, %select_n3A_58 : vector<6x1xf32>
    %ge3A_77 = arith.constant 0.000000e+00 : f32
    %ge3A_78 = vector.broadcast %ge3A_77 : f32 to vector<6x1xf32>
    %ge3A_79 = arith.cmpf oge, %mul3A_76, %ge3A_78 : vector<6x1xf32>
    %select_n3A_80 = arith.select %ge3A_79, %mul3A_63, %select_n3A_57 : vector<6x1xi1>, vector<6x1xf32>
    %select_n3A_81 = arith.select %ge3A_79, %sub3A_75, %select_n3A_58 : vector<6x1xi1>, vector<6x1xf32>
    %select_n3A_82 = arith.select %ge3A_79, %select_n3A_59, %mul3A_63 : vector<6x1xi1>, vector<6x1xf32>
    %add3A_83 = arith.addf %select_n3A_80, %select_n3A_82 : vector<6x1xf32>
    %mul3A_84 = arith.constant 5.000000e-01 : f32
    %mul3A_85 = vector.broadcast %mul3A_84 : f32 to vector<6x1xf32>
    %mul3A_86 = arith.mulf %mul3A_85, %add3A_83 : vector<6x1xf32>
    %sub3A_87 = vector.broadcast %mul3A_86 : vector<6x1xf32> to vector<6x768xf32>
    %sub3A_88 = arith.subf %mul3A_3, %sub3A_87 : vector<6x768xf32>
    %max3A_89 = arith.constant 0.000000e+00 : f32
    %max3A_90 = vector.broadcast %max3A_89 : f32 to vector<6x768xf32>
    %max3A_91 = arith.maximumf %sub3A_88, %max3A_90 : vector<6x768xf32>
    %mul3A_92 = arith.mulf %max3A_91, %max3A_91 : vector<6x768xf32>
    %reduce_sum3A_93 = arith.constant dense<0.000000e+00> : vector<6xf32>
    %reduce_sum3A_94 = vector.multi_reduction <add>, %mul3A_92, %reduce_sum3A_93 [1] : vector<6x768xf32> to vector<6xf32>
    %broadcast_in_dim3A_95 = vector.shape_cast %reduce_sum3A_94 : vector<6xf32> to vector<6x1xf32>
    %sub3A_96 = arith.constant 1.000000e+00 : f32
    %sub3A_97 = vector.broadcast %sub3A_96 : f32 to vector<6x1xf32>
    %sub3A_98 = arith.subf %broadcast_in_dim3A_95, %sub3A_97 : vector<6x1xf32>
    %mul3A_99 = arith.mulf %sub3A_98, %select_n3A_81 : vector<6x1xf32>
    %ge3A_100 = arith.constant 0.000000e+00 : f32
    %ge3A_101 = vector.broadcast %ge3A_100 : f32 to vector<6x1xf32>
    %ge3A_102 = arith.cmpf oge, %mul3A_99, %ge3A_101 : vector<6x1xf32>
    %select_n3A_103 = arith.select %ge3A_102, %mul3A_86, %select_n3A_80 : vector<6x1xi1>, vector<6x1xf32>
    %select_n3A_104 = arith.select %ge3A_102, %sub3A_98, %select_n3A_81 : vector<6x1xi1>, vector<6x1xf32>
    %select_n3A_105 = arith.select %ge3A_102, %select_n3A_82, %mul3A_86 : vector<6x1xi1>, vector<6x1xf32>
    %add3A_106 = arith.addf %select_n3A_103, %select_n3A_105 : vector<6x1xf32>
    %mul3A_107 = arith.constant 5.000000e-01 : f32
    %mul3A_108 = vector.broadcast %mul3A_107 : f32 to vector<6x1xf32>
    %mul3A_109 = arith.mulf %mul3A_108, %add3A_106 : vector<6x1xf32>
    %sub3A_110 = vector.broadcast %mul3A_109 : vector<6x1xf32> to vector<6x768xf32>
    %sub3A_111 = arith.subf %mul3A_3, %sub3A_110 : vector<6x768xf32>
    %max3A_112 = arith.constant 0.000000e+00 : f32
    %max3A_113 = vector.broadcast %max3A_112 : f32 to vector<6x768xf32>
    %max3A_114 = arith.maximumf %sub3A_111, %max3A_113 : vector<6x768xf32>
    %mul3A_115 = arith.mulf %max3A_114, %max3A_114 : vector<6x768xf32>
    %reduce_sum3A_116 = arith.constant dense<0.000000e+00> : vector<6xf32>
    %reduce_sum3A_117 = vector.multi_reduction <add>, %mul3A_115, %reduce_sum3A_116 [1] : vector<6x768xf32> to vector<6xf32>
    %broadcast_in_dim3A_118 = vector.shape_cast %reduce_sum3A_117 : vector<6xf32> to vector<6x1xf32>
    %sub3A_119 = arith.constant 1.000000e+00 : f32
    %sub3A_120 = vector.broadcast %sub3A_119 : f32 to vector<6x1xf32>
    %sub3A_121 = arith.subf %broadcast_in_dim3A_118, %sub3A_120 : vector<6x1xf32>
    %mul3A_122 = arith.mulf %sub3A_121, %select_n3A_104 : vector<6x1xf32>
    %ge3A_123 = arith.constant 0.000000e+00 : f32
    %ge3A_124 = vector.broadcast %ge3A_123 : f32 to vector<6x1xf32>
    %ge3A_125 = arith.cmpf oge, %mul3A_122, %ge3A_124 : vector<6x1xf32>
    %select_n3A_126 = arith.select %ge3A_125, %mul3A_109, %select_n3A_103 : vector<6x1xi1>, vector<6x1xf32>
    %select_n3A_127 = arith.select %ge3A_125, %sub3A_121, %select_n3A_104 : vector<6x1xi1>, vector<6x1xf32>
    %select_n3A_128 = arith.select %ge3A_125, %select_n3A_105, %mul3A_109 : vector<6x1xi1>, vector<6x1xf32>
    %add3A_129 = arith.addf %select_n3A_126, %select_n3A_128 : vector<6x1xf32>
    %mul3A_130 = arith.constant 5.000000e-01 : f32
    %mul3A_131 = vector.broadcast %mul3A_130 : f32 to vector<6x1xf32>
    %mul3A_132 = arith.mulf %mul3A_131, %add3A_129 : vector<6x1xf32>
    %sub3A_133 = vector.broadcast %mul3A_132 : vector<6x1xf32> to vector<6x768xf32>
    %sub3A_134 = arith.subf %mul3A_3, %sub3A_133 : vector<6x768xf32>
    %max3A_135 = arith.constant 0.000000e+00 : f32
    %max3A_136 = vector.broadcast %max3A_135 : f32 to vector<6x768xf32>
    %max3A_137 = arith.maximumf %sub3A_134, %max3A_136 : vector<6x768xf32>
    %mul3A_138 = arith.mulf %max3A_137, %max3A_137 : vector<6x768xf32>
    %reduce_sum3A_139 = arith.constant dense<0.000000e+00> : vector<6xf32>
    %reduce_sum3A_140 = vector.multi_reduction <add>, %mul3A_138, %reduce_sum3A_139 [1] : vector<6x768xf32> to vector<6xf32>
    %broadcast_in_dim3A_141 = vector.shape_cast %reduce_sum3A_140 : vector<6xf32> to vector<6x1xf32>
    %sub3A_142 = arith.constant 1.000000e+00 : f32
    %sub3A_143 = vector.broadcast %sub3A_142 : f32 to vector<6x1xf32>
    %sub3A_144 = arith.subf %broadcast_in_dim3A_141, %sub3A_143 : vector<6x1xf32>
    %mul3A_145 = arith.mulf %sub3A_144, %select_n3A_127 : vector<6x1xf32>
    %ge3A_146 = arith.constant 0.000000e+00 : f32
    %ge3A_147 = vector.broadcast %ge3A_146 : f32 to vector<6x1xf32>
    %ge3A_148 = arith.cmpf oge, %mul3A_145, %ge3A_147 : vector<6x1xf32>
    %select_n3A_149 = arith.select %ge3A_148, %mul3A_132, %select_n3A_126 : vector<6x1xi1>, vector<6x1xf32>
    %select_n3A_150 = arith.select %ge3A_148, %sub3A_144, %select_n3A_127 : vector<6x1xi1>, vector<6x1xf32>
    %select_n3A_151 = arith.select %ge3A_148, %select_n3A_128, %mul3A_132 : vector<6x1xi1>, vector<6x1xf32>
    %add3A_152 = arith.addf %select_n3A_149, %select_n3A_151 : vector<6x1xf32>
    %mul3A_153 = arith.constant 5.000000e-01 : f32
    %mul3A_154 = vector.broadcast %mul3A_153 : f32 to vector<6x1xf32>
    %mul3A_155 = arith.mulf %mul3A_154, %add3A_152 : vector<6x1xf32>
    %sub3A_156 = vector.broadcast %mul3A_155 : vector<6x1xf32> to vector<6x768xf32>
    %sub3A_157 = arith.subf %mul3A_3, %sub3A_156 : vector<6x768xf32>
    %max3A_158 = arith.constant 0.000000e+00 : f32
    %max3A_159 = vector.broadcast %max3A_158 : f32 to vector<6x768xf32>
    %max3A_160 = arith.maximumf %sub3A_157, %max3A_159 : vector<6x768xf32>
    %mul3A_161 = arith.mulf %max3A_160, %max3A_160 : vector<6x768xf32>
    %reduce_sum3A_162 = arith.constant dense<0.000000e+00> : vector<6xf32>
    %reduce_sum3A_163 = vector.multi_reduction <add>, %mul3A_161, %reduce_sum3A_162 [1] : vector<6x768xf32> to vector<6xf32>
    %broadcast_in_dim3A_164 = vector.shape_cast %reduce_sum3A_163 : vector<6xf32> to vector<6x1xf32>
    %sub3A_165 = arith.constant 1.000000e+00 : f32
    %sub3A_166 = vector.broadcast %sub3A_165 : f32 to vector<6x1xf32>
    %sub3A_167 = arith.subf %broadcast_in_dim3A_164, %sub3A_166 : vector<6x1xf32>
    %mul3A_168 = arith.mulf %sub3A_167, %select_n3A_150 : vector<6x1xf32>
    %ge3A_169 = arith.constant 0.000000e+00 : f32
    %ge3A_170 = vector.broadcast %ge3A_169 : f32 to vector<6x1xf32>
    %ge3A_171 = arith.cmpf oge, %mul3A_168, %ge3A_170 : vector<6x1xf32>
    %select_n3A_172 = arith.select %ge3A_171, %mul3A_155, %select_n3A_149 : vector<6x1xi1>, vector<6x1xf32>
    %select_n3A_173 = arith.select %ge3A_171, %sub3A_167, %select_n3A_150 : vector<6x1xi1>, vector<6x1xf32>
    %select_n3A_174 = arith.select %ge3A_171, %select_n3A_151, %mul3A_155 : vector<6x1xi1>, vector<6x1xf32>
    %add3A_175 = arith.addf %select_n3A_172, %select_n3A_174 : vector<6x1xf32>
    %mul3A_176 = arith.constant 5.000000e-01 : f32
    %mul3A_177 = vector.broadcast %mul3A_176 : f32 to vector<6x1xf32>
    %mul3A_178 = arith.mulf %mul3A_177, %add3A_175 : vector<6x1xf32>
    %sub3A_179 = vector.broadcast %mul3A_178 : vector<6x1xf32> to vector<6x768xf32>
    %sub3A_180 = arith.subf %mul3A_3, %sub3A_179 : vector<6x768xf32>
    %max3A_181 = arith.constant 0.000000e+00 : f32
    %max3A_182 = vector.broadcast %max3A_181 : f32 to vector<6x768xf32>
    %max3A_183 = arith.maximumf %sub3A_180, %max3A_182 : vector<6x768xf32>
    %mul3A_184 = arith.mulf %max3A_183, %max3A_183 : vector<6x768xf32>
    %reduce_sum3A_185 = arith.constant dense<0.000000e+00> : vector<6xf32>
    %reduce_sum3A_186 = vector.multi_reduction <add>, %mul3A_184, %reduce_sum3A_185 [1] : vector<6x768xf32> to vector<6xf32>
    %broadcast_in_dim3A_187 = vector.shape_cast %reduce_sum3A_186 : vector<6xf32> to vector<6x1xf32>
    %sub3A_188 = arith.constant 1.000000e+00 : f32
    %sub3A_189 = vector.broadcast %sub3A_188 : f32 to vector<6x1xf32>
    %sub3A_190 = arith.subf %broadcast_in_dim3A_187, %sub3A_189 : vector<6x1xf32>
    %mul3A_191 = arith.mulf %sub3A_190, %select_n3A_173 : vector<6x1xf32>
    %ge3A_192 = arith.constant 0.000000e+00 : f32
    %ge3A_193 = vector.broadcast %ge3A_192 : f32 to vector<6x1xf32>
    %ge3A_194 = arith.cmpf oge, %mul3A_191, %ge3A_193 : vector<6x1xf32>
    %select_n3A_195 = arith.select %ge3A_194, %mul3A_178, %select_n3A_172 : vector<6x1xi1>, vector<6x1xf32>
    %select_n3A_196 = arith.select %ge3A_194, %sub3A_190, %select_n3A_173 : vector<6x1xi1>, vector<6x1xf32>
    %select_n3A_197 = arith.select %ge3A_194, %select_n3A_174, %mul3A_178 : vector<6x1xi1>, vector<6x1xf32>
    %add3A_198 = arith.addf %select_n3A_195, %select_n3A_197 : vector<6x1xf32>
    %mul3A_199 = arith.constant 5.000000e-01 : f32
    %mul3A_200 = vector.broadcast %mul3A_199 : f32 to vector<6x1xf32>
    %mul3A_201 = arith.mulf %mul3A_200, %add3A_198 : vector<6x1xf32>
    %sub3A_202 = vector.broadcast %mul3A_201 : vector<6x1xf32> to vector<6x768xf32>
    %sub3A_203 = arith.subf %mul3A_3, %sub3A_202 : vector<6x768xf32>
    %max3A_204 = arith.constant 0.000000e+00 : f32
    %max3A_205 = vector.broadcast %max3A_204 : f32 to vector<6x768xf32>
    %max3A_206 = arith.maximumf %sub3A_203, %max3A_205 : vector<6x768xf32>
    %mul3A_207 = arith.mulf %max3A_206, %max3A_206 : vector<6x768xf32>
    %reduce_sum3A_208 = arith.constant dense<0.000000e+00> : vector<6xf32>
    %reduce_sum3A_209 = vector.multi_reduction <add>, %mul3A_207, %reduce_sum3A_208 [1] : vector<6x768xf32> to vector<6xf32>
    %broadcast_in_dim3A_210 = vector.shape_cast %reduce_sum3A_209 : vector<6xf32> to vector<6x1xf32>
    %sub3A_211 = arith.constant 1.000000e+00 : f32
    %sub3A_212 = vector.broadcast %sub3A_211 : f32 to vector<6x1xf32>
    %sub3A_213 = arith.subf %broadcast_in_dim3A_210, %sub3A_212 : vector<6x1xf32>
    %mul3A_214 = arith.mulf %sub3A_213, %select_n3A_196 : vector<6x1xf32>
    %ge3A_215 = arith.constant 0.000000e+00 : f32
    %ge3A_216 = vector.broadcast %ge3A_215 : f32 to vector<6x1xf32>
    %ge3A_217 = arith.cmpf oge, %mul3A_214, %ge3A_216 : vector<6x1xf32>
    %select_n3A_218 = arith.select %ge3A_217, %mul3A_201, %select_n3A_195 : vector<6x1xi1>, vector<6x1xf32>
    %select_n3A_219 = arith.select %ge3A_217, %sub3A_213, %select_n3A_196 : vector<6x1xi1>, vector<6x1xf32>
    %select_n3A_220 = arith.select %ge3A_217, %select_n3A_197, %mul3A_201 : vector<6x1xi1>, vector<6x1xf32>
    %add3A_221 = arith.addf %select_n3A_218, %select_n3A_220 : vector<6x1xf32>
    %mul3A_222 = arith.constant 5.000000e-01 : f32
    %mul3A_223 = vector.broadcast %mul3A_222 : f32 to vector<6x1xf32>
    %mul3A_224 = arith.mulf %mul3A_223, %add3A_221 : vector<6x1xf32>
    %sub3A_225 = vector.broadcast %mul3A_224 : vector<6x1xf32> to vector<6x768xf32>
    %sub3A_226 = arith.subf %mul3A_3, %sub3A_225 : vector<6x768xf32>
    %max3A_227 = arith.constant 0.000000e+00 : f32
    %max3A_228 = vector.broadcast %max3A_227 : f32 to vector<6x768xf32>
    %max3A_229 = arith.maximumf %sub3A_226, %max3A_228 : vector<6x768xf32>
    %mul3A_230 = arith.mulf %max3A_229, %max3A_229 : vector<6x768xf32>
    %reduce_sum3A_231 = arith.constant dense<0.000000e+00> : vector<6xf32>
    %reduce_sum3A_232 = vector.multi_reduction <add>, %mul3A_230, %reduce_sum3A_231 [1] : vector<6x768xf32> to vector<6xf32>
    %broadcast_in_dim3A_233 = vector.shape_cast %reduce_sum3A_232 : vector<6xf32> to vector<6x1xf32>
    %sub3A_234 = arith.constant 1.000000e+00 : f32
    %sub3A_235 = vector.broadcast %sub3A_234 : f32 to vector<6x1xf32>
    %sub3A_236 = arith.subf %broadcast_in_dim3A_233, %sub3A_235 : vector<6x1xf32>
    %mul3A_237 = arith.mulf %sub3A_236, %select_n3A_219 : vector<6x1xf32>
    %ge3A_238 = arith.constant 0.000000e+00 : f32
    %ge3A_239 = vector.broadcast %ge3A_238 : f32 to vector<6x1xf32>
    %ge3A_240 = arith.cmpf oge, %mul3A_237, %ge3A_239 : vector<6x1xf32>
    %select_n3A_241 = arith.select %ge3A_240, %mul3A_224, %select_n3A_218 : vector<6x1xi1>, vector<6x1xf32>
    %select_n3A_242 = arith.select %ge3A_240, %sub3A_236, %select_n3A_219 : vector<6x1xi1>, vector<6x1xf32>
    %select_n3A_243 = arith.select %ge3A_240, %select_n3A_220, %mul3A_224 : vector<6x1xi1>, vector<6x1xf32>
    %add3A_244 = arith.addf %select_n3A_241, %select_n3A_243 : vector<6x1xf32>
    %mul3A_245 = arith.constant 5.000000e-01 : f32
    %mul3A_246 = vector.broadcast %mul3A_245 : f32 to vector<6x1xf32>
    %mul3A_247 = arith.mulf %mul3A_246, %add3A_244 : vector<6x1xf32>
    %sub3A_248 = vector.broadcast %mul3A_247 : vector<6x1xf32> to vector<6x768xf32>
    %sub3A_249 = arith.subf %mul3A_3, %sub3A_248 : vector<6x768xf32>
    %max3A_250 = arith.constant 0.000000e+00 : f32
    %max3A_251 = vector.broadcast %max3A_250 : f32 to vector<6x768xf32>
    %max3A_252 = arith.maximumf %sub3A_249, %max3A_251 : vector<6x768xf32>
    %mul3A_253 = arith.mulf %max3A_252, %max3A_252 : vector<6x768xf32>
    %reduce_sum3A_254 = arith.constant dense<0.000000e+00> : vector<6xf32>
    %reduce_sum3A_255 = vector.multi_reduction <add>, %mul3A_253, %reduce_sum3A_254 [1] : vector<6x768xf32> to vector<6xf32>
    %broadcast_in_dim3A_256 = vector.shape_cast %reduce_sum3A_255 : vector<6xf32> to vector<6x1xf32>
    %sub3A_257 = arith.constant 1.000000e+00 : f32
    %sub3A_258 = vector.broadcast %sub3A_257 : f32 to vector<6x1xf32>
    %sub3A_259 = arith.subf %broadcast_in_dim3A_256, %sub3A_258 : vector<6x1xf32>
    %mul3A_260 = arith.mulf %sub3A_259, %select_n3A_242 : vector<6x1xf32>
    %ge3A_261 = arith.constant 0.000000e+00 : f32
    %ge3A_262 = vector.broadcast %ge3A_261 : f32 to vector<6x1xf32>
    %ge3A_263 = arith.cmpf oge, %mul3A_260, %ge3A_262 : vector<6x1xf32>
    %select_n3A_264 = arith.select %ge3A_263, %mul3A_247, %select_n3A_241 : vector<6x1xi1>, vector<6x1xf32>
    %select_n3A_265 = arith.select %ge3A_263, %sub3A_259, %select_n3A_242 : vector<6x1xi1>, vector<6x1xf32>
    %select_n3A_266 = arith.select %ge3A_263, %select_n3A_243, %mul3A_247 : vector<6x1xi1>, vector<6x1xf32>
    %add3A_267 = arith.addf %select_n3A_264, %select_n3A_266 : vector<6x1xf32>
    %mul3A_268 = arith.constant 5.000000e-01 : f32
    %mul3A_269 = vector.broadcast %mul3A_268 : f32 to vector<6x1xf32>
    %mul3A_270 = arith.mulf %mul3A_269, %add3A_267 : vector<6x1xf32>
    %sub3A_271 = vector.broadcast %mul3A_270 : vector<6x1xf32> to vector<6x768xf32>
    %sub3A_272 = arith.subf %mul3A_3, %sub3A_271 : vector<6x768xf32>
    %max3A_273 = arith.constant 0.000000e+00 : f32
    %max3A_274 = vector.broadcast %max3A_273 : f32 to vector<6x768xf32>
    %max3A_275 = arith.maximumf %sub3A_272, %max3A_274 : vector<6x768xf32>
    %mul3A_276 = arith.mulf %max3A_275, %max3A_275 : vector<6x768xf32>
    %reduce_sum3A_277 = arith.constant dense<0.000000e+00> : vector<6xf32>
    %reduce_sum3A_278 = vector.multi_reduction <add>, %mul3A_276, %reduce_sum3A_277 [1] : vector<6x768xf32> to vector<6xf32>
    %broadcast_in_dim3A_279 = vector.shape_cast %reduce_sum3A_278 : vector<6xf32> to vector<6x1xf32>
    %sub3A_280 = arith.constant 1.000000e+00 : f32
    %sub3A_281 = vector.broadcast %sub3A_280 : f32 to vector<6x1xf32>
    %sub3A_282 = arith.subf %broadcast_in_dim3A_279, %sub3A_281 : vector<6x1xf32>
    %mul3A_283 = arith.mulf %sub3A_282, %select_n3A_265 : vector<6x1xf32>
    %ge3A_284 = arith.constant 0.000000e+00 : f32
    %ge3A_285 = vector.broadcast %ge3A_284 : f32 to vector<6x1xf32>
    %ge3A_286 = arith.cmpf oge, %mul3A_283, %ge3A_285 : vector<6x1xf32>
    %select_n3A_287 = arith.select %ge3A_286, %mul3A_270, %select_n3A_264 : vector<6x1xi1>, vector<6x1xf32>
    %select_n3A_288 = arith.select %ge3A_286, %sub3A_282, %select_n3A_265 : vector<6x1xi1>, vector<6x1xf32>
    %select_n3A_289 = arith.select %ge3A_286, %select_n3A_266, %mul3A_270 : vector<6x1xi1>, vector<6x1xf32>
    %add3A_290 = arith.addf %select_n3A_287, %select_n3A_289 : vector<6x1xf32>
    %mul3A_291 = arith.constant 5.000000e-01 : f32
    %mul3A_292 = vector.broadcast %mul3A_291 : f32 to vector<6x1xf32>
    %mul3A_293 = arith.mulf %mul3A_292, %add3A_290 : vector<6x1xf32>
    %sub3A_294 = vector.broadcast %mul3A_293 : vector<6x1xf32> to vector<6x768xf32>
    %sub3A_295 = arith.subf %mul3A_3, %sub3A_294 : vector<6x768xf32>
    %max3A_296 = arith.constant 0.000000e+00 : f32
    %max3A_297 = vector.broadcast %max3A_296 : f32 to vector<6x768xf32>
    %max3A_298 = arith.maximumf %sub3A_295, %max3A_297 : vector<6x768xf32>
    %mul3A_299 = arith.mulf %max3A_298, %max3A_298 : vector<6x768xf32>
    %reduce_sum3A_300 = arith.constant dense<0.000000e+00> : vector<6xf32>
    %reduce_sum3A_301 = vector.multi_reduction <add>, %mul3A_299, %reduce_sum3A_300 [1] : vector<6x768xf32> to vector<6xf32>
    %broadcast_in_dim3A_302 = vector.shape_cast %reduce_sum3A_301 : vector<6xf32> to vector<6x1xf32>
    %sub3A_303 = arith.constant 1.000000e+00 : f32
    %sub3A_304 = vector.broadcast %sub3A_303 : f32 to vector<6x1xf32>
    %sub3A_305 = arith.subf %broadcast_in_dim3A_302, %sub3A_304 : vector<6x1xf32>
    %mul3A_306 = arith.mulf %sub3A_305, %select_n3A_288 : vector<6x1xf32>
    %ge3A_307 = arith.constant 0.000000e+00 : f32
    %ge3A_308 = vector.broadcast %ge3A_307 : f32 to vector<6x1xf32>
    %ge3A_309 = arith.cmpf oge, %mul3A_306, %ge3A_308 : vector<6x1xf32>
    %select_n3A_310 = arith.select %ge3A_309, %mul3A_293, %select_n3A_287 : vector<6x1xi1>, vector<6x1xf32>
    %select_n3A_311 = arith.select %ge3A_309, %sub3A_305, %select_n3A_288 : vector<6x1xi1>, vector<6x1xf32>
    %select_n3A_312 = arith.select %ge3A_309, %select_n3A_289, %mul3A_293 : vector<6x1xi1>, vector<6x1xf32>
    %add3A_313 = arith.addf %select_n3A_310, %select_n3A_312 : vector<6x1xf32>
    %mul3A_314 = arith.constant 5.000000e-01 : f32
    %mul3A_315 = vector.broadcast %mul3A_314 : f32 to vector<6x1xf32>
    %mul3A_316 = arith.mulf %mul3A_315, %add3A_313 : vector<6x1xf32>
    %sub3A_317 = vector.broadcast %mul3A_316 : vector<6x1xf32> to vector<6x768xf32>
    %sub3A_318 = arith.subf %mul3A_3, %sub3A_317 : vector<6x768xf32>
    %max3A_319 = arith.constant 0.000000e+00 : f32
    %max3A_320 = vector.broadcast %max3A_319 : f32 to vector<6x768xf32>
    %max3A_321 = arith.maximumf %sub3A_318, %max3A_320 : vector<6x768xf32>
    %mul3A_322 = arith.mulf %max3A_321, %max3A_321 : vector<6x768xf32>
    %reduce_sum3A_323 = arith.constant dense<0.000000e+00> : vector<6xf32>
    %reduce_sum3A_324 = vector.multi_reduction <add>, %mul3A_322, %reduce_sum3A_323 [1] : vector<6x768xf32> to vector<6xf32>
    %broadcast_in_dim3A_325 = vector.shape_cast %reduce_sum3A_324 : vector<6xf32> to vector<6x1xf32>
    %sub3A_326 = arith.constant 1.000000e+00 : f32
    %sub3A_327 = vector.broadcast %sub3A_326 : f32 to vector<6x1xf32>
    %sub3A_328 = arith.subf %broadcast_in_dim3A_325, %sub3A_327 : vector<6x1xf32>
    %mul3A_329 = arith.mulf %sub3A_328, %select_n3A_311 : vector<6x1xf32>
    %ge3A_330 = arith.constant 0.000000e+00 : f32
    %ge3A_331 = vector.broadcast %ge3A_330 : f32 to vector<6x1xf32>
    %ge3A_332 = arith.cmpf oge, %mul3A_329, %ge3A_331 : vector<6x1xf32>
    %select_n3A_333 = arith.select %ge3A_332, %mul3A_316, %select_n3A_310 : vector<6x1xi1>, vector<6x1xf32>
    %select_n3A_334 = arith.select %ge3A_332, %sub3A_328, %select_n3A_311 : vector<6x1xi1>, vector<6x1xf32>
    %select_n3A_335 = arith.select %ge3A_332, %select_n3A_312, %mul3A_316 : vector<6x1xi1>, vector<6x1xf32>
    %add3A_336 = arith.addf %select_n3A_333, %select_n3A_335 : vector<6x1xf32>
    %mul3A_337 = arith.constant 5.000000e-01 : f32
    %mul3A_338 = vector.broadcast %mul3A_337 : f32 to vector<6x1xf32>
    %mul3A_339 = arith.mulf %mul3A_338, %add3A_336 : vector<6x1xf32>
    %sub3A_340 = vector.broadcast %mul3A_339 : vector<6x1xf32> to vector<6x768xf32>
    %sub3A_341 = arith.subf %mul3A_3, %sub3A_340 : vector<6x768xf32>
    %max3A_342 = arith.constant 0.000000e+00 : f32
    %max3A_343 = vector.broadcast %max3A_342 : f32 to vector<6x768xf32>
    %max3A_344 = arith.maximumf %sub3A_341, %max3A_343 : vector<6x768xf32>
    %mul3A_345 = arith.mulf %max3A_344, %max3A_344 : vector<6x768xf32>
    %reduce_sum3A_346 = arith.constant dense<0.000000e+00> : vector<6xf32>
    %reduce_sum3A_347 = vector.multi_reduction <add>, %mul3A_345, %reduce_sum3A_346 [1] : vector<6x768xf32> to vector<6xf32>
    %broadcast_in_dim3A_348 = vector.shape_cast %reduce_sum3A_347 : vector<6xf32> to vector<6x1xf32>
    %sub3A_349 = arith.constant 1.000000e+00 : f32
    %sub3A_350 = vector.broadcast %sub3A_349 : f32 to vector<6x1xf32>
    %sub3A_351 = arith.subf %broadcast_in_dim3A_348, %sub3A_350 : vector<6x1xf32>
    %mul3A_352 = arith.mulf %sub3A_351, %select_n3A_334 : vector<6x1xf32>
    %ge3A_353 = arith.constant 0.000000e+00 : f32
    %ge3A_354 = vector.broadcast %ge3A_353 : f32 to vector<6x1xf32>
    %ge3A_355 = arith.cmpf oge, %mul3A_352, %ge3A_354 : vector<6x1xf32>
    %select_n3A_356 = arith.select %ge3A_355, %mul3A_339, %select_n3A_333 : vector<6x1xi1>, vector<6x1xf32>
    %select_n3A_357 = arith.select %ge3A_355, %sub3A_351, %select_n3A_334 : vector<6x1xi1>, vector<6x1xf32>
    %select_n3A_358 = arith.select %ge3A_355, %select_n3A_335, %mul3A_339 : vector<6x1xi1>, vector<6x1xf32>
    %add3A_359 = arith.addf %select_n3A_356, %select_n3A_358 : vector<6x1xf32>
    %mul3A_360 = arith.constant 5.000000e-01 : f32
    %mul3A_361 = vector.broadcast %mul3A_360 : f32 to vector<6x1xf32>
    %mul3A_362 = arith.mulf %mul3A_361, %add3A_359 : vector<6x1xf32>
    %sub3A_363 = vector.broadcast %mul3A_362 : vector<6x1xf32> to vector<6x768xf32>
    %sub3A_364 = arith.subf %mul3A_3, %sub3A_363 : vector<6x768xf32>
    %max3A_365 = arith.constant 0.000000e+00 : f32
    %max3A_366 = vector.broadcast %max3A_365 : f32 to vector<6x768xf32>
    %max3A_367 = arith.maximumf %sub3A_364, %max3A_366 : vector<6x768xf32>
    %mul3A_368 = arith.mulf %max3A_367, %max3A_367 : vector<6x768xf32>
    %reduce_sum3A_369 = arith.constant dense<0.000000e+00> : vector<6xf32>
    %reduce_sum3A_370 = vector.multi_reduction <add>, %mul3A_368, %reduce_sum3A_369 [1] : vector<6x768xf32> to vector<6xf32>
    %broadcast_in_dim3A_371 = vector.shape_cast %reduce_sum3A_370 : vector<6xf32> to vector<6x1xf32>
    %sub3A_372 = arith.constant 1.000000e+00 : f32
    %sub3A_373 = vector.broadcast %sub3A_372 : f32 to vector<6x1xf32>
    %sub3A_374 = arith.subf %broadcast_in_dim3A_371, %sub3A_373 : vector<6x1xf32>
    %mul3A_375 = arith.mulf %sub3A_374, %select_n3A_357 : vector<6x1xf32>
    %ge3A_376 = arith.constant 0.000000e+00 : f32
    %ge3A_377 = vector.broadcast %ge3A_376 : f32 to vector<6x1xf32>
    %ge3A_378 = arith.cmpf oge, %mul3A_375, %ge3A_377 : vector<6x1xf32>
    %select_n3A_379 = arith.select %ge3A_378, %mul3A_362, %select_n3A_356 : vector<6x1xi1>, vector<6x1xf32>
    %select_n3A_380 = arith.select %ge3A_378, %sub3A_374, %select_n3A_357 : vector<6x1xi1>, vector<6x1xf32>
    %select_n3A_381 = arith.select %ge3A_378, %select_n3A_358, %mul3A_362 : vector<6x1xi1>, vector<6x1xf32>
    %add3A_382 = arith.addf %select_n3A_379, %select_n3A_381 : vector<6x1xf32>
    %mul3A_383 = arith.constant 5.000000e-01 : f32
    %mul3A_384 = vector.broadcast %mul3A_383 : f32 to vector<6x1xf32>
    %mul3A_385 = arith.mulf %mul3A_384, %add3A_382 : vector<6x1xf32>
    %sub3A_386 = vector.broadcast %mul3A_385 : vector<6x1xf32> to vector<6x768xf32>
    %sub3A_387 = arith.subf %mul3A_3, %sub3A_386 : vector<6x768xf32>
    %max3A_388 = arith.constant 0.000000e+00 : f32
    %max3A_389 = vector.broadcast %max3A_388 : f32 to vector<6x768xf32>
    %max3A_390 = arith.maximumf %sub3A_387, %max3A_389 : vector<6x768xf32>
    %mul3A_391 = arith.mulf %max3A_390, %max3A_390 : vector<6x768xf32>
    %reduce_sum3A_392 = arith.constant dense<0.000000e+00> : vector<6xf32>
    %reduce_sum3A_393 = vector.multi_reduction <add>, %mul3A_391, %reduce_sum3A_392 [1] : vector<6x768xf32> to vector<6xf32>
    %broadcast_in_dim3A_394 = vector.shape_cast %reduce_sum3A_393 : vector<6xf32> to vector<6x1xf32>
    %sub3A_395 = arith.constant 1.000000e+00 : f32
    %sub3A_396 = vector.broadcast %sub3A_395 : f32 to vector<6x1xf32>
    %sub3A_397 = arith.subf %broadcast_in_dim3A_394, %sub3A_396 : vector<6x1xf32>
    %mul3A_398 = arith.mulf %sub3A_397, %select_n3A_380 : vector<6x1xf32>
    %ge3A_399 = arith.constant 0.000000e+00 : f32
    %ge3A_400 = vector.broadcast %ge3A_399 : f32 to vector<6x1xf32>
    %ge3A_401 = arith.cmpf oge, %mul3A_398, %ge3A_400 : vector<6x1xf32>
    %select_n3A_402 = arith.select %ge3A_401, %mul3A_385, %select_n3A_379 : vector<6x1xi1>, vector<6x1xf32>
    %select_n3A_403 = arith.select %ge3A_401, %sub3A_397, %select_n3A_380 : vector<6x1xi1>, vector<6x1xf32>
    %select_n3A_404 = arith.select %ge3A_401, %select_n3A_381, %mul3A_385 : vector<6x1xi1>, vector<6x1xf32>
    %add3A_405 = arith.addf %select_n3A_402, %select_n3A_404 : vector<6x1xf32>
    %mul3A_406 = arith.constant 5.000000e-01 : f32
    %mul3A_407 = vector.broadcast %mul3A_406 : f32 to vector<6x1xf32>
    %mul3A_408 = arith.mulf %mul3A_407, %add3A_405 : vector<6x1xf32>
    %sub3A_409 = vector.broadcast %mul3A_408 : vector<6x1xf32> to vector<6x768xf32>
    %sub3A_410 = arith.subf %mul3A_3, %sub3A_409 : vector<6x768xf32>
    %max3A_411 = arith.constant 0.000000e+00 : f32
    %max3A_412 = vector.broadcast %max3A_411 : f32 to vector<6x768xf32>
    %max3A_413 = arith.maximumf %sub3A_410, %max3A_412 : vector<6x768xf32>
    %mul3A_414 = arith.mulf %max3A_413, %max3A_413 : vector<6x768xf32>
    %reduce_sum3A_415 = arith.constant dense<0.000000e+00> : vector<6xf32>
    %reduce_sum3A_416 = vector.multi_reduction <add>, %mul3A_414, %reduce_sum3A_415 [1] : vector<6x768xf32> to vector<6xf32>
    %broadcast_in_dim3A_417 = vector.shape_cast %reduce_sum3A_416 : vector<6xf32> to vector<6x1xf32>
    %sub3A_418 = arith.constant 1.000000e+00 : f32
    %sub3A_419 = vector.broadcast %sub3A_418 : f32 to vector<6x1xf32>
    %sub3A_420 = arith.subf %broadcast_in_dim3A_417, %sub3A_419 : vector<6x1xf32>
    %mul3A_421 = arith.mulf %sub3A_420, %select_n3A_403 : vector<6x1xf32>
    %ge3A_422 = arith.constant 0.000000e+00 : f32
    %ge3A_423 = vector.broadcast %ge3A_422 : f32 to vector<6x1xf32>
    %ge3A_424 = arith.cmpf oge, %mul3A_421, %ge3A_423 : vector<6x1xf32>
    %select_n3A_425 = arith.select %ge3A_424, %mul3A_408, %select_n3A_402 : vector<6x1xi1>, vector<6x1xf32>
    %select_n3A_426 = arith.select %ge3A_424, %sub3A_420, %select_n3A_403 : vector<6x1xi1>, vector<6x1xf32>
    %select_n3A_427 = arith.select %ge3A_424, %select_n3A_404, %mul3A_408 : vector<6x1xi1>, vector<6x1xf32>
    %add3A_428 = arith.addf %select_n3A_425, %select_n3A_427 : vector<6x1xf32>
    %mul3A_429 = arith.constant 5.000000e-01 : f32
    %mul3A_430 = vector.broadcast %mul3A_429 : f32 to vector<6x1xf32>
    %mul3A_431 = arith.mulf %mul3A_430, %add3A_428 : vector<6x1xf32>
    %sub3A_432 = vector.broadcast %mul3A_431 : vector<6x1xf32> to vector<6x768xf32>
    %sub3A_433 = arith.subf %mul3A_3, %sub3A_432 : vector<6x768xf32>
    %max3A_434 = arith.constant 0.000000e+00 : f32
    %max3A_435 = vector.broadcast %max3A_434 : f32 to vector<6x768xf32>
    %max3A_436 = arith.maximumf %sub3A_433, %max3A_435 : vector<6x768xf32>
    %mul3A_437 = arith.mulf %max3A_436, %max3A_436 : vector<6x768xf32>
    %reduce_sum3A_438 = arith.constant dense<0.000000e+00> : vector<6xf32>
    %reduce_sum3A_439 = vector.multi_reduction <add>, %mul3A_437, %reduce_sum3A_438 [1] : vector<6x768xf32> to vector<6xf32>
    %broadcast_in_dim3A_440 = vector.shape_cast %reduce_sum3A_439 : vector<6xf32> to vector<6x1xf32>
    %sub3A_441 = arith.constant 1.000000e+00 : f32
    %sub3A_442 = vector.broadcast %sub3A_441 : f32 to vector<6x1xf32>
    %sub3A_443 = arith.subf %broadcast_in_dim3A_440, %sub3A_442 : vector<6x1xf32>
    %mul3A_444 = arith.mulf %sub3A_443, %select_n3A_426 : vector<6x1xf32>
    %ge3A_445 = arith.constant 0.000000e+00 : f32
    %ge3A_446 = vector.broadcast %ge3A_445 : f32 to vector<6x1xf32>
    %ge3A_447 = arith.cmpf oge, %mul3A_444, %ge3A_446 : vector<6x1xf32>
    %select_n3A_448 = arith.select %ge3A_447, %mul3A_431, %select_n3A_425 : vector<6x1xi1>, vector<6x1xf32>
    %select_n3A_449 = arith.select %ge3A_447, %sub3A_443, %select_n3A_426 : vector<6x1xi1>, vector<6x1xf32>
    %select_n3A_450 = arith.select %ge3A_447, %select_n3A_427, %mul3A_431 : vector<6x1xi1>, vector<6x1xf32>
    %add3A_451 = arith.addf %select_n3A_448, %select_n3A_450 : vector<6x1xf32>
    %mul3A_452 = arith.constant 5.000000e-01 : f32
    %mul3A_453 = vector.broadcast %mul3A_452 : f32 to vector<6x1xf32>
    %mul3A_454 = arith.mulf %mul3A_453, %add3A_451 : vector<6x1xf32>
    %sub3A_455 = vector.broadcast %mul3A_454 : vector<6x1xf32> to vector<6x768xf32>
    %sub3A_456 = arith.subf %mul3A_3, %sub3A_455 : vector<6x768xf32>
    %max3A_457 = arith.constant 0.000000e+00 : f32
    %max3A_458 = vector.broadcast %max3A_457 : f32 to vector<6x768xf32>
    %max3A_459 = arith.maximumf %sub3A_456, %max3A_458 : vector<6x768xf32>
    %mul3A_460 = arith.mulf %max3A_459, %max3A_459 : vector<6x768xf32>
    %reduce_sum3A_461 = arith.constant dense<0.000000e+00> : vector<6xf32>
    %reduce_sum3A_462 = vector.multi_reduction <add>, %mul3A_460, %reduce_sum3A_461 [1] : vector<6x768xf32> to vector<6xf32>
    %broadcast_in_dim3A_463 = vector.shape_cast %reduce_sum3A_462 : vector<6xf32> to vector<6x1xf32>
    %sub3A_464 = arith.constant 1.000000e+00 : f32
    %sub3A_465 = vector.broadcast %sub3A_464 : f32 to vector<6x1xf32>
    %sub3A_466 = arith.subf %broadcast_in_dim3A_463, %sub3A_465 : vector<6x1xf32>
    %mul3A_467 = arith.mulf %sub3A_466, %select_n3A_449 : vector<6x1xf32>
    %ge3A_468 = arith.constant 0.000000e+00 : f32
    %ge3A_469 = vector.broadcast %ge3A_468 : f32 to vector<6x1xf32>
    %ge3A_470 = arith.cmpf oge, %mul3A_467, %ge3A_469 : vector<6x1xf32>
    %select_n3A_471 = arith.select %ge3A_470, %mul3A_454, %select_n3A_448 : vector<6x1xi1>, vector<6x1xf32>
    %select_n3A_472 = arith.select %ge3A_470, %sub3A_466, %select_n3A_449 : vector<6x1xi1>, vector<6x1xf32>
    %select_n3A_473 = arith.select %ge3A_470, %select_n3A_450, %mul3A_454 : vector<6x1xi1>, vector<6x1xf32>
    %add3A_474 = arith.addf %select_n3A_471, %select_n3A_473 : vector<6x1xf32>
    %mul3A_475 = arith.constant 5.000000e-01 : f32
    %mul3A_476 = vector.broadcast %mul3A_475 : f32 to vector<6x1xf32>
    %mul3A_477 = arith.mulf %mul3A_476, %add3A_474 : vector<6x1xf32>
    %sub3A_478 = vector.broadcast %mul3A_477 : vector<6x1xf32> to vector<6x768xf32>
    %sub3A_479 = arith.subf %mul3A_3, %sub3A_478 : vector<6x768xf32>
    %max3A_480 = arith.constant 0.000000e+00 : f32
    %max3A_481 = vector.broadcast %max3A_480 : f32 to vector<6x768xf32>
    %max3A_482 = arith.maximumf %sub3A_479, %max3A_481 : vector<6x768xf32>
    %mul3A_483 = arith.mulf %max3A_482, %max3A_482 : vector<6x768xf32>
    %reduce_sum3A_484 = arith.constant dense<0.000000e+00> : vector<6xf32>
    %reduce_sum3A_485 = vector.multi_reduction <add>, %mul3A_483, %reduce_sum3A_484 [1] : vector<6x768xf32> to vector<6xf32>
    %broadcast_in_dim3A_486 = vector.shape_cast %reduce_sum3A_485 : vector<6xf32> to vector<6x1xf32>
    %sub3A_487 = arith.constant 1.000000e+00 : f32
    %sub3A_488 = vector.broadcast %sub3A_487 : f32 to vector<6x1xf32>
    %sub3A_489 = arith.subf %broadcast_in_dim3A_486, %sub3A_488 : vector<6x1xf32>
    %mul3A_490 = arith.mulf %sub3A_489, %select_n3A_472 : vector<6x1xf32>
    %ge3A_491 = arith.constant 0.000000e+00 : f32
    %ge3A_492 = vector.broadcast %ge3A_491 : f32 to vector<6x1xf32>
    %ge3A_493 = arith.cmpf oge, %mul3A_490, %ge3A_492 : vector<6x1xf32>
    %select_n3A_494 = arith.select %ge3A_493, %mul3A_477, %select_n3A_471 : vector<6x1xi1>, vector<6x1xf32>
    %select_n3A_495 = arith.select %ge3A_493, %sub3A_489, %select_n3A_472 : vector<6x1xi1>, vector<6x1xf32>
    %select_n3A_496 = arith.select %ge3A_493, %select_n3A_473, %mul3A_477 : vector<6x1xi1>, vector<6x1xf32>
    %add3A_497 = arith.addf %select_n3A_494, %select_n3A_496 : vector<6x1xf32>
    %mul3A_498 = arith.constant 5.000000e-01 : f32
    %mul3A_499 = vector.broadcast %mul3A_498 : f32 to vector<6x1xf32>
    %mul3A_500 = arith.mulf %mul3A_499, %add3A_497 : vector<6x1xf32>
    %sub3A_501 = vector.broadcast %mul3A_500 : vector<6x1xf32> to vector<6x768xf32>
    %sub3A_502 = arith.subf %mul3A_3, %sub3A_501 : vector<6x768xf32>
    %max3A_503 = arith.constant 0.000000e+00 : f32
    %max3A_504 = vector.broadcast %max3A_503 : f32 to vector<6x768xf32>
    %max3A_505 = arith.maximumf %sub3A_502, %max3A_504 : vector<6x768xf32>
    %mul3A_506 = arith.mulf %max3A_505, %max3A_505 : vector<6x768xf32>
    %reduce_sum3A_507 = arith.constant dense<0.000000e+00> : vector<6xf32>
    %reduce_sum3A_508 = vector.multi_reduction <add>, %mul3A_506, %reduce_sum3A_507 [1] : vector<6x768xf32> to vector<6xf32>
    %broadcast_in_dim3A_509 = vector.shape_cast %reduce_sum3A_508 : vector<6xf32> to vector<6x1xf32>
    %sub3A_510 = arith.constant 1.000000e+00 : f32
    %sub3A_511 = vector.broadcast %sub3A_510 : f32 to vector<6x1xf32>
    %sub3A_512 = arith.subf %broadcast_in_dim3A_509, %sub3A_511 : vector<6x1xf32>
    %mul3A_513 = arith.mulf %sub3A_512, %select_n3A_495 : vector<6x1xf32>
    %ge3A_514 = arith.constant 0.000000e+00 : f32
    %ge3A_515 = vector.broadcast %ge3A_514 : f32 to vector<6x1xf32>
    %ge3A_516 = arith.cmpf oge, %mul3A_513, %ge3A_515 : vector<6x1xf32>
    %select_n3A_517 = arith.select %ge3A_516, %mul3A_500, %select_n3A_494 : vector<6x1xi1>, vector<6x1xf32>
    %select_n3A_518 = arith.select %ge3A_516, %sub3A_512, %select_n3A_495 : vector<6x1xi1>, vector<6x1xf32>
    %select_n3A_519 = arith.select %ge3A_516, %select_n3A_496, %mul3A_500 : vector<6x1xi1>, vector<6x1xf32>
    %add3A_520 = arith.addf %select_n3A_517, %select_n3A_519 : vector<6x1xf32>
    %mul3A_521 = arith.constant 5.000000e-01 : f32
    %mul3A_522 = vector.broadcast %mul3A_521 : f32 to vector<6x1xf32>
    %mul3A_523 = arith.mulf %mul3A_522, %add3A_520 : vector<6x1xf32>
    %sub3A_524 = vector.broadcast %mul3A_523 : vector<6x1xf32> to vector<6x768xf32>
    %sub3A_525 = arith.subf %mul3A_3, %sub3A_524 : vector<6x768xf32>
    %max3A_526 = arith.constant 0.000000e+00 : f32
    %max3A_527 = vector.broadcast %max3A_526 : f32 to vector<6x768xf32>
    %max3A_528 = arith.maximumf %sub3A_525, %max3A_527 : vector<6x768xf32>
    %mul3A_529 = arith.mulf %max3A_528, %max3A_528 : vector<6x768xf32>
    %reduce_sum3A_530 = arith.constant dense<0.000000e+00> : vector<6xf32>
    %reduce_sum3A_531 = vector.multi_reduction <add>, %mul3A_529, %reduce_sum3A_530 [1] : vector<6x768xf32> to vector<6xf32>
    %broadcast_in_dim3A_532 = vector.shape_cast %reduce_sum3A_531 : vector<6xf32> to vector<6x1xf32>
    %sub3A_533 = arith.constant 1.000000e+00 : f32
    %sub3A_534 = vector.broadcast %sub3A_533 : f32 to vector<6x1xf32>
    %sub3A_535 = arith.subf %broadcast_in_dim3A_532, %sub3A_534 : vector<6x1xf32>
    %mul3A_536 = arith.mulf %sub3A_535, %select_n3A_518 : vector<6x1xf32>
    %ge3A_537 = arith.constant 0.000000e+00 : f32
    %ge3A_538 = vector.broadcast %ge3A_537 : f32 to vector<6x1xf32>
    %ge3A_539 = arith.cmpf oge, %mul3A_536, %ge3A_538 : vector<6x1xf32>
    %select_n3A_540 = arith.select %ge3A_539, %mul3A_523, %select_n3A_517 : vector<6x1xi1>, vector<6x1xf32>
    %select_n3A_541 = arith.select %ge3A_539, %sub3A_535, %select_n3A_518 : vector<6x1xi1>, vector<6x1xf32>
    %select_n3A_542 = arith.select %ge3A_539, %select_n3A_519, %mul3A_523 : vector<6x1xi1>, vector<6x1xf32>
    %add3A_543 = arith.addf %select_n3A_540, %select_n3A_542 : vector<6x1xf32>
    %mul3A_544 = arith.constant 5.000000e-01 : f32
    %mul3A_545 = vector.broadcast %mul3A_544 : f32 to vector<6x1xf32>
    %mul3A_546 = arith.mulf %mul3A_545, %add3A_543 : vector<6x1xf32>
    %sub3A_547 = vector.broadcast %mul3A_546 : vector<6x1xf32> to vector<6x768xf32>
    %sub3A_548 = arith.subf %mul3A_3, %sub3A_547 : vector<6x768xf32>
    %max3A_549 = arith.constant 0.000000e+00 : f32
    %max3A_550 = vector.broadcast %max3A_549 : f32 to vector<6x768xf32>
    %max3A_551 = arith.maximumf %sub3A_548, %max3A_550 : vector<6x768xf32>
    %mul3A_552 = arith.mulf %max3A_551, %max3A_551 : vector<6x768xf32>
    %reduce_sum3A_553 = arith.constant dense<0.000000e+00> : vector<6xf32>
    %reduce_sum3A_554 = vector.multi_reduction <add>, %mul3A_552, %reduce_sum3A_553 [1] : vector<6x768xf32> to vector<6xf32>
    %broadcast_in_dim3A_555 = vector.shape_cast %reduce_sum3A_554 : vector<6xf32> to vector<6x1xf32>
    %sub3A_556 = arith.constant 1.000000e+00 : f32
    %sub3A_557 = vector.broadcast %sub3A_556 : f32 to vector<6x1xf32>
    %sub3A_558 = arith.subf %broadcast_in_dim3A_555, %sub3A_557 : vector<6x1xf32>
    %mul3A_559 = arith.mulf %sub3A_558, %select_n3A_541 : vector<6x1xf32>
    %ge3A_560 = arith.constant 0.000000e+00 : f32
    %ge3A_561 = vector.broadcast %ge3A_560 : f32 to vector<6x1xf32>
    %ge3A_562 = arith.cmpf oge, %mul3A_559, %ge3A_561 : vector<6x1xf32>
    %select_n3A_563 = arith.select %ge3A_562, %mul3A_546, %select_n3A_540 : vector<6x1xi1>, vector<6x1xf32>
    %select_n3A_564 = arith.select %ge3A_562, %sub3A_558, %select_n3A_541 : vector<6x1xi1>, vector<6x1xf32>
    %select_n3A_565 = arith.select %ge3A_562, %select_n3A_542, %mul3A_546 : vector<6x1xi1>, vector<6x1xf32>
    %add3A_566 = arith.addf %select_n3A_563, %select_n3A_565 : vector<6x1xf32>
    %mul3A_567 = arith.constant 5.000000e-01 : f32
    %mul3A_568 = vector.broadcast %mul3A_567 : f32 to vector<6x1xf32>
    %mul3A_569 = arith.mulf %mul3A_568, %add3A_566 : vector<6x1xf32>
    %sub3A_570 = vector.broadcast %mul3A_569 : vector<6x1xf32> to vector<6x768xf32>
    %sub3A_571 = arith.subf %mul3A_3, %sub3A_570 : vector<6x768xf32>
    %max3A_572 = arith.constant 0.000000e+00 : f32
    %max3A_573 = vector.broadcast %max3A_572 : f32 to vector<6x768xf32>
    %max3A_574 = arith.maximumf %sub3A_571, %max3A_573 : vector<6x768xf32>
    %mul3A_575 = arith.mulf %max3A_574, %max3A_574 : vector<6x768xf32>
    %reduce_sum3A_576 = arith.constant dense<0.000000e+00> : vector<6xf32>
    %reduce_sum3A_577 = vector.multi_reduction <add>, %mul3A_575, %reduce_sum3A_576 [1] : vector<6x768xf32> to vector<6xf32>
    %broadcast_in_dim3A_578 = vector.shape_cast %reduce_sum3A_577 : vector<6xf32> to vector<6x1xf32>
    %sub3A_579 = arith.constant 1.000000e+00 : f32
    %sub3A_580 = vector.broadcast %sub3A_579 : f32 to vector<6x1xf32>
    %sub3A_581 = arith.subf %broadcast_in_dim3A_578, %sub3A_580 : vector<6x1xf32>
    %mul3A_582 = arith.mulf %sub3A_581, %select_n3A_564 : vector<6x1xf32>
    %ge3A_583 = arith.constant 0.000000e+00 : f32
    %ge3A_584 = vector.broadcast %ge3A_583 : f32 to vector<6x1xf32>
    %ge3A_585 = arith.cmpf oge, %mul3A_582, %ge3A_584 : vector<6x1xf32>
    %select_n3A_586 = arith.select %ge3A_585, %mul3A_569, %select_n3A_563 : vector<6x1xi1>, vector<6x1xf32>
    %select_n3A_587 = arith.select %ge3A_585, %sub3A_581, %select_n3A_564 : vector<6x1xi1>, vector<6x1xf32>
    %select_n3A_588 = arith.select %ge3A_585, %select_n3A_565, %mul3A_569 : vector<6x1xi1>, vector<6x1xf32>
    %add3A_589 = arith.addf %select_n3A_586, %select_n3A_588 : vector<6x1xf32>
    %mul3A_590 = arith.constant 5.000000e-01 : f32
    %mul3A_591 = vector.broadcast %mul3A_590 : f32 to vector<6x1xf32>
    %mul3A_592 = arith.mulf %mul3A_591, %add3A_589 : vector<6x1xf32>
    %sub3A_593 = vector.broadcast %mul3A_592 : vector<6x1xf32> to vector<6x768xf32>
    %sub3A_594 = arith.subf %mul3A_3, %sub3A_593 : vector<6x768xf32>
    %max3A_595 = arith.constant 0.000000e+00 : f32
    %max3A_596 = vector.broadcast %max3A_595 : f32 to vector<6x768xf32>
    %max3A_597 = arith.maximumf %sub3A_594, %max3A_596 : vector<6x768xf32>
    %mul3A_598 = arith.mulf %max3A_597, %max3A_597 : vector<6x768xf32>
    %reduce_sum3A_599 = arith.constant dense<0.000000e+00> : vector<6xf32>
    %reduce_sum3A_600 = vector.multi_reduction <add>, %mul3A_598, %reduce_sum3A_599 [1] : vector<6x768xf32> to vector<6xf32>
    %broadcast_in_dim3A_601 = vector.shape_cast %reduce_sum3A_600 : vector<6xf32> to vector<6x1xf32>
    %sub3A_602 = arith.constant 1.000000e+00 : f32
    %sub3A_603 = vector.broadcast %sub3A_602 : f32 to vector<6x1xf32>
    %sub3A_604 = arith.subf %broadcast_in_dim3A_601, %sub3A_603 : vector<6x1xf32>
    %mul3A_605 = arith.mulf %sub3A_604, %select_n3A_587 : vector<6x1xf32>
    %ge3A_606 = arith.constant 0.000000e+00 : f32
    %ge3A_607 = vector.broadcast %ge3A_606 : f32 to vector<6x1xf32>
    %ge3A_608 = arith.cmpf oge, %mul3A_605, %ge3A_607 : vector<6x1xf32>
    %select_n3A_609 = arith.select %ge3A_608, %mul3A_592, %select_n3A_586 : vector<6x1xi1>, vector<6x1xf32>
    %select_n3A_610 = arith.select %ge3A_608, %sub3A_604, %select_n3A_587 : vector<6x1xi1>, vector<6x1xf32>
    %select_n3A_611 = arith.select %ge3A_608, %select_n3A_588, %mul3A_592 : vector<6x1xi1>, vector<6x1xf32>
    %add3A_612 = arith.addf %select_n3A_609, %select_n3A_611 : vector<6x1xf32>
    %mul3A_613 = arith.constant 5.000000e-01 : f32
    %mul3A_614 = vector.broadcast %mul3A_613 : f32 to vector<6x1xf32>
    %mul3A_615 = arith.mulf %mul3A_614, %add3A_612 : vector<6x1xf32>
    %sub3A_616 = vector.broadcast %mul3A_615 : vector<6x1xf32> to vector<6x768xf32>
    %sub3A_617 = arith.subf %mul3A_3, %sub3A_616 : vector<6x768xf32>
    %max3A_618 = arith.constant 0.000000e+00 : f32
    %max3A_619 = vector.broadcast %max3A_618 : f32 to vector<6x768xf32>
    %max3A_620 = arith.maximumf %sub3A_617, %max3A_619 : vector<6x768xf32>
    %mul3A_621 = arith.mulf %max3A_620, %max3A_620 : vector<6x768xf32>
    %reduce_sum3A_622 = arith.constant dense<0.000000e+00> : vector<6xf32>
    %reduce_sum3A_623 = vector.multi_reduction <add>, %mul3A_621, %reduce_sum3A_622 [1] : vector<6x768xf32> to vector<6xf32>
    %broadcast_in_dim3A_624 = vector.shape_cast %reduce_sum3A_623 : vector<6xf32> to vector<6x1xf32>
    %sub3A_625 = arith.constant 1.000000e+00 : f32
    %sub3A_626 = vector.broadcast %sub3A_625 : f32 to vector<6x1xf32>
    %sub3A_627 = arith.subf %broadcast_in_dim3A_624, %sub3A_626 : vector<6x1xf32>
    %mul3A_628 = arith.mulf %sub3A_627, %select_n3A_610 : vector<6x1xf32>
    %ge3A_629 = arith.constant 0.000000e+00 : f32
    %ge3A_630 = vector.broadcast %ge3A_629 : f32 to vector<6x1xf32>
    %ge3A_631 = arith.cmpf oge, %mul3A_628, %ge3A_630 : vector<6x1xf32>
    %select_n3A_632 = arith.select %ge3A_631, %mul3A_615, %select_n3A_609 : vector<6x1xi1>, vector<6x1xf32>
    %select_n3A_633 = arith.select %ge3A_631, %sub3A_627, %select_n3A_610 : vector<6x1xi1>, vector<6x1xf32>
    %select_n3A_634 = arith.select %ge3A_631, %select_n3A_611, %mul3A_615 : vector<6x1xi1>, vector<6x1xf32>
    %add3A_635 = arith.addf %select_n3A_632, %select_n3A_634 : vector<6x1xf32>
    %mul3A_636 = arith.constant 5.000000e-01 : f32
    %mul3A_637 = vector.broadcast %mul3A_636 : f32 to vector<6x1xf32>
    %mul3A_638 = arith.mulf %mul3A_637, %add3A_635 : vector<6x1xf32>
    %sub3A_639 = vector.broadcast %mul3A_638 : vector<6x1xf32> to vector<6x768xf32>
    %sub3A_640 = arith.subf %mul3A_3, %sub3A_639 : vector<6x768xf32>
    %max3A_641 = arith.constant 0.000000e+00 : f32
    %max3A_642 = vector.broadcast %max3A_641 : f32 to vector<6x768xf32>
    %max3A_643 = arith.maximumf %sub3A_640, %max3A_642 : vector<6x768xf32>
    %mul3A_644 = arith.mulf %max3A_643, %max3A_643 : vector<6x768xf32>
    %reduce_sum3A_645 = arith.constant dense<0.000000e+00> : vector<6xf32>
    %reduce_sum3A_646 = vector.multi_reduction <add>, %mul3A_644, %reduce_sum3A_645 [1] : vector<6x768xf32> to vector<6xf32>
    %broadcast_in_dim3A_647 = vector.shape_cast %reduce_sum3A_646 : vector<6xf32> to vector<6x1xf32>
    %sub3A_648 = arith.constant 1.000000e+00 : f32
    %sub3A_649 = vector.broadcast %sub3A_648 : f32 to vector<6x1xf32>
    %sub3A_650 = arith.subf %broadcast_in_dim3A_647, %sub3A_649 : vector<6x1xf32>
    %mul3A_651 = arith.mulf %sub3A_650, %select_n3A_633 : vector<6x1xf32>
    %ge3A_652 = arith.constant 0.000000e+00 : f32
    %ge3A_653 = vector.broadcast %ge3A_652 : f32 to vector<6x1xf32>
    %ge3A_654 = arith.cmpf oge, %mul3A_651, %ge3A_653 : vector<6x1xf32>
    %select_n3A_655 = arith.select %ge3A_654, %mul3A_638, %select_n3A_632 : vector<6x1xi1>, vector<6x1xf32>
    %select_n3A_656 = arith.select %ge3A_654, %sub3A_650, %select_n3A_633 : vector<6x1xi1>, vector<6x1xf32>
    %select_n3A_657 = arith.select %ge3A_654, %select_n3A_634, %mul3A_638 : vector<6x1xi1>, vector<6x1xf32>
    %add3A_658 = arith.addf %select_n3A_655, %select_n3A_657 : vector<6x1xf32>
    %mul3A_659 = arith.constant 5.000000e-01 : f32
    %mul3A_660 = vector.broadcast %mul3A_659 : f32 to vector<6x1xf32>
    %mul3A_661 = arith.mulf %mul3A_660, %add3A_658 : vector<6x1xf32>
    %sub3A_662 = vector.broadcast %mul3A_661 : vector<6x1xf32> to vector<6x768xf32>
    %sub3A_663 = arith.subf %mul3A_3, %sub3A_662 : vector<6x768xf32>
    %max3A_664 = arith.constant 0.000000e+00 : f32
    %max3A_665 = vector.broadcast %max3A_664 : f32 to vector<6x768xf32>
    %max3A_666 = arith.maximumf %sub3A_663, %max3A_665 : vector<6x768xf32>
    %mul3A_667 = arith.mulf %max3A_666, %max3A_666 : vector<6x768xf32>
    %reduce_sum3A_668 = arith.constant dense<0.000000e+00> : vector<6xf32>
    %reduce_sum3A_669 = vector.multi_reduction <add>, %mul3A_667, %reduce_sum3A_668 [1] : vector<6x768xf32> to vector<6xf32>
    %broadcast_in_dim3A_670 = vector.shape_cast %reduce_sum3A_669 : vector<6xf32> to vector<6x1xf32>
    %sub3A_671 = arith.constant 1.000000e+00 : f32
    %sub3A_672 = vector.broadcast %sub3A_671 : f32 to vector<6x1xf32>
    %sub3A_673 = arith.subf %broadcast_in_dim3A_670, %sub3A_672 : vector<6x1xf32>
    %mul3A_674 = arith.mulf %sub3A_673, %select_n3A_656 : vector<6x1xf32>
    %ge3A_675 = arith.constant 0.000000e+00 : f32
    %ge3A_676 = vector.broadcast %ge3A_675 : f32 to vector<6x1xf32>
    %ge3A_677 = arith.cmpf oge, %mul3A_674, %ge3A_676 : vector<6x1xf32>
    %select_n3A_678 = arith.select %ge3A_677, %mul3A_661, %select_n3A_655 : vector<6x1xi1>, vector<6x1xf32>
    %select_n3A_679 = arith.select %ge3A_677, %sub3A_673, %select_n3A_656 : vector<6x1xi1>, vector<6x1xf32>
    %select_n3A_680 = arith.select %ge3A_677, %select_n3A_657, %mul3A_661 : vector<6x1xi1>, vector<6x1xf32>
    %add3A_681 = arith.addf %select_n3A_678, %select_n3A_680 : vector<6x1xf32>
    %mul3A_682 = arith.constant 5.000000e-01 : f32
    %mul3A_683 = vector.broadcast %mul3A_682 : f32 to vector<6x1xf32>
    %mul3A_684 = arith.mulf %mul3A_683, %add3A_681 : vector<6x1xf32>
    %sub3A_685 = vector.broadcast %mul3A_684 : vector<6x1xf32> to vector<6x768xf32>
    %sub3A_686 = arith.subf %mul3A_3, %sub3A_685 : vector<6x768xf32>
    %max3A_687 = arith.constant 0.000000e+00 : f32
    %max3A_688 = vector.broadcast %max3A_687 : f32 to vector<6x768xf32>
    %max3A_689 = arith.maximumf %sub3A_686, %max3A_688 : vector<6x768xf32>
    %mul3A_690 = arith.mulf %max3A_689, %max3A_689 : vector<6x768xf32>
    %reduce_sum3A_691 = arith.constant dense<0.000000e+00> : vector<6xf32>
    %reduce_sum3A_692 = vector.multi_reduction <add>, %mul3A_690, %reduce_sum3A_691 [1] : vector<6x768xf32> to vector<6xf32>
    %broadcast_in_dim3A_693 = vector.shape_cast %reduce_sum3A_692 : vector<6xf32> to vector<6x1xf32>
    %sub3A_694 = arith.constant 1.000000e+00 : f32
    %sub3A_695 = vector.broadcast %sub3A_694 : f32 to vector<6x1xf32>
    %sub3A_696 = arith.subf %broadcast_in_dim3A_693, %sub3A_695 : vector<6x1xf32>
    %mul3A_697 = arith.mulf %sub3A_696, %select_n3A_679 : vector<6x1xf32>
    %ge3A_698 = arith.constant 0.000000e+00 : f32
    %ge3A_699 = vector.broadcast %ge3A_698 : f32 to vector<6x1xf32>
    %ge3A_700 = arith.cmpf oge, %mul3A_697, %ge3A_699 : vector<6x1xf32>
    %select_n3A_701 = arith.select %ge3A_700, %mul3A_684, %select_n3A_678 : vector<6x1xi1>, vector<6x1xf32>
    %select_n3A_702 = arith.select %ge3A_700, %select_n3A_680, %mul3A_684 : vector<6x1xi1>, vector<6x1xf32>
    %add3A_703 = arith.addf %select_n3A_701, %select_n3A_702 : vector<6x1xf32>
    %mul3A_704 = arith.constant 5.000000e-01 : f32
    %mul3A_705 = vector.broadcast %mul3A_704 : f32 to vector<6x1xf32>
    %mul3A_706 = arith.mulf %mul3A_705, %add3A_703 : vector<6x1xf32>
    %sub3A_707 = vector.broadcast %mul3A_706 : vector<6x1xf32> to vector<6x768xf32>
    %sub3A_708 = arith.subf %mul3A_3, %sub3A_707 : vector<6x768xf32>
    %max3A_709 = arith.constant 0.000000e+00 : f32
    %max3A_710 = vector.broadcast %max3A_709 : f32 to vector<6x768xf32>
    %max3A_711 = arith.maximumf %sub3A_708, %max3A_710 : vector<6x768xf32>
    %mul3A_712 = arith.mulf %max3A_711, %max3A_711 : vector<6x768xf32>
    %reduce_sum3A_713 = arith.constant dense<0.000000e+00> : vector<6xf32>
    %reduce_sum3A_714 = vector.multi_reduction <add>, %mul3A_712, %reduce_sum3A_713 [1] : vector<6x768xf32> to vector<6xf32>
    %broadcast_in_dim3A_715 = vector.shape_cast %reduce_sum3A_714 : vector<6xf32> to vector<6x1xf32>
    %div3A = vector.broadcast %broadcast_in_dim3A_715 : vector<6x1xf32> to vector<6x768xf32>
    %div3A_716 = arith.divf %mul3A_712, %div3A : vector<6x768xf32>
    %swap3A = arith.constant 0 : index
    %swap3A_717 = arith.constant 0 : index
    %swap3A_718 = vector.load %arg1[%swap3A, %swap3A_717] : memref<6x768xf32, #tpu.memory_space<vmem>>, vector<6x768xf32>
    tpu.vector_store %arg1[%swap3A, %swap3A_717], %div3A_716 {strides = array<i32>} : memref<6x768xf32, #tpu.memory_space<vmem>>, vector<6x768xf32>,
    return
  }
}

module attributes {stable_mosaic.version = 14 : i64} {
  func.func @_router_body(%arg0: i32, %arg1: i32, %arg2: memref<1x4096x768xf32, #tpu.memory_space<vmem>>, %arg3: memref<768x8xf32, #tpu.memory_space<vmem>>, %arg4: memref<8x1xf32, #tpu.memory_space<vmem>>, %arg5: memref<8x1xf32, #tpu.memory_space<vmem>>, %arg6: memref<64x64xf32, #tpu.memory_space<vmem>>, %arg7: memref<64x1xf32, #tpu.memory_space<vmem>>, %arg8: memref<1x64x4096xf32, #tpu.memory_space<vmem>>) attributes {dimension_semantics = [#tpu.dimension_semantics<arbitrary>, #tpu.dimension_semantics<arbitrary>], iteration_bounds = array<i64: 4, 2>, scalar_prefetch = 0 : i64, scratch_operands = 0 : i64, tpu.core_type = #tpu.core_type<tc>, window_params = [{transform_indices = @transform_0, window_bounds = array<i64: 1, 4096, 768>}, {pipeline_mode = #tpu.pipeline_mode<synchronous>, transform_indices = @transform_1, window_bounds = array<i64: 768, 8>}, {pipeline_mode = #tpu.pipeline_mode<synchronous>, transform_indices = @transform_2, window_bounds = array<i64: 8, 1>}, {pipeline_mode = #tpu.pipeline_mode<synchronous>, transform_indices = @transform_3, window_bounds = array<i64: 8, 1>}, {pipeline_mode = #tpu.pipeline_mode<synchronous>, transform_indices = @transform_4, window_bounds = array<i64: 64, 64>}, {pipeline_mode = #tpu.pipeline_mode<synchronous>, transform_indices = @transform_5, window_bounds = array<i64: 64, 1>}, {transform_indices = @transform_6, window_bounds = array<i64: 1, 64, 4096>}]} {
    %get3A = arith.constant 0 : index
    %get3A_0 = arith.constant 0 : index
    %get3A_1 = arith.constant 0 : index
    %get3A_2 = vector.load %arg2[%get3A, %get3A_0, %get3A_1] : memref<1x4096x768xf32, #tpu.memory_space<vmem>>, vector<1x4096x768xf32>
    %get3A_3 = vector.shape_cast %get3A_2 : vector<1x4096x768xf32> to vector<4096x768xf32>
    %get3A_4 = arith.constant 0 : index
    %get3A_5 = arith.constant 0 : index
    %get3A_6 = vector.load %arg3[%get3A_4, %get3A_5] : memref<768x8xf32, #tpu.memory_space<vmem>>, vector<768x8xf32>
    %dot_general3A = arith.constant dense<0.000000e+00> : vector<4096x8xf32>
    %dot_general3A_7 = tpu.matmul %get3A_3, %get3A_6, %dot_general3A {dimension_numbers = #tpu.dot_dimension_numbers<[1], [0], [0], [1], [0, 0, 1, 1], [], []>, transpose_lhs_hint = false} : vector<4096x768xf32>, vector<768x8xf32>, vector<4096x8xf32> -> vector<4096x8xf32>
    %transpose3A = tpu.transpose %dot_general3A_7, [1, 0] : vector<4096x8xf32> -> vector<8x4096xf32>
    %get3A_8 = arith.constant 0 : index
    %get3A_9 = arith.constant 0 : index
    %get3A_10 = vector.load %arg5[%get3A_8, %get3A_9] : memref<8x1xf32, #tpu.memory_space<vmem>>, vector<8x1xf32>
    %exp3A = math.exp %get3A_10 : vector<8x1xf32>
    %get3A_11 = arith.constant 0 : index
    %get3A_12 = arith.constant 0 : index
    %get3A_13 = vector.load %arg4[%get3A_11, %get3A_12] : memref<8x1xf32, #tpu.memory_space<vmem>>, vector<8x1xf32>
    %sub3A = vector.broadcast %get3A_13 : vector<8x1xf32> to vector<8x4096xf32>
    %sub3A_14 = arith.subf %transpose3A, %sub3A : vector<8x4096xf32>
    %div3A = vector.broadcast %exp3A : vector<8x1xf32> to vector<8x4096xf32>
    %div3A_15 = arith.divf %sub3A_14, %div3A : vector<8x4096xf32>
    %mul3A = arith.constant 5.000000e-01 : f32
    %mul3A_16 = vector.broadcast %mul3A : f32 to vector<8x4096xf32>
    %mul3A_17 = arith.mulf %div3A_15, %mul3A_16 : vector<8x4096xf32>
    %max3A = arith.constant 0.000000e+00 : f32
    %max3A_18 = vector.broadcast %max3A : f32 to vector<8x4096xf32>
    %max3A_19 = arith.maximumf %mul3A_17, %max3A_18 : vector<8x4096xf32>
    %sub3A_20 = arith.constant 1.000000e+00 : f32
    %sub3A_21 = vector.broadcast %sub3A_20 : f32 to vector<8x4096xf32>
    %sub3A_22 = arith.subf %max3A_19, %sub3A_21 : vector<8x4096xf32>
    %sub3A_23 = arith.subf %mul3A_17, %sub3A_22 : vector<8x4096xf32>
    %max3A_24 = arith.constant 0.000000e+00 : f32
    %max3A_25 = vector.broadcast %max3A_24 : f32 to vector<8x4096xf32>
    %max3A_26 = arith.maximumf %sub3A_23, %max3A_25 : vector<8x4096xf32>
    %neg3A = arith.constant 0.000000e+00 : f32
    %neg3A_27 = vector.broadcast %neg3A : f32 to vector<8x4096xf32>
    %neg3A_28 = arith.subf %neg3A_27, %sub3A_22 : vector<8x4096xf32>
    %max3A_29 = arith.constant 0.000000e+00 : f32
    %max3A_30 = vector.broadcast %max3A_29 : f32 to vector<8x4096xf32>
    %max3A_31 = arith.maximumf %neg3A_28, %max3A_30 : vector<8x4096xf32>
    %mul3A_32 = arith.mulf %max3A_26, %max3A_26 : vector<8x4096xf32>
    %mul3A_33 = arith.mulf %max3A_31, %max3A_31 : vector<8x4096xf32>
    %add3A = arith.addf %mul3A_32, %mul3A_33 : vector<8x4096xf32>
    %sub3A_34 = arith.constant 1.000000e+00 : f32
    %sub3A_35 = vector.broadcast %sub3A_34 : f32 to vector<8x4096xf32>
    %sub3A_36 = arith.subf %add3A, %sub3A_35 : vector<8x4096xf32>
    %add3A_37 = arith.addf %sub3A_22, %max3A_19 : vector<8x4096xf32>
    %mul3A_38 = arith.constant 5.000000e-01 : f32
    %mul3A_39 = vector.broadcast %mul3A_38 : f32 to vector<8x4096xf32>
    %mul3A_40 = arith.mulf %mul3A_39, %add3A_37 : vector<8x4096xf32>
    %sub3A_41 = arith.subf %mul3A_17, %mul3A_40 : vector<8x4096xf32>
    %max3A_42 = arith.constant 0.000000e+00 : f32
    %max3A_43 = vector.broadcast %max3A_42 : f32 to vector<8x4096xf32>
    %max3A_44 = arith.maximumf %sub3A_41, %max3A_43 : vector<8x4096xf32>
    %neg3A_45 = arith.constant 0.000000e+00 : f32
    %neg3A_46 = vector.broadcast %neg3A_45 : f32 to vector<8x4096xf32>
    %neg3A_47 = arith.subf %neg3A_46, %mul3A_40 : vector<8x4096xf32>
    %max3A_48 = arith.constant 0.000000e+00 : f32
    %max3A_49 = vector.broadcast %max3A_48 : f32 to vector<8x4096xf32>
    %max3A_50 = arith.maximumf %neg3A_47, %max3A_49 : vector<8x4096xf32>
    %mul3A_51 = arith.mulf %max3A_44, %max3A_44 : vector<8x4096xf32>
    %mul3A_52 = arith.mulf %max3A_50, %max3A_50 : vector<8x4096xf32>
    %add3A_53 = arith.addf %mul3A_51, %mul3A_52 : vector<8x4096xf32>
    %sub3A_54 = arith.constant 1.000000e+00 : f32
    %sub3A_55 = vector.broadcast %sub3A_54 : f32 to vector<8x4096xf32>
    %sub3A_56 = arith.subf %add3A_53, %sub3A_55 : vector<8x4096xf32>
    %mul3A_57 = arith.mulf %sub3A_56, %sub3A_36 : vector<8x4096xf32>
    %ge3A = arith.constant 0.000000e+00 : f32
    %ge3A_58 = vector.broadcast %ge3A : f32 to vector<8x4096xf32>
    %ge3A_59 = arith.cmpf oge, %mul3A_57, %ge3A_58 : vector<8x4096xf32>
    %select_n3A = arith.select %ge3A_59, %mul3A_40, %sub3A_22 : vector<8x4096xi1>, vector<8x4096xf32>
    %select_n3A_60 = arith.select %ge3A_59, %sub3A_56, %sub3A_36 : vector<8x4096xi1>, vector<8x4096xf32>
    %select_n3A_61 = arith.select %ge3A_59, %max3A_19, %mul3A_40 : vector<8x4096xi1>, vector<8x4096xf32>
    %add3A_62 = arith.addf %select_n3A, %select_n3A_61 : vector<8x4096xf32>
    %mul3A_63 = arith.constant 5.000000e-01 : f32
    %mul3A_64 = vector.broadcast %mul3A_63 : f32 to vector<8x4096xf32>
    %mul3A_65 = arith.mulf %mul3A_64, %add3A_62 : vector<8x4096xf32>
    %sub3A_66 = arith.subf %mul3A_17, %mul3A_65 : vector<8x4096xf32>
    %max3A_67 = arith.constant 0.000000e+00 : f32
    %max3A_68 = vector.broadcast %max3A_67 : f32 to vector<8x4096xf32>
    %max3A_69 = arith.maximumf %sub3A_66, %max3A_68 : vector<8x4096xf32>
    %neg3A_70 = arith.constant 0.000000e+00 : f32
    %neg3A_71 = vector.broadcast %neg3A_70 : f32 to vector<8x4096xf32>
    %neg3A_72 = arith.subf %neg3A_71, %mul3A_65 : vector<8x4096xf32>
    %max3A_73 = arith.constant 0.000000e+00 : f32
    %max3A_74 = vector.broadcast %max3A_73 : f32 to vector<8x4096xf32>
    %max3A_75 = arith.maximumf %neg3A_72, %max3A_74 : vector<8x4096xf32>
    %mul3A_76 = arith.mulf %max3A_69, %max3A_69 : vector<8x4096xf32>
    %mul3A_77 = arith.mulf %max3A_75, %max3A_75 : vector<8x4096xf32>
    %add3A_78 = arith.addf %mul3A_76, %mul3A_77 : vector<8x4096xf32>
    %sub3A_79 = arith.constant 1.000000e+00 : f32
    %sub3A_80 = vector.broadcast %sub3A_79 : f32 to vector<8x4096xf32>
    %sub3A_81 = arith.subf %add3A_78, %sub3A_80 : vector<8x4096xf32>
    %mul3A_82 = arith.mulf %sub3A_81, %select_n3A_60 : vector<8x4096xf32>
    %ge3A_83 = arith.constant 0.000000e+00 : f32
    %ge3A_84 = vector.broadcast %ge3A_83 : f32 to vector<8x4096xf32>
    %ge3A_85 = arith.cmpf oge, %mul3A_82, %ge3A_84 : vector<8x4096xf32>
    %select_n3A_86 = arith.select %ge3A_85, %mul3A_65, %select_n3A : vector<8x4096xi1>, vector<8x4096xf32>
    %select_n3A_87 = arith.select %ge3A_85, %sub3A_81, %select_n3A_60 : vector<8x4096xi1>, vector<8x4096xf32>
    %select_n3A_88 = arith.select %ge3A_85, %select_n3A_61, %mul3A_65 : vector<8x4096xi1>, vector<8x4096xf32>
    %add3A_89 = arith.addf %select_n3A_86, %select_n3A_88 : vector<8x4096xf32>
    %mul3A_90 = arith.constant 5.000000e-01 : f32
    %mul3A_91 = vector.broadcast %mul3A_90 : f32 to vector<8x4096xf32>
    %mul3A_92 = arith.mulf %mul3A_91, %add3A_89 : vector<8x4096xf32>
    %sub3A_93 = arith.subf %mul3A_17, %mul3A_92 : vector<8x4096xf32>
    %max3A_94 = arith.constant 0.000000e+00 : f32
    %max3A_95 = vector.broadcast %max3A_94 : f32 to vector<8x4096xf32>
    %max3A_96 = arith.maximumf %sub3A_93, %max3A_95 : vector<8x4096xf32>
    %neg3A_97 = arith.constant 0.000000e+00 : f32
    %neg3A_98 = vector.broadcast %neg3A_97 : f32 to vector<8x4096xf32>
    %neg3A_99 = arith.subf %neg3A_98, %mul3A_92 : vector<8x4096xf32>
    %max3A_100 = arith.constant 0.000000e+00 : f32
    %max3A_101 = vector.broadcast %max3A_100 : f32 to vector<8x4096xf32>
    %max3A_102 = arith.maximumf %neg3A_99, %max3A_101 : vector<8x4096xf32>
    %mul3A_103 = arith.mulf %max3A_96, %max3A_96 : vector<8x4096xf32>
    %mul3A_104 = arith.mulf %max3A_102, %max3A_102 : vector<8x4096xf32>
    %add3A_105 = arith.addf %mul3A_103, %mul3A_104 : vector<8x4096xf32>
    %sub3A_106 = arith.constant 1.000000e+00 : f32
    %sub3A_107 = vector.broadcast %sub3A_106 : f32 to vector<8x4096xf32>
    %sub3A_108 = arith.subf %add3A_105, %sub3A_107 : vector<8x4096xf32>
    %mul3A_109 = arith.mulf %sub3A_108, %select_n3A_87 : vector<8x4096xf32>
    %ge3A_110 = arith.constant 0.000000e+00 : f32
    %ge3A_111 = vector.broadcast %ge3A_110 : f32 to vector<8x4096xf32>
    %ge3A_112 = arith.cmpf oge, %mul3A_109, %ge3A_111 : vector<8x4096xf32>
    %select_n3A_113 = arith.select %ge3A_112, %mul3A_92, %select_n3A_86 : vector<8x4096xi1>, vector<8x4096xf32>
    %select_n3A_114 = arith.select %ge3A_112, %sub3A_108, %select_n3A_87 : vector<8x4096xi1>, vector<8x4096xf32>
    %select_n3A_115 = arith.select %ge3A_112, %select_n3A_88, %mul3A_92 : vector<8x4096xi1>, vector<8x4096xf32>
    %add3A_116 = arith.addf %select_n3A_113, %select_n3A_115 : vector<8x4096xf32>
    %mul3A_117 = arith.constant 5.000000e-01 : f32
    %mul3A_118 = vector.broadcast %mul3A_117 : f32 to vector<8x4096xf32>
    %mul3A_119 = arith.mulf %mul3A_118, %add3A_116 : vector<8x4096xf32>
    %sub3A_120 = arith.subf %mul3A_17, %mul3A_119 : vector<8x4096xf32>
    %max3A_121 = arith.constant 0.000000e+00 : f32
    %max3A_122 = vector.broadcast %max3A_121 : f32 to vector<8x4096xf32>
    %max3A_123 = arith.maximumf %sub3A_120, %max3A_122 : vector<8x4096xf32>
    %neg3A_124 = arith.constant 0.000000e+00 : f32
    %neg3A_125 = vector.broadcast %neg3A_124 : f32 to vector<8x4096xf32>
    %neg3A_126 = arith.subf %neg3A_125, %mul3A_119 : vector<8x4096xf32>
    %max3A_127 = arith.constant 0.000000e+00 : f32
    %max3A_128 = vector.broadcast %max3A_127 : f32 to vector<8x4096xf32>
    %max3A_129 = arith.maximumf %neg3A_126, %max3A_128 : vector<8x4096xf32>
    %mul3A_130 = arith.mulf %max3A_123, %max3A_123 : vector<8x4096xf32>
    %mul3A_131 = arith.mulf %max3A_129, %max3A_129 : vector<8x4096xf32>
    %add3A_132 = arith.addf %mul3A_130, %mul3A_131 : vector<8x4096xf32>
    %sub3A_133 = arith.constant 1.000000e+00 : f32
    %sub3A_134 = vector.broadcast %sub3A_133 : f32 to vector<8x4096xf32>
    %sub3A_135 = arith.subf %add3A_132, %sub3A_134 : vector<8x4096xf32>
    %mul3A_136 = arith.mulf %sub3A_135, %select_n3A_114 : vector<8x4096xf32>
    %ge3A_137 = arith.constant 0.000000e+00 : f32
    %ge3A_138 = vector.broadcast %ge3A_137 : f32 to vector<8x4096xf32>
    %ge3A_139 = arith.cmpf oge, %mul3A_136, %ge3A_138 : vector<8x4096xf32>
    %select_n3A_140 = arith.select %ge3A_139, %mul3A_119, %select_n3A_113 : vector<8x4096xi1>, vector<8x4096xf32>
    %select_n3A_141 = arith.select %ge3A_139, %sub3A_135, %select_n3A_114 : vector<8x4096xi1>, vector<8x4096xf32>
    %select_n3A_142 = arith.select %ge3A_139, %select_n3A_115, %mul3A_119 : vector<8x4096xi1>, vector<8x4096xf32>
    %add3A_143 = arith.addf %select_n3A_140, %select_n3A_142 : vector<8x4096xf32>
    %mul3A_144 = arith.constant 5.000000e-01 : f32
    %mul3A_145 = vector.broadcast %mul3A_144 : f32 to vector<8x4096xf32>
    %mul3A_146 = arith.mulf %mul3A_145, %add3A_143 : vector<8x4096xf32>
    %sub3A_147 = arith.subf %mul3A_17, %mul3A_146 : vector<8x4096xf32>
    %max3A_148 = arith.constant 0.000000e+00 : f32
    %max3A_149 = vector.broadcast %max3A_148 : f32 to vector<8x4096xf32>
    %max3A_150 = arith.maximumf %sub3A_147, %max3A_149 : vector<8x4096xf32>
    %neg3A_151 = arith.constant 0.000000e+00 : f32
    %neg3A_152 = vector.broadcast %neg3A_151 : f32 to vector<8x4096xf32>
    %neg3A_153 = arith.subf %neg3A_152, %mul3A_146 : vector<8x4096xf32>
    %max3A_154 = arith.constant 0.000000e+00 : f32
    %max3A_155 = vector.broadcast %max3A_154 : f32 to vector<8x4096xf32>
    %max3A_156 = arith.maximumf %neg3A_153, %max3A_155 : vector<8x4096xf32>
    %mul3A_157 = arith.mulf %max3A_150, %max3A_150 : vector<8x4096xf32>
    %mul3A_158 = arith.mulf %max3A_156, %max3A_156 : vector<8x4096xf32>
    %add3A_159 = arith.addf %mul3A_157, %mul3A_158 : vector<8x4096xf32>
    %sub3A_160 = arith.constant 1.000000e+00 : f32
    %sub3A_161 = vector.broadcast %sub3A_160 : f32 to vector<8x4096xf32>
    %sub3A_162 = arith.subf %add3A_159, %sub3A_161 : vector<8x4096xf32>
    %mul3A_163 = arith.mulf %sub3A_162, %select_n3A_141 : vector<8x4096xf32>
    %ge3A_164 = arith.constant 0.000000e+00 : f32
    %ge3A_165 = vector.broadcast %ge3A_164 : f32 to vector<8x4096xf32>
    %ge3A_166 = arith.cmpf oge, %mul3A_163, %ge3A_165 : vector<8x4096xf32>
    %select_n3A_167 = arith.select %ge3A_166, %mul3A_146, %select_n3A_140 : vector<8x4096xi1>, vector<8x4096xf32>
    %select_n3A_168 = arith.select %ge3A_166, %sub3A_162, %select_n3A_141 : vector<8x4096xi1>, vector<8x4096xf32>
    %select_n3A_169 = arith.select %ge3A_166, %select_n3A_142, %mul3A_146 : vector<8x4096xi1>, vector<8x4096xf32>
    %add3A_170 = arith.addf %select_n3A_167, %select_n3A_169 : vector<8x4096xf32>
    %mul3A_171 = arith.constant 5.000000e-01 : f32
    %mul3A_172 = vector.broadcast %mul3A_171 : f32 to vector<8x4096xf32>
    %mul3A_173 = arith.mulf %mul3A_172, %add3A_170 : vector<8x4096xf32>
    %sub3A_174 = arith.subf %mul3A_17, %mul3A_173 : vector<8x4096xf32>
    %max3A_175 = arith.constant 0.000000e+00 : f32
    %max3A_176 = vector.broadcast %max3A_175 : f32 to vector<8x4096xf32>
    %max3A_177 = arith.maximumf %sub3A_174, %max3A_176 : vector<8x4096xf32>
    %neg3A_178 = arith.constant 0.000000e+00 : f32
    %neg3A_179 = vector.broadcast %neg3A_178 : f32 to vector<8x4096xf32>
    %neg3A_180 = arith.subf %neg3A_179, %mul3A_173 : vector<8x4096xf32>
    %max3A_181 = arith.constant 0.000000e+00 : f32
    %max3A_182 = vector.broadcast %max3A_181 : f32 to vector<8x4096xf32>
    %max3A_183 = arith.maximumf %neg3A_180, %max3A_182 : vector<8x4096xf32>
    %mul3A_184 = arith.mulf %max3A_177, %max3A_177 : vector<8x4096xf32>
    %mul3A_185 = arith.mulf %max3A_183, %max3A_183 : vector<8x4096xf32>
    %add3A_186 = arith.addf %mul3A_184, %mul3A_185 : vector<8x4096xf32>
    %sub3A_187 = arith.constant 1.000000e+00 : f32
    %sub3A_188 = vector.broadcast %sub3A_187 : f32 to vector<8x4096xf32>
    %sub3A_189 = arith.subf %add3A_186, %sub3A_188 : vector<8x4096xf32>
    %mul3A_190 = arith.mulf %sub3A_189, %select_n3A_168 : vector<8x4096xf32>
    %ge3A_191 = arith.constant 0.000000e+00 : f32
    %ge3A_192 = vector.broadcast %ge3A_191 : f32 to vector<8x4096xf32>
    %ge3A_193 = arith.cmpf oge, %mul3A_190, %ge3A_192 : vector<8x4096xf32>
    %select_n3A_194 = arith.select %ge3A_193, %mul3A_173, %select_n3A_167 : vector<8x4096xi1>, vector<8x4096xf32>
    %select_n3A_195 = arith.select %ge3A_193, %sub3A_189, %select_n3A_168 : vector<8x4096xi1>, vector<8x4096xf32>
    %select_n3A_196 = arith.select %ge3A_193, %select_n3A_169, %mul3A_173 : vector<8x4096xi1>, vector<8x4096xf32>
    %add3A_197 = arith.addf %select_n3A_194, %select_n3A_196 : vector<8x4096xf32>
    %mul3A_198 = arith.constant 5.000000e-01 : f32
    %mul3A_199 = vector.broadcast %mul3A_198 : f32 to vector<8x4096xf32>
    %mul3A_200 = arith.mulf %mul3A_199, %add3A_197 : vector<8x4096xf32>
    %sub3A_201 = arith.subf %mul3A_17, %mul3A_200 : vector<8x4096xf32>
    %max3A_202 = arith.constant 0.000000e+00 : f32
    %max3A_203 = vector.broadcast %max3A_202 : f32 to vector<8x4096xf32>
    %max3A_204 = arith.maximumf %sub3A_201, %max3A_203 : vector<8x4096xf32>
    %neg3A_205 = arith.constant 0.000000e+00 : f32
    %neg3A_206 = vector.broadcast %neg3A_205 : f32 to vector<8x4096xf32>
    %neg3A_207 = arith.subf %neg3A_206, %mul3A_200 : vector<8x4096xf32>
    %max3A_208 = arith.constant 0.000000e+00 : f32
    %max3A_209 = vector.broadcast %max3A_208 : f32 to vector<8x4096xf32>
    %max3A_210 = arith.maximumf %neg3A_207, %max3A_209 : vector<8x4096xf32>
    %mul3A_211 = arith.mulf %max3A_204, %max3A_204 : vector<8x4096xf32>
    %mul3A_212 = arith.mulf %max3A_210, %max3A_210 : vector<8x4096xf32>
    %add3A_213 = arith.addf %mul3A_211, %mul3A_212 : vector<8x4096xf32>
    %sub3A_214 = arith.constant 1.000000e+00 : f32
    %sub3A_215 = vector.broadcast %sub3A_214 : f32 to vector<8x4096xf32>
    %sub3A_216 = arith.subf %add3A_213, %sub3A_215 : vector<8x4096xf32>
    %mul3A_217 = arith.mulf %sub3A_216, %select_n3A_195 : vector<8x4096xf32>
    %ge3A_218 = arith.constant 0.000000e+00 : f32
    %ge3A_219 = vector.broadcast %ge3A_218 : f32 to vector<8x4096xf32>
    %ge3A_220 = arith.cmpf oge, %mul3A_217, %ge3A_219 : vector<8x4096xf32>
    %select_n3A_221 = arith.select %ge3A_220, %mul3A_200, %select_n3A_194 : vector<8x4096xi1>, vector<8x4096xf32>
    %select_n3A_222 = arith.select %ge3A_220, %sub3A_216, %select_n3A_195 : vector<8x4096xi1>, vector<8x4096xf32>
    %select_n3A_223 = arith.select %ge3A_220, %select_n3A_196, %mul3A_200 : vector<8x4096xi1>, vector<8x4096xf32>
    %add3A_224 = arith.addf %select_n3A_221, %select_n3A_223 : vector<8x4096xf32>
    %mul3A_225 = arith.constant 5.000000e-01 : f32
    %mul3A_226 = vector.broadcast %mul3A_225 : f32 to vector<8x4096xf32>
    %mul3A_227 = arith.mulf %mul3A_226, %add3A_224 : vector<8x4096xf32>
    %sub3A_228 = arith.subf %mul3A_17, %mul3A_227 : vector<8x4096xf32>
    %max3A_229 = arith.constant 0.000000e+00 : f32
    %max3A_230 = vector.broadcast %max3A_229 : f32 to vector<8x4096xf32>
    %max3A_231 = arith.maximumf %sub3A_228, %max3A_230 : vector<8x4096xf32>
    %neg3A_232 = arith.constant 0.000000e+00 : f32
    %neg3A_233 = vector.broadcast %neg3A_232 : f32 to vector<8x4096xf32>
    %neg3A_234 = arith.subf %neg3A_233, %mul3A_227 : vector<8x4096xf32>
    %max3A_235 = arith.constant 0.000000e+00 : f32
    %max3A_236 = vector.broadcast %max3A_235 : f32 to vector<8x4096xf32>
    %max3A_237 = arith.maximumf %neg3A_234, %max3A_236 : vector<8x4096xf32>
    %mul3A_238 = arith.mulf %max3A_231, %max3A_231 : vector<8x4096xf32>
    %mul3A_239 = arith.mulf %max3A_237, %max3A_237 : vector<8x4096xf32>
    %add3A_240 = arith.addf %mul3A_238, %mul3A_239 : vector<8x4096xf32>
    %sub3A_241 = arith.constant 1.000000e+00 : f32
    %sub3A_242 = vector.broadcast %sub3A_241 : f32 to vector<8x4096xf32>
    %sub3A_243 = arith.subf %add3A_240, %sub3A_242 : vector<8x4096xf32>
    %mul3A_244 = arith.mulf %sub3A_243, %select_n3A_222 : vector<8x4096xf32>
    %ge3A_245 = arith.constant 0.000000e+00 : f32
    %ge3A_246 = vector.broadcast %ge3A_245 : f32 to vector<8x4096xf32>
    %ge3A_247 = arith.cmpf oge, %mul3A_244, %ge3A_246 : vector<8x4096xf32>
    %select_n3A_248 = arith.select %ge3A_247, %mul3A_227, %select_n3A_221 : vector<8x4096xi1>, vector<8x4096xf32>
    %select_n3A_249 = arith.select %ge3A_247, %sub3A_243, %select_n3A_222 : vector<8x4096xi1>, vector<8x4096xf32>
    %select_n3A_250 = arith.select %ge3A_247, %select_n3A_223, %mul3A_227 : vector<8x4096xi1>, vector<8x4096xf32>
    %add3A_251 = arith.addf %select_n3A_248, %select_n3A_250 : vector<8x4096xf32>
    %mul3A_252 = arith.constant 5.000000e-01 : f32
    %mul3A_253 = vector.broadcast %mul3A_252 : f32 to vector<8x4096xf32>
    %mul3A_254 = arith.mulf %mul3A_253, %add3A_251 : vector<8x4096xf32>
    %sub3A_255 = arith.subf %mul3A_17, %mul3A_254 : vector<8x4096xf32>
    %max3A_256 = arith.constant 0.000000e+00 : f32
    %max3A_257 = vector.broadcast %max3A_256 : f32 to vector<8x4096xf32>
    %max3A_258 = arith.maximumf %sub3A_255, %max3A_257 : vector<8x4096xf32>
    %neg3A_259 = arith.constant 0.000000e+00 : f32
    %neg3A_260 = vector.broadcast %neg3A_259 : f32 to vector<8x4096xf32>
    %neg3A_261 = arith.subf %neg3A_260, %mul3A_254 : vector<8x4096xf32>
    %max3A_262 = arith.constant 0.000000e+00 : f32
    %max3A_263 = vector.broadcast %max3A_262 : f32 to vector<8x4096xf32>
    %max3A_264 = arith.maximumf %neg3A_261, %max3A_263 : vector<8x4096xf32>
    %mul3A_265 = arith.mulf %max3A_258, %max3A_258 : vector<8x4096xf32>
    %mul3A_266 = arith.mulf %max3A_264, %max3A_264 : vector<8x4096xf32>
    %add3A_267 = arith.addf %mul3A_265, %mul3A_266 : vector<8x4096xf32>
    %sub3A_268 = arith.constant 1.000000e+00 : f32
    %sub3A_269 = vector.broadcast %sub3A_268 : f32 to vector<8x4096xf32>
    %sub3A_270 = arith.subf %add3A_267, %sub3A_269 : vector<8x4096xf32>
    %mul3A_271 = arith.mulf %sub3A_270, %select_n3A_249 : vector<8x4096xf32>
    %ge3A_272 = arith.constant 0.000000e+00 : f32
    %ge3A_273 = vector.broadcast %ge3A_272 : f32 to vector<8x4096xf32>
    %ge3A_274 = arith.cmpf oge, %mul3A_271, %ge3A_273 : vector<8x4096xf32>
    %select_n3A_275 = arith.select %ge3A_274, %mul3A_254, %select_n3A_248 : vector<8x4096xi1>, vector<8x4096xf32>
    %select_n3A_276 = arith.select %ge3A_274, %sub3A_270, %select_n3A_249 : vector<8x4096xi1>, vector<8x4096xf32>
    %select_n3A_277 = arith.select %ge3A_274, %select_n3A_250, %mul3A_254 : vector<8x4096xi1>, vector<8x4096xf32>
    %add3A_278 = arith.addf %select_n3A_275, %select_n3A_277 : vector<8x4096xf32>
    %mul3A_279 = arith.constant 5.000000e-01 : f32
    %mul3A_280 = vector.broadcast %mul3A_279 : f32 to vector<8x4096xf32>
    %mul3A_281 = arith.mulf %mul3A_280, %add3A_278 : vector<8x4096xf32>
    %sub3A_282 = arith.subf %mul3A_17, %mul3A_281 : vector<8x4096xf32>
    %max3A_283 = arith.constant 0.000000e+00 : f32
    %max3A_284 = vector.broadcast %max3A_283 : f32 to vector<8x4096xf32>
    %max3A_285 = arith.maximumf %sub3A_282, %max3A_284 : vector<8x4096xf32>
    %neg3A_286 = arith.constant 0.000000e+00 : f32
    %neg3A_287 = vector.broadcast %neg3A_286 : f32 to vector<8x4096xf32>
    %neg3A_288 = arith.subf %neg3A_287, %mul3A_281 : vector<8x4096xf32>
    %max3A_289 = arith.constant 0.000000e+00 : f32
    %max3A_290 = vector.broadcast %max3A_289 : f32 to vector<8x4096xf32>
    %max3A_291 = arith.maximumf %neg3A_288, %max3A_290 : vector<8x4096xf32>
    %mul3A_292 = arith.mulf %max3A_285, %max3A_285 : vector<8x4096xf32>
    %mul3A_293 = arith.mulf %max3A_291, %max3A_291 : vector<8x4096xf32>
    %add3A_294 = arith.addf %mul3A_292, %mul3A_293 : vector<8x4096xf32>
    %sub3A_295 = arith.constant 1.000000e+00 : f32
    %sub3A_296 = vector.broadcast %sub3A_295 : f32 to vector<8x4096xf32>
    %sub3A_297 = arith.subf %add3A_294, %sub3A_296 : vector<8x4096xf32>
    %mul3A_298 = arith.mulf %sub3A_297, %select_n3A_276 : vector<8x4096xf32>
    %ge3A_299 = arith.constant 0.000000e+00 : f32
    %ge3A_300 = vector.broadcast %ge3A_299 : f32 to vector<8x4096xf32>
    %ge3A_301 = arith.cmpf oge, %mul3A_298, %ge3A_300 : vector<8x4096xf32>
    %select_n3A_302 = arith.select %ge3A_301, %mul3A_281, %select_n3A_275 : vector<8x4096xi1>, vector<8x4096xf32>
    %select_n3A_303 = arith.select %ge3A_301, %sub3A_297, %select_n3A_276 : vector<8x4096xi1>, vector<8x4096xf32>
    %select_n3A_304 = arith.select %ge3A_301, %select_n3A_277, %mul3A_281 : vector<8x4096xi1>, vector<8x4096xf32>
    %add3A_305 = arith.addf %select_n3A_302, %select_n3A_304 : vector<8x4096xf32>
    %mul3A_306 = arith.constant 5.000000e-01 : f32
    %mul3A_307 = vector.broadcast %mul3A_306 : f32 to vector<8x4096xf32>
    %mul3A_308 = arith.mulf %mul3A_307, %add3A_305 : vector<8x4096xf32>
    %sub3A_309 = arith.subf %mul3A_17, %mul3A_308 : vector<8x4096xf32>
    %max3A_310 = arith.constant 0.000000e+00 : f32
    %max3A_311 = vector.broadcast %max3A_310 : f32 to vector<8x4096xf32>
    %max3A_312 = arith.maximumf %sub3A_309, %max3A_311 : vector<8x4096xf32>
    %neg3A_313 = arith.constant 0.000000e+00 : f32
    %neg3A_314 = vector.broadcast %neg3A_313 : f32 to vector<8x4096xf32>
    %neg3A_315 = arith.subf %neg3A_314, %mul3A_308 : vector<8x4096xf32>
    %max3A_316 = arith.constant 0.000000e+00 : f32
    %max3A_317 = vector.broadcast %max3A_316 : f32 to vector<8x4096xf32>
    %max3A_318 = arith.maximumf %neg3A_315, %max3A_317 : vector<8x4096xf32>
    %mul3A_319 = arith.mulf %max3A_312, %max3A_312 : vector<8x4096xf32>
    %mul3A_320 = arith.mulf %max3A_318, %max3A_318 : vector<8x4096xf32>
    %add3A_321 = arith.addf %mul3A_319, %mul3A_320 : vector<8x4096xf32>
    %sub3A_322 = arith.constant 1.000000e+00 : f32
    %sub3A_323 = vector.broadcast %sub3A_322 : f32 to vector<8x4096xf32>
    %sub3A_324 = arith.subf %add3A_321, %sub3A_323 : vector<8x4096xf32>
    %mul3A_325 = arith.mulf %sub3A_324, %select_n3A_303 : vector<8x4096xf32>
    %ge3A_326 = arith.constant 0.000000e+00 : f32
    %ge3A_327 = vector.broadcast %ge3A_326 : f32 to vector<8x4096xf32>
    %ge3A_328 = arith.cmpf oge, %mul3A_325, %ge3A_327 : vector<8x4096xf32>
    %select_n3A_329 = arith.select %ge3A_328, %mul3A_308, %select_n3A_302 : vector<8x4096xi1>, vector<8x4096xf32>
    %select_n3A_330 = arith.select %ge3A_328, %sub3A_324, %select_n3A_303 : vector<8x4096xi1>, vector<8x4096xf32>
    %select_n3A_331 = arith.select %ge3A_328, %select_n3A_304, %mul3A_308 : vector<8x4096xi1>, vector<8x4096xf32>
    %add3A_332 = arith.addf %select_n3A_329, %select_n3A_331 : vector<8x4096xf32>
    %mul3A_333 = arith.constant 5.000000e-01 : f32
    %mul3A_334 = vector.broadcast %mul3A_333 : f32 to vector<8x4096xf32>
    %mul3A_335 = arith.mulf %mul3A_334, %add3A_332 : vector<8x4096xf32>
    %sub3A_336 = arith.subf %mul3A_17, %mul3A_335 : vector<8x4096xf32>
    %max3A_337 = arith.constant 0.000000e+00 : f32
    %max3A_338 = vector.broadcast %max3A_337 : f32 to vector<8x4096xf32>
    %max3A_339 = arith.maximumf %sub3A_336, %max3A_338 : vector<8x4096xf32>
    %neg3A_340 = arith.constant 0.000000e+00 : f32
    %neg3A_341 = vector.broadcast %neg3A_340 : f32 to vector<8x4096xf32>
    %neg3A_342 = arith.subf %neg3A_341, %mul3A_335 : vector<8x4096xf32>
    %max3A_343 = arith.constant 0.000000e+00 : f32
    %max3A_344 = vector.broadcast %max3A_343 : f32 to vector<8x4096xf32>
    %max3A_345 = arith.maximumf %neg3A_342, %max3A_344 : vector<8x4096xf32>
    %mul3A_346 = arith.mulf %max3A_339, %max3A_339 : vector<8x4096xf32>
    %mul3A_347 = arith.mulf %max3A_345, %max3A_345 : vector<8x4096xf32>
    %add3A_348 = arith.addf %mul3A_346, %mul3A_347 : vector<8x4096xf32>
    %sub3A_349 = arith.constant 1.000000e+00 : f32
    %sub3A_350 = vector.broadcast %sub3A_349 : f32 to vector<8x4096xf32>
    %sub3A_351 = arith.subf %add3A_348, %sub3A_350 : vector<8x4096xf32>
    %mul3A_352 = arith.mulf %sub3A_351, %select_n3A_330 : vector<8x4096xf32>
    %ge3A_353 = arith.constant 0.000000e+00 : f32
    %ge3A_354 = vector.broadcast %ge3A_353 : f32 to vector<8x4096xf32>
    %ge3A_355 = arith.cmpf oge, %mul3A_352, %ge3A_354 : vector<8x4096xf32>
    %select_n3A_356 = arith.select %ge3A_355, %mul3A_335, %select_n3A_329 : vector<8x4096xi1>, vector<8x4096xf32>
    %select_n3A_357 = arith.select %ge3A_355, %sub3A_351, %select_n3A_330 : vector<8x4096xi1>, vector<8x4096xf32>
    %select_n3A_358 = arith.select %ge3A_355, %select_n3A_331, %mul3A_335 : vector<8x4096xi1>, vector<8x4096xf32>
    %add3A_359 = arith.addf %select_n3A_356, %select_n3A_358 : vector<8x4096xf32>
    %mul3A_360 = arith.constant 5.000000e-01 : f32
    %mul3A_361 = vector.broadcast %mul3A_360 : f32 to vector<8x4096xf32>
    %mul3A_362 = arith.mulf %mul3A_361, %add3A_359 : vector<8x4096xf32>
    %sub3A_363 = arith.subf %mul3A_17, %mul3A_362 : vector<8x4096xf32>
    %max3A_364 = arith.constant 0.000000e+00 : f32
    %max3A_365 = vector.broadcast %max3A_364 : f32 to vector<8x4096xf32>
    %max3A_366 = arith.maximumf %sub3A_363, %max3A_365 : vector<8x4096xf32>
    %neg3A_367 = arith.constant 0.000000e+00 : f32
    %neg3A_368 = vector.broadcast %neg3A_367 : f32 to vector<8x4096xf32>
    %neg3A_369 = arith.subf %neg3A_368, %mul3A_362 : vector<8x4096xf32>
    %max3A_370 = arith.constant 0.000000e+00 : f32
    %max3A_371 = vector.broadcast %max3A_370 : f32 to vector<8x4096xf32>
    %max3A_372 = arith.maximumf %neg3A_369, %max3A_371 : vector<8x4096xf32>
    %mul3A_373 = arith.mulf %max3A_366, %max3A_366 : vector<8x4096xf32>
    %mul3A_374 = arith.mulf %max3A_372, %max3A_372 : vector<8x4096xf32>
    %add3A_375 = arith.addf %mul3A_373, %mul3A_374 : vector<8x4096xf32>
    %sub3A_376 = arith.constant 1.000000e+00 : f32
    %sub3A_377 = vector.broadcast %sub3A_376 : f32 to vector<8x4096xf32>
    %sub3A_378 = arith.subf %add3A_375, %sub3A_377 : vector<8x4096xf32>
    %mul3A_379 = arith.mulf %sub3A_378, %select_n3A_357 : vector<8x4096xf32>
    %ge3A_380 = arith.constant 0.000000e+00 : f32
    %ge3A_381 = vector.broadcast %ge3A_380 : f32 to vector<8x4096xf32>
    %ge3A_382 = arith.cmpf oge, %mul3A_379, %ge3A_381 : vector<8x4096xf32>
    %select_n3A_383 = arith.select %ge3A_382, %mul3A_362, %select_n3A_356 : vector<8x4096xi1>, vector<8x4096xf32>
    %select_n3A_384 = arith.select %ge3A_382, %sub3A_378, %select_n3A_357 : vector<8x4096xi1>, vector<8x4096xf32>
    %select_n3A_385 = arith.select %ge3A_382, %select_n3A_358, %mul3A_362 : vector<8x4096xi1>, vector<8x4096xf32>
    %add3A_386 = arith.addf %select_n3A_383, %select_n3A_385 : vector<8x4096xf32>
    %mul3A_387 = arith.constant 5.000000e-01 : f32
    %mul3A_388 = vector.broadcast %mul3A_387 : f32 to vector<8x4096xf32>
    %mul3A_389 = arith.mulf %mul3A_388, %add3A_386 : vector<8x4096xf32>
    %sub3A_390 = arith.subf %mul3A_17, %mul3A_389 : vector<8x4096xf32>
    %max3A_391 = arith.constant 0.000000e+00 : f32
    %max3A_392 = vector.broadcast %max3A_391 : f32 to vector<8x4096xf32>
    %max3A_393 = arith.maximumf %sub3A_390, %max3A_392 : vector<8x4096xf32>
    %neg3A_394 = arith.constant 0.000000e+00 : f32
    %neg3A_395 = vector.broadcast %neg3A_394 : f32 to vector<8x4096xf32>
    %neg3A_396 = arith.subf %neg3A_395, %mul3A_389 : vector<8x4096xf32>
    %max3A_397 = arith.constant 0.000000e+00 : f32
    %max3A_398 = vector.broadcast %max3A_397 : f32 to vector<8x4096xf32>
    %max3A_399 = arith.maximumf %neg3A_396, %max3A_398 : vector<8x4096xf32>
    %mul3A_400 = arith.mulf %max3A_393, %max3A_393 : vector<8x4096xf32>
    %mul3A_401 = arith.mulf %max3A_399, %max3A_399 : vector<8x4096xf32>
    %add3A_402 = arith.addf %mul3A_400, %mul3A_401 : vector<8x4096xf32>
    %sub3A_403 = arith.constant 1.000000e+00 : f32
    %sub3A_404 = vector.broadcast %sub3A_403 : f32 to vector<8x4096xf32>
    %sub3A_405 = arith.subf %add3A_402, %sub3A_404 : vector<8x4096xf32>
    %mul3A_406 = arith.mulf %sub3A_405, %select_n3A_384 : vector<8x4096xf32>
    %ge3A_407 = arith.constant 0.000000e+00 : f32
    %ge3A_408 = vector.broadcast %ge3A_407 : f32 to vector<8x4096xf32>
    %ge3A_409 = arith.cmpf oge, %mul3A_406, %ge3A_408 : vector<8x4096xf32>
    %select_n3A_410 = arith.select %ge3A_409, %mul3A_389, %select_n3A_383 : vector<8x4096xi1>, vector<8x4096xf32>
    %select_n3A_411 = arith.select %ge3A_409, %sub3A_405, %select_n3A_384 : vector<8x4096xi1>, vector<8x4096xf32>
    %select_n3A_412 = arith.select %ge3A_409, %select_n3A_385, %mul3A_389 : vector<8x4096xi1>, vector<8x4096xf32>
    %add3A_413 = arith.addf %select_n3A_410, %select_n3A_412 : vector<8x4096xf32>
    %mul3A_414 = arith.constant 5.000000e-01 : f32
    %mul3A_415 = vector.broadcast %mul3A_414 : f32 to vector<8x4096xf32>
    %mul3A_416 = arith.mulf %mul3A_415, %add3A_413 : vector<8x4096xf32>
    %sub3A_417 = arith.subf %mul3A_17, %mul3A_416 : vector<8x4096xf32>
    %max3A_418 = arith.constant 0.000000e+00 : f32
    %max3A_419 = vector.broadcast %max3A_418 : f32 to vector<8x4096xf32>
    %max3A_420 = arith.maximumf %sub3A_417, %max3A_419 : vector<8x4096xf32>
    %neg3A_421 = arith.constant 0.000000e+00 : f32
    %neg3A_422 = vector.broadcast %neg3A_421 : f32 to vector<8x4096xf32>
    %neg3A_423 = arith.subf %neg3A_422, %mul3A_416 : vector<8x4096xf32>
    %max3A_424 = arith.constant 0.000000e+00 : f32
    %max3A_425 = vector.broadcast %max3A_424 : f32 to vector<8x4096xf32>
    %max3A_426 = arith.maximumf %neg3A_423, %max3A_425 : vector<8x4096xf32>
    %mul3A_427 = arith.mulf %max3A_420, %max3A_420 : vector<8x4096xf32>
    %mul3A_428 = arith.mulf %max3A_426, %max3A_426 : vector<8x4096xf32>
    %add3A_429 = arith.addf %mul3A_427, %mul3A_428 : vector<8x4096xf32>
    %sub3A_430 = arith.constant 1.000000e+00 : f32
    %sub3A_431 = vector.broadcast %sub3A_430 : f32 to vector<8x4096xf32>
    %sub3A_432 = arith.subf %add3A_429, %sub3A_431 : vector<8x4096xf32>
    %mul3A_433 = arith.mulf %sub3A_432, %select_n3A_411 : vector<8x4096xf32>
    %ge3A_434 = arith.constant 0.000000e+00 : f32
    %ge3A_435 = vector.broadcast %ge3A_434 : f32 to vector<8x4096xf32>
    %ge3A_436 = arith.cmpf oge, %mul3A_433, %ge3A_435 : vector<8x4096xf32>
    %select_n3A_437 = arith.select %ge3A_436, %mul3A_416, %select_n3A_410 : vector<8x4096xi1>, vector<8x4096xf32>
    %select_n3A_438 = arith.select %ge3A_436, %sub3A_432, %select_n3A_411 : vector<8x4096xi1>, vector<8x4096xf32>
    %select_n3A_439 = arith.select %ge3A_436, %select_n3A_412, %mul3A_416 : vector<8x4096xi1>, vector<8x4096xf32>
    %add3A_440 = arith.addf %select_n3A_437, %select_n3A_439 : vector<8x4096xf32>
    %mul3A_441 = arith.constant 5.000000e-01 : f32
    %mul3A_442 = vector.broadcast %mul3A_441 : f32 to vector<8x4096xf32>
    %mul3A_443 = arith.mulf %mul3A_442, %add3A_440 : vector<8x4096xf32>
    %sub3A_444 = arith.subf %mul3A_17, %mul3A_443 : vector<8x4096xf32>
    %max3A_445 = arith.constant 0.000000e+00 : f32
    %max3A_446 = vector.broadcast %max3A_445 : f32 to vector<8x4096xf32>
    %max3A_447 = arith.maximumf %sub3A_444, %max3A_446 : vector<8x4096xf32>
    %neg3A_448 = arith.constant 0.000000e+00 : f32
    %neg3A_449 = vector.broadcast %neg3A_448 : f32 to vector<8x4096xf32>
    %neg3A_450 = arith.subf %neg3A_449, %mul3A_443 : vector<8x4096xf32>
    %max3A_451 = arith.constant 0.000000e+00 : f32
    %max3A_452 = vector.broadcast %max3A_451 : f32 to vector<8x4096xf32>
    %max3A_453 = arith.maximumf %neg3A_450, %max3A_452 : vector<8x4096xf32>
    %mul3A_454 = arith.mulf %max3A_447, %max3A_447 : vector<8x4096xf32>
    %mul3A_455 = arith.mulf %max3A_453, %max3A_453 : vector<8x4096xf32>
    %add3A_456 = arith.addf %mul3A_454, %mul3A_455 : vector<8x4096xf32>
    %sub3A_457 = arith.constant 1.000000e+00 : f32
    %sub3A_458 = vector.broadcast %sub3A_457 : f32 to vector<8x4096xf32>
    %sub3A_459 = arith.subf %add3A_456, %sub3A_458 : vector<8x4096xf32>
    %mul3A_460 = arith.mulf %sub3A_459, %select_n3A_438 : vector<8x4096xf32>
    %ge3A_461 = arith.constant 0.000000e+00 : f32
    %ge3A_462 = vector.broadcast %ge3A_461 : f32 to vector<8x4096xf32>
    %ge3A_463 = arith.cmpf oge, %mul3A_460, %ge3A_462 : vector<8x4096xf32>
    %select_n3A_464 = arith.select %ge3A_463, %mul3A_443, %select_n3A_437 : vector<8x4096xi1>, vector<8x4096xf32>
    %select_n3A_465 = arith.select %ge3A_463, %sub3A_459, %select_n3A_438 : vector<8x4096xi1>, vector<8x4096xf32>
    %select_n3A_466 = arith.select %ge3A_463, %select_n3A_439, %mul3A_443 : vector<8x4096xi1>, vector<8x4096xf32>
    %add3A_467 = arith.addf %select_n3A_464, %select_n3A_466 : vector<8x4096xf32>
    %mul3A_468 = arith.constant 5.000000e-01 : f32
    %mul3A_469 = vector.broadcast %mul3A_468 : f32 to vector<8x4096xf32>
    %mul3A_470 = arith.mulf %mul3A_469, %add3A_467 : vector<8x4096xf32>
    %sub3A_471 = arith.subf %mul3A_17, %mul3A_470 : vector<8x4096xf32>
    %max3A_472 = arith.constant 0.000000e+00 : f32
    %max3A_473 = vector.broadcast %max3A_472 : f32 to vector<8x4096xf32>
    %max3A_474 = arith.maximumf %sub3A_471, %max3A_473 : vector<8x4096xf32>
    %neg3A_475 = arith.constant 0.000000e+00 : f32
    %neg3A_476 = vector.broadcast %neg3A_475 : f32 to vector<8x4096xf32>
    %neg3A_477 = arith.subf %neg3A_476, %mul3A_470 : vector<8x4096xf32>
    %max3A_478 = arith.constant 0.000000e+00 : f32
    %max3A_479 = vector.broadcast %max3A_478 : f32 to vector<8x4096xf32>
    %max3A_480 = arith.maximumf %neg3A_477, %max3A_479 : vector<8x4096xf32>
    %mul3A_481 = arith.mulf %max3A_474, %max3A_474 : vector<8x4096xf32>
    %mul3A_482 = arith.mulf %max3A_480, %max3A_480 : vector<8x4096xf32>
    %add3A_483 = arith.addf %mul3A_481, %mul3A_482 : vector<8x4096xf32>
    %sub3A_484 = arith.constant 1.000000e+00 : f32
    %sub3A_485 = vector.broadcast %sub3A_484 : f32 to vector<8x4096xf32>
    %sub3A_486 = arith.subf %add3A_483, %sub3A_485 : vector<8x4096xf32>
    %mul3A_487 = arith.mulf %sub3A_486, %select_n3A_465 : vector<8x4096xf32>
    %ge3A_488 = arith.constant 0.000000e+00 : f32
    %ge3A_489 = vector.broadcast %ge3A_488 : f32 to vector<8x4096xf32>
    %ge3A_490 = arith.cmpf oge, %mul3A_487, %ge3A_489 : vector<8x4096xf32>
    %select_n3A_491 = arith.select %ge3A_490, %mul3A_470, %select_n3A_464 : vector<8x4096xi1>, vector<8x4096xf32>
    %select_n3A_492 = arith.select %ge3A_490, %sub3A_486, %select_n3A_465 : vector<8x4096xi1>, vector<8x4096xf32>
    %select_n3A_493 = arith.select %ge3A_490, %select_n3A_466, %mul3A_470 : vector<8x4096xi1>, vector<8x4096xf32>
    %add3A_494 = arith.addf %select_n3A_491, %select_n3A_493 : vector<8x4096xf32>
    %mul3A_495 = arith.constant 5.000000e-01 : f32
    %mul3A_496 = vector.broadcast %mul3A_495 : f32 to vector<8x4096xf32>
    %mul3A_497 = arith.mulf %mul3A_496, %add3A_494 : vector<8x4096xf32>
    %sub3A_498 = arith.subf %mul3A_17, %mul3A_497 : vector<8x4096xf32>
    %max3A_499 = arith.constant 0.000000e+00 : f32
    %max3A_500 = vector.broadcast %max3A_499 : f32 to vector<8x4096xf32>
    %max3A_501 = arith.maximumf %sub3A_498, %max3A_500 : vector<8x4096xf32>
    %neg3A_502 = arith.constant 0.000000e+00 : f32
    %neg3A_503 = vector.broadcast %neg3A_502 : f32 to vector<8x4096xf32>
    %neg3A_504 = arith.subf %neg3A_503, %mul3A_497 : vector<8x4096xf32>
    %max3A_505 = arith.constant 0.000000e+00 : f32
    %max3A_506 = vector.broadcast %max3A_505 : f32 to vector<8x4096xf32>
    %max3A_507 = arith.maximumf %neg3A_504, %max3A_506 : vector<8x4096xf32>
    %mul3A_508 = arith.mulf %max3A_501, %max3A_501 : vector<8x4096xf32>
    %mul3A_509 = arith.mulf %max3A_507, %max3A_507 : vector<8x4096xf32>
    %add3A_510 = arith.addf %mul3A_508, %mul3A_509 : vector<8x4096xf32>
    %sub3A_511 = arith.constant 1.000000e+00 : f32
    %sub3A_512 = vector.broadcast %sub3A_511 : f32 to vector<8x4096xf32>
    %sub3A_513 = arith.subf %add3A_510, %sub3A_512 : vector<8x4096xf32>
    %mul3A_514 = arith.mulf %sub3A_513, %select_n3A_492 : vector<8x4096xf32>
    %ge3A_515 = arith.constant 0.000000e+00 : f32
    %ge3A_516 = vector.broadcast %ge3A_515 : f32 to vector<8x4096xf32>
    %ge3A_517 = arith.cmpf oge, %mul3A_514, %ge3A_516 : vector<8x4096xf32>
    %select_n3A_518 = arith.select %ge3A_517, %mul3A_497, %select_n3A_491 : vector<8x4096xi1>, vector<8x4096xf32>
    %select_n3A_519 = arith.select %ge3A_517, %sub3A_513, %select_n3A_492 : vector<8x4096xi1>, vector<8x4096xf32>
    %select_n3A_520 = arith.select %ge3A_517, %select_n3A_493, %mul3A_497 : vector<8x4096xi1>, vector<8x4096xf32>
    %add3A_521 = arith.addf %select_n3A_518, %select_n3A_520 : vector<8x4096xf32>
    %mul3A_522 = arith.constant 5.000000e-01 : f32
    %mul3A_523 = vector.broadcast %mul3A_522 : f32 to vector<8x4096xf32>
    %mul3A_524 = arith.mulf %mul3A_523, %add3A_521 : vector<8x4096xf32>
    %sub3A_525 = arith.subf %mul3A_17, %mul3A_524 : vector<8x4096xf32>
    %max3A_526 = arith.constant 0.000000e+00 : f32
    %max3A_527 = vector.broadcast %max3A_526 : f32 to vector<8x4096xf32>
    %max3A_528 = arith.maximumf %sub3A_525, %max3A_527 : vector<8x4096xf32>
    %neg3A_529 = arith.constant 0.000000e+00 : f32
    %neg3A_530 = vector.broadcast %neg3A_529 : f32 to vector<8x4096xf32>
    %neg3A_531 = arith.subf %neg3A_530, %mul3A_524 : vector<8x4096xf32>
    %max3A_532 = arith.constant 0.000000e+00 : f32
    %max3A_533 = vector.broadcast %max3A_532 : f32 to vector<8x4096xf32>
    %max3A_534 = arith.maximumf %neg3A_531, %max3A_533 : vector<8x4096xf32>
    %mul3A_535 = arith.mulf %max3A_528, %max3A_528 : vector<8x4096xf32>
    %mul3A_536 = arith.mulf %max3A_534, %max3A_534 : vector<8x4096xf32>
    %add3A_537 = arith.addf %mul3A_535, %mul3A_536 : vector<8x4096xf32>
    %sub3A_538 = arith.constant 1.000000e+00 : f32
    %sub3A_539 = vector.broadcast %sub3A_538 : f32 to vector<8x4096xf32>
    %sub3A_540 = arith.subf %add3A_537, %sub3A_539 : vector<8x4096xf32>
    %mul3A_541 = arith.mulf %sub3A_540, %select_n3A_519 : vector<8x4096xf32>
    %ge3A_542 = arith.constant 0.000000e+00 : f32
    %ge3A_543 = vector.broadcast %ge3A_542 : f32 to vector<8x4096xf32>
    %ge3A_544 = arith.cmpf oge, %mul3A_541, %ge3A_543 : vector<8x4096xf32>
    %select_n3A_545 = arith.select %ge3A_544, %mul3A_524, %select_n3A_518 : vector<8x4096xi1>, vector<8x4096xf32>
    %select_n3A_546 = arith.select %ge3A_544, %sub3A_540, %select_n3A_519 : vector<8x4096xi1>, vector<8x4096xf32>
    %select_n3A_547 = arith.select %ge3A_544, %select_n3A_520, %mul3A_524 : vector<8x4096xi1>, vector<8x4096xf32>
    %add3A_548 = arith.addf %select_n3A_545, %select_n3A_547 : vector<8x4096xf32>
    %mul3A_549 = arith.constant 5.000000e-01 : f32
    %mul3A_550 = vector.broadcast %mul3A_549 : f32 to vector<8x4096xf32>
    %mul3A_551 = arith.mulf %mul3A_550, %add3A_548 : vector<8x4096xf32>
    %sub3A_552 = arith.subf %mul3A_17, %mul3A_551 : vector<8x4096xf32>
    %max3A_553 = arith.constant 0.000000e+00 : f32
    %max3A_554 = vector.broadcast %max3A_553 : f32 to vector<8x4096xf32>
    %max3A_555 = arith.maximumf %sub3A_552, %max3A_554 : vector<8x4096xf32>
    %neg3A_556 = arith.constant 0.000000e+00 : f32
    %neg3A_557 = vector.broadcast %neg3A_556 : f32 to vector<8x4096xf32>
    %neg3A_558 = arith.subf %neg3A_557, %mul3A_551 : vector<8x4096xf32>
    %max3A_559 = arith.constant 0.000000e+00 : f32
    %max3A_560 = vector.broadcast %max3A_559 : f32 to vector<8x4096xf32>
    %max3A_561 = arith.maximumf %neg3A_558, %max3A_560 : vector<8x4096xf32>
    %mul3A_562 = arith.mulf %max3A_555, %max3A_555 : vector<8x4096xf32>
    %mul3A_563 = arith.mulf %max3A_561, %max3A_561 : vector<8x4096xf32>
    %add3A_564 = arith.addf %mul3A_562, %mul3A_563 : vector<8x4096xf32>
    %sub3A_565 = arith.constant 1.000000e+00 : f32
    %sub3A_566 = vector.broadcast %sub3A_565 : f32 to vector<8x4096xf32>
    %sub3A_567 = arith.subf %add3A_564, %sub3A_566 : vector<8x4096xf32>
    %mul3A_568 = arith.mulf %sub3A_567, %select_n3A_546 : vector<8x4096xf32>
    %ge3A_569 = arith.constant 0.000000e+00 : f32
    %ge3A_570 = vector.broadcast %ge3A_569 : f32 to vector<8x4096xf32>
    %ge3A_571 = arith.cmpf oge, %mul3A_568, %ge3A_570 : vector<8x4096xf32>
    %select_n3A_572 = arith.select %ge3A_571, %mul3A_551, %select_n3A_545 : vector<8x4096xi1>, vector<8x4096xf32>
    %select_n3A_573 = arith.select %ge3A_571, %sub3A_567, %select_n3A_546 : vector<8x4096xi1>, vector<8x4096xf32>
    %select_n3A_574 = arith.select %ge3A_571, %select_n3A_547, %mul3A_551 : vector<8x4096xi1>, vector<8x4096xf32>
    %add3A_575 = arith.addf %select_n3A_572, %select_n3A_574 : vector<8x4096xf32>
    %mul3A_576 = arith.constant 5.000000e-01 : f32
    %mul3A_577 = vector.broadcast %mul3A_576 : f32 to vector<8x4096xf32>
    %mul3A_578 = arith.mulf %mul3A_577, %add3A_575 : vector<8x4096xf32>
    %sub3A_579 = arith.subf %mul3A_17, %mul3A_578 : vector<8x4096xf32>
    %max3A_580 = arith.constant 0.000000e+00 : f32
    %max3A_581 = vector.broadcast %max3A_580 : f32 to vector<8x4096xf32>
    %max3A_582 = arith.maximumf %sub3A_579, %max3A_581 : vector<8x4096xf32>
    %neg3A_583 = arith.constant 0.000000e+00 : f32
    %neg3A_584 = vector.broadcast %neg3A_583 : f32 to vector<8x4096xf32>
    %neg3A_585 = arith.subf %neg3A_584, %mul3A_578 : vector<8x4096xf32>
    %max3A_586 = arith.constant 0.000000e+00 : f32
    %max3A_587 = vector.broadcast %max3A_586 : f32 to vector<8x4096xf32>
    %max3A_588 = arith.maximumf %neg3A_585, %max3A_587 : vector<8x4096xf32>
    %mul3A_589 = arith.mulf %max3A_582, %max3A_582 : vector<8x4096xf32>
    %mul3A_590 = arith.mulf %max3A_588, %max3A_588 : vector<8x4096xf32>
    %add3A_591 = arith.addf %mul3A_589, %mul3A_590 : vector<8x4096xf32>
    %sub3A_592 = arith.constant 1.000000e+00 : f32
    %sub3A_593 = vector.broadcast %sub3A_592 : f32 to vector<8x4096xf32>
    %sub3A_594 = arith.subf %add3A_591, %sub3A_593 : vector<8x4096xf32>
    %mul3A_595 = arith.mulf %sub3A_594, %select_n3A_573 : vector<8x4096xf32>
    %ge3A_596 = arith.constant 0.000000e+00 : f32
    %ge3A_597 = vector.broadcast %ge3A_596 : f32 to vector<8x4096xf32>
    %ge3A_598 = arith.cmpf oge, %mul3A_595, %ge3A_597 : vector<8x4096xf32>
    %select_n3A_599 = arith.select %ge3A_598, %mul3A_578, %select_n3A_572 : vector<8x4096xi1>, vector<8x4096xf32>
    %select_n3A_600 = arith.select %ge3A_598, %sub3A_594, %select_n3A_573 : vector<8x4096xi1>, vector<8x4096xf32>
    %select_n3A_601 = arith.select %ge3A_598, %select_n3A_574, %mul3A_578 : vector<8x4096xi1>, vector<8x4096xf32>
    %add3A_602 = arith.addf %select_n3A_599, %select_n3A_601 : vector<8x4096xf32>
    %mul3A_603 = arith.constant 5.000000e-01 : f32
    %mul3A_604 = vector.broadcast %mul3A_603 : f32 to vector<8x4096xf32>
    %mul3A_605 = arith.mulf %mul3A_604, %add3A_602 : vector<8x4096xf32>
    %sub3A_606 = arith.subf %mul3A_17, %mul3A_605 : vector<8x4096xf32>
    %max3A_607 = arith.constant 0.000000e+00 : f32
    %max3A_608 = vector.broadcast %max3A_607 : f32 to vector<8x4096xf32>
    %max3A_609 = arith.maximumf %sub3A_606, %max3A_608 : vector<8x4096xf32>
    %neg3A_610 = arith.constant 0.000000e+00 : f32
    %neg3A_611 = vector.broadcast %neg3A_610 : f32 to vector<8x4096xf32>
    %neg3A_612 = arith.subf %neg3A_611, %mul3A_605 : vector<8x4096xf32>
    %max3A_613 = arith.constant 0.000000e+00 : f32
    %max3A_614 = vector.broadcast %max3A_613 : f32 to vector<8x4096xf32>
    %max3A_615 = arith.maximumf %neg3A_612, %max3A_614 : vector<8x4096xf32>
    %mul3A_616 = arith.mulf %max3A_609, %max3A_609 : vector<8x4096xf32>
    %mul3A_617 = arith.mulf %max3A_615, %max3A_615 : vector<8x4096xf32>
    %add3A_618 = arith.addf %mul3A_616, %mul3A_617 : vector<8x4096xf32>
    %sub3A_619 = arith.constant 1.000000e+00 : f32
    %sub3A_620 = vector.broadcast %sub3A_619 : f32 to vector<8x4096xf32>
    %sub3A_621 = arith.subf %add3A_618, %sub3A_620 : vector<8x4096xf32>
    %mul3A_622 = arith.mulf %sub3A_621, %select_n3A_600 : vector<8x4096xf32>
    %ge3A_623 = arith.constant 0.000000e+00 : f32
    %ge3A_624 = vector.broadcast %ge3A_623 : f32 to vector<8x4096xf32>
    %ge3A_625 = arith.cmpf oge, %mul3A_622, %ge3A_624 : vector<8x4096xf32>
    %select_n3A_626 = arith.select %ge3A_625, %mul3A_605, %select_n3A_599 : vector<8x4096xi1>, vector<8x4096xf32>
    %select_n3A_627 = arith.select %ge3A_625, %sub3A_621, %select_n3A_600 : vector<8x4096xi1>, vector<8x4096xf32>
    %select_n3A_628 = arith.select %ge3A_625, %select_n3A_601, %mul3A_605 : vector<8x4096xi1>, vector<8x4096xf32>
    %add3A_629 = arith.addf %select_n3A_626, %select_n3A_628 : vector<8x4096xf32>
    %mul3A_630 = arith.constant 5.000000e-01 : f32
    %mul3A_631 = vector.broadcast %mul3A_630 : f32 to vector<8x4096xf32>
    %mul3A_632 = arith.mulf %mul3A_631, %add3A_629 : vector<8x4096xf32>
    %sub3A_633 = arith.subf %mul3A_17, %mul3A_632 : vector<8x4096xf32>
    %max3A_634 = arith.constant 0.000000e+00 : f32
    %max3A_635 = vector.broadcast %max3A_634 : f32 to vector<8x4096xf32>
    %max3A_636 = arith.maximumf %sub3A_633, %max3A_635 : vector<8x4096xf32>
    %neg3A_637 = arith.constant 0.000000e+00 : f32
    %neg3A_638 = vector.broadcast %neg3A_637 : f32 to vector<8x4096xf32>
    %neg3A_639 = arith.subf %neg3A_638, %mul3A_632 : vector<8x4096xf32>
    %max3A_640 = arith.constant 0.000000e+00 : f32
    %max3A_641 = vector.broadcast %max3A_640 : f32 to vector<8x4096xf32>
    %max3A_642 = arith.maximumf %neg3A_639, %max3A_641 : vector<8x4096xf32>
    %mul3A_643 = arith.mulf %max3A_636, %max3A_636 : vector<8x4096xf32>
    %mul3A_644 = arith.mulf %max3A_642, %max3A_642 : vector<8x4096xf32>
    %add3A_645 = arith.addf %mul3A_643, %mul3A_644 : vector<8x4096xf32>
    %sub3A_646 = arith.constant 1.000000e+00 : f32
    %sub3A_647 = vector.broadcast %sub3A_646 : f32 to vector<8x4096xf32>
    %sub3A_648 = arith.subf %add3A_645, %sub3A_647 : vector<8x4096xf32>
    %mul3A_649 = arith.mulf %sub3A_648, %select_n3A_627 : vector<8x4096xf32>
    %ge3A_650 = arith.constant 0.000000e+00 : f32
    %ge3A_651 = vector.broadcast %ge3A_650 : f32 to vector<8x4096xf32>
    %ge3A_652 = arith.cmpf oge, %mul3A_649, %ge3A_651 : vector<8x4096xf32>
    %select_n3A_653 = arith.select %ge3A_652, %mul3A_632, %select_n3A_626 : vector<8x4096xi1>, vector<8x4096xf32>
    %select_n3A_654 = arith.select %ge3A_652, %sub3A_648, %select_n3A_627 : vector<8x4096xi1>, vector<8x4096xf32>
    %select_n3A_655 = arith.select %ge3A_652, %select_n3A_628, %mul3A_632 : vector<8x4096xi1>, vector<8x4096xf32>
    %add3A_656 = arith.addf %select_n3A_653, %select_n3A_655 : vector<8x4096xf32>
    %mul3A_657 = arith.constant 5.000000e-01 : f32
    %mul3A_658 = vector.broadcast %mul3A_657 : f32 to vector<8x4096xf32>
    %mul3A_659 = arith.mulf %mul3A_658, %add3A_656 : vector<8x4096xf32>
    %sub3A_660 = arith.subf %mul3A_17, %mul3A_659 : vector<8x4096xf32>
    %max3A_661 = arith.constant 0.000000e+00 : f32
    %max3A_662 = vector.broadcast %max3A_661 : f32 to vector<8x4096xf32>
    %max3A_663 = arith.maximumf %sub3A_660, %max3A_662 : vector<8x4096xf32>
    %neg3A_664 = arith.constant 0.000000e+00 : f32
    %neg3A_665 = vector.broadcast %neg3A_664 : f32 to vector<8x4096xf32>
    %neg3A_666 = arith.subf %neg3A_665, %mul3A_659 : vector<8x4096xf32>
    %max3A_667 = arith.constant 0.000000e+00 : f32
    %max3A_668 = vector.broadcast %max3A_667 : f32 to vector<8x4096xf32>
    %max3A_669 = arith.maximumf %neg3A_666, %max3A_668 : vector<8x4096xf32>
    %mul3A_670 = arith.mulf %max3A_663, %max3A_663 : vector<8x4096xf32>
    %mul3A_671 = arith.mulf %max3A_669, %max3A_669 : vector<8x4096xf32>
    %add3A_672 = arith.addf %mul3A_670, %mul3A_671 : vector<8x4096xf32>
    %sub3A_673 = arith.constant 1.000000e+00 : f32
    %sub3A_674 = vector.broadcast %sub3A_673 : f32 to vector<8x4096xf32>
    %sub3A_675 = arith.subf %add3A_672, %sub3A_674 : vector<8x4096xf32>
    %mul3A_676 = arith.mulf %sub3A_675, %select_n3A_654 : vector<8x4096xf32>
    %ge3A_677 = arith.constant 0.000000e+00 : f32
    %ge3A_678 = vector.broadcast %ge3A_677 : f32 to vector<8x4096xf32>
    %ge3A_679 = arith.cmpf oge, %mul3A_676, %ge3A_678 : vector<8x4096xf32>
    %select_n3A_680 = arith.select %ge3A_679, %mul3A_659, %select_n3A_653 : vector<8x4096xi1>, vector<8x4096xf32>
    %select_n3A_681 = arith.select %ge3A_679, %sub3A_675, %select_n3A_654 : vector<8x4096xi1>, vector<8x4096xf32>
    %select_n3A_682 = arith.select %ge3A_679, %select_n3A_655, %mul3A_659 : vector<8x4096xi1>, vector<8x4096xf32>
    %add3A_683 = arith.addf %select_n3A_680, %select_n3A_682 : vector<8x4096xf32>
    %mul3A_684 = arith.constant 5.000000e-01 : f32
    %mul3A_685 = vector.broadcast %mul3A_684 : f32 to vector<8x4096xf32>
    %mul3A_686 = arith.mulf %mul3A_685, %add3A_683 : vector<8x4096xf32>
    %sub3A_687 = arith.subf %mul3A_17, %mul3A_686 : vector<8x4096xf32>
    %max3A_688 = arith.constant 0.000000e+00 : f32
    %max3A_689 = vector.broadcast %max3A_688 : f32 to vector<8x4096xf32>
    %max3A_690 = arith.maximumf %sub3A_687, %max3A_689 : vector<8x4096xf32>
    %neg3A_691 = arith.constant 0.000000e+00 : f32
    %neg3A_692 = vector.broadcast %neg3A_691 : f32 to vector<8x4096xf32>
    %neg3A_693 = arith.subf %neg3A_692, %mul3A_686 : vector<8x4096xf32>
    %max3A_694 = arith.constant 0.000000e+00 : f32
    %max3A_695 = vector.broadcast %max3A_694 : f32 to vector<8x4096xf32>
    %max3A_696 = arith.maximumf %neg3A_693, %max3A_695 : vector<8x4096xf32>
    %mul3A_697 = arith.mulf %max3A_690, %max3A_690 : vector<8x4096xf32>
    %mul3A_698 = arith.mulf %max3A_696, %max3A_696 : vector<8x4096xf32>
    %add3A_699 = arith.addf %mul3A_697, %mul3A_698 : vector<8x4096xf32>
    %sub3A_700 = arith.constant 1.000000e+00 : f32
    %sub3A_701 = vector.broadcast %sub3A_700 : f32 to vector<8x4096xf32>
    %sub3A_702 = arith.subf %add3A_699, %sub3A_701 : vector<8x4096xf32>
    %mul3A_703 = arith.mulf %sub3A_702, %select_n3A_681 : vector<8x4096xf32>
    %ge3A_704 = arith.constant 0.000000e+00 : f32
    %ge3A_705 = vector.broadcast %ge3A_704 : f32 to vector<8x4096xf32>
    %ge3A_706 = arith.cmpf oge, %mul3A_703, %ge3A_705 : vector<8x4096xf32>
    %select_n3A_707 = arith.select %ge3A_706, %mul3A_686, %select_n3A_680 : vector<8x4096xi1>, vector<8x4096xf32>
    %select_n3A_708 = arith.select %ge3A_706, %sub3A_702, %select_n3A_681 : vector<8x4096xi1>, vector<8x4096xf32>
    %select_n3A_709 = arith.select %ge3A_706, %select_n3A_682, %mul3A_686 : vector<8x4096xi1>, vector<8x4096xf32>
    %add3A_710 = arith.addf %select_n3A_707, %select_n3A_709 : vector<8x4096xf32>
    %mul3A_711 = arith.constant 5.000000e-01 : f32
    %mul3A_712 = vector.broadcast %mul3A_711 : f32 to vector<8x4096xf32>
    %mul3A_713 = arith.mulf %mul3A_712, %add3A_710 : vector<8x4096xf32>
    %sub3A_714 = arith.subf %mul3A_17, %mul3A_713 : vector<8x4096xf32>
    %max3A_715 = arith.constant 0.000000e+00 : f32
    %max3A_716 = vector.broadcast %max3A_715 : f32 to vector<8x4096xf32>
    %max3A_717 = arith.maximumf %sub3A_714, %max3A_716 : vector<8x4096xf32>
    %neg3A_718 = arith.constant 0.000000e+00 : f32
    %neg3A_719 = vector.broadcast %neg3A_718 : f32 to vector<8x4096xf32>
    %neg3A_720 = arith.subf %neg3A_719, %mul3A_713 : vector<8x4096xf32>
    %max3A_721 = arith.constant 0.000000e+00 : f32
    %max3A_722 = vector.broadcast %max3A_721 : f32 to vector<8x4096xf32>
    %max3A_723 = arith.maximumf %neg3A_720, %max3A_722 : vector<8x4096xf32>
    %mul3A_724 = arith.mulf %max3A_717, %max3A_717 : vector<8x4096xf32>
    %mul3A_725 = arith.mulf %max3A_723, %max3A_723 : vector<8x4096xf32>
    %add3A_726 = arith.addf %mul3A_724, %mul3A_725 : vector<8x4096xf32>
    %sub3A_727 = arith.constant 1.000000e+00 : f32
    %sub3A_728 = vector.broadcast %sub3A_727 : f32 to vector<8x4096xf32>
    %sub3A_729 = arith.subf %add3A_726, %sub3A_728 : vector<8x4096xf32>
    %mul3A_730 = arith.mulf %sub3A_729, %select_n3A_708 : vector<8x4096xf32>
    %ge3A_731 = arith.constant 0.000000e+00 : f32
    %ge3A_732 = vector.broadcast %ge3A_731 : f32 to vector<8x4096xf32>
    %ge3A_733 = arith.cmpf oge, %mul3A_730, %ge3A_732 : vector<8x4096xf32>
    %select_n3A_734 = arith.select %ge3A_733, %mul3A_713, %select_n3A_707 : vector<8x4096xi1>, vector<8x4096xf32>
    %select_n3A_735 = arith.select %ge3A_733, %sub3A_729, %select_n3A_708 : vector<8x4096xi1>, vector<8x4096xf32>
    %select_n3A_736 = arith.select %ge3A_733, %select_n3A_709, %mul3A_713 : vector<8x4096xi1>, vector<8x4096xf32>
    %add3A_737 = arith.addf %select_n3A_734, %select_n3A_736 : vector<8x4096xf32>
    %mul3A_738 = arith.constant 5.000000e-01 : f32
    %mul3A_739 = vector.broadcast %mul3A_738 : f32 to vector<8x4096xf32>
    %mul3A_740 = arith.mulf %mul3A_739, %add3A_737 : vector<8x4096xf32>
    %sub3A_741 = arith.subf %mul3A_17, %mul3A_740 : vector<8x4096xf32>
    %max3A_742 = arith.constant 0.000000e+00 : f32
    %max3A_743 = vector.broadcast %max3A_742 : f32 to vector<8x4096xf32>
    %max3A_744 = arith.maximumf %sub3A_741, %max3A_743 : vector<8x4096xf32>
    %neg3A_745 = arith.constant 0.000000e+00 : f32
    %neg3A_746 = vector.broadcast %neg3A_745 : f32 to vector<8x4096xf32>
    %neg3A_747 = arith.subf %neg3A_746, %mul3A_740 : vector<8x4096xf32>
    %max3A_748 = arith.constant 0.000000e+00 : f32
    %max3A_749 = vector.broadcast %max3A_748 : f32 to vector<8x4096xf32>
    %max3A_750 = arith.maximumf %neg3A_747, %max3A_749 : vector<8x4096xf32>
    %mul3A_751 = arith.mulf %max3A_744, %max3A_744 : vector<8x4096xf32>
    %mul3A_752 = arith.mulf %max3A_750, %max3A_750 : vector<8x4096xf32>
    %add3A_753 = arith.addf %mul3A_751, %mul3A_752 : vector<8x4096xf32>
    %sub3A_754 = arith.constant 1.000000e+00 : f32
    %sub3A_755 = vector.broadcast %sub3A_754 : f32 to vector<8x4096xf32>
    %sub3A_756 = arith.subf %add3A_753, %sub3A_755 : vector<8x4096xf32>
    %mul3A_757 = arith.mulf %sub3A_756, %select_n3A_735 : vector<8x4096xf32>
    %ge3A_758 = arith.constant 0.000000e+00 : f32
    %ge3A_759 = vector.broadcast %ge3A_758 : f32 to vector<8x4096xf32>
    %ge3A_760 = arith.cmpf oge, %mul3A_757, %ge3A_759 : vector<8x4096xf32>
    %select_n3A_761 = arith.select %ge3A_760, %mul3A_740, %select_n3A_734 : vector<8x4096xi1>, vector<8x4096xf32>
    %select_n3A_762 = arith.select %ge3A_760, %sub3A_756, %select_n3A_735 : vector<8x4096xi1>, vector<8x4096xf32>
    %select_n3A_763 = arith.select %ge3A_760, %select_n3A_736, %mul3A_740 : vector<8x4096xi1>, vector<8x4096xf32>
    %add3A_764 = arith.addf %select_n3A_761, %select_n3A_763 : vector<8x4096xf32>
    %mul3A_765 = arith.constant 5.000000e-01 : f32
    %mul3A_766 = vector.broadcast %mul3A_765 : f32 to vector<8x4096xf32>
    %mul3A_767 = arith.mulf %mul3A_766, %add3A_764 : vector<8x4096xf32>
    %sub3A_768 = arith.subf %mul3A_17, %mul3A_767 : vector<8x4096xf32>
    %max3A_769 = arith.constant 0.000000e+00 : f32
    %max3A_770 = vector.broadcast %max3A_769 : f32 to vector<8x4096xf32>
    %max3A_771 = arith.maximumf %sub3A_768, %max3A_770 : vector<8x4096xf32>
    %neg3A_772 = arith.constant 0.000000e+00 : f32
    %neg3A_773 = vector.broadcast %neg3A_772 : f32 to vector<8x4096xf32>
    %neg3A_774 = arith.subf %neg3A_773, %mul3A_767 : vector<8x4096xf32>
    %max3A_775 = arith.constant 0.000000e+00 : f32
    %max3A_776 = vector.broadcast %max3A_775 : f32 to vector<8x4096xf32>
    %max3A_777 = arith.maximumf %neg3A_774, %max3A_776 : vector<8x4096xf32>
    %mul3A_778 = arith.mulf %max3A_771, %max3A_771 : vector<8x4096xf32>
    %mul3A_779 = arith.mulf %max3A_777, %max3A_777 : vector<8x4096xf32>
    %add3A_780 = arith.addf %mul3A_778, %mul3A_779 : vector<8x4096xf32>
    %sub3A_781 = arith.constant 1.000000e+00 : f32
    %sub3A_782 = vector.broadcast %sub3A_781 : f32 to vector<8x4096xf32>
    %sub3A_783 = arith.subf %add3A_780, %sub3A_782 : vector<8x4096xf32>
    %mul3A_784 = arith.mulf %sub3A_783, %select_n3A_762 : vector<8x4096xf32>
    %ge3A_785 = arith.constant 0.000000e+00 : f32
    %ge3A_786 = vector.broadcast %ge3A_785 : f32 to vector<8x4096xf32>
    %ge3A_787 = arith.cmpf oge, %mul3A_784, %ge3A_786 : vector<8x4096xf32>
    %select_n3A_788 = arith.select %ge3A_787, %mul3A_767, %select_n3A_761 : vector<8x4096xi1>, vector<8x4096xf32>
    %select_n3A_789 = arith.select %ge3A_787, %sub3A_783, %select_n3A_762 : vector<8x4096xi1>, vector<8x4096xf32>
    %select_n3A_790 = arith.select %ge3A_787, %select_n3A_763, %mul3A_767 : vector<8x4096xi1>, vector<8x4096xf32>
    %add3A_791 = arith.addf %select_n3A_788, %select_n3A_790 : vector<8x4096xf32>
    %mul3A_792 = arith.constant 5.000000e-01 : f32
    %mul3A_793 = vector.broadcast %mul3A_792 : f32 to vector<8x4096xf32>
    %mul3A_794 = arith.mulf %mul3A_793, %add3A_791 : vector<8x4096xf32>
    %sub3A_795 = arith.subf %mul3A_17, %mul3A_794 : vector<8x4096xf32>
    %max3A_796 = arith.constant 0.000000e+00 : f32
    %max3A_797 = vector.broadcast %max3A_796 : f32 to vector<8x4096xf32>
    %max3A_798 = arith.maximumf %sub3A_795, %max3A_797 : vector<8x4096xf32>
    %neg3A_799 = arith.constant 0.000000e+00 : f32
    %neg3A_800 = vector.broadcast %neg3A_799 : f32 to vector<8x4096xf32>
    %neg3A_801 = arith.subf %neg3A_800, %mul3A_794 : vector<8x4096xf32>
    %max3A_802 = arith.constant 0.000000e+00 : f32
    %max3A_803 = vector.broadcast %max3A_802 : f32 to vector<8x4096xf32>
    %max3A_804 = arith.maximumf %neg3A_801, %max3A_803 : vector<8x4096xf32>
    %mul3A_805 = arith.mulf %max3A_798, %max3A_798 : vector<8x4096xf32>
    %mul3A_806 = arith.mulf %max3A_804, %max3A_804 : vector<8x4096xf32>
    %add3A_807 = arith.addf %mul3A_805, %mul3A_806 : vector<8x4096xf32>
    %sub3A_808 = arith.constant 1.000000e+00 : f32
    %sub3A_809 = vector.broadcast %sub3A_808 : f32 to vector<8x4096xf32>
    %sub3A_810 = arith.subf %add3A_807, %sub3A_809 : vector<8x4096xf32>
    %mul3A_811 = arith.mulf %sub3A_810, %select_n3A_789 : vector<8x4096xf32>
    %ge3A_812 = arith.constant 0.000000e+00 : f32
    %ge3A_813 = vector.broadcast %ge3A_812 : f32 to vector<8x4096xf32>
    %ge3A_814 = arith.cmpf oge, %mul3A_811, %ge3A_813 : vector<8x4096xf32>
    %select_n3A_815 = arith.select %ge3A_814, %mul3A_794, %select_n3A_788 : vector<8x4096xi1>, vector<8x4096xf32>
    %select_n3A_816 = arith.select %ge3A_814, %sub3A_810, %select_n3A_789 : vector<8x4096xi1>, vector<8x4096xf32>
    %select_n3A_817 = arith.select %ge3A_814, %select_n3A_790, %mul3A_794 : vector<8x4096xi1>, vector<8x4096xf32>
    %add3A_818 = arith.addf %select_n3A_815, %select_n3A_817 : vector<8x4096xf32>
    %mul3A_819 = arith.constant 5.000000e-01 : f32
    %mul3A_820 = vector.broadcast %mul3A_819 : f32 to vector<8x4096xf32>
    %mul3A_821 = arith.mulf %mul3A_820, %add3A_818 : vector<8x4096xf32>
    %sub3A_822 = arith.subf %mul3A_17, %mul3A_821 : vector<8x4096xf32>
    %max3A_823 = arith.constant 0.000000e+00 : f32
    %max3A_824 = vector.broadcast %max3A_823 : f32 to vector<8x4096xf32>
    %max3A_825 = arith.maximumf %sub3A_822, %max3A_824 : vector<8x4096xf32>
    %neg3A_826 = arith.constant 0.000000e+00 : f32
    %neg3A_827 = vector.broadcast %neg3A_826 : f32 to vector<8x4096xf32>
    %neg3A_828 = arith.subf %neg3A_827, %mul3A_821 : vector<8x4096xf32>
    %max3A_829 = arith.constant 0.000000e+00 : f32
    %max3A_830 = vector.broadcast %max3A_829 : f32 to vector<8x4096xf32>
    %max3A_831 = arith.maximumf %neg3A_828, %max3A_830 : vector<8x4096xf32>
    %mul3A_832 = arith.mulf %max3A_825, %max3A_825 : vector<8x4096xf32>
    %mul3A_833 = arith.mulf %max3A_831, %max3A_831 : vector<8x4096xf32>
    %add3A_834 = arith.addf %mul3A_832, %mul3A_833 : vector<8x4096xf32>
    %sub3A_835 = arith.constant 1.000000e+00 : f32
    %sub3A_836 = vector.broadcast %sub3A_835 : f32 to vector<8x4096xf32>
    %sub3A_837 = arith.subf %add3A_834, %sub3A_836 : vector<8x4096xf32>
    %mul3A_838 = arith.mulf %sub3A_837, %select_n3A_816 : vector<8x4096xf32>
    %ge3A_839 = arith.constant 0.000000e+00 : f32
    %ge3A_840 = vector.broadcast %ge3A_839 : f32 to vector<8x4096xf32>
    %ge3A_841 = arith.cmpf oge, %mul3A_838, %ge3A_840 : vector<8x4096xf32>
    %select_n3A_842 = arith.select %ge3A_841, %mul3A_821, %select_n3A_815 : vector<8x4096xi1>, vector<8x4096xf32>
    %select_n3A_843 = arith.select %ge3A_841, %select_n3A_817, %mul3A_821 : vector<8x4096xi1>, vector<8x4096xf32>
    %add3A_844 = arith.addf %select_n3A_842, %select_n3A_843 : vector<8x4096xf32>
    %mul3A_845 = arith.constant 5.000000e-01 : f32
    %mul3A_846 = vector.broadcast %mul3A_845 : f32 to vector<8x4096xf32>
    %mul3A_847 = arith.mulf %mul3A_846, %add3A_844 : vector<8x4096xf32>
    %sub3A_848 = arith.subf %mul3A_17, %mul3A_847 : vector<8x4096xf32>
    %max3A_849 = arith.constant 0.000000e+00 : f32
    %max3A_850 = vector.broadcast %max3A_849 : f32 to vector<8x4096xf32>
    %max3A_851 = arith.maximumf %sub3A_848, %max3A_850 : vector<8x4096xf32>
    %neg3A_852 = arith.constant 0.000000e+00 : f32
    %neg3A_853 = vector.broadcast %neg3A_852 : f32 to vector<8x4096xf32>
    %neg3A_854 = arith.subf %neg3A_853, %mul3A_847 : vector<8x4096xf32>
    %max3A_855 = arith.constant 0.000000e+00 : f32
    %max3A_856 = vector.broadcast %max3A_855 : f32 to vector<8x4096xf32>
    %max3A_857 = arith.maximumf %neg3A_854, %max3A_856 : vector<8x4096xf32>
    %mul3A_858 = arith.mulf %max3A_851, %max3A_851 : vector<8x4096xf32>
    %mul3A_859 = arith.mulf %max3A_857, %max3A_857 : vector<8x4096xf32>
    %add3A_860 = arith.addf %mul3A_858, %mul3A_859 : vector<8x4096xf32>
    %div3A_861 = arith.divf %mul3A_858, %add3A_860 : vector<8x4096xf32>
    %sub3A_862 = arith.constant 1.000000e+00 : f32
    %sub3A_863 = vector.broadcast %sub3A_862 : f32 to vector<8x4096xf32>
    %sub3A_864 = arith.subf %sub3A_863, %div3A_861 : vector<8x4096xf32>
    %iota3A = tpu.iota {dimensions = array<i32: 0>} : vector<64x1xi32>
    %broadcast_in_dim3A = arith.constant 1.000000e+00 : f32
    %broadcast_in_dim3A_865 = vector.broadcast %broadcast_in_dim3A : f32 to vector<64x4096xf32>
    %shift_right_arithmetic3A = arith.constant 5 : i32
    %shift_right_arithmetic3A_866 = vector.broadcast %shift_right_arithmetic3A : i32 to vector<64x1xi32>
    %shift_right_arithmetic3A_867 = arith.shrsi %iota3A, %shift_right_arithmetic3A_866 : vector<64x1xi32>
    %and3A = arith.constant 1 : i32
    %and3A_868 = vector.broadcast %and3A : i32 to vector<64x1xi32>
    %and3A_869 = arith.andi %shift_right_arithmetic3A_867, %and3A_868 : vector<64x1xi32>
    %eq3A = arith.constant 1 : i32
    %eq3A_870 = vector.broadcast %eq3A : i32 to vector<64x1xi32>
    %eq3A_871 = arith.cmpi eq, %and3A_869, %eq3A_870 : vector<64x1xi32>
    %slice3A = vector.extract_strided_slice %div3A_861 {offsets = [0, 0], sizes = [1, 4096], strides = [1, 1]} : vector<8x4096xf32> to vector<1x4096xf32>
    %slice3A_872 = vector.extract_strided_slice %sub3A_864 {offsets = [0, 0], sizes = [1, 4096], strides = [1, 1]} : vector<8x4096xf32> to vector<1x4096xf32>
    %broadcast_in_dim3A_873 = vector.shape_cast %eq3A_871 : vector<64x1xi1> to vector<64x1xi1>
    %broadcast_in_dim3A_874 = vector.broadcast %broadcast_in_dim3A_873 : vector<64x1xi1> to vector<64x4096xi1>
    %broadcast_in_dim3A_875 = vector.shape_cast %slice3A : vector<1x4096xf32> to vector<1x4096xf32>
    %broadcast_in_dim3A_876 = vector.broadcast %broadcast_in_dim3A_875 : vector<1x4096xf32> to vector<64x4096xf32>
    %broadcast_in_dim3A_877 = vector.shape_cast %slice3A_872 : vector<1x4096xf32> to vector<1x4096xf32>
    %broadcast_in_dim3A_878 = vector.broadcast %broadcast_in_dim3A_877 : vector<1x4096xf32> to vector<64x4096xf32>
    %select_n3A_879 = arith.select %broadcast_in_dim3A_874, %broadcast_in_dim3A_876, %broadcast_in_dim3A_878 : vector<64x4096xi1>, vector<64x4096xf32>
    %mul3A_880 = arith.mulf %broadcast_in_dim3A_865, %select_n3A_879 : vector<64x4096xf32>
    %shift_right_arithmetic3A_881 = arith.constant 4 : i32
    %shift_right_arithmetic3A_882 = vector.broadcast %shift_right_arithmetic3A_881 : i32 to vector<64x1xi32>
    %shift_right_arithmetic3A_883 = arith.shrsi %iota3A, %shift_right_arithmetic3A_882 : vector<64x1xi32>
    %and3A_884 = arith.constant 1 : i32
    %and3A_885 = vector.broadcast %and3A_884 : i32 to vector<64x1xi32>
    %and3A_886 = arith.andi %shift_right_arithmetic3A_883, %and3A_885 : vector<64x1xi32>
    %eq3A_887 = arith.constant 1 : i32
    %eq3A_888 = vector.broadcast %eq3A_887 : i32 to vector<64x1xi32>
    %eq3A_889 = arith.cmpi eq, %and3A_886, %eq3A_888 : vector<64x1xi32>
    %slice3A_890 = vector.extract_strided_slice %div3A_861 {offsets = [1, 0], sizes = [1, 4096], strides = [1, 1]} : vector<8x4096xf32> to vector<1x4096xf32>
    %slice3A_891 = vector.extract_strided_slice %sub3A_864 {offsets = [1, 0], sizes = [1, 4096], strides = [1, 1]} : vector<8x4096xf32> to vector<1x4096xf32>
    %broadcast_in_dim3A_892 = vector.shape_cast %eq3A_889 : vector<64x1xi1> to vector<64x1xi1>
    %broadcast_in_dim3A_893 = vector.broadcast %broadcast_in_dim3A_892 : vector<64x1xi1> to vector<64x4096xi1>
    %broadcast_in_dim3A_894 = vector.shape_cast %slice3A_890 : vector<1x4096xf32> to vector<1x4096xf32>
    %broadcast_in_dim3A_895 = vector.broadcast %broadcast_in_dim3A_894 : vector<1x4096xf32> to vector<64x4096xf32>
    %broadcast_in_dim3A_896 = vector.shape_cast %slice3A_891 : vector<1x4096xf32> to vector<1x4096xf32>
    %broadcast_in_dim3A_897 = vector.broadcast %broadcast_in_dim3A_896 : vector<1x4096xf32> to vector<64x4096xf32>
    %select_n3A_898 = arith.select %broadcast_in_dim3A_893, %broadcast_in_dim3A_895, %broadcast_in_dim3A_897 : vector<64x4096xi1>, vector<64x4096xf32>
    %mul3A_899 = arith.mulf %mul3A_880, %select_n3A_898 : vector<64x4096xf32>
    %shift_right_arithmetic3A_900 = arith.constant 3 : i32
    %shift_right_arithmetic3A_901 = vector.broadcast %shift_right_arithmetic3A_900 : i32 to vector<64x1xi32>
    %shift_right_arithmetic3A_902 = arith.shrsi %iota3A, %shift_right_arithmetic3A_901 : vector<64x1xi32>
    %and3A_903 = arith.constant 1 : i32
    %and3A_904 = vector.broadcast %and3A_903 : i32 to vector<64x1xi32>
    %and3A_905 = arith.andi %shift_right_arithmetic3A_902, %and3A_904 : vector<64x1xi32>
    %eq3A_906 = arith.constant 1 : i32
    %eq3A_907 = vector.broadcast %eq3A_906 : i32 to vector<64x1xi32>
    %eq3A_908 = arith.cmpi eq, %and3A_905, %eq3A_907 : vector<64x1xi32>
    %slice3A_909 = vector.extract_strided_slice %div3A_861 {offsets = [2, 0], sizes = [1, 4096], strides = [1, 1]} : vector<8x4096xf32> to vector<1x4096xf32>
    %slice3A_910 = vector.extract_strided_slice %sub3A_864 {offsets = [2, 0], sizes = [1, 4096], strides = [1, 1]} : vector<8x4096xf32> to vector<1x4096xf32>
    %broadcast_in_dim3A_911 = vector.shape_cast %eq3A_908 : vector<64x1xi1> to vector<64x1xi1>
    %broadcast_in_dim3A_912 = vector.broadcast %broadcast_in_dim3A_911 : vector<64x1xi1> to vector<64x4096xi1>
    %broadcast_in_dim3A_913 = vector.shape_cast %slice3A_909 : vector<1x4096xf32> to vector<1x4096xf32>
    %broadcast_in_dim3A_914 = vector.broadcast %broadcast_in_dim3A_913 : vector<1x4096xf32> to vector<64x4096xf32>
    %broadcast_in_dim3A_915 = vector.shape_cast %slice3A_910 : vector<1x4096xf32> to vector<1x4096xf32>
    %broadcast_in_dim3A_916 = vector.broadcast %broadcast_in_dim3A_915 : vector<1x4096xf32> to vector<64x4096xf32>
    %select_n3A_917 = arith.select %broadcast_in_dim3A_912, %broadcast_in_dim3A_914, %broadcast_in_dim3A_916 : vector<64x4096xi1>, vector<64x4096xf32>
    %mul3A_918 = arith.mulf %mul3A_899, %select_n3A_917 : vector<64x4096xf32>
    %shift_right_arithmetic3A_919 = arith.constant 2 : i32
    %shift_right_arithmetic3A_920 = vector.broadcast %shift_right_arithmetic3A_919 : i32 to vector<64x1xi32>
    %shift_right_arithmetic3A_921 = arith.shrsi %iota3A, %shift_right_arithmetic3A_920 : vector<64x1xi32>
    %and3A_922 = arith.constant 1 : i32
    %and3A_923 = vector.broadcast %and3A_922 : i32 to vector<64x1xi32>
    %and3A_924 = arith.andi %shift_right_arithmetic3A_921, %and3A_923 : vector<64x1xi32>
    %eq3A_925 = arith.constant 1 : i32
    %eq3A_926 = vector.broadcast %eq3A_925 : i32 to vector<64x1xi32>
    %eq3A_927 = arith.cmpi eq, %and3A_924, %eq3A_926 : vector<64x1xi32>
    %slice3A_928 = vector.extract_strided_slice %div3A_861 {offsets = [3, 0], sizes = [1, 4096], strides = [1, 1]} : vector<8x4096xf32> to vector<1x4096xf32>
    %slice3A_929 = vector.extract_strided_slice %sub3A_864 {offsets = [3, 0], sizes = [1, 4096], strides = [1, 1]} : vector<8x4096xf32> to vector<1x4096xf32>
    %broadcast_in_dim3A_930 = vector.shape_cast %eq3A_927 : vector<64x1xi1> to vector<64x1xi1>
    %broadcast_in_dim3A_931 = vector.broadcast %broadcast_in_dim3A_930 : vector<64x1xi1> to vector<64x4096xi1>
    %broadcast_in_dim3A_932 = vector.shape_cast %slice3A_928 : vector<1x4096xf32> to vector<1x4096xf32>
    %broadcast_in_dim3A_933 = vector.broadcast %broadcast_in_dim3A_932 : vector<1x4096xf32> to vector<64x4096xf32>
    %broadcast_in_dim3A_934 = vector.shape_cast %slice3A_929 : vector<1x4096xf32> to vector<1x4096xf32>
    %broadcast_in_dim3A_935 = vector.broadcast %broadcast_in_dim3A_934 : vector<1x4096xf32> to vector<64x4096xf32>
    %select_n3A_936 = arith.select %broadcast_in_dim3A_931, %broadcast_in_dim3A_933, %broadcast_in_dim3A_935 : vector<64x4096xi1>, vector<64x4096xf32>
    %mul3A_937 = arith.mulf %mul3A_918, %select_n3A_936 : vector<64x4096xf32>
    %shift_right_arithmetic3A_938 = arith.constant 1 : i32
    %shift_right_arithmetic3A_939 = vector.broadcast %shift_right_arithmetic3A_938 : i32 to vector<64x1xi32>
    %shift_right_arithmetic3A_940 = arith.shrsi %iota3A, %shift_right_arithmetic3A_939 : vector<64x1xi32>
    %and3A_941 = arith.constant 1 : i32
    %and3A_942 = vector.broadcast %and3A_941 : i32 to vector<64x1xi32>
    %and3A_943 = arith.andi %shift_right_arithmetic3A_940, %and3A_942 : vector<64x1xi32>
    %eq3A_944 = arith.constant 1 : i32
    %eq3A_945 = vector.broadcast %eq3A_944 : i32 to vector<64x1xi32>
    %eq3A_946 = arith.cmpi eq, %and3A_943, %eq3A_945 : vector<64x1xi32>
    %slice3A_947 = vector.extract_strided_slice %div3A_861 {offsets = [4, 0], sizes = [1, 4096], strides = [1, 1]} : vector<8x4096xf32> to vector<1x4096xf32>
    %slice3A_948 = vector.extract_strided_slice %sub3A_864 {offsets = [4, 0], sizes = [1, 4096], strides = [1, 1]} : vector<8x4096xf32> to vector<1x4096xf32>
    %broadcast_in_dim3A_949 = vector.shape_cast %eq3A_946 : vector<64x1xi1> to vector<64x1xi1>
    %broadcast_in_dim3A_950 = vector.broadcast %broadcast_in_dim3A_949 : vector<64x1xi1> to vector<64x4096xi1>
    %broadcast_in_dim3A_951 = vector.shape_cast %slice3A_947 : vector<1x4096xf32> to vector<1x4096xf32>
    %broadcast_in_dim3A_952 = vector.broadcast %broadcast_in_dim3A_951 : vector<1x4096xf32> to vector<64x4096xf32>
    %broadcast_in_dim3A_953 = vector.shape_cast %slice3A_948 : vector<1x4096xf32> to vector<1x4096xf32>
    %broadcast_in_dim3A_954 = vector.broadcast %broadcast_in_dim3A_953 : vector<1x4096xf32> to vector<64x4096xf32>
    %select_n3A_955 = arith.select %broadcast_in_dim3A_950, %broadcast_in_dim3A_952, %broadcast_in_dim3A_954 : vector<64x4096xi1>, vector<64x4096xf32>
    %mul3A_956 = arith.mulf %mul3A_937, %select_n3A_955 : vector<64x4096xf32>
    %shift_right_arithmetic3A_957 = arith.constant 0 : i32
    %shift_right_arithmetic3A_958 = vector.broadcast %shift_right_arithmetic3A_957 : i32 to vector<64x1xi32>
    %shift_right_arithmetic3A_959 = arith.shrsi %iota3A, %shift_right_arithmetic3A_958 : vector<64x1xi32>
    %and3A_960 = arith.constant 1 : i32
    %and3A_961 = vector.broadcast %and3A_960 : i32 to vector<64x1xi32>
    %and3A_962 = arith.andi %shift_right_arithmetic3A_959, %and3A_961 : vector<64x1xi32>
    %eq3A_963 = arith.constant 1 : i32
    %eq3A_964 = vector.broadcast %eq3A_963 : i32 to vector<64x1xi32>
    %eq3A_965 = arith.cmpi eq, %and3A_962, %eq3A_964 : vector<64x1xi32>
    %slice3A_966 = vector.extract_strided_slice %div3A_861 {offsets = [5, 0], sizes = [1, 4096], strides = [1, 1]} : vector<8x4096xf32> to vector<1x4096xf32>
    %slice3A_967 = vector.extract_strided_slice %sub3A_864 {offsets = [5, 0], sizes = [1, 4096], strides = [1, 1]} : vector<8x4096xf32> to vector<1x4096xf32>
    %broadcast_in_dim3A_968 = vector.shape_cast %eq3A_965 : vector<64x1xi1> to vector<64x1xi1>
    %broadcast_in_dim3A_969 = vector.broadcast %broadcast_in_dim3A_968 : vector<64x1xi1> to vector<64x4096xi1>
    %broadcast_in_dim3A_970 = vector.shape_cast %slice3A_966 : vector<1x4096xf32> to vector<1x4096xf32>
    %broadcast_in_dim3A_971 = vector.broadcast %broadcast_in_dim3A_970 : vector<1x4096xf32> to vector<64x4096xf32>
    %broadcast_in_dim3A_972 = vector.shape_cast %slice3A_967 : vector<1x4096xf32> to vector<1x4096xf32>
    %broadcast_in_dim3A_973 = vector.broadcast %broadcast_in_dim3A_972 : vector<1x4096xf32> to vector<64x4096xf32>
    %select_n3A_974 = arith.select %broadcast_in_dim3A_969, %broadcast_in_dim3A_971, %broadcast_in_dim3A_973 : vector<64x4096xi1>, vector<64x4096xf32>
    %mul3A_975 = arith.mulf %mul3A_956, %select_n3A_974 : vector<64x4096xf32>
    %get3A_976 = arith.constant 0 : index
    %get3A_977 = arith.constant 0 : index
    %get3A_978 = vector.load %arg6[%get3A_976, %get3A_977] : memref<64x64xf32, #tpu.memory_space<vmem>>, vector<64x64xf32>
    %dot_general3A_979 = arith.constant dense<0.000000e+00> : vector<64x4096xf32>
    %dot_general3A_980 = tpu.matmul %get3A_978, %mul3A_975, %dot_general3A_979 {dimension_numbers = #tpu.dot_dimension_numbers<[1], [0], [0], [1], [0, 0, 1, 1], [], []>, transpose_lhs_hint = false} : vector<64x64xf32>, vector<64x4096xf32>, vector<64x4096xf32> -> vector<64x4096xf32>
    %get3A_981 = arith.constant 0 : index
    %get3A_982 = arith.constant 0 : index
    %get3A_983 = vector.load %arg7[%get3A_981, %get3A_982] : memref<64x1xf32, #tpu.memory_space<vmem>>, vector<64x1xf32>
    %add3A_984 = vector.broadcast %get3A_983 : vector<64x1xf32> to vector<64x4096xf32>
    %add3A_985 = arith.addf %dot_general3A_980, %add3A_984 : vector<64x4096xf32>
    %broadcast_in_dim3A_986 = vector.shape_cast %add3A_985 : vector<64x4096xf32> to vector<1x64x4096xf32>
    %swap3A = arith.constant 0 : index
    %swap3A_987 = arith.constant 0 : index
    %swap3A_988 = arith.constant 0 : index
    %swap3A_989 = vector.load %arg8[%swap3A, %swap3A_987, %swap3A_988] : memref<1x64x4096xf32, #tpu.memory_space<vmem>>, vector<1x64x4096xf32>
    tpu.vector_store %arg8[%swap3A, %swap3A_987, %swap3A_988], %broadcast_in_dim3A_986 {strides = array<i32>} : memref<1x64x4096xf32, #tpu.memory_space<vmem>>, vector<1x64x4096xf32>,
    return
  }
  func.func @transform_0(%arg0: i32, %arg1: i32) -> (i32, i32, i32) {
    %c0_i32 = arith.constant 0 : i32
    %c0_i32_0 = arith.constant 0 : i32
    return %arg0, %arg1, %c0_i32 : i32, i32, i32
  }
  func.func @transform_1(%arg0: i32, %arg1: i32) -> (i32, i32) {
    %c0_i32 = arith.constant 0 : i32
    %c0_i32_0 = arith.constant 0 : i32
    %c0_i32_1 = arith.constant 0 : i32
    return %c0_i32, %c0_i32_0 : i32, i32
  }
  func.func @transform_2(%arg0: i32, %arg1: i32) -> (i32, i32) {
    %c0_i32 = arith.constant 0 : i32
    %c0_i32_0 = arith.constant 0 : i32
    %c0_i32_1 = arith.constant 0 : i32
    return %c0_i32, %c0_i32_0 : i32, i32
  }
  func.func @transform_3(%arg0: i32, %arg1: i32) -> (i32, i32) {
    %c0_i32 = arith.constant 0 : i32
    %c0_i32_0 = arith.constant 0 : i32
    %c0_i32_1 = arith.constant 0 : i32
    return %c0_i32, %c0_i32_0 : i32, i32
  }
  func.func @transform_4(%arg0: i32, %arg1: i32) -> (i32, i32) {
    %c0_i32 = arith.constant 0 : i32
    %c0_i32_0 = arith.constant 0 : i32
    %c0_i32_1 = arith.constant 0 : i32
    return %c0_i32, %c0_i32_0 : i32, i32
  }
  func.func @transform_5(%arg0: i32, %arg1: i32) -> (i32, i32) {
    %c0_i32 = arith.constant 0 : i32
    %c0_i32_0 = arith.constant 0 : i32
    %c0_i32_1 = arith.constant 0 : i32
    return %c0_i32, %c0_i32_0 : i32, i32
  }
  func.func @transform_6(%arg0: i32, %arg1: i32) -> (i32, i32, i32) {
    %c0_i32 = arith.constant 0 : i32
    %c0_i32_0 = arith.constant 0 : i32
    return %arg0, %c0_i32, %arg1 : i32, i32, i32
  }
}

</mosaic_0001>

<sc_bundles>
// kernel: _run.5.cloned.1.call-start
scs
__scs_entry_jumppad:
0x0: {  	(pc) =	sbr.rel $0x88, $3  }
0x1: {  	(tag) =	ssettag $0x0;
	lr =	simm.s32 $0x1  }
0x2: {  	[smem:$0x3F9B] =	sst lr;
	_ =	strace $0xD0000000  }
0x3: {  	_ = 	snop  }
0x4: {  	_ = 	snop  }
0x5: {  	_ = 	snop  }
0x6: {  	_ = 	snop  }
0x7: {  	_ = 	snop  }
__scs_overlays_trampoline_lowered:
0x8: {  	[smem:$0x3FAA] =	sst s0  }
0x9: {  	[smem:$0x3FAB] =	sst s1  }
0xa: {  	[smem:$0x3FAC] =	sst s2  }
0xb: {  	[smem:$0x3FAD] =	sst s3  }
0xc: {  	[smem:$0x3FAE] =	sst s4  }
0xd: {  	[smem:$0x3FAF] =	sst s5  }
0xe: {  	[smem:$0x3FB0] =	sst s6  }
0xf: {  	[smem:$0x3FB1] =	sst s7  }
0x10: {  	[smem:$0x3FB2] =	sst s8  }
0x11: {  	[smem:$0x3FB3] =	sst s9;
	s0 =	simm.s32 @!p0 $0x0  }
0x12: {  	s1 =	sld [smem:$0x3F99];
	s0 =	simm.s32 @p0 $0x1  }
0x13: {  	[smem:$0x3FB4] =	sst s0;
	s0 =	simm.s32 @!p1 $0x0  }
0x14: {  	s2 =	sld [smem:$0x3F98];
	s0 =	simm.s32 @p1 $0x1  }
0x15: {  	[smem:$0x3FB5] =	sst s0;
	s0 =	simm.s32 @!p2 $0x0  }
0x16: {  	s3 =	sld [smem:$0x3FDB];
	s0 =	simm.s32 @p2 $0x1  }
0x17: {  	s4 =	simm.s32 $0x1BF5;
	[smem:$0x3FB7] =	sst s0  }
0x18: {  	s0 =	sld [smem:$0x3F9A];
	_ =	swait.ge [sflag:s4], $0x0  }
0x19: {  	s7 =	sld [smem:$0x3F9B]  }
0x1a: {  	s8 =	sadd.s32 $0xFFFFE003, lr  }
0x1b: {  	s9 =	sadd.s32 $0xFFFFFEF7, lr;
	s5 =	simm.s32 $0xFFFFFFFF;
	p2 =	slt.u32 s8, $0xFFFFF086  }
0x1c: {  	p1 =	slt.u32 s9, $0xF7A;
	s5 =	simm.s32 @!p2 $0x0  }
0x1d: {  	s5 =	simm.s32 @p1 $0x1;
	p0 =	seq.s32 s7, s2  }
0x1e: {  	s7 =	smul.u32 @!p0 $0xF7A, s2;
	p2 =	seq.s32 @!p0 s5, $0x0  }
0x1f: {  	s9 =	smul.u32 $0xF7A, s1;
	s8 =	simm.s32 @!p0 $0x1BF5;
	p2 =	por !p2, p0  }
0x20: {  	[sflag:s8] =	ssyncset.s32 @!p0 $0xFFFFF086;
	s6 =	sadd.s32 @!p0 s3, s7;
	s7 =	simm.s32 @!p0 $0x108  }
0x21: {  	s3 =	sadd.s32 s3, s9;
	s6 =	sadd.s32 @!p0 $0x88, s6;
	s7 =	simm.s32 @p2 $0x1082  }
0x22: {  	[simem:s7], [sflag:s8] =	dma.local @!p0 [hbm:s6], $0xF7A  }
0x23: {  	s9 =	sor.u32 $0xD0000000, s2;
	s6 =	simm.s32 $0x108;
	_ =	swait.ge @!p0 [sflag:s8], $0x0  }
0x24: {  	s3 =	sadd.s32 $0x88, s3;
	s6 =	simm.s32 @!p1 $0x1082;
	[sflag:s4] =	ssyncset.s32 $0xFFFFF086  }
0x25: {  	[simem:s6], [sflag:s4] =	dma.local [hbm:s3], $0xF7A  }
0x26: {  	[smem:$0x3F9B] =	sst s1;
	(tag) =	ssettag s2;
	_ =	strace s9  }
0x27: {  	s1 =	sld [smem:$0x3FAB]  }
0x28: {  	s2 =	sld [smem:$0x3FAC]  }
0x29: {  	s4 =	sld [smem:$0x3FAE]  }
0x2a: {  	p0 =	seq.s32 s5, $0x0;
	s5 =	sld [smem:$0x3FAF]  }
0x2b: {  	s6 =	sld [smem:$0x3FB0]  }
0x2c: {  	s7 =	sld [smem:$0x3FB1]  }
0x2d: {  	s3 =	simm.s32 $0x108;
	s8 =	sld [smem:$0x3FB2]  }
0x2e: {  	s3 =	simm.s32 @!p0 $0x1082;
	s9 =	sld [smem:$0x3FB3]  }
0x2f: {  	lr =	sadd.s32 s0, s3;
	s0 =	sld [smem:$0x3FAA]  }
0x30: {  	s3 =	sld [smem:$0x3FAD]  }
0x31: {  	[smem:$0x3FB6] =	sst s10  }
0x32: {  	s10 =	sld [smem:$0x3FB4];
	_ =	sdelay $0x3  }
0x33: {  	p0 =	seq.s32 s10, $0x1;
	s10 =	sld [smem:$0x3FB6];
	_ =	sdelay $0x3  }
0x34: {  	[smem:$0x3FB6] =	sst s10  }
0x35: {  	s10 =	sld [smem:$0x3FB5];
	_ =	sdelay $0x3  }
0x36: {  	p1 =	seq.s32 s10, $0x1;
	s10 =	sld [smem:$0x3FB6];
	_ =	sdelay $0x3  }
0x37: {  	[smem:$0x3FB6] =	sst s10  }
0x38: {  	s10 =	sld [smem:$0x3FB7]  }
0x39: {  	_ = 	snop;
	(pc) =	sbr.ind lr, $3  }
0x3a: {  	_ = 	snop  }
0x3b: {  	_ = 	snop  }
0x3c: {  	p2 =	seq.s32 s10, $0x1;
	s10 =	sld [smem:$0x3FB6]  }
0x3d: {  	_ =	shalt  }
0x3e: {  	_ =	shalt  }
0x3f: {  	_ =	shalt  }
0x40: {  	_ =	shalt  }
0x41: {  	_ =	shalt  }
0x42: {  	_ =	shalt  }
0x43: {  	_ =	shalt  }
0x44: {  	_ =	shalt  }
0x45: {  	_ =	shalt  }
0x46: {  	_ =	shalt  }
0x47: {  	_ =	shalt  }
0x48: {  	_ =	shalt  }
0x49: {  	_ =	shalt  }
0x4a: {  	_ =	shalt  }
0x4b: {  	_ =	shalt  }
0x4c: {  	_ =	shalt  }
0x4d: {  	_ =	shalt  }
0x4e: {  	_ =	shalt  }
0x4f: {  	_ =	shalt  }
0x50: {  	_ =	shalt  }
0x51: {  	_ =	shalt  }
0x52: {  	_ =	shalt  }
0x53: {  	_ =	shalt  }
0x54: {  	_ =	shalt  }
0x55: {  	_ =	shalt  }
0x56: {  	_ =	shalt  }
0x57: {  	_ =	shalt  }
0x58: {  	_ =	shalt  }
0x59: {  	_ =	shalt  }
0x5a: {  	_ =	shalt  }
0x5b: {  	_ =	shalt  }
0x5c: {  	_ =	shalt  }
0x5d: {  	_ =	shalt  }
0x5e: {  	_ =	shalt  }
0x5f: {  	_ =	shalt  }
0x60: {  	_ =	shalt  }
0x61: {  	_ =	shalt  }
0x62: {  	_ =	shalt  }
0x63: {  	_ =	shalt  }
0x64: {  	_ =	shalt  }
0x65: {  	_ =	shalt  }
0x66: {  	_ =	shalt  }
0x67: {  	_ =	shalt  }
0x68: {  	_ =	shalt  }
0x69: {  	_ =	shalt  }
0x6a: {  	_ =	shalt  }
0x6b: {  	_ =	shalt  }
0x6c: {  	_ =	shalt  }
0x6d: {  	_ =	shalt  }
0x6e: {  	_ =	shalt  }
0x6f: {  	_ =	shalt  }
0x70: {  	_ =	shalt  }
0x71: {  	_ =	shalt  }
0x72: {  	_ =	shalt  }
0x73: {  	_ =	shalt  }
0x74: {  	_ =	shalt  }
0x75: {  	_ =	shalt  }
0x76: {  	_ =	shalt  }
0x77: {  	_ =	shalt  }
0x78: {  	_ =	shalt  }
0x79: {  	_ =	shalt  }
0x7a: {  	_ =	shalt  }
0x7b: {  	_ =	shalt  }
0x7c: {  	_ =	shalt  }
0x7d: {  	_ =	shalt  }
0x7e: {  	_ =	shalt  }
0x7f: {  	_ =	shalt  }
0x80: {  	_ =	shalt  }
0x81: {  	_ =	shalt  }
0x82: {  	_ =	shalt  }
0x83: {  	_ =	shalt  }
0x84: {  	_ =	shalt  }
0x85: {  	_ =	shalt  }
0x86: {  	_ =	shalt  }
0x87: {  	_ =	shalt  }
.Lfunc_end0:
.L_simem_size_0:
called_computation_lowered:
.L_overlay_start_0:
0x88: {  	s2 =	sld [smem:$0x3FD9]  }
0x89: {  	s3 =	sld [smem:$0x3FFE];
	_ =	sdelay $0x1  }
0x8a: {  	s1 =	srdreg.scid  }
0x8b: {  	s0 =	sand.u32 $0x1, s1  }
0x8c: {  	s15 =	sshll.u32 s0, $0xA;
	s2 =	sadd.s32 s3, s2  }
0x8d: {  	s2 =	sadd.s32 s2, s15  }
0x8e: {  	[smem:$0x3FC2] =	sst s2  }
0x8f: {  	_ = 	snop  }
0x90: {  	s2 =	sld [smem:$0x3FD0];
	_ =	sdelay $0x2  }
0x91: {  	s16 =	simm.s32 $0xA;
	s4 =	simm.s32 $0x10  }
0x92: {  	[smem:s4], [sflag:s16] =	dma.local [hbm:s2], $0x1  }
0x93: {  	_ =	swait.eq [sflag:s16], $0x1  }
0x94: {  	s17 =	sld [smem:$0x10];
	[sflag:s16] =	ssyncset.done $0x0  }
0x95: {  	s18 =	sld [smem:$0x11];
	[sflag:s16] =	ssyncadd.s32 $0xFFFFFFFF  }
0x96: {  	s19 =	sld [smem:$0x12];
	(tm) =	ssettm $0x1  }
0x97: {  	s5 =	sld [smem:$0x3FFB];
	_ =	sdelay $0x3  }
0x98: {  	_ =	strace s5  }
0x99: {  	s5 =	sld [smem:$0x3FFC];
	_ =	sdelay $0x3  }
0x9a: {  	_ =	strace s5  }
0x9b: {  	s5 =	sld [smem:$0x3FFD];
	_ =	sdelay $0x3  }
0x9c: {  	_ =	strace s5  }
0x9d: {  	_ =	strace $0x8FFFFFFF  }
0x9e: {  	s20 =	sld [smem:$0x3FDB];
	_ =	sdelay $0x1  }
0x9f: {  	s6 =	simm.s32 $_scs_section_size  }
0xa0: {  	s7 =	simm.s32 $_size__tile_overlayer_lowered;
	s8 =	simm.s32 $_tile_overlayer_lowered  }
0xa1: {  	s23 =	simm.s32 $0x1BFF;
	s22 =	sshll.u32 s8, $0x1;
	s5 =	sadd.s32 s6, s20  }
0xa2: {  	s9 =	simm.s32 $0x0;
	s21 =	sshll.u32 s7, $0x1;
	s7 =	sadd.s32 s22, s5  }
0xa3: {  	[timem:s9], [sflag:s23] =	dma.local [hbm:s7], s21  }
0xa4: {  	_ =	swait.ge [sflag:s23], s21  }
0xa5: {  	s6 =	ssub.s32 $0x0, s21;
	[sflag:s23] =	ssyncset.done $0x0  }
0xa6: {  	[sflag:s23] =	ssyncadd.s32 s6;
	_ =	sdelay $0x1  }
0xa7: {  	s24 =	simm.s32 $0x1B8B  }
0xa8: {  	_ =	swait.ge [sflag:s24], $0x1  }
0xa9: {  	[sflag:s24] =	ssyncset.done $0x0  }
0xaa: {  	s25 =	simm.s32 $0x1B8E;
	[sflag:s24] =	ssyncadd.s32 $0xFFFFFFFF  }
0xab: {  	s26 =	simm.s32 $execute0_lowered;
	[smem:$0x3FD2] =	sst s25  }
0xac: {  	s6 =	sshll.u32 s26, $0x1;
	_ =	strace $0x80000046;
	[dreg:$0x1] =	wrdreg $0xFFFFFFFF  }
0xad: {  	s28 =	simm.s32 $_size_execute0_lowered;
	s5 =	sadd.s32 s5, s6;
	[dreg:$0x0] =	wrdreg $0x0  }
0xae: {  	s6 =	sshll.u32 s28, $0x1;
	[dreg:$0x2] =	wrdreg s5  }
0xaf: {  	[dreg:$0x3] =	wrdreg s6  }
0xb0: {  	[dreg:$0x4] =	wrdreg $0xC0  }
0xb1: {  	_ =	task [dreg:s9], $0x5FFFF  }
0xb2: {  	[dreg:$0x1] =	wrdreg $0xFFFFFFFF  }
0xb3: {  	[dreg:$0x0] =	wrdreg $0x60  }
0xb4: {  	[dreg:$0x2] =	wrdreg s17  }
0xb5: {  	[dreg:$0x3] =	wrdreg s18  }
0xb6: {  	[dreg:$0x4] =	wrdreg s19  }
0xb7: {  	[dreg:$0x5] =	wrdreg $0x9  }
0xb8: {  	_ =	task.clear_ibuf [dreg:s9], $0x6FFFF;
	_ =	strace $0x90000046  }
0xb9: {  	s29 =	simm.s32 $0x9;
	_ =	strace $0x80000048  }
0xba: {  	_ =	swait.ge [sflag:s29], $0x1  }
0xbb: {  	[sflag:s29] =	ssyncadd.s32 $0xFFFFFFFF  }
0xbc: {  	_ =	strace $0x90000048  }
0xbd: {  	_ =	sfence  }
0xbe: {  	s30 =	sld [smem:$0x0];
	_ =	sdelay $0x2  }
0xbf: {  	s31 =	sshll.u32 s1, $0xD;
	s1 =	sshrl.u32 s1, $0x2  }
0xc0: {  	s3 =	sand.u32 $0x4000, s31;
	s1 =	sadd.s32 s1, s30  }
0xc1: {  	s0 =	sor.u32 s3, s0;
	s1 =	sshll.u32 s1, $0x11  }
0xc2: {  	s0 =	sor.u32 s1, s0  }
0xc3: {  	s0 =	sadd.s32 $0x8F2B, s0  }
0xc4: {  	[sflag:s0] =	ssyncadd.remote.s32 $0x1  }
0xc5: {  	_ =	sfence.sel $0xFFFF  }
0xc6: {  	[dreg:$0x0] =	wrdreg $0xFFFFFFFF;
	(pc) =	sbr.abs _section_cstart, $3  }
0xc7: {  	[dreg:$0x1] =	wrdreg $0xFFFFFFFF  }
0xc8: {  	_ =	task.clear_ibuf [dreg:s9], $0x2FFFF;
	_ =	strace $0x9FFFFFFF  }
0xc9: {  	(tm) =	ssettm $0x7FFFFFFF  }
tec
execute0_lowered:
.L_overlay_start_1:
0x0: {  	(tag) =	ssettag $0x1  }
0x1: {  	s3 =	rddreg [dreg:$0x0]  }
0x2: {  	s4 =	rddreg [dreg:$0x1]  }
0x3: {  	s5 =	rddreg [dreg:$0x2]  }
0x4: {  	s0 =	rddreg [dreg:$0x3];
	s6 =	srdreg.scid  }
0x5: {  	s2 =	simm.s32 $0x0;
	s1 =	stileid.u32;
	s11 =	simm.s32 $0x0  }
0x6: {  	s6 =	sand.u32 $0x1, s6;
	[smem:$0x7FF] =	sst s2;
	s8 =	sshll.u32 s1, $0x1  }
0x7: {  	s31 =	sshrl.u32 s1, $0x2;
	s7 =	ssub.s32 $0x2, s6;
	_ =	strace $0x80000047  }
0x8: {  	s8 =	sand.u32 $0x6, s8;
	s10 =	sshll.u32 s31, $0x10;
	s9 =	sshrl.u32 s7, $0x1  }
0x9: {  	s6 =	sor.u32 s6, s8;
	s3 =	sadd.s32 s3, s10;
	s7 =	ssub.s32 s7, s9  }
0xa: {  	s8 =	sshll.u32 s6, $0x8;
	s9 =	sshll.u32 s31, $0xB;
	s6 =	sshll.u32 s6, $0xA  }
0xb: {  	s10 =	simm.s32 $0x10800;
	s8 =	sor.u32 s9, s8;
	s3 =	sadd.s32 s6, s3  }
0xc: {  	s6 =	smax.u32 s7, $0x1;
	s7 =	simm.s32 $0x2000;
	s9 =	simm.s32 $0x1  }
0xd: {  	v0 =	vimm.s32 $0x0;
	s4 =	sadd.s32 s4, s8;
	s5 =	sadd.s32 s5, s8;
	s8 =	simm.s32 $0x10000  }
.LBB2_1:
0xe: {  	[tilespmem:s2], [sflag:$0x1] =	stream.strided.gather [hbm4b:s3+s7], $0x10000, s8, s7, $0x38;
	[tilespmem:$0x11000] =	vst v63  }
0xf: {  	s13 =	simm.s32 $0x0;
	_ =	swait.ge [sflag:s9], $0x10000  }
0x10: {  	s12 =	sand.u32 $0x70, s2;
	s13 =	sand.u32 $0x3FFFFC00, s13;
	[sflag:s9] =	ssyncset.done $0x0  }
0x11: {  	s13 =	sor.u32 s12, s13;
	[sflag:s9] =	ssyncadd.s32 $0xFFFF0000  }
0x12: {  	v1 =	vld [tilespmem:s13+$0x80]  }
0x13: {  	v2 =	vld [tilespmem:s13+$0x0];
	_ =	sdelay $0x2  }
0x14: {  	v3 =	vld [tilespmem:s13+$0x100]  }
0x15: {  	vm0 =	vlt.f32 v1, $-Inf;
	vm1 =	vgt.f32 v1, $-Inf  }
0x16: {  	v4 =	vimm.s32 $0x0;
	vm2 =	vgt.f32 v1, v2;
	vm15 =	vmor vm1, vm0  }
0x17: {  	v5 =	vld [tilespmem:s13+$0x180];
	v4 =	vsel vm2, $0xFFFFFFFF, v4;
	vm1 =	vmneg vm2;
	v48 =	vnsel vm15, $0xFF800000, v1  }
0x18: {  	[tilespmem:$0x1FBE0] =	vst v4;
	v4 =	vsel vm1, v48, v2  }
0x19: {  	v1 =	vsel vm1, v2, v1;
	vm14 =	vgt.f32 v3, v4  }
0x1a: {  	vm2 =	vgt.f32 v3, v1;
	v2 =	vsel vm14, v3, v4  }
0x1b: {  	v49 =	vld [tilespmem:s13+$0x200];
	v2 =	vsel vm2, v1, v2  }
0x1c: {  	v1 =	vsel vm2, v3, v1;
	v3 =	vimm.s32 $0x0;
	vm9 =	vgt.f32 v5, v2  }
0x1d: {  	v3 =	vsel vm9, $0xFFFFFFFF, v3  }
0x1e: {  	vm3 =	vgt.f32 v5, v1;
	v2 =	vsel vm9, v5, v2;
	[tilespmem:$0x1FBF0] =	vst v3;
	v3 =	vld [tilespmem:s13+$0x280]  }
0x1f: {  	v2 =	vsel vm3, v1, v2  }
0x20: {  	v1 =	vsel vm3, v5, v1;
	vm10 =	vgt.f32 v49, v2  }
0x21: {  	v51 =	vld [tilespmem:s13+$0x300];
	vm4 =	vgt.f32 v49, v1;
	v2 =	vsel vm10, v49, v2  }
0x22: {  	v2 =	vsel vm4, v1, v2  }
0x23: {  	v1 =	vsel vm4, v49, v1;
	vm11 =	vgt.f32 v3, v2  }
0x24: {  	vm5 =	vgt.f32 v3, v1;
	v2 =	vsel vm11, v3, v2  }
0x25: {  	v53 =	vld [tilespmem:s13+$0x380];
	v2 =	vsel vm5, v1, v2  }
0x26: {  	v1 =	vsel vm5, v3, v1;
	v3 =	vimm.s32 $0x0;
	vm12 =	vgt.f32 v51, v2  }
0x27: {  	v3 =	vsel vm12, $0xFFFFFFFF, v3  }
0x28: {  	vm6 =	vgt.f32 v51, v1;
	v2 =	vsel vm12, v51, v2;
	[tilespmem:$0x1FC20] =	vst v3;
	v3 =	vld [tilespmem:s13+$0x2000]  }
0x29: {  	v2 =	vsel vm6, v1, v2  }
0x2a: {  	v1 =	vsel vm6, v51, v1;
	vm13 =	vgt.f32 v53, v2  }
0x2b: {  	v55 =	vld [tilespmem:s13+$0x2080];
	vm7 =	vgt.f32 v53, v1;
	v2 =	vsel vm13, v53, v2  }
0x2c: {  	v52 =	vimm.s32 $0x0;
	v56 =	vimm.s32 $0x0;
	v2 =	vsel vm7, v1, v2  }
0x2d: {  	v4 =	vsel vm11, $0xFFFFFFFF, v52;
	v1 =	vsel vm7, v53, v1;
	vm8 =	vgt.f32 v3, v2  }
0x2e: {  	[tilespmem:$0x1FC10] =	vst v4;
	v4 =	vsel vm8, $0xFFFFFFFF, v56;
	v2 =	vsel vm8, v3, v2;
	vm8 =	vgt.f32 v3, v1  }
0x2f: {  	v57 =	vld [tilespmem:s13+$0x2100];
	v2 =	vsel vm8, v1, v2  }
0x30: {  	v1 =	vsel vm8, v3, v1;
	v3 =	vimm.s32 $0x0;
	vm9 =	vgt.f32 v55, v2  }
0x31: {  	v50 =	vimm.s32 $0x0;
	v3 =	vsel vm9, $0xFFFFFFFF, v3  }
0x32: {  	v54 =	vimm.s32 $0x0;
	v2 =	vsel vm9, v55, v2;
	vm9 =	vgt.f32 v55, v1;
	[tilespmem:$0x1FC50] =	vst v3;
	v3 =	vld [tilespmem:s13+$0x2180]  }
0x33: {  	v58 =	vimm.s32 $0x0;
	v5 =	vsel vm10, $0xFFFFFFFF, v50;
	v2 =	vsel vm9, v1, v2  }
0x34: {  	[tilespmem:$0x1FC00] =	vst v5;
	v5 =	vsel vm13, $0xFFFFFFFF, v54;
	v1 =	vsel vm9, v55, v1;
	vm10 =	vgt.f32 v57, v2  }
0x35: {  	v59 =	vld [tilespmem:s13+$0x2200];
	[tilespmem:$0x1FC30] =	vst v5;
	v5 =	vsel vm10, $0xFFFFFFFF, v58;
	v2 =	vsel vm10, v57, v2;
	vm10 =	vgt.f32 v57, v1  }
0x36: {  	v60 =	vimm.s32 $0x0;
	v2 =	vsel vm10, v1, v2  }
0x37: {  	v62 =	vimm.s32 $0x0;
	v1 =	vsel vm10, v57, v1;
	vm11 =	vgt.f32 v3, v2  }
0x38: {  	[tilespmem:$0x1FC40] =	vst v4;
	v4 =	vsel vm11, $0xFFFFFFFF, v60;
	v2 =	vsel vm11, v3, v2;
	vm11 =	vgt.f32 v3, v1  }
0x39: {  	v9 =	vimm.s32 $0x0;
	v11 =	vimm.s32 $0x0;
	v61 =	vld [tilespmem:s13+$0x2280];
	v2 =	vsel vm11, v1, v2  }
0x3a: {  	v1 =	vsel vm11, v3, v1;
	v3 =	vimm.s32 $0x0;
	vm12 =	vgt.f32 v59, v2  }
0x3b: {  	v14 =	vimm.s32 $0x0;
	v17 =	vimm.s32 $0x0;
	v3 =	vsel vm12, $0xFFFFFFFF, v3  }
0x3c: {  	v20 =	vimm.s32 $0x0;
	v2 =	vsel vm12, v59, v2;
	vm12 =	vgt.f32 v59, v1;
	[tilespmem:$0x1FC80] =	vst v3;
	v3 =	vld [tilespmem:s13+$0x2300]  }
0x3d: {  	v23 =	vimm.s32 $0x0;
	v26 =	vimm.s32 $0x0;
	v2 =	vsel vm12, v1, v2  }
0x3e: {  	v29 =	vimm.s32 $0x0;
	v1 =	vsel vm12, v59, v1;
	vm13 =	vgt.f32 v61, v2  }
0x3f: {  	[tilespmem:$0x1FC60] =	vst v5;
	v5 =	vsel vm13, $0xFFFFFFFF, v62;
	v2 =	vsel vm13, v61, v2;
	vm13 =	vgt.f32 v61, v1  }
0x40: {  	v32 =	vimm.s32 $0x0;
	v35 =	vimm.s32 $0x0;
	v2 =	vsel vm13, v1, v2  }
0x41: {  	v38 =	vimm.s32 $0x0;
	v63 =	vld [tilespmem:s13+$0x2380];
	v1 =	vsel vm13, v61, v1;
	vm0 =	vgt.f32 v3, v2  }
0x42: {  	vm15 =	vmand vm1, vm15;
	vm1 =	vgt.f32 v3, v1;
	v2 =	vsel vm0, v3, v2  }
0x43: {  	v41 =	vimm.s32 $0x0;
	v2 =	vsel vm1, v1, v2;
	v1 =	vsel vm1, v3, v1;
	v3 =	vld [tilespmem:$0x1FBE0]  }
0x44: {  	v44 =	vimm.s32 $0x0;
	v47 =	vimm.s32 $0x0;
	v6 =	vsel vm15, $0x1, v0;
	v12 =	vld [tilespmem:$0x1FBF0]  }
0x45: {  	v10 =	vld [tilespmem:s13+$0x4000];
	v6 =	vsel vm14, $0x2, v6;
	v49 =	vimm.s32 $0x0;
	v51 =	vimm.s32 $0x0  }
0x46: {  	v54 =	vimm.s32 $0x0;
	v55 =	vimm.s32 $0x0;
	vm14 =	vgt.f32 v63, v2  }
0x47: {  	[tilespmem:$0x1FC70] =	vst v4;
	v4 =	vsel vm0, $0xFFFFFFFF, v9;
	vm0 =	vgt.f32 v63, v1;
	v2 =	vsel vm14, v63, v2  }
0x48: {  	v15 =	vld [tilespmem:$0x1FC00];
	v58 =	vimm.s32 $0x0;
	v2 =	vsel vm0, v1, v2;
	vm15 =	vnez.u8 v3  }
0x49: {  	v7 =	vld [tilespmem:s13+$0x4080];
	v1 =	vsel vm0, v63, v1;
	v3 =	vsel vm15, $0x1, v0;
	vm15 =	vnez.u8 v12  }
0x4a: {  	v6 =	vsel vm2, v3, v6;
	v3 =	vsel vm2, $0x2, v3;
	vm2 =	vgt.f32 v10, v2  }
0x4b: {  	v18 =	vld [tilespmem:$0x1FC10];
	[tilespmem:$0x1FC90] =	vst v5;
	v5 =	vsel vm2, $0xFFFFFFFF, v11;
	v2 =	vsel vm2, v10, v2;
	vm2 =	vgt.f32 v10, v1  }
0x4c: {  	v13 =	vld [tilespmem:s13+$0x4100];
	v61 =	vimm.s32 $0x0;
	[tilespmem:$0x1FCB0] =	vst v5;
	v5 =	vsel vm15, $0x3, v6;
	v2 =	vsel vm2, v1, v2  }
0x4d: {  	v1 =	vsel vm2, v10, v1;
	vm15 =	vnez.u8 v15;
	v10 =	vimm.s32 $0x0  }
0x4e: {  	v21 =	vld [tilespmem:$0x1FC20];
	v5 =	vsel vm3, v3, v5;
	v3 =	vsel vm3, $0x3, v3;
	vm3 =	vgt.f32 v7, v2  }
0x4f: {  	[tilespmem:$0x1FCA0] =	vst v4;
	v4 =	vsel vm3, $0xFFFFFFFF, v14;
	v2 =	vsel vm3, v7, v2;
	vm3 =	vgt.f32 v7, v1  }
0x50: {  	v16 =	vld [tilespmem:s13+$0x4180];
	[tilespmem:$0x1FCC0] =	vst v4;
	v4 =	vsel vm15, $0x4, v5;
	v2 =	vsel vm3, v1, v2;
	vm15 =	vnez.u8 v18  }
0x51: {  	v24 =	vld [tilespmem:$0x1FC30];
	v4 =	vsel vm4, v3, v4;
	v3 =	vsel vm4, $0x4, v3;
	vm4 =	vgt.f32 v13, v2  }
0x52: {  	v1 =	vsel vm3, v7, v1;
	v7 =	vsel vm4, $0xFFFFFFFF, v17;
	v4 =	vsel vm15, $0x5, v4  }
0x53: {  	v2 =	vsel vm4, v13, v2;
	vm4 =	vgt.f32 v13, v1;
	vm15 =	vnez.u8 v21  }
0x54: {  	v19 =	vld [tilespmem:s13+$0x4200];
	v17 =	vimm.s32 $0x0;
	v4 =	vsel vm5, v3, v4;
	v2 =	vsel vm4, v1, v2  }
0x55: {  	v27 =	vld [tilespmem:$0x1FC40];
	v3 =	vsel vm5, $0x5, v3;
	v1 =	vsel vm4, v13, v1;
	v13 =	vimm.s32 $0x0  }
0x56: {  	vm5 =	vgt.f32 v16, v2;
	v4 =	vsel vm15, $0x6, v4;
	vm15 =	vnez.u8 v24  }
0x57: {  	v6 =	vsel vm5, $0xFFFFFFFF, v20;
	v2 =	vsel vm5, v16, v2;
	vm5 =	vgt.f32 v16, v1  }
0x58: {  	v30 =	vld [tilespmem:$0x1FC50];
	v4 =	vsel vm6, v3, v4;
	v3 =	vsel vm6, $0x6, v3;
	v20 =	vimm.s32 $0x0  }
0x59: {  	v22 =	vld [tilespmem:s13+$0x4280];
	v2 =	vsel vm5, v1, v2;
	v1 =	vsel vm5, v16, v1;
	v4 =	vsel vm15, $0x7, v4  }
0x5a: {  	v33 =	vld [tilespmem:$0x1FC60];
	vm15 =	vnez.u8 v27;
	v16 =	vimm.s32 $0x0;
	vm6 =	vgt.f32 v19, v2  }
0x5b: {  	v4 =	vsel vm7, v3, v4;
	v3 =	vsel vm7, $0x7, v3;
	v5 =	vsel vm6, $0xFFFFFFFF, v23  }
0x5c: {  	v2 =	vsel vm6, v19, v2;
	vm6 =	vgt.f32 v19, v1;
	v4 =	vsel vm15, $0x8, v4  }
0x5d: {  	v25 =	vld [tilespmem:s13+$0x4300];
	vm15 =	vnez.u8 v30;
	v23 =	vimm.s32 $0x0;
	v2 =	vsel vm6, v1, v2  }
0x5e: {  	v36 =	vld [tilespmem:$0x1FC70];
	v1 =	vsel vm6, v19, v1;
	v4 =	vsel vm8, v3, v4;
	v3 =	vsel vm8, $0x8, v3  }
0x5f: {  	vm7 =	vgt.f32 v22, v2;
	v4 =	vsel vm15, $0x9, v4;
	vm15 =	vnez.u8 v33  }
0x60: {  	[tilespmem:$0x1FCD0] =	vst v7;
	v7 =	vsel vm7, $0xFFFFFFFF, v26;
	v2 =	vsel vm7, v22, v2;
	vm7 =	vgt.f32 v22, v1  }
0x61: {  	v39 =	vld [tilespmem:$0x1FC80];
	v4 =	vsel vm9, v3, v4;
	v3 =	vsel vm9, $0x9, v3;
	v26 =	vimm.s32 $0x0  }
0x62: {  	v2 =	vsel vm7, v1, v2;
	v1 =	vsel vm7, v22, v1;
	v4 =	vsel vm15, $0xA, v4  }
0x63: {  	v28 =	vld [tilespmem:s13+$0x4380];
	vm15 =	vnez.u8 v36;
	v36 =	vimm.s32 $0x0;
	vm8 =	vgt.f32 v25, v2  }
0x64: {  	v42 =	vld [tilespmem:$0x1FC90];
	[tilespmem:$0x1FCE0] =	vst v6;
	v4 =	vsel vm10, v3, v4;
	v3 =	vsel vm10, $0xA, v3;
	v6 =	vsel vm8, $0xFFFFFFFF, v29  }
0x65: {  	v2 =	vsel vm8, v25, v2;
	vm8 =	vgt.f32 v25, v1;
	v4 =	vsel vm15, $0xB, v4  }
0x66: {  	v31 =	vld [tilespmem:s13+$0x6000];
	vm15 =	vnez.u8 v39;
	v29 =	vimm.s32 $0x0;
	v39 =	vimm.s32 $0x0  }
0x67: {  	v45 =	vld [tilespmem:$0x1FCA0];
	v2 =	vsel vm8, v1, v2;
	v1 =	vsel vm8, v25, v1;
	v4 =	vsel vm11, v3, v4  }
0x68: {  	v3 =	vsel vm11, $0xB, v3;
	vm9 =	vgt.f32 v28, v2;
	v4 =	vsel vm15, $0xC, v4  }
0x69: {  	[tilespmem:$0x1FCF0] =	vst v5;
	vm15 =	vnez.u8 v42;
	v5 =	vsel vm9, $0xFFFFFFFF, v32;
	v2 =	vsel vm9, v28, v2  }
0x6a: {  	v34 =	vld [tilespmem:s13+$0x6080];
	vm9 =	vgt.f32 v28, v1;
	v4 =	vsel vm12, v3, v4;
	v3 =	vsel vm12, $0xC, v3  }
0x6b: {  	v32 =	vimm.s32 $0x0;
	v2 =	vsel vm9, v1, v2;
	v1 =	vsel vm9, v28, v1  }
0x6c: {  	v4 =	vsel vm15, $0xD, v4;
	vm15 =	vnez.u8 v45;
	vm10 =	vgt.f32 v31, v2  }
0x6d: {  	v37 =	vld [tilespmem:s13+$0x6100];
	[tilespmem:$0x1FD00] =	vst v7;
	v7 =	vsel vm10, $0xFFFFFFFF, v35;
	v2 =	vsel vm10, v31, v2;
	vm10 =	vgt.f32 v31, v1  }
0x6e: {  	v4 =	vsel vm13, v3, v4;
	v3 =	vsel vm13, $0xD, v3;
	v2 =	vsel vm10, v1, v2  }
0x6f: {  	v52 =	vld [tilespmem:$0x1FCC0];
	v4 =	vsel vm15, $0xE, v4;
	v1 =	vsel vm10, v31, v1;
	vm11 =	vgt.f32 v34, v2  }
0x70: {  	v40 =	vld [tilespmem:s13+$0x6180];
	[tilespmem:$0x1FD10] =	vst v6;
	v6 =	vsel vm11, $0xFFFFFFFF, v38;
	v2 =	vsel vm11, v34, v2;
	vm11 =	vgt.f32 v34, v1  }
0x71: {  	v35 =	vimm.s32 $0x0;
	v4 =	vsel vm1, v3, v4;
	v2 =	vsel vm11, v1, v2  }
0x72: {  	v3 =	vsel vm1, $0xE, v3;
	v1 =	vsel vm11, v34, v1;
	vm12 =	vgt.f32 v37, v2  }
0x73: {  	v43 =	vld [tilespmem:s13+$0x6200];
	[tilespmem:$0x1FD20] =	vst v5;
	v5 =	vsel vm12, $0xFFFFFFFF, v41;
	v2 =	vsel vm12, v37, v2;
	vm12 =	vgt.f32 v37, v1  }
0x74: {  	v8 =	vld [tilespmem:$0x1FCB0];
	vm1 =	vnez.u8 v52;
	v4 =	vsel vm14, $0xF, v4;
	v2 =	vsel vm12, v1, v2  }
0x75: {  	v4 =	vsel vm0, v3, v4;
	v1 =	vsel vm12, v37, v1;
	vm13 =	vgt.f32 v40, v2  }
0x76: {  	v46 =	vld [tilespmem:s13+$0x6280];
	[tilespmem:$0x1FD30] =	vst v7;
	v7 =	vsel vm13, $0xFFFFFFFF, v44;
	v2 =	vsel vm13, v40, v2;
	vm13 =	vgt.f32 v40, v1  }
0x77: {  	v3 =	vsel vm0, $0xF, v3;
	v2 =	vsel vm13, v1, v2;
	v1 =	vsel vm13, v40, v1  }
0x78: {  	v40 =	vimm.s32 $0x0;
	vm15 =	vgt.f32 v43, v2;
	vm14 =	vgt.f32 v43, v1  }
0x79: {  	v48 =	vld [tilespmem:s13+$0x6300];
	[tilespmem:$0x1FD40] =	vst v6;
	v6 =	vsel vm15, $0xFFFFFFFF, v47;
	v2 =	vsel vm15, v43, v2;
	vm15 =	vnez.u8 v8  }
0x7a: {  	v2 =	vsel vm14, v1, v2;
	v4 =	vsel vm15, $0x10, v4;
	v1 =	vsel vm14, v43, v1  }
0x7b: {  	v43 =	vimm.s32 $0x0;
	vm15 =	vgt.f32 v46, v2;
	v4 =	vsel vm2, v3, v4  }
0x7c: {  	[tilespmem:$0x1FD50] =	vst v5;
	v5 =	vsel vm15, $0xFFFFFFFF, v49;
	v2 =	vsel vm15, v46, v2;
	vm15 =	vgt.f32 v46, v1  }
0x7d: {  	v56 =	vld [tilespmem:$0x1FCD0];
	v3 =	vsel vm2, $0x10, v3;
	v4 =	vsel vm1, $0x11, v4;
	v2 =	vsel vm15, v1, v2  }
0x7e: {  	v50 =	vld [tilespmem:s13+$0x6380];
	v1 =	vsel vm15, v46, v1;
	v4 =	vsel vm3, v3, v4;
	vm0 =	vgt.f32 v48, v2  }
0x7f: {  	[tilespmem:$0x1FD60] =	vst v7;
	v3 =	vsel vm3, $0x11, v3;
	v46 =	vimm.s32 $0x0;
	v7 =	vsel vm0, $0xFFFFFFFF, v51  }
0x80: {  	v59 =	vld [tilespmem:$0x1FCE0];
	v2 =	vsel vm0, v48, v2;
	vm0 =	vgt.f32 v48, v1;
	v51 =	vimm.s32 $0x0  }
0x81: {  	v8 =	vsel vm0, $0xFFFFFFFF, v54;
	v2 =	vsel vm0, v1, v2;
	v1 =	vsel vm0, v48, v1  }
0x82: {  	v53 =	vld [tilespmem:s13+$0x8000];
	vm0 =	vnez.u8 v56;
	v48 =	vimm.s32 $0x0;
	v54 =	vimm.s32 $0x0  }
0x83: {  	v62 =	vld [tilespmem:$0x1FCF0];
	vm1 =	vgt.f32 v50, v2;
	v4 =	vsel vm0, $0x12, v4;
	vm3 =	vgt.f32 v50, v1  }
0x84: {  	[tilespmem:$0x1FD70] =	vst v6;
	v6 =	vsel vm1, $0xFFFFFFFF, v55;
	v2 =	vsel vm1, v50, v2;
	v4 =	vsel vm4, v3, v4  }
0x85: {  	v3 =	vsel vm4, $0x12, v3;
	vm4 =	vnez.u8 v59;
	v55 =	vimm.s32 $0x0  }
0x86: {  	v11 =	vld [tilespmem:$0x1FD00];
	v59 =	vimm.s32 $0x0;
	v2 =	vsel vm3, v1, v2;
	v1 =	vsel vm3, v50, v1  }
0x87: {  	v57 =	vld [tilespmem:s13+$0x8080];
	v4 =	vsel vm4, $0x13, v4;
	vm0 =	vgt.f32 v53, v2;
	vm4 =	vgt.f32 v53, v1  }
0x88: {  	v4 =	vsel vm5, v3, v4;
	v3 =	vsel vm5, $0x13, v3;
	vm5 =	vnez.u8 v62  }
0x89: {  	v60 =	vld [tilespmem:s13+$0x8100];
	[tilespmem:$0x1FD80] =	vst v5;
	v5 =	vsel vm0, $0xFFFFFFFF, v58;
	v2 =	vsel vm0, v53, v2;
	v4 =	vsel vm5, $0x14, v4  }
0x8a: {  	v14 =	vld [tilespmem:$0x1FD10];
	v58 =	vimm.s32 $0x0;
	v2 =	vsel vm4, v1, v2;
	v1 =	vsel vm4, v53, v1  }
0x8b: {  	v4 =	vsel vm6, v3, v4;
	v3 =	vsel vm6, $0x14, v3;
	vm6 =	vnez.u8 v11  }
0x8c: {  	v11 =	vimm.s32 $0x0;
	vm0 =	vgt.f32 v57, v2;
	vm5 =	vgt.f32 v57, v1  }
0x8d: {  	v63 =	vld [tilespmem:s13+$0x8180];
	[tilespmem:$0x1FD90] =	vst v7;
	v4 =	vsel vm6, $0x15, v4;
	v7 =	vsel vm0, $0xFFFFFFFF, v61;
	v2 =	vsel vm0, v57, v2  }
0x8e: {  	v4 =	vsel vm7, v3, v4;
	v3 =	vsel vm7, $0x15, v3;
	v2 =	vsel vm5, v1, v2  }
0x8f: {  	vm7 =	vnez.u8 v14;
	v1 =	vsel vm5, v57, v1;
	vm0 =	vgt.f32 v60, v2  }
0x90: {  	v18 =	vld [tilespmem:$0x1FD20];
	v4 =	vsel vm7, $0x16, v4;
	vm6 =	vgt.f32 v60, v1;
	v2 =	vsel vm0, v60, v2  }
0x91: {  	v12 =	vld [tilespmem:s13+$0x8200];
	v4 =	vsel vm8, v3, v4;
	v3 =	vsel vm8, $0x16, v3;
	v2 =	vsel vm6, v1, v2  }
0x92: {  	[tilespmem:$0x1FDB0] =	vst v6;
	v6 =	vsel vm0, $0xFFFFFFFF, v10;
	v1 =	vsel vm6, v60, v1;
	vm0 =	vgt.f32 v63, v2  }
0x93: {  	v21 =	vld [tilespmem:$0x1FD30];
	[tilespmem:$0x1FDC0] =	vst v5;
	vm7 =	vgt.f32 v63, v1;
	v5 =	vsel vm0, $0xFFFFFFFF, v13;
	v2 =	vsel vm0, v63, v2  }
0x94: {  	v24 =	vld [tilespmem:$0x1FD40];
	[tilespmem:$0x1FDA0] =	vst v8;
	v8 =	vsel vm7, $0xFFFFFFFF, v16;
	v13 =	vimm.s32 $0x0;
	v16 =	vimm.s32 $0x0  }
0x95: {  	v15 =	vld [tilespmem:s13+$0x8280];
	v2 =	vsel vm7, v1, v2;
	v1 =	vsel vm7, v63, v1;
	vm7 =	vnez.u8 v18  }
0x96: {  	[tilespmem:$0x1FDE0] =	vst v6;
	vm8 =	vgt.f32 v12, v2;
	v4 =	vsel vm7, $0x17, v4;
	vm7 =	vgt.f32 v12, v1  }
0x97: {  	[tilespmem:$0x1FDD0] =	vst v7;
	v56 =	vld [tilespmem:$0x1FDE0];
	v7 =	vsel vm8, $0xFFFFFFFF, v17;
	v2 =	vsel vm8, v12, v2;
	v4 =	vsel vm9, v3, v4  }
0x98: {  	v19 =	vld [tilespmem:s13+$0x8300];
	v3 =	vsel vm9, $0x17, v3;
	vm9 =	vnez.u8 v21;
	v2 =	vsel vm7, v1, v2  }
0x99: {  	v27 =	vld [tilespmem:$0x1FD50];
	v1 =	vsel vm7, v12, v1;
	v4 =	vsel vm9, $0x18, v4;
	vm9 =	vnez.u8 v24  }
0x9a: {  	vm8 =	vgt.f32 v15, v2;
	v4 =	vsel vm10, v3, v4;
	v3 =	vsel vm10, $0x18, v3  }
0x9b: {  	v30 =	vld [tilespmem:$0x1FD60];
	v6 =	vsel vm8, $0xFFFFFFFF, v20;
	v2 =	vsel vm8, v15, v2;
	vm8 =	vgt.f32 v15, v1  }
0x9c: {  	v4 =	vsel vm9, $0x19, v4;
	vm9 =	vnez.u8 v56;
	v2 =	vsel vm8, v1, v2  }
0x9d: {  	v22 =	vld [tilespmem:s13+$0x8380];
	v1 =	vsel vm8, v15, v1;
	v4 =	vsel vm11, v3, v4;
	v3 =	vsel vm11, $0x19, v3  }
0x9e: {  	v33 =	vld [tilespmem:$0x1FD70];
	vm11 =	vnez.u8 v27;
	vm10 =	vgt.f32 v19, v2;
	vm2 =	vgt.f32 v19, v1  }
0x9f: {  	[tilespmem:$0x1FDF0] =	vst v5;
	v4 =	vsel vm11, $0x1A, v4;
	v5 =	vsel vm10, $0xFFFFFFFF, v23;
	v2 =	vsel vm10, v19, v2  }
0xa0: {  	v4 =	vsel vm12, v3, v4;
	v3 =	vsel vm12, $0x1A, v3;
	vm12 =	vnez.u8 v30  }
0xa1: {  	v37 =	vld [tilespmem:$0x1FD80];
	v2 =	vsel vm2, v1, v2;
	v1 =	vsel vm2, v19, v1;
	v4 =	vsel vm12, $0x1B, v4  }
0xa2: {  	v25 =	vld [tilespmem:s13+$0xA000];
	v19 =	vimm.s32 $0x0;
	vm10 =	vgt.f32 v22, v2;
	vm0 =	vgt.f32 v22, v1  }
0xa3: {  	v4 =	vsel vm13, v3, v4;
	v3 =	vsel vm13, $0x1B, v3;
	vm13 =	vnez.u8 v33  }
0xa4: {  	v41 =	vld [tilespmem:$0x1FD90];
	[tilespmem:$0x1FE10] =	vst v7;
	v7 =	vsel vm10, $0xFFFFFFFF, v26;
	v2 =	vsel vm10, v22, v2;
	v4 =	vsel vm13, $0x1C, v4  }
0xa5: {  	v28 =	vld [tilespmem:s13+$0xA080];
	v2 =	vsel vm0, v1, v2;
	v1 =	vsel vm0, v22, v1;
	v4 =	vsel vm14, v3, v4  }
0xa6: {  	v3 =	vsel vm14, $0x1C, v3;
	vm14 =	vnez.u8 v37;
	v22 =	vimm.s32 $0x0  }
0xa7: {  	v37 =	vimm.s32 $0x0;
	vm1 =	vgt.f32 v25, v2;
	v4 =	vsel vm14, $0x1D, v4  }
0xa8: {  	v31 =	vld [tilespmem:s13+$0xA100];
	[tilespmem:$0x1FE20] =	vst v6;
	v6 =	vsel vm1, $0xFFFFFFFF, v29;
	v2 =	vsel vm1, v25, v2;
	vm1 =	vgt.f32 v25, v1  }
0xa9: {  	vm14 =	vnez.u8 v41;
	v4 =	vsel vm15, v3, v4;
	v2 =	vsel vm1, v1, v2  }
0xaa: {  	v34 =	vld [tilespmem:s13+$0xA180];
	v3 =	vsel vm15, $0x1D, v3;
	v1 =	vsel vm1, v25, v1;
	vm12 =	vgt.f32 v28, v2  }
0xab: {  	v44 =	vld [tilespmem:$0x1FDA0];
	[tilespmem:$0x1FE30] =	vst v5;
	v5 =	vsel vm12, $0xFFFFFFFF, v32;
	v2 =	vsel vm12, v28, v2;
	vm12 =	vgt.f32 v28, v1  }
0xac: {  	v29 =	vimm.s32 $0x0;
	v4 =	vsel vm14, $0x1E, v4;
	v2 =	vsel vm12, v1, v2  }
0xad: {  	[tilespmem:$0x1FE00] =	vst v8;
	v25 =	vimm.s32 $0x0;
	v1 =	vsel vm12, v28, v1;
	vm13 =	vgt.f32 v31, v2  }
0xae: {  	v45 =	vld [tilespmem:$0x1FDB0];
	[tilespmem:$0x1FE40] =	vst v7;
	v8 =	vsel vm12, $0xFFFFFFFF, v35;
	vm12 =	vgt.f32 v31, v1;
	v2 =	vsel vm13, v31, v2  }
0xaf: {  	v38 =	vld [tilespmem:s13+$0xA200];
	[tilespmem:$0x1FE70] =	vst v8;
	v7 =	vsel vm13, $0xFFFFFFFF, v36;
	v8 =	vsel vm12, $0xFFFFFFFF, v39;
	v2 =	vsel vm12, v1, v2  }
0xb0: {  	v49 =	vld [tilespmem:$0x1FDC0];
	v1 =	vsel vm12, v31, v1;
	vm12 =	vnez.u8 v44;
	vm13 =	vgt.f32 v34, v2  }
0xb1: {  	[tilespmem:$0x1FE50] =	vst v6;
	vm15 =	vgt.f32 v34, v1;
	v4 =	vsel vm12, v3, v4;
	v3 =	vsel vm12, $0x1E, v3  }
0xb2: {  	[tilespmem:$0x1FE90] =	vst v8;
	v6 =	vsel vm13, $0xFFFFFFFF, v40;
	v2 =	vsel vm13, v34, v2;
	v8 =	vsel vm15, $0xFFFFFFFF, v43  }
0xb3: {  	vm13 =	vnez.u8 v45;
	v40 =	vimm.s32 $0x0;
	v43 =	vimm.s32 $0x0  }
0xb4: {  	v42 =	vld [tilespmem:s13+$0xA280];
	v2 =	vsel vm15, v1, v2;
	v4 =	vsel vm13, $0x1F, v4;
	v1 =	vsel vm15, v34, v1  }
0xb5: {  	v47 =	vld [tilespmem:s13+$0xA300];
	vm13 =	vnez.u8 v49;
	v34 =	vimm.s32 $0x0;
	vm14 =	vgt.f32 v38, v2  }
0xb6: {  	v52 =	vld [tilespmem:$0x1FDD0];
	vm15 =	vgt.f32 v38, v1;
	v4 =	vsel vm3, v3, v4;
	v3 =	vsel vm3, $0x1F, v3  }
0xb7: {  	v60 =	vld [tilespmem:$0x1FDF0];
	[tilespmem:$0x1FE60] =	vst v5;
	v5 =	vsel vm14, $0xFFFFFFFF, v46;
	v2 =	vsel vm14, v38, v2;
	vm3 =	vmmov vm15  }
0xb8: {  	v4 =	vsel vm13, $0x20, v4;
	v2 =	vsel vm15, v1, v2;
	v1 =	vsel vm15, v38, v1  }
0xb9: {  	v26 =	vld [tilespmem:$0x1FE60];
	v4 =	vsel vm4, v3, v4;
	v3 =	vsel vm4, $0x20, v3;
	vm12 =	vgt.f32 v42, v2  }
0xba: {  	v63 =	vld [tilespmem:$0x1FE10];
	[tilespmem:$0x1FE80] =	vst v7;
	vm15 =	vgt.f32 v42, v1;
	v7 =	vsel vm12, $0xFFFFFFFF, v48;
	v2 =	vsel vm12, v42, v2  }
0xbb: {  	v50 =	vld [tilespmem:s13+$0xA380];
	vm12 =	vnez.u8 v52;
	v2 =	vsel vm15, v1, v2;
	v1 =	vsel vm15, v42, v1  }
0xbc: {  	v62 =	vld [tilespmem:$0x1FE00];
	v4 =	vsel vm12, $0x21, v4;
	vm12 =	vnez.u8 v60;
	vm14 =	vgt.f32 v47, v2  }
0xbd: {  	v28 =	vld [tilespmem:$0x1FE70];
	vm13 =	vgt.f32 v47, v1;
	v4 =	vsel vm5, v3, v4;
	v3 =	vsel vm5, $0x21, v3  }
0xbe: {  	v14 =	vld [tilespmem:$0x1FE20];
	[tilespmem:$0x1FEA0] =	vst v6;
	vm5 =	vnez.u8 v26;
	v6 =	vsel vm14, $0xFFFFFFFF, v51;
	v2 =	vsel vm14, v47, v2  }
0xbf: {  	[tilespmem:$0x1FEB0] =	vst v8;
	v8 =	vsel vm13, $0xFFFFFFFF, v54;
	v4 =	vsel vm9, $0x22, v4;
	vm9 =	vnez.u8 v63  }
0xc0: {  	v51 =	vimm.s32 $0x0;
	v2 =	vsel vm13, v1, v2;
	v1 =	vsel vm13, v47, v1  }
0xc1: {  	v17 =	vld [tilespmem:$0x1FE30];
	v4 =	vsel vm6, v3, v4;
	v3 =	vsel vm6, $0x22, v3;
	vm13 =	vnez.u8 v62  }
0xc2: {  	v53 =	vld [tilespmem:s13+$0xC000];
	vm6 =	vnez.u8 v28;
	v47 =	vimm.s32 $0x0;
	vm14 =	vgt.f32 v50, v2  }
0xc3: {  	v20 =	vld [tilespmem:$0x1FE40];
	[tilespmem:$0x1FEC0] =	vst v5;
	vm10 =	vgt.f32 v50, v1;
	v4 =	vsel vm12, $0x23, v4;
	vm12 =	vnez.u8 v14  }
0xc4: {  	[tilespmem:$0x1FEF0] =	vst v8;
	v5 =	vsel vm14, $0xFFFFFFFF, v55;
	v2 =	vsel vm14, v50, v2;
	v8 =	vsel vm10, $0xFFFFFFFF, v58  }
0xc5: {  	v57 =	vld [tilespmem:s13+$0xC080];
	v4 =	vsel vm13, v3, v4;
	v3 =	vsel vm13, $0x23, v3;
	v2 =	vsel vm10, v1, v2  }
0xc6: {  	v1 =	vsel vm10, v50, v1;
	v4 =	vsel vm9, $0x24, v4;
	vm9 =	vnez.u8 v17  }
0xc7: {  	v23 =	vld [tilespmem:$0x1FE50];
	vm11 =	vgt.f32 v53, v2;
	vm14 =	vgt.f32 v53, v1;
	v4 =	vsel vm7, v3, v4  }
0xc8: {  	v61 =	vld [tilespmem:s13+$0xC100];
	v3 =	vsel vm7, $0x24, v3;
	vm7 =	vnez.u8 v20;
	v2 =	vsel vm11, v53, v2  }
0xc9: {  	[tilespmem:$0x1FED0] =	vst v7;
	v7 =	vsel vm11, $0xFFFFFFFF, v59;
	v4 =	vsel vm12, $0x25, v4;
	v2 =	vsel vm14, v1, v2  }
0xca: {  	v1 =	vsel vm14, v53, v1;
	v4 =	vsel vm8, v3, v4;
	vm10 =	vgt.f32 v57, v2  }
0xcb: {  	v12 =	vld [tilespmem:s13+$0xC180];
	v3 =	vsel vm8, $0x25, v3;
	vm13 =	vgt.f32 v57, v1;
	v2 =	vsel vm10, v57, v2  }
0xcc: {  	v4 =	vsel vm9, $0x26, v4;
	vm9 =	vnez.u8 v23;
	v2 =	vsel vm13, v1, v2  }
0xcd: {  	[tilespmem:$0x1FEE0] =	vst v6;
	v6 =	vsel vm10, $0xFFFFFFFF, v11;
	v1 =	vsel vm13, v57, v1;
	vm11 =	vgt.f32 v61, v2  }
0xce: {  	v15 =	vld [tilespmem:s13+$0xC200];
	v4 =	vsel vm2, v3, v4;
	vm12 =	vgt.f32 v61, v1;
	v2 =	vsel vm11, v61, v2  }
0xcf: {  	v3 =	vsel vm2, $0x26, v3;
	v4 =	vsel vm7, $0x27, v4;
	v2 =	vsel vm12, v1, v2  }
0xd0: {  	v4 =	vsel vm0, v3, v4;
	v1 =	vsel vm12, v61, v1;
	vm8 =	vgt.f32 v12, v2  }
0xd1: {  	v18 =	vld [tilespmem:s13+$0xC280];
	[tilespmem:$0x1FF00] =	vst v5;
	v5 =	vsel vm11, $0xFFFFFFFF, v13;
	vm11 =	vgt.f32 v12, v1;
	v2 =	vsel vm8, v12, v2  }
0xd2: {  	v32 =	vld [tilespmem:$0x1FE90];
	v3 =	vsel vm0, $0x27, v3;
	v4 =	vsel vm9, $0x28, v4;
	v2 =	vsel vm11, v1, v2  }
0xd3: {  	v21 =	vld [tilespmem:s13+$0xC300];
	v4 =	vsel vm1, v3, v4;
	v1 =	vsel vm11, v12, v1;
	vm10 =	vgt.f32 v15, v2  }
0xd4: {  	v33 =	vld [tilespmem:$0x1FEA0];
	[tilespmem:$0x1FF30] =	vst v6;
	v6 =	vsel vm10, $0xFFFFFFFF, v19;
	v2 =	vsel vm10, v15, v2;
	vm10 =	vgt.f32 v15, v1  }
0xd5: {  	v3 =	vsel vm1, $0x28, v3;
	v4 =	vsel vm5, $0x29, v4;
	v2 =	vsel vm10, v1, v2  }
0xd6: {  	v30 =	vld [tilespmem:$0x1FE80];
	[tilespmem:$0x1FF20] =	vst v7;
	v7 =	vsel vm8, $0xFFFFFFFF, v16;
	v1 =	vsel vm10, v15, v1;
	vm8 =	vgt.f32 v18, v2  }
0xd7: {  	v24 =	vld [tilespmem:s13+$0xC380];
	vm5 =	vnez.u8 v32;
	vm9 =	vgt.f32 v18, v1;
	v2 =	vsel vm8, v18, v2  }
0xd8: {  	v36 =	vld [tilespmem:$0x1FEB0];
	v4 =	vsel vm6, v3, v4;
	v3 =	vsel vm6, $0x29, v3;
	v2 =	vsel vm9, v1, v2  }
0xd9: {  	vm6 =	vnez.u8 v33;
	v1 =	vsel vm9, v18, v1;
	vm4 =	vgt.f32 v21, v2  }
0xda: {  	[tilespmem:$0x1FF40] =	vst v5;
	v5 =	vsel vm8, $0xFFFFFFFF, v22;
	vm8 =	vgt.f32 v21, v1;
	v2 =	vsel vm4, v21, v2  }
0xdb: {  	v27 =	vld [tilespmem:s13+$0xE000];
	[tilespmem:$0x1FF50] =	vst v7;
	v7 =	vsel vm4, $0xFFFFFFFF, v25;
	vm4 =	vnez.u8 v30;
	v2 =	vsel vm8, v1, v2  }
0xdc: {  	v38 =	vld [tilespmem:$0x1FEC0];
	v1 =	vsel vm8, v21, v1;
	v4 =	vsel vm4, $0x2A, v4;
	vm7 =	vgt.f32 v24, v2  }
0xdd: {  	v4 =	vsel vm5, v3, v4;
	v3 =	vsel vm5, $0x2A, v3;
	vm5 =	vnez.u8 v36  }
0xde: {  	v31 =	vld [tilespmem:s13+$0xE080];
	[tilespmem:$0x1FF60] =	vst v6;
	v6 =	vsel vm7, $0xFFFFFFFF, v29;
	v2 =	vsel vm7, v24, v2;
	vm7 =	vgt.f32 v24, v1  }
0xdf: {  	v4 =	vsel vm6, $0x2B, v4;
	v2 =	vsel vm7, v1, v2;
	v1 =	vsel vm7, v24, v1  }
0xe0: {  	v41 =	vld [tilespmem:$0x1FED0];
	v4 =	vsel vm5, v3, v4;
	v3 =	vsel vm5, $0x2B, v3;
	vm4 =	vgt.f32 v27, v2  }
0xe1: {  	v35 =	vld [tilespmem:s13+$0xE100];
	vm5 =	vnez.u8 v38;
	vm6 =	vgt.f32 v27, v1;
	v2 =	vsel vm4, v27, v2  }
0xe2: {  	[tilespmem:$0x1FF70] =	vst v5;
	v4 =	vsel vm5, $0x2C, v4;
	v5 =	vsel vm4, $0xFFFFFFFF, v34;
	v2 =	vsel vm6, v1, v2  }
0xe3: {  	v44 =	vld [tilespmem:$0x1FEE0];
	v4 =	vsel vm3, v3, v4;
	v1 =	vsel vm6, v27, v1;
	vm4 =	vgt.f32 v31, v2  }
0xe4: {  	v46 =	vld [tilespmem:$0x1FEF0];
	v3 =	vsel vm3, $0x2C, v3;
	vm5 =	vgt.f32 v31, v1;
	v2 =	vsel vm4, v31, v2  }
0xe5: {  	v39 =	vld [tilespmem:s13+$0xE180];
	[tilespmem:$0x1FF80] =	vst v7;
	v7 =	vsel vm4, $0xFFFFFFFF, v37;
	vm4 =	vnez.u8 v41;
	v2 =	vsel vm5, v1, v2  }
0xe6: {  	[tilespmem:$0x1FF10] =	vst v8;
	v48 =	vld [tilespmem:$0x1FF00];
	v1 =	vsel vm5, v31, v1;
	v4 =	vsel vm4, $0x2D, v4;
	vm1 =	vgt.f32 v35, v2  }
0xe7: {  	v50 =	vld [tilespmem:$0x1FF10];
	vm4 =	vgt.f32 v35, v1;
	v4 =	vsel vm15, v3, v4;
	v3 =	vsel vm15, $0x2D, v3  }
0xe8: {  	[tilespmem:$0x1FF90] =	vst v6;
	vm15 =	vnez.u8 v44;
	v6 =	vsel vm1, $0xFFFFFFFF, v40;
	v2 =	vsel vm1, v35, v2  }
0xe9: {  	v52 =	vld [tilespmem:$0x1FF20];
	v4 =	vsel vm15, $0x2E, v4;
	vm15 =	vnez.u8 v46;
	v2 =	vsel vm4, v1, v2  }
0xea: {  	v42 =	vld [tilespmem:s13+$0xE200];
	v1 =	vsel vm4, v35, v1;
	v4 =	vsel vm15, v3, v4;
	v3 =	vsel vm15, $0x2E, v3  }
0xeb: {  	vm15 =	vnez.u8 v48;
	vm1 =	vgt.f32 v39, v2;
	vm3 =	vgt.f32 v39, v1  }
0xec: {  	v54 =	vld [tilespmem:$0x1FF30];
	[tilespmem:$0x1FFA0] =	vst v5;
	v4 =	vsel vm15, $0x2F, v4;
	vm15 =	vnez.u8 v50;
	v5 =	vsel vm1, $0xFFFFFFFF, v43  }
0xed: {  	v45 =	vld [tilespmem:s13+$0xE280];
	v2 =	vsel vm1, v39, v2;
	v4 =	vsel vm15, v3, v4;
	v3 =	vsel vm15, $0x2F, v3  }
0xee: {  	vm15 =	vnez.u8 v52;
	v2 =	vsel vm3, v1, v2;
	v1 =	vsel vm3, v39, v1  }
0xef: {  	v4 =	vsel vm15, $0x30, v4;
	vm1 =	vgt.f32 v42, v2;
	vm2 =	vgt.f32 v42, v1  }
0xf0: {  	v49 =	vld [tilespmem:s13+$0xE300];
	v4 =	vsel vm14, v3, v4;
	v3 =	vsel vm14, $0x30, v3;
	v2 =	vsel vm1, v42, v2  }
0xf1: {  	v55 =	vld [tilespmem:$0x1FF40];
	[tilespmem:$0x1FFB0] =	vst v7;
	vm14 =	vnez.u8 v54;
	v7 =	vsel vm1, $0xFFFFFFFF, v47;
	v2 =	vsel vm2, v1, v2  }
0xf2: {  	v56 =	vld [tilespmem:$0x1FF50];
	v4 =	vsel vm14, $0x31, v4;
	v1 =	vsel vm2, v42, v1;
	vm1 =	vgt.f32 v45, v2  }
0xf3: {  	v53 =	vld [tilespmem:s13+$0xE380];
	[tilespmem:$0x1FFC0] =	vst v6;
	v6 =	vsel vm1, $0xFFFFFFFF, v51;
	v2 =	vsel vm1, v45, v2;
	vm1 =	vgt.f32 v45, v1  }
0xf4: {  	v4 =	vsel vm13, v3, v4;
	v2 =	vsel vm1, v1, v2  }
0xf5: {  	v3 =	vsel vm13, $0x31, v3;
	v1 =	vsel vm1, v45, v1;
	vm14 =	vgt.f32 v49, v2  }
0xf6: {  	v57 =	vld [tilespmem:$0x1FF60];
	vm13 =	vnez.u8 v55;
	vm0 =	vgt.f32 v49, v1;
	v2 =	vsel vm14, v49, v2  }
0xf7: {  	vm15 =	vnez.u8 v56;
	v4 =	vsel vm13, $0x32, v4;
	v2 =	vsel vm0, v1, v2  }
0xf8: {  	v58 =	vld [tilespmem:$0x1FF70];
	v4 =	vsel vm12, v3, v4;
	v1 =	vsel vm0, v49, v1;
	vm13 =	vgt.f32 v53, v2  }
0xf9: {  	v3 =	vsel vm12, $0x32, v3;
	vm12 =	vgt.f32 v53, v1;
	v2 =	vsel vm13, v53, v2  }
0xfa: {  	v4 =	vsel vm15, $0x33, v4;
	v2 =	vsel vm12, v1, v2;
	v1 =	vsel vm12, v53, v1  }
0xfb: {  	vm15 =	vnez.u8 v57;
	v1 =	vsub.f32 v2, v1;
	v2 =	vsel vm11, v3, v4  }
0xfc: {  	v3 =	vsel vm11, $0x33, v3;
	v2 =	vsel vm15, $0x34, v2  }
0xfd: {  	vm15 =	vnez.u8 v58;
	v2 =	vsel vm10, v3, v2;
	v1 =	vmul.f32 $1.442695020e+00, v1  }
0xfe: {  	v3 =	vsel vm10, $0x34, v3;
	v2 =	vsel vm15, $0x35, v2  }
0xff: {  	(erf) = vpow2.f32 v1;
	v1 =	vsel vm9, v3, v2;
	v2 =	vsel vm9, $0x35, v3;
	v3 =	vld [tilespmem:$0x1FF80];
	_ =	sdelay $0x4  }
0x100: {  	vm15 =	vnez.u8 v3;
	v3 =	vld [tilespmem:$0x1FF90];
	_ =	sdelay $0x4  }
0x101: {  	v1 =	vsel vm15, $0x36, v1;
	vm15 =	vnez.u8 v3;
	v3 =	vld [tilespmem:$0x1FFA0];
	_ =	sdelay $0x4  }
0x102: {  	vm11 =	vnez.u8 v3;
	v3 =	vld [tilespmem:$0x1FFB0];
	_ =	sdelay $0x3  }
0x103: {  	v1 =	vsel vm8, v2, v1  }
0x104: {  	v2 =	vsel vm8, $0x36, v2;
	v1 =	vsel vm15, $0x37, v1;
	vm15 =	vnez.u8 v3;
	v3 =	vld [tilespmem:$0x1FFC0]  }
0x105: {  	[tilespmem:$0x1FFD0] =	vst v5;
	v1 =	vsel vm7, v2, v1  }
0x106: {  	v60 =	vld [tilespmem:$0x1FFD0];
	v2 =	vsel vm7, $0x37, v2;
	v1 =	vsel vm11, $0x38, v1  }
0x107: {  	[tilespmem:$0x1FFE0] =	vst v7;
	v1 =	vsel vm6, v2, v1  }
0x108: {  	v61 =	vld [tilespmem:$0x1FFE0];
	v2 =	vsel vm6, $0x38, v2;
	v1 =	vsel vm15, $0x39, v1  }
0x109: {  	[tilespmem:$0x1FFF0] =	vst v6;
	v1 =	vsel vm5, v2, v1;
	vm9 =	vnez.u8 v3  }
0x10a: {  	v62 =	vld [tilespmem:$0x1FFF0];
	v2 =	vsel vm5, $0x39, v2;
	v1 =	vsel vm9, $0x3A, v1  }
0x10b: {  	vm10 =	vnez.u8 v60;
	v1 =	vsel vm4, v2, v1  }
0x10c: {  	v3 =	vpop (erf);
	v2 =	vsel vm4, $0x3A, v2;
	v1 =	vsel vm10, $0x3B, v1  }
0x10d: {  	vm11 =	vnez.u8 v61;
	v59 =	vadd.f32 $1.000000000e+00, v3;
	v1 =	vsel vm3, v2, v1  }
0x10e: {  	v2 =	vsel vm3, $0x3B, v2;
	v1 =	vsel vm11, $0x3C, v1  }
0x10f: {  	vm15 =	vnez.u8 v62;
	(erf) = vrcp.f32 v59;
	v1 =	vsel vm2, v2, v1  }
0x110: {  	v2 =	vsel vm2, $0x3C, v2;
	v1 =	vsel vm15, $0x3D, v1  }
0x111: {  	v1 =	vsel vm1, v2, v1  }
0x112: {  	v2 =	vsel vm1, $0x3D, v2;
	v1 =	vsel vm14, $0x3E, v1  }
0x113: {  	v1 =	vsel vm0, v2, v1  }
0x114: {  	s31 =	simm.s32 $0x0;
	v63 =	vsel vm0, $0x3E, v2;
	v1 =	vsel vm13, $0x3F, v1  }
0x115: {  	s13 =	sand.u32 $0xFFFFFF00, s31;
	v1 =	vsel vm12, v63, v1  }
0x116: {  	s16 =	sor.u32 s12, s13;
	v2 =	vsel vm12, $0x3F, v63  }
0x117: {  	[tilespmem:s16+$0x10000] =	vst v2  }
0x118: {  	s17 =	simm.s32 $0x80;
	s14 =	simm.s32 $0x10;
	s15 =	simm.s32 $0x2;
	[tilespmem:s16+$0x10080] =	vst v1;
	v1 =	vpop (erf)  }
0x119: {  	s17 =	sand.u32 $0x3FFFFC00, s17;
	s12 =	simm.s32 $0x1;
	s13 =	sand.u32 $0x70, s14;
	[tilespmem:s16+$0x10800] =	vst v1;
	v1 =	vmul.f32 v1, v3  }
.LBB2_2:
0x11a: {  	p0 =	sne.s32 s15, $0x3F  }
0x11b: {  	s17 =	sor.u32 s13, s17;
	[tilespmem:s16+$0x10880] =	vst v1;
	s16 =	smov.u32 s15;
	s15 =	sadd.s32 $0x1, s15  }
0x11c: {  	v1 =	vld [tilespmem:s17+$0x80]  }
0x11d: {  	v2 =	vld [tilespmem:s17+$0x0];
	_ =	sdelay $0x2  }
0x11e: {  	v3 =	vld [tilespmem:s17+$0x100]  }
0x11f: {  	vm0 =	vlt.f32 v1, $-Inf;
	vm1 =	vgt.f32 v1, $-Inf  }
0x120: {  	vm2 =	vgt.f32 v1, v2;
	vm0 =	vmor vm1, vm0  }
0x121: {  	vm1 =	vmneg vm2;
	v4 =	vnsel vm0, $0xFF800000, v1;
	v5 =	vld [tilespmem:s17+$0x180]  }
0x122: {  	v4 =	vsel vm1, v4, v2;
	vm0 =	vmand vm1, vm0;
	v1 =	vsel vm1, v2, v1  }
0x123: {  	v2 =	vsel vm0, $0x1, v0;
	vm0 =	vgt.f32 v3, v4  }
0x124: {  	vm1 =	vgt.f32 v3, v1;
	v4 =	vsel vm0, v3, v4;
	v2 =	vsel vm0, $0x2, v2;
	v6 =	vld [tilespmem:s17+$0x200]  }
0x125: {  	v7 =	vsel vm2, $0x1, v0;
	v4 =	vsel vm1, v1, v4;
	v1 =	vsel vm1, v3, v1  }
0x126: {  	v2 =	vsel vm1, v7, v2;
	v3 =	vsel vm1, $0x2, v7;
	vm0 =	vgt.f32 v5, v4  }
0x127: {  	vm1 =	vgt.f32 v5, v1;
	v4 =	vsel vm0, v5, v4;
	v2 =	vsel vm0, $0x3, v2;
	v7 =	vld [tilespmem:s17+$0x280]  }
0x128: {  	v4 =	vsel vm1, v1, v4;
	v2 =	vsel vm1, v3, v2;
	v1 =	vsel vm1, v5, v1  }
0x129: {  	v3 =	vsel vm1, $0x3, v3;
	vm0 =	vgt.f32 v6, v4  }
0x12a: {  	vm1 =	vgt.f32 v6, v1;
	v4 =	vsel vm0, v6, v4;
	v2 =	vsel vm0, $0x4, v2;
	v5 =	vld [tilespmem:s17+$0x300]  }
0x12b: {  	v4 =	vsel vm1, v1, v4;
	v2 =	vsel vm1, v3, v2  }
0x12c: {  	v1 =	vsel vm1, v6, v1;
	v3 =	vsel vm1, $0x4, v3;
	vm0 =	vgt.f32 v7, v4  }
0x12d: {  	vm1 =	vgt.f32 v7, v1;
	v4 =	vsel vm0, v7, v4;
	v2 =	vsel vm0, $0x5, v2;
	v6 =	vld [tilespmem:s17+$0x380]  }
0x12e: {  	v4 =	vsel vm1, v1, v4;
	v2 =	vsel vm1, v3, v2;
	v1 =	vsel vm1, v7, v1  }
0x12f: {  	vm0 =	vgt.f32 v5, v4  }
0x130: {  	v3 =	vsel vm1, $0x5, v3;
	vm1 =	vgt.f32 v5, v1;
	v4 =	vsel vm0, v5, v4;
	v7 =	vld [tilespmem:s17+$0x2000]  }
0x131: {  	v2 =	vsel vm0, $0x6, v2;
	v4 =	vsel vm1, v1, v4;
	v1 =	vsel vm1, v5, v1  }
0x132: {  	v2 =	vsel vm1, v3, v2;
	v3 =	vsel vm1, $0x6, v3;
	vm0 =	vgt.f32 v6, v4  }
0x133: {  	vm1 =	vgt.f32 v6, v1;
	v4 =	vsel vm0, v6, v4;
	v2 =	vsel vm0, $0x7, v2;
	v5 =	vld [tilespmem:s17+$0x2080]  }
0x134: {  	v4 =	vsel vm1, v1, v4;
	v2 =	vsel vm1, v3, v2;
	v1 =	vsel vm1, v6, v1  }
0x135: {  	v3 =	vsel vm1, $0x7, v3;
	vm0 =	vgt.f32 v7, v4  }
0x136: {  	vm1 =	vgt.f32 v7, v1;
	v4 =	vsel vm0, v7, v4;
	v2 =	vsel vm0, $0x8, v2;
	v6 =	vld [tilespmem:s17+$0x2100]  }
0x137: {  	v4 =	vsel vm1, v1, v4;
	v2 =	vsel vm1, v3, v2;
	v1 =	vsel vm1, v7, v1  }
0x138: {  	v3 =	vsel vm1, $0x8, v3;
	vm0 =	vgt.f32 v5, v4  }
0x139: {  	vm1 =	vgt.f32 v5, v1;
	v4 =	vsel vm0, v5, v4;
	v2 =	vsel vm0, $0x9, v2;
	v7 =	vld [tilespmem:s17+$0x2180]  }
0x13a: {  	v4 =	vsel vm1, v1, v4;
	v2 =	vsel vm1, v3, v2;
	v1 =	vsel vm1, v5, v1  }
0x13b: {  	v3 =	vsel vm1, $0x9, v3;
	vm0 =	vgt.f32 v6, v4  }
0x13c: {  	vm1 =	vgt.f32 v6, v1;
	v4 =	vsel vm0, v6, v4;
	v2 =	vsel vm0, $0xA, v2;
	v5 =	vld [tilespmem:s17+$0x2200]  }
0x13d: {  	v4 =	vsel vm1, v1, v4;
	v2 =	vsel vm1, v3, v2  }
0x13e: {  	v1 =	vsel vm1, v6, v1;
	vm0 =	vgt.f32 v7, v4  }
0x13f: {  	vm2 =	vgt.f32 v7, v1;
	v4 =	vsel vm0, v7, v4;
	v6 =	vld [tilespmem:s17+$0x2280]  }
0x140: {  	v3 =	vsel vm1, $0xA, v3;
	v2 =	vsel vm0, $0xB, v2;
	v4 =	vsel vm2, v1, v4  }
0x141: {  	v1 =	vsel vm2, v7, v1;
	v7 =	vsel vm2, $0xB, v3;
	vm0 =	vgt.f32 v5, v4  }
0x142: {  	v2 =	vsel vm2, v3, v2;
	vm1 =	vgt.f32 v5, v1;
	v3 =	vsel vm0, v5, v4;
	v4 =	vld [tilespmem:s17+$0x2300]  }
0x143: {  	v2 =	vsel vm0, $0xC, v2;
	v3 =	vsel vm1, v1, v3;
	v1 =	vsel vm1, v5, v1  }
0x144: {  	v2 =	vsel vm1, v7, v2;
	v5 =	vsel vm1, $0xC, v7;
	vm0 =	vgt.f32 v6, v3  }
0x145: {  	vm1 =	vgt.f32 v6, v1;
	v3 =	vsel vm0, v6, v3;
	v2 =	vsel vm0, $0xD, v2;
	v7 =	vld [tilespmem:s17+$0x2380]  }
0x146: {  	v3 =	vsel vm1, v1, v3;
	v2 =	vsel vm1, v5, v2;
	v5 =	vsel vm1, $0xD, v5  }
0x147: {  	v1 =	vsel vm1, v6, v1;
	vm0 =	vgt.f32 v4, v3  }
0x148: {  	vm1 =	vgt.f32 v4, v1;
	v3 =	vsel vm0, v4, v3;
	v2 =	vsel vm0, $0xE, v2;
	v6 =	vld [tilespmem:s17+$0x4000]  }
0x149: {  	v3 =	vsel vm1, v1, v3;
	v2 =	vsel vm1, v5, v2;
	v5 =	vsel vm1, $0xE, v5  }
0x14a: {  	v1 =	vsel vm1, v4, v1;
	vm0 =	vgt.f32 v7, v3  }
0x14b: {  	vm5 =	vgt.f32 v7, v1;
	v3 =	vsel vm0, v7, v3;
	v2 =	vsel vm0, $0xF, v2;
	v4 =	vld [tilespmem:s17+$0x4080]  }
0x14c: {  	v3 =	vsel vm5, v1, v3;
	v2 =	vsel vm5, v5, v2  }
0x14d: {  	v1 =	vsel vm5, v7, v1;
	vm2 =	vgt.f32 v6, v3  }
0x14e: {  	vm6 =	vgt.f32 v6, v1;
	v3 =	vsel vm2, v6, v3;
	v7 =	vld [tilespmem:s17+$0x4100]  }
0x14f: {  	v3 =	vsel vm6, v1, v3  }
0x150: {  	v1 =	vsel vm6, v6, v1;
	vm7 =	vgt.f32 v4, v3  }
0x151: {  	vm0 =	vgt.f32 v4, v1;
	v3 =	vsel vm7, v4, v3;
	v6 =	vld [tilespmem:s17+$0x4180]  }
0x152: {  	v3 =	vsel vm0, v1, v3;
	v1 =	vsel vm0, v4, v1  }
0x153: {  	vm3 =	vgt.f32 v7, v3  }
0x154: {  	vm1 =	vgt.f32 v7, v1;
	v3 =	vsel vm3, v7, v3;
	v4 =	vld [tilespmem:s17+$0x4200]  }
0x155: {  	v3 =	vsel vm1, v1, v3;
	v1 =	vsel vm1, v7, v1  }
0x156: {  	vm4 =	vgt.f32 v6, v3  }
0x157: {  	v2 =	vsel vm2, $0x10, v2;
	vm2 =	vgt.f32 v6, v1;
	v3 =	vsel vm4, v6, v3;
	v7 =	vld [tilespmem:s17+$0x4280]  }
0x158: {  	v5 =	vsel vm5, $0xF, v5;
	v3 =	vsel vm2, v1, v3;
	v1 =	vsel vm2, v6, v1  }
0x159: {  	v2 =	vsel vm6, v5, v2;
	v5 =	vsel vm6, $0x10, v5;
	vm6 =	vgt.f32 v4, v3  }
0x15a: {  	v6 =	vsel vm0, $0x11, v5;
	vm5 =	vgt.f32 v4, v1;
	v3 =	vsel vm6, v4, v3;
	v8 =	vld [tilespmem:s17+$0x4300]  }
0x15b: {  	v2 =	vsel vm7, $0x11, v2;
	v9 =	vsel vm1, $0x12, v6;
	v3 =	vsel vm5, v1, v3  }
0x15c: {  	v10 =	vsel vm2, $0x13, v9;
	v1 =	vsel vm5, v4, v1;
	vm8 =	vgt.f32 v7, v3  }
0x15d: {  	v4 =	vsel vm5, $0x14, v10;
	vm7 =	vgt.f32 v7, v1;
	v3 =	vsel vm8, v7, v3;
	v11 =	vld [tilespmem:s17+$0x4380]  }
0x15e: {  	v3 =	vsel vm7, v1, v3;
	v1 =	vsel vm7, v7, v1;
	v7 =	vsel vm7, $0x15, v4  }
0x15f: {  	v2 =	vsel vm0, v5, v2;
	vm9 =	vgt.f32 v8, v3  }
0x160: {  	v2 =	vsel vm3, $0x12, v2;
	vm0 =	vgt.f32 v8, v1;
	v3 =	vsel vm9, v8, v3;
	v5 =	vld [tilespmem:s17+$0x6000]  }
0x161: {  	v2 =	vsel vm1, v6, v2;
	v6 =	vsel vm0, $0x16, v7;
	v3 =	vsel vm0, v1, v3  }
0x162: {  	v2 =	vsel vm4, $0x13, v2;
	v1 =	vsel vm0, v8, v1;
	vm3 =	vgt.f32 v11, v3  }
0x163: {  	v2 =	vsel vm2, v9, v2;
	vm1 =	vgt.f32 v11, v1;
	v3 =	vsel vm3, v11, v3;
	v8 =	vld [tilespmem:s17+$0x6080]  }
0x164: {  	v2 =	vsel vm6, $0x14, v2;
	v9 =	vsel vm1, $0x17, v6;
	v3 =	vsel vm1, v1, v3  }
0x165: {  	v2 =	vsel vm5, v10, v2;
	v1 =	vsel vm1, v11, v1;
	vm2 =	vgt.f32 v5, v3  }
0x166: {  	v2 =	vsel vm8, $0x15, v2;
	vm4 =	vgt.f32 v5, v1;
	v3 =	vsel vm2, v5, v3;
	v10 =	vld [tilespmem:s17+$0x6100]  }
0x167: {  	v2 =	vsel vm7, v4, v2;
	v4 =	vsel vm4, $0x18, v9;
	v3 =	vsel vm4, v1, v3  }
0x168: {  	v2 =	vsel vm9, $0x16, v2;
	v1 =	vsel vm4, v5, v1;
	vm5 =	vgt.f32 v8, v3  }
0x169: {  	v2 =	vsel vm0, v7, v2;
	vm0 =	vgt.f32 v8, v1;
	v3 =	vsel vm5, v8, v3;
	v5 =	vld [tilespmem:s17+$0x6180]  }
0x16a: {  	v2 =	vsel vm3, $0x17, v2;
	v3 =	vsel vm0, v1, v3  }
0x16b: {  	v2 =	vsel vm1, v6, v2;
	v1 =	vsel vm0, v8, v1;
	vm1 =	vgt.f32 v10, v3  }
0x16c: {  	v2 =	vsel vm2, $0x18, v2;
	vm2 =	vgt.f32 v10, v1;
	v3 =	vsel vm1, v10, v3;
	v6 =	vld [tilespmem:s17+$0x6200]  }
0x16d: {  	v2 =	vsel vm4, v9, v2;
	v3 =	vsel vm2, v1, v3;
	v1 =	vsel vm2, v10, v1  }
0x16e: {  	v2 =	vsel vm5, $0x19, v2;
	v7 =	vsel vm0, $0x19, v4;
	vm3 =	vgt.f32 v5, v3  }
0x16f: {  	v2 =	vsel vm0, v4, v2;
	vm0 =	vgt.f32 v5, v1;
	v3 =	vsel vm3, v5, v3;
	v4 =	vld [tilespmem:s17+$0x6280]  }
0x170: {  	v2 =	vsel vm1, $0x1A, v2;
	v3 =	vsel vm0, v1, v3;
	v1 =	vsel vm0, v5, v1  }
0x171: {  	v2 =	vsel vm2, v7, v2;
	v5 =	vsel vm2, $0x1A, v7;
	vm1 =	vgt.f32 v6, v3  }
0x172: {  	v7 =	vsel vm0, $0x1B, v5;
	vm2 =	vgt.f32 v6, v1;
	v3 =	vsel vm1, v6, v3;
	v8 =	vld [tilespmem:s17+$0x6300]  }
0x173: {  	v2 =	vsel vm3, $0x1B, v2;
	v9 =	vsel vm2, $0x1C, v7;
	v3 =	vsel vm2, v1, v3  }
0x174: {  	v2 =	vsel vm0, v5, v2;
	v1 =	vsel vm2, v6, v1;
	vm0 =	vgt.f32 v4, v3  }
0x175: {  	v2 =	vsel vm1, $0x1C, v2;
	vm1 =	vgt.f32 v4, v1;
	v3 =	vsel vm0, v4, v3;
	v5 =	vld [tilespmem:s17+$0x6380]  }
0x176: {  	v2 =	vsel vm2, v7, v2;
	v3 =	vsel vm1, v1, v3;
	v1 =	vsel vm1, v4, v1  }
0x177: {  	v2 =	vsel vm0, $0x1D, v2;
	vm0 =	vgt.f32 v8, v3  }
0x178: {  	v2 =	vsel vm1, v9, v2;
	vm2 =	vgt.f32 v8, v1;
	v3 =	vsel vm0, v8, v3;
	v4 =	vld [tilespmem:s17+$0x8000]  }
0x179: {  	v6 =	vsel vm1, $0x1D, v9;
	v2 =	vsel vm0, $0x1E, v2;
	v3 =	vsel vm2, v1, v3  }
0x17a: {  	v2 =	vsel vm2, v6, v2;
	v1 =	vsel vm2, v8, v1;
	vm0 =	vgt.f32 v5, v3  }
0x17b: {  	vm1 =	vgt.f32 v5, v1;
	v3 =	vsel vm0, v5, v3;
	v2 =	vsel vm0, $0x1F, v2;
	v7 =	vld [tilespmem:s17+$0x8080]  }
0x17c: {  	v3 =	vsel vm1, v1, v3  }
0x17d: {  	v1 =	vsel vm1, v5, v1;
	vm0 =	vgt.f32 v4, v3  }
0x17e: {  	vm3 =	vgt.f32 v4, v1;
	v3 =	vsel vm0, v4, v3;
	v5 =	vld [tilespmem:s17+$0x8100]  }
0x17f: {  	v6 =	vsel vm2, $0x1E, v6;
	v3 =	vsel vm3, v1, v3  }
0x180: {  	v8 =	vsel vm1, $0x1F, v6;
	v1 =	vsel vm3, v4, v1;
	vm2 =	vgt.f32 v7, v3  }
0x181: {  	v4 =	vsel vm3, $0x20, v8;
	vm4 =	vgt.f32 v7, v1;
	v3 =	vsel vm2, v7, v3;
	v9 =	vld [tilespmem:s17+$0x8180]  }
0x182: {  	v2 =	vsel vm1, v6, v2;
	v6 =	vsel vm4, $0x21, v4;
	v3 =	vsel vm4, v1, v3  }
0x183: {  	v2 =	vsel vm0, $0x20, v2;
	v1 =	vsel vm4, v7, v1;
	vm0 =	vgt.f32 v5, v3  }
0x184: {  	v2 =	vsel vm3, v8, v2;
	vm1 =	vgt.f32 v5, v1;
	v3 =	vsel vm0, v5, v3;
	v7 =	vld [tilespmem:s17+$0x8200]  }
0x185: {  	v2 =	vsel vm2, $0x21, v2;
	v3 =	vsel vm1, v1, v3;
	v1 =	vsel vm1, v5, v1  }
0x186: {  	v2 =	vsel vm4, v4, v2;
	vm2 =	vgt.f32 v9, v3  }
0x187: {  	v2 =	vsel vm0, $0x22, v2;
	vm0 =	vgt.f32 v9, v1;
	v3 =	vsel vm2, v9, v3;
	v4 =	vld [tilespmem:s17+$0x8280]  }
0x188: {  	v2 =	vsel vm1, v6, v2;
	v3 =	vsel vm0, v1, v3;
	v1 =	vsel vm0, v9, v1  }
0x189: {  	v5 =	vsel vm1, $0x22, v6;
	v2 =	vsel vm2, $0x23, v2;
	vm1 =	vgt.f32 v7, v3  }
0x18a: {  	v2 =	vsel vm0, v5, v2;
	vm2 =	vgt.f32 v7, v1;
	v3 =	vsel vm1, v7, v3;
	v6 =	vld [tilespmem:s17+$0x8300]  }
0x18b: {  	v2 =	vsel vm1, $0x24, v2;
	v3 =	vsel vm2, v1, v3  }
0x18c: {  	v1 =	vsel vm2, v7, v1;
	vm1 =	vgt.f32 v4, v3  }
0x18d: {  	vm3 =	vgt.f32 v4, v1;
	v3 =	vsel vm1, v4, v3;
	v7 =	vld [tilespmem:s17+$0x8380]  }
0x18e: {  	v5 =	vsel vm0, $0x23, v5;
	v3 =	vsel vm3, v1, v3  }
0x18f: {  	v8 =	vsel vm2, $0x24, v5;
	v1 =	vsel vm3, v4, v1;
	vm0 =	vgt.f32 v6, v3  }
0x190: {  	v4 =	vsel vm3, $0x25, v8;
	vm4 =	vgt.f32 v6, v1;
	v3 =	vsel vm0, v6, v3;
	v9 =	vld [tilespmem:s17+$0xA000]  }
0x191: {  	v2 =	vsel vm2, v5, v2;
	v5 =	vsel vm4, $0x26, v4;
	v3 =	vsel vm4, v1, v3  }
0x192: {  	v2 =	vsel vm1, $0x25, v2;
	v1 =	vsel vm4, v6, v1;
	vm1 =	vgt.f32 v7, v3  }
0x193: {  	v2 =	vsel vm3, v8, v2;
	vm2 =	vgt.f32 v7, v1;
	v3 =	vsel vm1, v7, v3;
	v6 =	vld [tilespmem:s17+$0xA080]  }
0x194: {  	v2 =	vsel vm0, $0x26, v2;
	v8 =	vsel vm2, $0x27, v5;
	v3 =	vsel vm2, v1, v3  }
0x195: {  	v2 =	vsel vm4, v4, v2;
	v1 =	vsel vm2, v7, v1;
	vm0 =	vgt.f32 v9, v3  }
0x196: {  	v2 =	vsel vm1, $0x27, v2;
	vm1 =	vgt.f32 v9, v1;
	v3 =	vsel vm0, v9, v3;
	v4 =	vld [tilespmem:s17+$0xA100]  }
0x197: {  	v2 =	vsel vm2, v5, v2;
	v5 =	vsel vm1, $0x28, v8;
	v3 =	vsel vm1, v1, v3  }
0x198: {  	v2 =	vsel vm0, $0x28, v2;
	v1 =	vsel vm1, v9, v1;
	vm0 =	vgt.f32 v6, v3  }
0x199: {  	v2 =	vsel vm1, v8, v2;
	vm1 =	vgt.f32 v6, v1;
	v3 =	vsel vm0, v6, v3;
	v7 =	vld [tilespmem:s17+$0xA180]  }
0x19a: {  	v2 =	vsel vm0, $0x29, v2;
	v8 =	vsel vm1, $0x29, v5;
	v3 =	vsel vm1, v1, v3  }
0x19b: {  	v2 =	vsel vm1, v5, v2;
	v1 =	vsel vm1, v6, v1;
	vm0 =	vgt.f32 v4, v3  }
0x19c: {  	vm1 =	vgt.f32 v4, v1;
	v3 =	vsel vm0, v4, v3;
	v2 =	vsel vm0, $0x2A, v2;
	v5 =	vld [tilespmem:s17+$0xA200]  }
0x19d: {  	v3 =	vsel vm1, v1, v3;
	v2 =	vsel vm1, v8, v2  }
0x19e: {  	v1 =	vsel vm1, v4, v1;
	vm0 =	vgt.f32 v7, v3  }
0x19f: {  	vm2 =	vgt.f32 v7, v1;
	v3 =	vsel vm0, v7, v3;
	v4 =	vld [tilespmem:s17+$0xA280]  }
0x1a0: {  	v3 =	vsel vm2, v1, v3;
	v1 =	vsel vm2, v7, v1  }
0x1a1: {  	vm3 =	vgt.f32 v5, v3;
	v6 =	vld [tilespmem:s17+$0xA300]  }
0x1a2: {  	v2 =	vsel vm0, $0x2B, v2;
	vm0 =	vgt.f32 v5, v1;
	v3 =	vsel vm3, v5, v3  }
0x1a3: {  	v7 =	vsel vm1, $0x2A, v8;
	v3 =	vsel vm0, v1, v3;
	v1 =	vsel vm0, v5, v1  }
0x1a4: {  	v5 =	vsel vm2, $0x2B, v7;
	vm1 =	vgt.f32 v4, v1;
	vm4 =	vgt.f32 v4, v3  }
0x1a5: {  	v8 =	vsel vm0, $0x2C, v5;
	v3 =	vsel vm4, v4, v3;
	v4 =	vsel vm1, v4, v1;
	v9 =	vld [tilespmem:s17+$0xA380]  }
0x1a6: {  	v1 =	vsel vm1, v1, v3;
	v3 =	vsel vm1, $0x2D, v8;
	vm5 =	vgt.f32 v6, v4  }
0x1a7: {  	v2 =	vsel vm2, v7, v2;
	vm2 =	vgt.f32 v6, v1;
	v7 =	vsel vm5, $0x2E, v3  }
0x1a8: {  	v2 =	vsel vm3, $0x2C, v2;
	v1 =	vsel vm2, v6, v1;
	v10 =	vld [tilespmem:s17+$0xC000]  }
0x1a9: {  	v2 =	vsel vm0, v5, v2;
	v1 =	vsel vm5, v4, v1  }
0x1aa: {  	v2 =	vsel vm4, $0x2D, v2;
	v4 =	vsel vm5, v6, v4;
	vm0 =	vgt.f32 v9, v1  }
0x1ab: {  	v2 =	vsel vm1, v8, v2;
	vm1 =	vgt.f32 v9, v4;
	v1 =	vsel vm0, v9, v1;
	v5 =	vld [tilespmem:s17+$0xC080]  }
0x1ac: {  	v2 =	vsel vm2, $0x2E, v2;
	v6 =	vsel vm1, $0x2F, v7;
	v1 =	vsel vm1, v4, v1  }
0x1ad: {  	v2 =	vsel vm5, v3, v2;
	v3 =	vsel vm1, v9, v4;
	vm2 =	vgt.f32 v10, v1  }
0x1ae: {  	v2 =	vsel vm0, $0x2F, v2;
	vm0 =	vgt.f32 v10, v3;
	v1 =	vsel vm2, v10, v1;
	v4 =	vld [tilespmem:s17+$0xC100]  }
0x1af: {  	v2 =	vsel vm1, v7, v2;
	v7 =	vsel vm0, $0x30, v6;
	v1 =	vsel vm0, v3, v1  }
0x1b0: {  	v2 =	vsel vm2, $0x30, v2;
	v3 =	vsel vm0, v10, v3;
	vm1 =	vgt.f32 v5, v1  }
0x1b1: {  	v2 =	vsel vm0, v6, v2;
	vm0 =	vgt.f32 v5, v3;
	v1 =	vsel vm1, v5, v1;
	v6 =	vld [tilespmem:s17+$0xC180]  }
0x1b2: {  	v2 =	vsel vm1, $0x31, v2;
	v1 =	vsel vm0, v3, v1  }
0x1b3: {  	v2 =	vsel vm0, v7, v2;
	v3 =	vsel vm0, v5, v3;
	vm1 =	vgt.f32 v4, v1  }
0x1b4: {  	v5 =	vsel vm0, $0x31, v7;
	vm0 =	vgt.f32 v4, v3;
	v1 =	vsel vm1, v4, v1;
	v7 =	vld [tilespmem:s17+$0xC200]  }
0x1b5: {  	v2 =	vsel vm1, $0x32, v2;
	v8 =	vsel vm0, $0x32, v5;
	v1 =	vsel vm0, v3, v1  }
0x1b6: {  	v2 =	vsel vm0, v5, v2;
	v3 =	vsel vm0, v4, v3;
	vm0 =	vgt.f32 v6, v1  }
0x1b7: {  	vm1 =	vgt.f32 v6, v3;
	v1 =	vsel vm0, v6, v1;
	v2 =	vsel vm0, $0x33, v2;
	v4 =	vld [tilespmem:s17+$0xC280]  }
0x1b8: {  	v1 =	vsel vm1, v3, v1;
	v2 =	vsel vm1, v8, v2  }
0x1b9: {  	v3 =	vsel vm1, v6, v3;
	vm0 =	vgt.f32 v7, v1  }
0x1ba: {  	vm2 =	vgt.f32 v7, v3;
	v1 =	vsel vm0, v7, v1;
	v5 =	vld [tilespmem:s17+$0xC300]  }
0x1bb: {  	v6 =	vsel vm1, $0x33, v8;
	v2 =	vsel vm0, $0x34, v2;
	v1 =	vsel vm2, v3, v1  }
0x1bc: {  	v3 =	vsel vm2, v7, v3;
	v7 =	vsel vm2, $0x34, v6;
	vm0 =	vgt.f32 v4, v1  }
0x1bd: {  	v2 =	vsel vm2, v6, v2;
	vm1 =	vgt.f32 v4, v3;
	v1 =	vsel vm0, v4, v1;
	v6 =	vld [tilespmem:s17+$0xC380]  }
0x1be: {  	v2 =	vsel vm0, $0x35, v2;
	v8 =	vsel vm1, $0x35, v7;
	v1 =	vsel vm1, v3, v1  }
0x1bf: {  	v2 =	vsel vm1, v7, v2;
	v3 =	vsel vm1, v4, v3;
	vm0 =	vgt.f32 v5, v1  }
0x1c0: {  	vm1 =	vgt.f32 v5, v3;
	v1 =	vsel vm0, v5, v1;
	v2 =	vsel vm0, $0x36, v2;
	v4 =	vld [tilespmem:s17+$0xE000]  }
0x1c1: {  	v7 =	vsel vm1, $0x36, v8;
	v1 =	vsel vm1, v3, v1;
	v2 =	vsel vm1, v8, v2  }
0x1c2: {  	v3 =	vsel vm1, v5, v3;
	vm0 =	vgt.f32 v6, v1  }
0x1c3: {  	vm1 =	vgt.f32 v6, v3;
	v1 =	vsel vm0, v6, v1;
	v2 =	vsel vm0, $0x37, v2;
	v5 =	vld [tilespmem:s17+$0xE080]  }
0x1c4: {  	v1 =	vsel vm1, v3, v1;
	v2 =	vsel vm1, v7, v2;
	v7 =	vsel vm1, $0x37, v7  }
0x1c5: {  	v3 =	vsel vm1, v6, v3;
	vm0 =	vgt.f32 v4, v1  }
0x1c6: {  	vm1 =	vgt.f32 v4, v3;
	v1 =	vsel vm0, v4, v1;
	v2 =	vsel vm0, $0x38, v2;
	v6 =	vld [tilespmem:s17+$0xE100]  }
0x1c7: {  	v1 =	vsel vm1, v3, v1;
	v3 =	vsel vm1, v4, v3;
	v4 =	vsel vm1, $0x38, v7  }
0x1c8: {  	v2 =	vsel vm1, v7, v2;
	vm0 =	vgt.f32 v5, v1  }
0x1c9: {  	vm1 =	vgt.f32 v5, v3;
	v1 =	vsel vm0, v5, v1;
	v2 =	vsel vm0, $0x39, v2;
	v7 =	vld [tilespmem:s17+$0xE180]  }
0x1ca: {  	v1 =	vsel vm1, v3, v1;
	v3 =	vsel vm1, v5, v3;
	v5 =	vsel vm1, $0x39, v4  }
0x1cb: {  	v2 =	vsel vm1, v4, v2;
	vm0 =	vgt.f32 v6, v1  }
0x1cc: {  	vm1 =	vgt.f32 v6, v3;
	v1 =	vsel vm0, v6, v1;
	v2 =	vsel vm0, $0x3A, v2;
	v4 =	vld [tilespmem:s17+$0xE200]  }
0x1cd: {  	v1 =	vsel vm1, v3, v1;
	v2 =	vsel vm1, v5, v2;
	v3 =	vsel vm1, v6, v3  }
0x1ce: {  	vm0 =	vgt.f32 v7, v1  }
0x1cf: {  	vm2 =	vgt.f32 v7, v3;
	v1 =	vsel vm0, v7, v1;
	v6 =	vld [tilespmem:s17+$0xE280]  }
0x1d0: {  	v1 =	vsel vm2, v3, v1;
	v3 =	vsel vm2, v7, v3  }
0x1d1: {  	vm3 =	vgt.f32 v4, v1  }
0x1d2: {  	vm4 =	vgt.f32 v4, v3;
	v1 =	vsel vm3, v4, v1;
	v7 =	vld [tilespmem:s17+$0xE300]  }
0x1d3: {  	v1 =	vsel vm4, v3, v1;
	v3 =	vsel vm4, v4, v3  }
0x1d4: {  	v2 =	vsel vm0, $0x3B, v2;
	v4 =	vsel vm1, $0x3A, v5;
	vm0 =	vgt.f32 v6, v1  }
0x1d5: {  	v5 =	vsel vm2, $0x3B, v4;
	vm1 =	vgt.f32 v6, v3;
	v1 =	vsel vm0, v6, v1;
	v8 =	vld [tilespmem:s17+$0xE380]  }
0x1d6: {  	v9 =	vsel vm4, $0x3C, v5;
	v1 =	vsel vm1, v3, v1;
	v3 =	vsel vm1, v6, v3  }
0x1d7: {  	v2 =	vsel vm2, v4, v2;
	v4 =	vsel vm1, $0x3D, v9;
	vm2 =	vgt.f32 v7, v1  }
0x1d8: {  	v2 =	vsel vm3, $0x3C, v2;
	vm3 =	vgt.f32 v7, v3;
	v1 =	vsel vm2, v7, v1  }
0x1d9: {  	v2 =	vsel vm4, v5, v2;
	v1 =	vsel vm3, v3, v1;
	v3 =	vsel vm3, v7, v3  }
0x1da: {  	v2 =	vsel vm0, $0x3D, v2;
	v5 =	vsel vm3, $0x3E, v4;
	vm0 =	vgt.f32 v8, v1  }
0x1db: {  	s17 =	sshll.u32 s12, $0x5;
	s12 =	smov.u32 s16;
	v2 =	vsel vm1, v9, v2;
	vm1 =	vgt.f32 v8, v3;
	v1 =	vsel vm0, v8, v1  }
0x1dc: {  	s16 =	sand.u32 $0xFFFFFF00, s17;
	v2 =	vsel vm2, $0x3E, v2;
	v1 =	vsel vm1, v3, v1;
	v3 =	vsel vm1, v8, v3  }
0x1dd: {  	s16 =	sor.u32 s13, s16;
	v2 =	vsel vm3, v4, v2;
	v4 =	vsel vm1, $0x3F, v5;
	v1 =	vsub.f32 v1, v3  }
0x1de: {  	v2 =	vsel vm0, $0x3F, v2;
	[tilespmem:s16+$0x10000] =	vst v4  }
0x1df: {  	v2 =	vsel vm1, v5, v2;
	v1 =	vmul.f32 $1.442695020e+00, v1  }
0x1e0: {  	[tilespmem:s16+$0x10080] =	vst v2  }
0x1e1: {  	(erf) = vpow2.f32 v1;
	_ =	sdelay $0x8  }
0x1e2: {  	v1 =	vpop (erf)  }
0x1e3: {  	v2 =	vadd.f32 $1.000000000e+00, v1;
	_ =	sdelay $0x1  }
0x1e4: {  	(erf) = vrcp.f32 v2;
	_ =	sdelay $0x6  }
.Ltmp0:
0x1e5: {  	(pc) =	sbr.rel @p0 .LBB2_2-.Ltmp0, $4  }
0x1e6: {  	_ = 	snop  }
0x1e7: {  	v2 =	vpop (erf)  }
0x1e8: {  	s14 =	sadd.s32 $0x10, s14;
	s17 =	sshll.u32 s12, $0x7;
	[tilespmem:s16+$0x10800] =	vst v2;
	v1 =	vmul.f32 v2, v1  }
0x1e9: {  	s13 =	sand.u32 $0x70, s14;
	s17 =	sand.u32 $0x3FFFFC00, s17  }
0x1ea: {  	s14 =	sor.u32 s13, s17;
	[tilespmem:s16+$0x10880] =	vst v1  }
0x1eb: {  	v1 =	vld [tilespmem:s14+$0x80]  }
0x1ec: {  	v2 =	vld [tilespmem:s14+$0x0];
	_ =	sdelay $0x2  }
0x1ed: {  	v3 =	vld [tilespmem:s14+$0x100]  }
0x1ee: {  	vm0 =	vlt.f32 v1, $-Inf;
	vm1 =	vgt.f32 v1, $-Inf  }
0x1ef: {  	v4 =	vimm.s32 $0x0;
	vm2 =	vgt.f32 v1, v2;
	vm15 =	vmor vm1, vm0  }
0x1f0: {  	v5 =	vld [tilespmem:s14+$0x180];
	v4 =	vsel vm2, $0xFFFFFFFF, v4;
	vm1 =	vmneg vm2;
	v46 =	vnsel vm15, $0xFF800000, v1  }
0x1f1: {  	[tilespmem:$0x1F7B0] =	vst v4;
	v4 =	vsel vm1, v46, v2  }
0x1f2: {  	v1 =	vsel vm1, v2, v1;
	vm14 =	vgt.f32 v3, v4  }
0x1f3: {  	vm2 =	vgt.f32 v3, v1;
	v2 =	vsel vm14, v3, v4  }
0x1f4: {  	v47 =	vld [tilespmem:s14+$0x200];
	v2 =	vsel vm2, v1, v2  }
0x1f5: {  	v1 =	vsel vm2, v3, v1;
	v3 =	vimm.s32 $0x0;
	vm9 =	vgt.f32 v5, v2  }
0x1f6: {  	v3 =	vsel vm9, $0xFFFFFFFF, v3  }
0x1f7: {  	vm3 =	vgt.f32 v5, v1;
	v2 =	vsel vm9, v5, v2;
	[tilespmem:$0x1F7C0] =	vst v3;
	v3 =	vld [tilespmem:s14+$0x280]  }
0x1f8: {  	v2 =	vsel vm3, v1, v2  }
0x1f9: {  	v1 =	vsel vm3, v5, v1;
	vm10 =	vgt.f32 v47, v2  }
0x1fa: {  	v49 =	vld [tilespmem:s14+$0x300];
	vm4 =	vgt.f32 v47, v1;
	v2 =	vsel vm10, v47, v2  }
0x1fb: {  	v2 =	vsel vm4, v1, v2  }
0x1fc: {  	v1 =	vsel vm4, v47, v1;
	vm11 =	vgt.f32 v3, v2  }
0x1fd: {  	vm5 =	vgt.f32 v3, v1;
	v2 =	vsel vm11, v3, v2  }
0x1fe: {  	v51 =	vld [tilespmem:s14+$0x380];
	v2 =	vsel vm5, v1, v2  }
0x1ff: {  	v1 =	vsel vm5, v3, v1;
	v3 =	vimm.s32 $0x0;
	vm12 =	vgt.f32 v49, v2  }
0x200: {  	v3 =	vsel vm12, $0xFFFFFFFF, v3  }
0x201: {  	vm6 =	vgt.f32 v49, v1;
	v2 =	vsel vm12, v49, v2;
	[tilespmem:$0x1F7F0] =	vst v3;
	v3 =	vld [tilespmem:s14+$0x2000]  }
0x202: {  	v2 =	vsel vm6, v1, v2  }
0x203: {  	v1 =	vsel vm6, v49, v1;
	vm13 =	vgt.f32 v51, v2  }
0x204: {  	v53 =	vld [tilespmem:s14+$0x2080];
	vm7 =	vgt.f32 v51, v1;
	v2 =	vsel vm13, v51, v2  }
0x205: {  	v50 =	vimm.s32 $0x0;
	v54 =	vimm.s32 $0x0;
	v2 =	vsel vm7, v1, v2  }
0x206: {  	v4 =	vsel vm11, $0xFFFFFFFF, v50;
	v1 =	vsel vm7, v51, v1;
	vm8 =	vgt.f32 v3, v2  }
0x207: {  	[tilespmem:$0x1F7E0] =	vst v4;
	v4 =	vsel vm8, $0xFFFFFFFF, v54;
	v2 =	vsel vm8, v3, v2;
	vm8 =	vgt.f32 v3, v1  }
0x208: {  	v55 =	vld [tilespmem:s14+$0x2100];
	v2 =	vsel vm8, v1, v2  }
0x209: {  	v1 =	vsel vm8, v3, v1;
	v3 =	vimm.s32 $0x0;
	vm9 =	vgt.f32 v53, v2  }
0x20a: {  	v48 =	vimm.s32 $0x0;
	v3 =	vsel vm9, $0xFFFFFFFF, v3  }
0x20b: {  	v52 =	vimm.s32 $0x0;
	v2 =	vsel vm9, v53, v2;
	vm9 =	vgt.f32 v53, v1;
	[tilespmem:$0x1F820] =	vst v3;
	v3 =	vld [tilespmem:s14+$0x2180]  }
0x20c: {  	v56 =	vimm.s32 $0x0;
	v5 =	vsel vm10, $0xFFFFFFFF, v48;
	v2 =	vsel vm9, v1, v2  }
0x20d: {  	[tilespmem:$0x1F7D0] =	vst v5;
	v5 =	vsel vm13, $0xFFFFFFFF, v52;
	v1 =	vsel vm9, v53, v1;
	vm10 =	vgt.f32 v55, v2  }
0x20e: {  	v57 =	vld [tilespmem:s14+$0x2200];
	[tilespmem:$0x1F800] =	vst v5;
	v5 =	vsel vm10, $0xFFFFFFFF, v56;
	v2 =	vsel vm10, v55, v2;
	vm10 =	vgt.f32 v55, v1  }
0x20f: {  	v58 =	vimm.s32 $0x0;
	v2 =	vsel vm10, v1, v2  }
0x210: {  	v60 =	vimm.s32 $0x0;
	v1 =	vsel vm10, v55, v1;
	vm11 =	vgt.f32 v3, v2  }
0x211: {  	[tilespmem:$0x1F810] =	vst v4;
	v4 =	vsel vm11, $0xFFFFFFFF, v58;
	v2 =	vsel vm11, v3, v2;
	vm11 =	vgt.f32 v3, v1  }
0x212: {  	v62 =	vimm.s32 $0x0;
	v8 =	vimm.s32 $0x0;
	v59 =	vld [tilespmem:s14+$0x2280];
	v2 =	vsel vm11, v1, v2  }
0x213: {  	v1 =	vsel vm11, v3, v1;
	v3 =	vimm.s32 $0x0;
	vm12 =	vgt.f32 v57, v2  }
0x214: {  	v11 =	vimm.s32 $0x0;
	v14 =	vimm.s32 $0x0;
	v3 =	vsel vm12, $0xFFFFFFFF, v3  }
0x215: {  	v17 =	vimm.s32 $0x0;
	v2 =	vsel vm12, v57, v2;
	vm12 =	vgt.f32 v57, v1;
	[tilespmem:$0x1F850] =	vst v3;
	v3 =	vld [tilespmem:s14+$0x2300]  }
0x216: {  	v20 =	vimm.s32 $0x0;
	v23 =	vimm.s32 $0x0;
	v2 =	vsel vm12, v1, v2  }
0x217: {  	v26 =	vimm.s32 $0x0;
	v1 =	vsel vm12, v57, v1;
	vm13 =	vgt.f32 v59, v2  }
0x218: {  	[tilespmem:$0x1F830] =	vst v5;
	v5 =	vsel vm13, $0xFFFFFFFF, v60;
	v2 =	vsel vm13, v59, v2;
	vm13 =	vgt.f32 v59, v1  }
0x219: {  	v29 =	vimm.s32 $0x0;
	v32 =	vimm.s32 $0x0;
	v2 =	vsel vm13, v1, v2  }
0x21a: {  	v35 =	vimm.s32 $0x0;
	v1 =	vsel vm13, v59, v1;
	vm0 =	vgt.f32 v3, v2  }
0x21b: {  	v61 =	vld [tilespmem:s14+$0x2380];
	vm15 =	vmand vm1, vm15;
	vm1 =	vgt.f32 v3, v1;
	v2 =	vsel vm0, v3, v2  }
0x21c: {  	v38 =	vimm.s32 $0x0;
	v2 =	vsel vm1, v1, v2;
	v1 =	vsel vm1, v3, v1;
	v3 =	vld [tilespmem:$0x1F7B0]  }
0x21d: {  	v41 =	vimm.s32 $0x0;
	v44 =	vimm.s32 $0x0;
	v6 =	vsel vm15, $0x1, v0  }
0x21e: {  	v63 =	vld [tilespmem:s14+$0x4000];
	v46 =	vimm.s32 $0x0;
	v6 =	vsel vm14, $0x2, v6;
	v48 =	vimm.s32 $0x0  }
0x21f: {  	v9 =	vld [tilespmem:$0x1F7C0];
	v52 =	vimm.s32 $0x0;
	v51 =	vimm.s32 $0x0;
	v55 =	vimm.s32 $0x0  }
0x220: {  	v58 =	vimm.s32 $0x0;
	[tilespmem:$0x1F840] =	vst v4;
	v4 =	vsel vm0, $0xFFFFFFFF, v62;
	vm14 =	vgt.f32 v61, v2  }
0x221: {  	v12 =	vld [tilespmem:$0x1F7D0];
	vm0 =	vgt.f32 v61, v1;
	v2 =	vsel vm14, v61, v2;
	vm15 =	vnez.u8 v3  }
0x222: {  	v7 =	vld [tilespmem:s14+$0x4080];
	v2 =	vsel vm0, v1, v2;
	v1 =	vsel vm0, v61, v1;
	v3 =	vsel vm15, $0x1, v0  }
0x223: {  	v6 =	vsel vm2, v3, v6;
	v3 =	vsel vm2, $0x2, v3;
	vm2 =	vgt.f32 v63, v2  }
0x224: {  	[tilespmem:$0x1F860] =	vst v5;
	v61 =	vimm.s32 $0x0;
	vm15 =	vnez.u8 v9;
	v5 =	vsel vm2, $0xFFFFFFFF, v8  }
0x225: {  	v15 =	vld [tilespmem:$0x1F7E0];
	v2 =	vsel vm2, v63, v2;
	vm2 =	vgt.f32 v63, v1;
	[tilespmem:$0x1F880] =	vst v5;
	v5 =	vsel vm15, $0x3, v6  }
0x226: {  	v10 =	vld [tilespmem:s14+$0x4100];
	v2 =	vsel vm2, v1, v2;
	v1 =	vsel vm2, v63, v1;
	vm15 =	vnez.u8 v12  }
0x227: {  	v5 =	vsel vm3, v3, v5;
	v3 =	vsel vm3, $0x3, v3;
	vm3 =	vgt.f32 v7, v2  }
0x228: {  	v18 =	vld [tilespmem:$0x1F7F0];
	[tilespmem:$0x1F870] =	vst v4;
	v4 =	vsel vm3, $0xFFFFFFFF, v11;
	v2 =	vsel vm3, v7, v2;
	vm3 =	vgt.f32 v7, v1  }
0x229: {  	v11 =	vimm.s32 $0x0;
	[tilespmem:$0x1F890] =	vst v4;
	v4 =	vsel vm15, $0x4, v5;
	v2 =	vsel vm3, v1, v2  }
0x22a: {  	v13 =	vld [tilespmem:s14+$0x4180];
	v1 =	vsel vm3, v7, v1;
	vm15 =	vnez.u8 v15;
	v15 =	vimm.s32 $0x0  }
0x22b: {  	v21 =	vld [tilespmem:$0x1F800];
	v4 =	vsel vm4, v3, v4;
	v3 =	vsel vm4, $0x4, v3;
	vm4 =	vgt.f32 v10, v2  }
0x22c: {  	v7 =	vsel vm4, $0xFFFFFFFF, v14;
	v4 =	vsel vm15, $0x5, v4;
	v2 =	vsel vm4, v10, v2  }
0x22d: {  	vm4 =	vgt.f32 v10, v1;
	vm15 =	vnez.u8 v18;
	v14 =	vimm.s32 $0x0  }
0x22e: {  	v16 =	vld [tilespmem:s14+$0x4200];
	v18 =	vimm.s32 $0x0;
	v4 =	vsel vm5, v3, v4;
	v2 =	vsel vm4, v1, v2  }
0x22f: {  	v24 =	vld [tilespmem:$0x1F810];
	v3 =	vsel vm5, $0x5, v3;
	v1 =	vsel vm4, v10, v1;
	v10 =	vimm.s32 $0x0  }
0x230: {  	vm5 =	vgt.f32 v13, v2;
	v4 =	vsel vm15, $0x6, v4;
	vm15 =	vnez.u8 v21  }
0x231: {  	v21 =	vimm.s32 $0x0;
	v6 =	vsel vm5, $0xFFFFFFFF, v17;
	v2 =	vsel vm5, v13, v2  }
0x232: {  	v27 =	vld [tilespmem:$0x1F820];
	vm5 =	vgt.f32 v13, v1;
	v4 =	vsel vm6, v3, v4;
	v3 =	vsel vm6, $0x6, v3  }
0x233: {  	v19 =	vld [tilespmem:s14+$0x4280];
	v2 =	vsel vm5, v1, v2;
	v1 =	vsel vm5, v13, v1;
	v4 =	vsel vm15, $0x7, v4  }
0x234: {  	v30 =	vld [tilespmem:$0x1F830];
	vm15 =	vnez.u8 v24;
	v24 =	vimm.s32 $0x0;
	vm6 =	vgt.f32 v16, v2  }
0x235: {  	v4 =	vsel vm7, v3, v4;
	v3 =	vsel vm7, $0x7, v3;
	v5 =	vsel vm6, $0xFFFFFFFF, v20  }
0x236: {  	v2 =	vsel vm6, v16, v2;
	vm6 =	vgt.f32 v16, v1;
	v4 =	vsel vm15, $0x8, v4  }
0x237: {  	v22 =	vld [tilespmem:s14+$0x4300];
	vm15 =	vnez.u8 v27;
	v27 =	vimm.s32 $0x0;
	v2 =	vsel vm6, v1, v2  }
0x238: {  	v33 =	vld [tilespmem:$0x1F840];
	v1 =	vsel vm6, v16, v1;
	v4 =	vsel vm8, v3, v4;
	v3 =	vsel vm8, $0x8, v3  }
0x239: {  	vm7 =	vgt.f32 v19, v2;
	v4 =	vsel vm15, $0x9, v4;
	vm15 =	vnez.u8 v30  }
0x23a: {  	[tilespmem:$0x1F8A0] =	vst v7;
	v30 =	vimm.s32 $0x0;
	v7 =	vsel vm7, $0xFFFFFFFF, v23;
	v2 =	vsel vm7, v19, v2  }
0x23b: {  	v36 =	vld [tilespmem:$0x1F850];
	vm7 =	vgt.f32 v19, v1;
	v4 =	vsel vm9, v3, v4;
	v3 =	vsel vm9, $0x9, v3  }
0x23c: {  	v25 =	vld [tilespmem:s14+$0x4380];
	v2 =	vsel vm7, v1, v2;
	v1 =	vsel vm7, v19, v1;
	v4 =	vsel vm15, $0xA, v4  }
0x23d: {  	v39 =	vld [tilespmem:$0x1F860];
	vm15 =	vnez.u8 v33;
	v33 =	vimm.s32 $0x0;
	vm8 =	vgt.f32 v22, v2  }
0x23e: {  	[tilespmem:$0x1F8B0] =	vst v6;
	v4 =	vsel vm10, v3, v4;
	v3 =	vsel vm10, $0xA, v3;
	v6 =	vsel vm8, $0xFFFFFFFF, v26  }
0x23f: {  	v28 =	vld [tilespmem:s14+$0x6000];
	v2 =	vsel vm8, v22, v2;
	vm8 =	vgt.f32 v22, v1;
	v4 =	vsel vm15, $0xB, v4  }
0x240: {  	v42 =	vld [tilespmem:$0x1F870];
	vm15 =	vnez.u8 v36;
	v2 =	vsel vm8, v1, v2;
	v1 =	vsel vm8, v22, v1  }
0x241: {  	v4 =	vsel vm11, v3, v4;
	v3 =	vsel vm11, $0xB, v3;
	vm9 =	vgt.f32 v25, v2  }
0x242: {  	[tilespmem:$0x1F8C0] =	vst v5;
	v4 =	vsel vm15, $0xC, v4;
	vm15 =	vnez.u8 v39;
	v5 =	vsel vm9, $0xFFFFFFFF, v29  }
0x243: {  	v31 =	vld [tilespmem:s14+$0x6080];
	v2 =	vsel vm9, v25, v2;
	vm9 =	vgt.f32 v25, v1;
	v4 =	vsel vm12, v3, v4  }
0x244: {  	v3 =	vsel vm12, $0xC, v3;
	v2 =	vsel vm9, v1, v2;
	v1 =	vsel vm9, v25, v1  }
0x245: {  	v4 =	vsel vm15, $0xD, v4;
	vm15 =	vnez.u8 v42;
	vm10 =	vgt.f32 v28, v2  }
0x246: {  	v34 =	vld [tilespmem:s14+$0x6100];
	[tilespmem:$0x1F8D0] =	vst v7;
	v7 =	vsel vm10, $0xFFFFFFFF, v32;
	v2 =	vsel vm10, v28, v2;
	vm10 =	vgt.f32 v28, v1  }
0x247: {  	v4 =	vsel vm13, v3, v4;
	v3 =	vsel vm13, $0xD, v3;
	v2 =	vsel vm10, v1, v2  }
0x248: {  	v49 =	vld [tilespmem:$0x1F890];
	v4 =	vsel vm15, $0xE, v4;
	v1 =	vsel vm10, v28, v1;
	vm11 =	vgt.f32 v31, v2  }
0x249: {  	v37 =	vld [tilespmem:s14+$0x6180];
	[tilespmem:$0x1F8E0] =	vst v6;
	v6 =	vsel vm11, $0xFFFFFFFF, v35;
	v2 =	vsel vm11, v31, v2;
	vm11 =	vgt.f32 v31, v1  }
0x24a: {  	v36 =	vimm.s32 $0x0;
	v4 =	vsel vm1, v3, v4;
	v2 =	vsel vm11, v1, v2  }
0x24b: {  	v3 =	vsel vm1, $0xE, v3;
	v1 =	vsel vm11, v31, v1;
	vm12 =	vgt.f32 v34, v2  }
0x24c: {  	v40 =	vld [tilespmem:s14+$0x6200];
	[tilespmem:$0x1F8F0] =	vst v5;
	v5 =	vsel vm12, $0xFFFFFFFF, v38;
	v2 =	vsel vm12, v34, v2;
	vm12 =	vgt.f32 v34, v1  }
0x24d: {  	v8 =	vld [tilespmem:$0x1F880];
	vm1 =	vnez.u8 v49;
	v4 =	vsel vm14, $0xF, v4;
	v2 =	vsel vm12, v1, v2  }
0x24e: {  	v4 =	vsel vm0, v3, v4;
	v1 =	vsel vm12, v34, v1;
	vm13 =	vgt.f32 v37, v2  }
0x24f: {  	v43 =	vld [tilespmem:s14+$0x6280];
	[tilespmem:$0x1F900] =	vst v7;
	v7 =	vsel vm13, $0xFFFFFFFF, v41;
	v2 =	vsel vm13, v37, v2;
	vm13 =	vgt.f32 v37, v1  }
0x250: {  	v3 =	vsel vm0, $0xF, v3;
	v2 =	vsel vm13, v1, v2;
	v1 =	vsel vm13, v37, v1  }
0x251: {  	v37 =	vimm.s32 $0x0;
	vm15 =	vgt.f32 v40, v2;
	vm14 =	vgt.f32 v40, v1  }
0x252: {  	v45 =	vld [tilespmem:s14+$0x6300];
	[tilespmem:$0x1F910] =	vst v6;
	v6 =	vsel vm15, $0xFFFFFFFF, v44;
	v2 =	vsel vm15, v40, v2;
	vm15 =	vnez.u8 v8  }
0x253: {  	v2 =	vsel vm14, v1, v2;
	v4 =	vsel vm15, $0x10, v4;
	v1 =	vsel vm14, v40, v1  }
0x254: {  	v40 =	vimm.s32 $0x0;
	vm15 =	vgt.f32 v43, v2;
	v4 =	vsel vm2, v3, v4  }
0x255: {  	[tilespmem:$0x1F920] =	vst v5;
	v5 =	vsel vm15, $0xFFFFFFFF, v46;
	v2 =	vsel vm15, v43, v2;
	vm15 =	vgt.f32 v43, v1  }
0x256: {  	v53 =	vld [tilespmem:$0x1F8A0];
	v3 =	vsel vm2, $0x10, v3;
	v4 =	vsel vm1, $0x11, v4;
	v2 =	vsel vm15, v1, v2  }
0x257: {  	v47 =	vld [tilespmem:s14+$0x6380];
	v1 =	vsel vm15, v43, v1;
	v4 =	vsel vm3, v3, v4;
	vm0 =	vgt.f32 v45, v2  }
0x258: {  	[tilespmem:$0x1F930] =	vst v7;
	v3 =	vsel vm3, $0x11, v3;
	v43 =	vimm.s32 $0x0;
	v7 =	vsel vm0, $0xFFFFFFFF, v48  }
0x259: {  	v56 =	vld [tilespmem:$0x1F8B0];
	v2 =	vsel vm0, v45, v2;
	vm0 =	vgt.f32 v45, v1;
	v48 =	vimm.s32 $0x0  }
0x25a: {  	v8 =	vsel vm0, $0xFFFFFFFF, v51;
	v2 =	vsel vm0, v1, v2;
	v1 =	vsel vm0, v45, v1  }
0x25b: {  	v50 =	vld [tilespmem:s14+$0x8000];
	vm0 =	vnez.u8 v53;
	v45 =	vimm.s32 $0x0;
	v51 =	vimm.s32 $0x0  }
0x25c: {  	v59 =	vld [tilespmem:$0x1F8C0];
	vm1 =	vgt.f32 v47, v2;
	v4 =	vsel vm0, $0x12, v4;
	vm3 =	vgt.f32 v47, v1  }
0x25d: {  	[tilespmem:$0x1F940] =	vst v6;
	v6 =	vsel vm1, $0xFFFFFFFF, v52;
	v2 =	vsel vm1, v47, v2;
	v4 =	vsel vm4, v3, v4  }
0x25e: {  	v3 =	vsel vm4, $0x12, v3;
	vm4 =	vnez.u8 v56;
	v52 =	vimm.s32 $0x0  }
0x25f: {  	v54 =	vld [tilespmem:s14+$0x8080];
	v56 =	vimm.s32 $0x0;
	v2 =	vsel vm3, v1, v2;
	v1 =	vsel vm3, v47, v1  }
0x260: {  	v62 =	vld [tilespmem:$0x1F8D0];
	v4 =	vsel vm4, $0x13, v4;
	vm0 =	vgt.f32 v50, v2;
	vm4 =	vgt.f32 v50, v1  }
0x261: {  	v4 =	vsel vm5, v3, v4;
	v3 =	vsel vm5, $0x13, v3;
	vm5 =	vnez.u8 v59  }
0x262: {  	[tilespmem:$0x1F950] =	vst v5;
	v59 =	vimm.s32 $0x0;
	v5 =	vsel vm0, $0xFFFFFFFF, v55;
	v2 =	vsel vm0, v50, v2  }
0x263: {  	v12 =	vld [tilespmem:$0x1F8E0];
	v4 =	vsel vm5, $0x14, v4;
	v55 =	vimm.s32 $0x0;
	v2 =	vsel vm4, v1, v2  }
0x264: {  	v57 =	vld [tilespmem:s14+$0x8100];
	v1 =	vsel vm4, v50, v1;
	v4 =	vsel vm6, v3, v4;
	v3 =	vsel vm6, $0x14, v3  }
0x265: {  	v16 =	vld [tilespmem:$0x1F8F0];
	vm6 =	vnez.u8 v62;
	v62 =	vimm.s32 $0x0;
	vm0 =	vgt.f32 v54, v2  }
0x266: {  	[tilespmem:$0x1F960] =	vst v7;
	vm5 =	vgt.f32 v54, v1;
	v4 =	vsel vm6, $0x15, v4;
	v7 =	vsel vm0, $0xFFFFFFFF, v58  }
0x267: {  	v19 =	vld [tilespmem:$0x1F900];
	v2 =	vsel vm0, v54, v2;
	v4 =	vsel vm7, v3, v4;
	v3 =	vsel vm7, $0x15, v3  }
0x268: {  	v60 =	vld [tilespmem:s14+$0x8180];
	vm7 =	vnez.u8 v12;
	v2 =	vsel vm5, v1, v2;
	v1 =	vsel vm5, v54, v1  }
0x269: {  	v25 =	vld [tilespmem:$0x1F920];
	v4 =	vsel vm7, $0x16, v4;
	vm0 =	vgt.f32 v57, v2;
	vm6 =	vgt.f32 v57, v1  }
0x26a: {  	v4 =	vsel vm8, v3, v4;
	v3 =	vsel vm8, $0x16, v3;
	vm8 =	vnez.u8 v16  }
0x26b: {  	v22 =	vld [tilespmem:$0x1F910];
	[tilespmem:$0x1F980] =	vst v6;
	v6 =	vsel vm0, $0xFFFFFFFF, v61;
	v2 =	vsel vm0, v57, v2;
	v4 =	vsel vm8, $0x17, v4  }
0x26c: {  	vm8 =	vnez.u8 v19;
	v2 =	vsel vm6, v1, v2;
	v1 =	vsel vm6, v57, v1  }
0x26d: {  	v63 =	vld [tilespmem:s14+$0x8200];
	[tilespmem:$0x1F970] =	vst v8;
	v4 =	vsel vm9, v3, v4;
	v3 =	vsel vm9, $0x17, v3;
	vm0 =	vgt.f32 v60, v2  }
0x26e: {  	v41 =	vld [tilespmem:$0x1F970];
	vm7 =	vgt.f32 v60, v1;
	v4 =	vsel vm8, $0x18, v4;
	vm8 =	vnez.u8 v25  }
0x26f: {  	[tilespmem:$0x1F990] =	vst v5;
	v5 =	vsel vm0, $0xFFFFFFFF, v11;
	v2 =	vsel vm0, v60, v2;
	v8 =	vsel vm7, $0xFFFFFFFF, v14  }
0x270: {  	v13 =	vld [tilespmem:s14+$0x8280];
	v4 =	vsel vm10, v3, v4;
	v3 =	vsel vm10, $0x18, v3;
	vm10 =	vnez.u8 v22  }
0x271: {  	v28 =	vld [tilespmem:$0x1F930];
	v14 =	vimm.s32 $0x0;
	v2 =	vsel vm7, v1, v2;
	v4 =	vsel vm10, $0x19, v4  }
0x272: {  	v1 =	vsel vm7, v60, v1;
	vm7 =	vgt.f32 v63, v2;
	v4 =	vsel vm11, v3, v4  }
0x273: {  	[tilespmem:$0x1F9A0] =	vst v7;
	v3 =	vsel vm11, $0x19, v3;
	vm11 =	vnez.u8 v41;
	v7 =	vsel vm7, $0xFFFFFFFF, v15  }
0x274: {  	v31 =	vld [tilespmem:$0x1F940];
	v2 =	vsel vm7, v63, v2;
	vm7 =	vgt.f32 v63, v1;
	v4 =	vsel vm8, $0x1A, v4  }
0x275: {  	v17 =	vld [tilespmem:s14+$0x8300];
	v2 =	vsel vm7, v1, v2;
	v1 =	vsel vm7, v63, v1;
	v4 =	vsel vm12, v3, v4  }
0x276: {  	v34 =	vld [tilespmem:$0x1F950];
	v3 =	vsel vm12, $0x1A, v3;
	vm12 =	vnez.u8 v28;
	vm9 =	vgt.f32 v13, v2  }
0x277: {  	[tilespmem:$0x1F9B0] =	vst v6;
	vm2 =	vgt.f32 v13, v1;
	v4 =	vsel vm12, $0x1B, v4;
	v6 =	vsel vm9, $0xFFFFFFFF, v18  }
0x278: {  	v20 =	vld [tilespmem:s14+$0x8380];
	v2 =	vsel vm9, v13, v2;
	v4 =	vsel vm13, v3, v4;
	v3 =	vsel vm13, $0x1B, v3  }
0x279: {  	vm13 =	vnez.u8 v31;
	v31 =	vimm.s32 $0x0;
	v2 =	vsel vm2, v1, v2  }
0x27a: {  	v1 =	vsel vm2, v13, v1;
	v4 =	vsel vm13, $0x1C, v4;
	vm9 =	vgt.f32 v17, v2  }
0x27b: {  	v23 =	vld [tilespmem:s14+$0xA000];
	vm13 =	vnez.u8 v34;
	vm0 =	vgt.f32 v17, v1;
	v2 =	vsel vm9, v17, v2  }
0x27c: {  	v13 =	vimm.s32 $0x0;
	v34 =	vimm.s32 $0x0;
	v2 =	vsel vm0, v1, v2  }
0x27d: {  	v4 =	vsel vm14, v3, v4;
	v1 =	vsel vm0, v17, v1;
	vm1 =	vgt.f32 v20, v2  }
0x27e: {  	v26 =	vld [tilespmem:s14+$0xA080];
	[tilespmem:$0x1F9E0] =	vst v7;
	v7 =	vsel vm1, $0xFFFFFFFF, v24;
	v2 =	vsel vm1, v20, v2;
	vm1 =	vgt.f32 v20, v1  }
0x27f: {  	[tilespmem:$0x1F9C0] =	vst v5;
	v3 =	vsel vm14, $0x1C, v3;
	v5 =	vsel vm9, $0xFFFFFFFF, v21;
	v2 =	vsel vm1, v1, v2  }
0x280: {  	v4 =	vsel vm13, $0x1D, v4;
	v1 =	vsel vm1, v20, v1;
	vm8 =	vgt.f32 v23, v2  }
0x281: {  	v29 =	vld [tilespmem:s14+$0xA100];
	v4 =	vsel vm15, v3, v4;
	vm9 =	vgt.f32 v23, v1;
	v2 =	vsel vm8, v23, v2  }
0x282: {  	v3 =	vsel vm15, $0x1D, v3;
	v17 =	vimm.s32 $0x0;
	v2 =	vsel vm9, v1, v2  }
0x283: {  	v38 =	vld [tilespmem:$0x1F960];
	v20 =	vimm.s32 $0x0;
	v1 =	vsel vm9, v23, v1;
	vm12 =	vgt.f32 v26, v2  }
0x284: {  	v42 =	vld [tilespmem:$0x1F980];
	[tilespmem:$0x1F9F0] =	vst v6;
	v6 =	vsel vm8, $0xFFFFFFFF, v27;
	vm8 =	vgt.f32 v26, v1;
	v2 =	vsel vm12, v26, v2  }
0x285: {  	v32 =	vld [tilespmem:s14+$0xA180];
	[tilespmem:$0x1FA00] =	vst v5;
	v23 =	vimm.s32 $0x0;
	v5 =	vsel vm12, $0xFFFFFFFF, v30;
	v2 =	vsel vm8, v1, v2  }
0x286: {  	v53 =	vld [tilespmem:$0x1F9B0];
	v1 =	vsel vm8, v26, v1;
	v26 =	vimm.s32 $0x0;
	vm12 =	vgt.f32 v29, v2  }
0x287: {  	[tilespmem:$0x1FA10] =	vst v7;
	vm14 =	vgt.f32 v29, v1;
	v7 =	vsel vm12, $0xFFFFFFFF, v33;
	v2 =	vsel vm12, v29, v2  }
0x288: {  	v46 =	vld [tilespmem:$0x1F990];
	[tilespmem:$0x1F9D0] =	vst v8;
	v8 =	vsel vm14, $0xFFFFFFFF, v36;
	vm12 =	vnez.u8 v38;
	v2 =	vsel vm14, v1, v2  }
0x289: {  	v1 =	vsel vm14, v29, v1;
	v4 =	vsel vm12, $0x1E, v4;
	vm12 =	vnez.u8 v42  }
0x28a: {  	v35 =	vld [tilespmem:s14+$0xA200];
	vm15 =	vgt.f32 v32, v2;
	vm10 =	vgt.f32 v32, v1;
	v4 =	vsel vm11, v3, v4  }
0x28b: {  	[tilespmem:$0x1FA20] =	vst v6;
	v3 =	vsel vm11, $0x1E, v3;
	vm11 =	vnez.u8 v53;
	v6 =	vsel vm15, $0xFFFFFFFF, v37  }
0x28c: {  	[tilespmem:$0x1FA50] =	vst v8;
	v2 =	vsel vm15, v32, v2;
	v8 =	vsel vm10, $0xFFFFFFFF, v40;
	v4 =	vsel vm12, $0x1F, v4  }
0x28d: {  	v39 =	vld [tilespmem:s14+$0xA280];
	vm15 =	vnez.u8 v46;
	v37 =	vimm.s32 $0x0;
	v40 =	vimm.s32 $0x0  }
0x28e: {  	v49 =	vld [tilespmem:$0x1F9A0];
	v2 =	vsel vm10, v1, v2;
	v1 =	vsel vm10, v32, v1;
	v4 =	vsel vm3, v3, v4  }
0x28f: {  	v3 =	vsel vm3, $0x1F, v3;
	vm13 =	vgt.f32 v35, v2;
	v4 =	vsel vm15, $0x20, v4  }
0x290: {  	v44 =	vld [tilespmem:s14+$0xA300];
	[tilespmem:$0x1FA30] =	vst v5;
	v5 =	vsel vm13, $0xFFFFFFFF, v43;
	v2 =	vsel vm13, v35, v2;
	vm13 =	vgt.f32 v35, v1  }
0x291: {  	v18 =	vld [tilespmem:$0x1FA10];
	v4 =	vsel vm4, v3, v4;
	v2 =	vsel vm13, v1, v2;
	v1 =	vsel vm13, v35, v1  }
0x292: {  	v3 =	vsel vm4, $0x20, v3;
	vm14 =	vgt.f32 v39, v2;
	vm3 =	vgt.f32 v39, v1  }
0x293: {  	v60 =	vld [tilespmem:$0x1F9D0];
	[tilespmem:$0x1FA40] =	vst v7;
	v7 =	vsel vm14, $0xFFFFFFFF, v45;
	v2 =	vsel vm14, v39, v2;
	vm14 =	vnez.u8 v49  }
0x294: {  	v47 =	vld [tilespmem:s14+$0xA380];
	v2 =	vsel vm3, v1, v2;
	v1 =	vsel vm3, v39, v1;
	v4 =	vsel vm14, $0x21, v4  }
0x295: {  	v57 =	vld [tilespmem:$0x1F9C0];
	vm12 =	vgt.f32 v44, v2;
	vm15 =	vgt.f32 v44, v1;
	v4 =	vsel vm5, v3, v4  }
0x296: {  	[tilespmem:$0x1FA60] =	vst v6;
	v3 =	vsel vm5, $0x21, v3;
	vm5 =	vnez.u8 v18;
	v6 =	vsel vm12, $0xFFFFFFFF, v48  }
0x297: {  	[tilespmem:$0x1FA70] =	vst v8;
	v2 =	vsel vm12, v44, v2;
	v8 =	vsel vm15, $0xFFFFFFFF, v51;
	v4 =	vsel vm11, $0x22, v4  }
0x298: {  	v50 =	vld [tilespmem:s14+$0xC000];
	vm11 =	vnez.u8 v60;
	v48 =	vimm.s32 $0x0;
	v2 =	vsel vm15, v1, v2  }
0x299: {  	v61 =	vld [tilespmem:$0x1F9E0];
	v1 =	vsel vm15, v44, v1;
	v4 =	vsel vm6, v3, v4;
	v3 =	vsel vm6, $0x22, v3  }
0x29a: {  	vm15 =	vnez.u8 v57;
	v44 =	vimm.s32 $0x0;
	vm10 =	vgt.f32 v47, v2  }
0x29b: {  	v54 =	vld [tilespmem:s14+$0xC080];
	[tilespmem:$0x1FA80] =	vst v5;
	vm12 =	vgt.f32 v47, v1;
	v4 =	vsel vm15, $0x23, v4;
	v5 =	vsel vm10, $0xFFFFFFFF, v52  }
0x29c: {  	v11 =	vld [tilespmem:$0x1F9F0];
	[tilespmem:$0x1FAB0] =	vst v8;
	v2 =	vsel vm10, v47, v2;
	v8 =	vsel vm12, $0xFFFFFFFF, v55;
	v4 =	vsel vm11, v3, v4  }
0x29d: {  	v21 =	vld [tilespmem:$0x1FA20];
	v3 =	vsel vm11, $0x23, v3;
	v2 =	vsel vm12, v1, v2;
	v1 =	vsel vm12, v47, v1  }
0x29e: {  	vm12 =	vnez.u8 v61;
	vm14 =	vgt.f32 v50, v2;
	vm10 =	vgt.f32 v50, v1  }
0x29f: {  	[tilespmem:$0x1FA90] =	vst v7;
	v4 =	vsel vm12, $0x24, v4;
	v7 =	vsel vm14, $0xFFFFFFFF, v56;
	v2 =	vsel vm14, v50, v2  }
0x2a0: {  	v58 =	vld [tilespmem:s14+$0xC100];
	[tilespmem:$0x1FAD0] =	vst v8;
	v8 =	vsel vm10, $0xFFFFFFFF, v59;
	v4 =	vsel vm7, v3, v4;
	v3 =	vsel vm7, $0x24, v3  }
0x2a1: {  	v2 =	vsel vm10, v1, v2;
	v1 =	vsel vm10, v50, v1;
	vm10 =	vnez.u8 v11  }
0x2a2: {  	v15 =	vld [tilespmem:$0x1FA00];
	vm7 =	vnez.u8 v21;
	vm14 =	vgt.f32 v54, v2;
	v4 =	vsel vm10, $0x25, v4  }
0x2a3: {  	v63 =	vld [tilespmem:s14+$0xC180];
	[tilespmem:$0x1FAA0] =	vst v6;
	v6 =	vsel vm14, $0xFFFFFFFF, v62;
	v2 =	vsel vm14, v54, v2;
	vm14 =	vgt.f32 v54, v1  }
0x2a4: {  	v4 =	vsel vm2, v3, v4;
	v2 =	vsel vm14, v1, v2;
	v1 =	vsel vm14, v54, v1  }
0x2a5: {  	[tilespmem:$0x1FAC0] =	vst v5;
	v3 =	vsel vm2, $0x25, v3;
	vm15 =	vgt.f32 v58, v2;
	vm11 =	vgt.f32 v58, v1  }
0x2a6: {  	[tilespmem:$0x1FAF0] =	vst v8;
	v5 =	vsel vm15, $0xFFFFFFFF, v10;
	v2 =	vsel vm15, v58, v2;
	v8 =	vsel vm11, $0xFFFFFFFF, v13  }
0x2a7: {  	v12 =	vld [tilespmem:s14+$0xC200];
	vm15 =	vnez.u8 v15;
	v2 =	vsel vm11, v1, v2;
	v1 =	vsel vm11, v58, v1  }
0x2a8: {  	v29 =	vld [tilespmem:$0x1FA50];
	v4 =	vsel vm15, $0x26, v4;
	vm12 =	vgt.f32 v63, v2;
	vm15 =	vgt.f32 v63, v1  }
0x2a9: {  	v24 =	vld [tilespmem:$0x1FA30];
	v4 =	vsel vm0, v3, v4;
	v3 =	vsel vm0, $0x26, v3;
	v2 =	vsel vm12, v63, v2  }
0x2aa: {  	[tilespmem:$0x1FAE0] =	vst v7;
	v7 =	vsel vm12, $0xFFFFFFFF, v14;
	v4 =	vsel vm5, $0x27, v4;
	v2 =	vsel vm15, v1, v2  }
0x2ab: {  	v16 =	vld [tilespmem:s14+$0xC280];
	v1 =	vsel vm15, v63, v1;
	v4 =	vsel vm1, v3, v4;
	v3 =	vsel vm1, $0x27, v3  }
0x2ac: {  	v30 =	vld [tilespmem:$0x1FA60];
	vm4 =	vgt.f32 v12, v2;
	vm12 =	vgt.f32 v12, v1;
	v4 =	vsel vm7, $0x28, v4  }
0x2ad: {  	v27 =	vld [tilespmem:$0x1FA40];
	[tilespmem:$0x1FB00] =	vst v6;
	vm7 =	vnez.u8 v29;
	v6 =	vsel vm4, $0xFFFFFFFF, v17;
	v2 =	vsel vm4, v12, v2  }
0x2ae: {  	v19 =	vld [tilespmem:s14+$0xC300];
	v4 =	vsel vm9, v3, v4;
	v3 =	vsel vm9, $0x28, v3;
	vm4 =	vnez.u8 v24  }
0x2af: {  	v2 =	vsel vm12, v1, v2;
	v1 =	vsel vm12, v12, v1;
	v4 =	vsel vm4, $0x29, v4  }
0x2b0: {  	v22 =	vld [tilespmem:s14+$0xC380];
	vm6 =	vgt.f32 v16, v2;
	vm11 =	vgt.f32 v16, v1;
	v4 =	vsel vm8, v3, v4  }
0x2b1: {  	v35 =	vld [tilespmem:$0x1FA80];
	v3 =	vsel vm8, $0x29, v3;
	vm8 =	vnez.u8 v30;
	v2 =	vsel vm6, v16, v2  }
0x2b2: {  	[tilespmem:$0x1FB10] =	vst v5;
	v5 =	vsel vm6, $0xFFFFFFFF, v20;
	vm6 =	vnez.u8 v27;
	v2 =	vsel vm11, v1, v2  }
0x2b3: {  	v33 =	vld [tilespmem:$0x1FA70];
	v1 =	vsel vm11, v16, v1;
	v4 =	vsel vm6, $0x2A, v4;
	vm10 =	vgt.f32 v19, v2  }
0x2b4: {  	[tilespmem:$0x1FB30] =	vst v7;
	v7 =	vsel vm10, $0xFFFFFFFF, v23;
	v2 =	vsel vm10, v19, v2;
	vm10 =	vgt.f32 v19, v1  }
0x2b5: {  	v25 =	vld [tilespmem:s14+$0xE000];
	v4 =	vsel vm7, v3, v4;
	v3 =	vsel vm7, $0x2A, v3;
	v2 =	vsel vm10, v1, v2  }
0x2b6: {  	vm7 =	vnez.u8 v35;
	v1 =	vsel vm10, v19, v1;
	vm5 =	vgt.f32 v22, v2  }
0x2b7: {  	v38 =	vld [tilespmem:$0x1FA90];
	v4 =	vsel vm8, $0x2B, v4;
	vm9 =	vgt.f32 v22, v1;
	v2 =	vsel vm5, v22, v2  }
0x2b8: {  	v28 =	vld [tilespmem:s14+$0xE080];
	[tilespmem:$0x1FB40] =	vst v6;
	v6 =	vsel vm5, $0xFFFFFFFF, v26;
	vm5 =	vnez.u8 v33;
	v2 =	vsel vm9, v1, v2  }
0x2b9: {  	v43 =	vld [tilespmem:$0x1FAB0];
	v1 =	vsel vm9, v22, v1;
	v4 =	vsel vm5, v3, v4;
	v3 =	vsel vm5, $0x2B, v3  }
0x2ba: {  	vm4 =	vgt.f32 v25, v2;
	vm8 =	vgt.f32 v25, v1;
	v4 =	vsel vm7, $0x2C, v4  }
0x2bb: {  	v32 =	vld [tilespmem:s14+$0xE100];
	[tilespmem:$0x1FB50] =	vst v5;
	v5 =	vsel vm4, $0xFFFFFFFF, v31;
	v2 =	vsel vm4, v25, v2;
	v4 =	vsel vm13, v3, v4  }
0x2bc: {  	v41 =	vld [tilespmem:$0x1FAA0];
	v3 =	vsel vm13, $0x2C, v3;
	vm4 =	vnez.u8 v38;
	v2 =	vsel vm8, v1, v2  }
0x2bd: {  	v1 =	vsel vm8, v25, v1;
	v4 =	vsel vm4, $0x2D, v4;
	vm6 =	vgt.f32 v28, v2  }
0x2be: {  	v36 =	vld [tilespmem:s14+$0xE180];
	vm4 =	vnez.u8 v43;
	vm7 =	vgt.f32 v28, v1;
	v2 =	vsel vm6, v28, v2  }
0x2bf: {  	v4 =	vsel vm3, v3, v4;
	v2 =	vsel vm7, v1, v2;
	v1 =	vsel vm7, v28, v1  }
0x2c0: {  	v45 =	vld [tilespmem:$0x1FAC0];
	[tilespmem:$0x1FB60] =	vst v7;
	v7 =	vsel vm6, $0xFFFFFFFF, v34;
	vm13 =	vgt.f32 v32, v2;
	vm6 =	vgt.f32 v32, v1  }
0x2c1: {  	v39 =	vld [tilespmem:s14+$0xE200];
	[tilespmem:$0x1FB70] =	vst v6;
	v6 =	vsel vm13, $0xFFFFFFFF, v37;
	v2 =	vsel vm13, v32, v2;
	vm13 =	vnez.u8 v41  }
0x2c2: {  	v47 =	vld [tilespmem:$0x1FAD0];
	v3 =	vsel vm3, $0x2D, v3;
	v2 =	vsel vm6, v1, v2;
	v4 =	vsel vm13, $0x2E, v4  }
0x2c3: {  	v52 =	vld [tilespmem:$0x1FB00];
	v1 =	vsel vm6, v32, v1;
	vm5 =	vgt.f32 v36, v2;
	v4 =	vsel vm4, v3, v4  }
0x2c4: {  	v49 =	vld [tilespmem:$0x1FAE0];
	[tilespmem:$0x1FB80] =	vst v5;
	v5 =	vsel vm5, $0xFFFFFFFF, v40;
	v2 =	vsel vm5, v36, v2;
	vm5 =	vgt.f32 v36, v1  }
0x2c5: {  	v42 =	vld [tilespmem:s14+$0xE280];
	v3 =	vsel vm4, $0x2E, v3;
	vm4 =	vnez.u8 v45;
	v2 =	vsel vm5, v1, v2  }
0x2c6: {  	v51 =	vld [tilespmem:$0x1FAF0];
	v4 =	vsel vm4, $0x2F, v4;
	v1 =	vsel vm5, v36, v1;
	vm13 =	vgt.f32 v39, v2  }
0x2c7: {  	[tilespmem:$0x1FB90] =	vst v7;
	v7 =	vsel vm13, $0xFFFFFFFF, v44;
	v2 =	vsel vm13, v39, v2;
	vm13 =	vnez.u8 v47  }
0x2c8: {  	v46 =	vld [tilespmem:s14+$0xE300];
	vm0 =	vnez.u8 v52;
	vm4 =	vgt.f32 v39, v1;
	v4 =	vsel vm13, v3, v4  }
0x2c9: {  	v53 =	vld [tilespmem:$0x1FB10];
	v2 =	vsel vm4, v1, v2;
	v3 =	vsel vm13, $0x2F, v3;
	vm13 =	vnez.u8 v49  }
0x2ca: {  	[tilespmem:$0x1FB20] =	vst v8;
	v1 =	vsel vm4, v39, v1;
	vm1 =	vgt.f32 v42, v2;
	v4 =	vsel vm13, $0x30, v4  }
0x2cb: {  	v54 =	vld [tilespmem:$0x1FB20];
	[tilespmem:$0x1FBA0] =	vst v6;
	vm3 =	vgt.f32 v42, v1;
	vm13 =	vnez.u8 v51;
	v6 =	vsel vm1, $0xFFFFFFFF, v48  }
0x2cc: {  	v50 =	vld [tilespmem:s14+$0xE380];
	v2 =	vsel vm1, v42, v2;
	v4 =	vsel vm13, v3, v4;
	v3 =	vsel vm13, $0x30, v3  }
0x2cd: {  	v2 =	vsel vm3, v1, v2;
	v1 =	vsel vm3, v42, v1;
	v4 =	vsel vm0, $0x31, v4  }
0x2ce: {  	v55 =	vld [tilespmem:$0x1FB30];
	vm0 =	vnez.u8 v53;
	vm13 =	vgt.f32 v46, v2;
	vm2 =	vgt.f32 v46, v1  }
0x2cf: {  	v4 =	vsel vm14, v3, v4;
	v3 =	vsel vm14, $0x31, v3;
	v2 =	vsel vm13, v46, v2  }
0x2d0: {  	v56 =	vld [tilespmem:$0x1FB40];
	v4 =	vsel vm0, $0x32, v4;
	vm0 =	vnez.u8 v54;
	v2 =	vsel vm2, v1, v2  }
0x2d1: {  	v1 =	vsel vm2, v46, v1;
	v4 =	vsel vm0, v3, v4;
	vm14 =	vgt.f32 v50, v2  }
0x2d2: {  	v57 =	vld [tilespmem:$0x1FB50];
	v3 =	vsel vm0, $0x32, v3;
	vm1 =	vgt.f32 v50, v1;
	v2 =	vsel vm14, v50, v2  }
0x2d3: {  	vm0 =	vnez.u8 v55;
	v2 =	vsel vm1, v1, v2;
	v1 =	vsel vm1, v50, v1  }
0x2d4: {  	v4 =	vsel vm0, $0x33, v4;
	v1 =	vsub.f32 v2, v1  }
0x2d5: {  	v2 =	vsel vm15, v3, v4;
	v3 =	vsel vm15, $0x33, v3;
	vm15 =	vnez.u8 v56  }
0x2d6: {  	v2 =	vsel vm15, $0x34, v2  }
0x2d7: {  	vm15 =	vnez.u8 v57;
	v1 =	vmul.f32 $1.442695020e+00, v1;
	v2 =	vsel vm12, v3, v2  }
0x2d8: {  	v3 =	vsel vm12, $0x34, v3;
	v2 =	vsel vm15, $0x35, v2  }
0x2d9: {  	(erf) = vpow2.f32 v1;
	v1 =	vsel vm11, v3, v2;
	v2 =	vsel vm11, $0x35, v3;
	v3 =	vld [tilespmem:$0x1FB60];
	_ =	sdelay $0x4  }
0x2da: {  	vm11 =	vnez.u8 v3;
	v3 =	vld [tilespmem:$0x1FB70];
	_ =	sdelay $0x4  }
0x2db: {  	vm12 =	vnez.u8 v3;
	v3 =	vld [tilespmem:$0x1FB80];
	_ =	sdelay $0x4  }
0x2dc: {  	v1 =	vsel vm11, $0x36, v1;
	vm15 =	vnez.u8 v3;
	v3 =	vld [tilespmem:$0x1FB90]  }
0x2dd: {  	v1 =	vsel vm10, v2, v1  }
0x2de: {  	v58 =	vld [tilespmem:$0x1FBA0];
	v2 =	vsel vm10, $0x36, v2;
	v1 =	vsel vm12, $0x37, v1  }
0x2df: {  	[tilespmem:$0x1FBB0] =	vst v5;
	v1 =	vsel vm9, v2, v1  }
0x2e0: {  	v60 =	vld [tilespmem:$0x1FBB0];
	v2 =	vsel vm9, $0x37, v2;
	v1 =	vsel vm15, $0x38, v1  }
0x2e1: {  	[tilespmem:$0x1FBC0] =	vst v7;
	v1 =	vsel vm8, v2, v1;
	vm9 =	vnez.u8 v3  }
0x2e2: {  	v61 =	vld [tilespmem:$0x1FBC0];
	v2 =	vsel vm8, $0x38, v2;
	v1 =	vsel vm9, $0x39, v1  }
0x2e3: {  	[tilespmem:$0x1FBD0] =	vst v6;
	vm10 =	vnez.u8 v58;
	v1 =	vsel vm7, v2, v1  }
0x2e4: {  	v62 =	vld [tilespmem:$0x1FBD0];
	v3 =	vpop (erf);
	v2 =	vsel vm7, $0x39, v2;
	v1 =	vsel vm10, $0x3A, v1  }
0x2e5: {  	vm11 =	vnez.u8 v60;
	v59 =	vadd.f32 $1.000000000e+00, v3;
	v1 =	vsel vm6, v2, v1  }
0x2e6: {  	v2 =	vsel vm6, $0x3A, v2;
	v1 =	vsel vm11, $0x3B, v1  }
0x2e7: {  	vm12 =	vnez.u8 v61;
	(erf) = vrcp.f32 v59;
	v1 =	vsel vm5, v2, v1  }
0x2e8: {  	v2 =	vsel vm5, $0x3B, v2;
	v1 =	vsel vm12, $0x3C, v1  }
0x2e9: {  	vm15 =	vnez.u8 v62;
	v1 =	vsel vm4, v2, v1  }
0x2ea: {  	v2 =	vsel vm4, $0x3C, v2;
	v1 =	vsel vm15, $0x3D, v1  }
0x2eb: {  	v1 =	vsel vm3, v2, v1;
	v2 =	vsel vm3, $0x3D, v2  }
0x2ec: {  	v1 =	vsel vm13, $0x3E, v1;
	v63 =	vsel vm2, $0x3E, v2  }
0x2ed: {  	s12 =	sshll.u32 s12, $0x5;
	v1 =	vsel vm2, v2, v1;
	v2 =	vsel vm1, $0x3F, v63  }
0x2ee: {  	s12 =	sand.u32 $0xFFFFFF00, s12  }
0x2ef: {  	s12 =	sor.u32 s13, s12;
	v1 =	vsel vm14, $0x3F, v1  }
0x2f0: {  	[tilespmem:s12+$0x10000] =	vst v2;
	v1 =	vsel vm1, v63, v1;
	v2 =	vpop (erf)  }
0x2f1: {  	[tilespmem:s12+$0x10080] =	vst v1;
	v1 =	vmul.f32 v2, v3  }
0x2f2: {  	[tilespmem:s12+$0x10800] =	vst v2  }
0x2f3: {  	[tilespmem:s12+$0x10880] =	vst v1  }
0x2f4: {  	[hbm4b:s4+s2] =	stream.linear.scatter [tilespmem:s8], [sflag:$0x1], $0x800, $0x38;
	[tilespmem:$0x11000] =	vst v63  }
0x2f5: {  	s11 =	sadd.s32 $0x1, s11;
	_ =	swait.ge [sflag:s9], $0x800  }
0x2f6: {  	p0 =	sne.s32 s11, s6;
	[sflag:s9] =	ssyncset.done $0x0  }
.Ltmp1:
0x2f7: {  	[sflag:s9] =	ssyncadd.s32 $0xFFFFF800;
	(pc) =	sbr.rel @p0 .LBB2_1-.Ltmp1, $4  }
0x2f8: {  	[hbm4b:s5+s2] =	stream.linear.scatter [tilespmem:s10], [sflag:$0x1], $0x800, $0x38;
	[tilespmem:$0x11000] =	vst v63  }
0x2f9: {  	_ =	swait.ge [sflag:s9], $0x800  }
0x2fa: {  	[sflag:s9] =	ssyncset.done $0x0  }
0x2fb: {  	[sflag:s9] =	ssyncadd.s32 $0xFFFFF800  }
0x2fc: {  	_ =	sfence.sel $0x180000  }
0x2fd: {  	[bflag:$0x0] =	sbarrier.arrive $0xFFFF  }
0x2fe: {  	p0 =	sne.s32 s1, $0x0;
	_ =	strace $0x90000047  }
0x2ff: {  	s0 =	sadd.s32 @!p0 $0x100000, s0;
	[bflag:$0x2] =	sbarrier.arrive $0xFFFF  }
0x300: {  	[sflag:s0] =	ssyncadd.tile.s32 @!p0 $0x1;
	_ =	shalt  }
.Lfunc_end2:
_tile_overlayer_lowered:
.L_overlay_start_2:
0x301: {  	(tag) =	ssettag $0x2  }
0x302: {  	s0 =	rddreg [dreg:$0x0];
	s2 =	stileid.u32  }
0x303: {  	s1 =	rddreg [dreg:$0x1];
	p0 =	sne.s32 s2, $0x0  }
0x304: {  	s3 =	rddreg [dreg:$0x2];
	[bflag:$0x3] =	sbarrier.arrive $0xFFFF;
	s2 =	simm.s32 @!p0 $0x1C01  }
0x305: {  	[timem:s3], [sflag:s2] =	dma.local @!p0 [hbm:s0], s1  }
0x306: {  	s0 =	simm.s32 @!p0 $0x1  }
0x307: {  	_ =	swait.ge @!p0 [sflag:s0], s1  }
0x308: {  	s1 =	ssub.s32 @!p0 $0x0, s1;
	[sflag:s0] =	ssyncset.done @!p0 $0x0  }
0x309: {  	[sflag:s0] =	ssyncadd.s32 @!p0 s1  }
0x30a: {  	[bflag:$0x3] =	sbarrier.arrive $0xFFFF  }
0x30b: {  	_ =	shalt  }

</sc_bundles>
